<compile_context>
chip_gen: v7x
topology: tpu7x:2x2x1
jax: 0.10.2.dev20260603
libtpu: 0.0.44.dev20260713+nightly
codegen_flags: <defaults>
</compile_context>

<pallas_src>
import functools

import jax
import jax.numpy as jnp
from jax import lax
from jax.experimental import pallas as pl
from jax.experimental.pallas import tpu as pltpu
from jax.experimental.pallas import tpu_sc as plsc

N_REGION = 10000
N_SLOT = 8
HIDDEN = 256
LANES = 16
CHUNKS = HIDDEN // LANES

N_ROWS = N_REGION * N_SLOT
TC_BLOCK_ROWS = 10000
TC_GRID = N_ROWS // TC_BLOCK_ROWS


def _splat_total(v):
    c = plsc.cumsum(v)
    idx = jnp.full((LANES, 1), LANES - 1, jnp.int32)
    return lax.gather(
        c, idx,
        lax.GatherDimensionNumbers(offset_dims=(), collapsed_slice_dims=(0,),
                                   start_index_map=(0,)),
        (1,), mode=lax.GatherScatterMode.PROMISE_IN_BOUNDS)


def _sc_body(mem_hbm, idx_hbm, o_emb_hbm, w1_hbm, w2_hbm, upd_hbm,
             idx_v, rows_v, o_emb_v, w1_v, w2_v, upd_v, sem):
    wid = lax.axis_index("s") * 2 + lax.axis_index("c")

    @pl.when(wid == 0)
    def _():
        pltpu.sync_copy(idx_hbm, idx_v)
        pltpu.async_copy(mem_hbm.at[idx_v], rows_v, sem).wait()
        pltpu.sync_copy(o_emb_hbm, o_emb_v)
        pltpu.sync_copy(w1_hbm, w1_v)
        pltpu.sync_copy(w2_hbm, w2_v)

        acc = jnp.zeros((LANES,), jnp.float32)
        for c in range(CHUNKS):
            sl = pl.ds(c * LANES, LANES)
            acc = acc + o_emb_v[sl] * w1_v[sl]
        c0 = _splat_total(acc)

        for s in range(N_SLOT):
            acc = jnp.zeros((LANES,), jnp.float32)
            for c in range(CHUNKS):
                sl = pl.ds(c * LANES, LANES)
                acc = acc + rows_v[s, sl] * w2_v[sl]
            d = _splat_total(acc) + c0
            g = 1.0 / (1.0 + jnp.exp(-d))
            for c in range(CHUNKS):
                sl = pl.ds(c * LANES, LANES)
                upd_v[s, sl] = rows_v[s, sl] * (1.0 - g) + o_emb_v[sl] * g

        pltpu.sync_copy(upd_v, upd_hbm)


@functools.lru_cache(maxsize=1)
def _get_sc_update():
    return pl.kernel(
        _sc_body,
        out_type=jax.ShapeDtypeStruct((N_SLOT, HIDDEN), jnp.float32),
        mesh=plsc.VectorSubcoreMesh(core_axis_name="c", subcore_axis_name="s"),
        compiler_params=pltpu.CompilerParams(needs_layout_passes=False),
        scratch_types=[
            pltpu.VMEM((N_SLOT,), jnp.int32),
            pltpu.VMEM((N_SLOT, HIDDEN), jnp.float32),
            pltpu.VMEM((HIDDEN,), jnp.float32),
            pltpu.VMEM((HIDDEN,), jnp.float32),
            pltpu.VMEM((HIDDEN,), jnp.float32),
            pltpu.VMEM((N_SLOT, HIDDEN), jnp.float32),
            pltpu.SemaphoreType.DMA,
        ],
    )


CP_CHUNK_ROWS = 4000
CP_NCHUNK = N_ROWS // CP_CHUNK_ROWS
CP_NBUF = 8


def _tc_copy_body(mem_ref, out_ref, bufs, isem, osem):
    def in_copy(i):
        j = i % CP_NBUF
        return pltpu.make_async_copy(
            mem_ref.at[pl.ds(i * CP_CHUNK_ROWS, CP_CHUNK_ROWS)],
            bufs.at[j], isem.at[j])

    def out_copy(i):
        j = i % CP_NBUF
        return pltpu.make_async_copy(
            bufs.at[j],
            out_ref.at[pl.ds(i * CP_CHUNK_ROWS, CP_CHUNK_ROWS)], osem.at[j])

    lag = CP_NBUF // 2
    for i in range(min(CP_NBUF, CP_NCHUNK)):
        in_copy(i).start()
    for i in range(CP_NCHUNK):
        in_copy(i).wait()
        out_copy(i).start()
        k = i - lag
        if 0 <= k and k + CP_NBUF < CP_NCHUNK:
            out_copy(k).wait()
            in_copy(k + CP_NBUF).start()
    for i in range(max(0, CP_NCHUNK - CP_NBUF), CP_NCHUNK):
        out_copy(i).wait()


_tc_copy = pl.pallas_call(
    _tc_copy_body,
    in_specs=[pl.BlockSpec(memory_space=pltpu.HBM)],
    out_specs=pl.BlockSpec(memory_space=pltpu.HBM),
    scratch_shapes=[
        pltpu.VMEM((CP_NBUF, CP_CHUNK_ROWS, HIDDEN), jnp.float32),
        pltpu.SemaphoreType.DMA((CP_NBUF,)),
        pltpu.SemaphoreType.DMA((CP_NBUF,)),
    ],
    out_shape=jax.ShapeDtypeStruct((N_ROWS, HIDDEN), jnp.float32),
)


def _tc_scatter_body(o_rg_ref, upd_ref, copied_ref, out_ref):
    del copied_ref
    out_ref[...] = upd_ref[...]


_tc_scatter = pl.pallas_call(
    _tc_scatter_body,
    grid_spec=pltpu.PrefetchScalarGridSpec(
        num_scalar_prefetch=1,
        grid=(1,),
        in_specs=[
            pl.BlockSpec((N_SLOT, HIDDEN), lambda i, s: (0, 0)),
            pl.BlockSpec(memory_space=pltpu.HBM),
        ],
        out_specs=pl.BlockSpec((N_SLOT, HIDDEN), lambda i, s: (s[0], 0)),
    ),
    out_shape=jax.ShapeDtypeStruct((N_ROWS, HIDDEN), jnp.float32),
    input_output_aliases={2: 0},
)


def kernel(memory, o_emb, forget_W, o_rg):
    o_rg = jnp.asarray(o_rg, jnp.int32)
    mem_rows = memory.reshape(N_REGION * N_SLOT, HIDDEN)
    idx = o_rg * N_SLOT + jnp.arange(N_SLOT, dtype=jnp.int32)
    w1 = forget_W[:HIDDEN, 0]
    w2 = forget_W[HIDDEN:, 0]
    upd = _get_sc_update()(mem_rows, idx, o_emb, w1, w2)
    copied = _tc_copy(mem_rows)
    out2d = _tc_scatter(o_rg.reshape(1), upd, copied)
    return out2d.reshape(N_REGION, N_SLOT, HIDDEN)

# --- scband reference (transcript-rebuilt; emitter-appended) ---
"""Pipeline reference for scband-memory-73701638800014 (READ-ONLY COPY).

The authoritative reference and input builder live on the scoring server;
editing this copy changes nothing except your own understanding.
"""

import jax, jax.numpy as jnp
import numpy as np

N_REGION = 10000
N_SLOT = 8
HIDDEN = 256


def setup_inputs(seed: int = 0) -> dict:
    key = jax.random.key(seed)
    k1, k2, k3 = jax.random.split(key, 3)
    memory = jax.random.normal(k1, (N_REGION, N_SLOT, HIDDEN), dtype=jnp.float32)
    o_emb = jax.random.normal(k2, (HIDDEN,), dtype=jnp.float32)
    # learned parameter: forget_linear (Linear(2*hidden -> 1, bias=False)), stored as [2*hidden, 1]
    forget_W = jax.random.normal(k3, (2 * HIDDEN, 1), dtype=jnp.float32) * (1.0 / np.sqrt(2 * HIDDEN))
    o_rg = 1234  # scalar region index, write_pack = (o_emb, o_rg), state='w'
    return {"memory": memory, "o_emb": o_emb, "forget_W": forget_W, "o_rg": o_rg}


def reference(memory, o_emb, forget_W, o_rg):
    # Faithful translation of Memory.forward with state='w':
    n_region, n_slot, hidden = memory.shape
    select_mem = memory[o_rg]  # gather one region's slots: [n_slot, hidden]
    o_emb_ext = jnp.broadcast_to(o_emb[None, :], (n_slot, hidden))  # o_emb.unsqueeze(0).expand(n_slot, -1)
    gate_in = jnp.concatenate([o_emb_ext, select_mem], axis=-1)  # [n_slot, 2*hidden]
    forget_gate = jax.nn.sigmoid(gate_in @ forget_W)  # [n_slot, 1]
    # forget_pad = zeros(n_region, n_slot, 1); forget_pad[o_rg] = forget_gate  (scatter-overwrite)
    forget_pad = jnp.zeros((n_region, n_slot, 1), dtype=memory.dtype).at[o_rg].set(forget_gate)
    new_mem = memory * (1.0 - forget_pad) + o_emb_ext * forget_pad
    return new_mem

if __name__ == "__main__":
    import jax
    _d = setup_inputs()
    print(jax.jit(kernel)(*tuple(_d.values())))

</pallas_src>

<mosaic_0001>
#map = affine_map<(d0, d1) -> (0, 0)>
#map1 = affine_map<(d0, d1) -> (0)>
module attributes {stable_mosaic.version = 14 : i64} {
  func.func @_sc_body(%arg0: i32, %arg1: i32, %arg2: memref<80000x256xf32, #tpu.memory_space<hbm>>, %arg3: memref<8xi32, #tpu.memory_space<hbm>>, %arg4: memref<256xf32, #tpu.memory_space<hbm>>, %arg5: memref<256xf32, #tpu.memory_space<hbm>>, %arg6: memref<256xf32, #tpu.memory_space<hbm>>, %arg7: memref<8x256xf32, #tpu.memory_space<hbm>>, %arg8: memref<8xi32, #tpu.memory_space<vmem>>, %arg9: memref<8x256xf32, #tpu.memory_space<vmem>>, %arg10: memref<256xf32, #tpu.memory_space<vmem>>, %arg11: memref<256xf32, #tpu.memory_space<vmem>>, %arg12: memref<256xf32, #tpu.memory_space<vmem>>, %arg13: memref<8x256xf32, #tpu.memory_space<vmem>>, %arg14: memref<!tpu.dma_semaphore, #tpu.memory_space<semaphore_mem>>) attributes {dimension_semantics = [#tpu.dimension_semantics<core_parallel>, #tpu.dimension_semantics<subcore_parallel>], iteration_bounds = array<i64: 2, 16>, scalar_prefetch = 0 : i64, scratch_operands = 7 : i64, tpu.core_type = #tpu.core_type<sc_vector_subcore>, window_params = [{transform_indices = #map}, {transform_indices = #map1}, {transform_indices = #map1}, {transform_indices = #map1}, {transform_indices = #map1}, {transform_indices = #map}]} {
    %mul3A = arith.constant 2 : i32
    %mul3A_0 = arith.muli %arg1, %mul3A : i32
    %add3A = arith.addi %mul3A_0, %arg0 : i32
    %eq3A = arith.constant 0 : i32
    %eq3A_1 = arith.cmpi eq, %add3A, %eq3A : i32
    %convert_element_type3A = arith.extui %eq3A_1 : i1 to i32
    %cond3A = arith.constant 0 : i32
    %cond3A_2 = arith.cmpi ne, %convert_element_type3A, %cond3A : i32
    scf.if %cond3A_2 {
      "tpu.region"() ({
        %run_scoped3A = tpu.sem_alloc : memref<!tpu.dma_semaphore, #tpu.memory_space<semaphore_mem>>
        tpu.enqueue_dma source(%arg3 : memref<8xi32, #tpu.memory_space<hbm>>) target(%arg8 : memref<8xi32, #tpu.memory_space<vmem>>) target_semaphore(%run_scoped3A : memref<!tpu.dma_semaphore, #tpu.memory_space<semaphore_mem>>)
        tpu.wait_dma2 semaphore(%run_scoped3A : memref<!tpu.dma_semaphore, #tpu.memory_space<semaphore_mem>>) src(%arg3 : memref<8xi32, #tpu.memory_space<hbm>>) dst(%arg8 : memref<8xi32, #tpu.memory_space<vmem>>)
        tpu.yield
      }) : () -> ()
      %dma_start3A = arith.constant 0 : i32
      %dma_start3A_3 = arith.constant 0 : i32
      %dma_start3A_4 = tpu.memref_slice %arg2[%dma_start3A, %dma_start3A_3] : memref<80000x256xf32, #tpu.memory_space<hbm>> -> memref<80000x256xf32, #tpu.memory_space<hbm>>
      tpu.enqueue_indirect_dma source(%dma_start3A_4 : memref<80000x256xf32, #tpu.memory_space<hbm>>) target(%arg9 : memref<8x256xf32, #tpu.memory_space<vmem>>) offsets(%arg8 : memref<8xi32, #tpu.memory_space<vmem>>) semaphore(%arg14 : memref<!tpu.dma_semaphore, #tpu.memory_space<semaphore_mem>>)
      %dma_wait3A = arith.constant 0 : i32
      %dma_wait3A_5 = arith.constant 0 : i32
      %dma_wait3A_6 = tpu.memref_slice %arg2[%dma_wait3A, %dma_wait3A_5] : memref<80000x256xf32, #tpu.memory_space<hbm>> -> memref<80000x256xf32, #tpu.memory_space<hbm>>
      tpu.wait_indirect_dma semaphore(%arg14 : memref<!tpu.dma_semaphore, #tpu.memory_space<semaphore_mem>>) src(%dma_wait3A_6 : memref<80000x256xf32, #tpu.memory_space<hbm>>) dst(%arg9 : memref<8x256xf32, #tpu.memory_space<vmem>>)
      "tpu.region"() ({
        %run_scoped3A = tpu.sem_alloc : memref<!tpu.dma_semaphore, #tpu.memory_space<semaphore_mem>>
        tpu.enqueue_dma source(%arg4 : memref<256xf32, #tpu.memory_space<hbm>>) target(%arg10 : memref<256xf32, #tpu.memory_space<vmem>>) target_semaphore(%run_scoped3A : memref<!tpu.dma_semaphore, #tpu.memory_space<semaphore_mem>>)
        tpu.wait_dma2 semaphore(%run_scoped3A : memref<!tpu.dma_semaphore, #tpu.memory_space<semaphore_mem>>) src(%arg4 : memref<256xf32, #tpu.memory_space<hbm>>) dst(%arg10 : memref<256xf32, #tpu.memory_space<vmem>>)
        tpu.yield
      }) : () -> ()
      "tpu.region"() ({
        %run_scoped3A = tpu.sem_alloc : memref<!tpu.dma_semaphore, #tpu.memory_space<semaphore_mem>>
        tpu.enqueue_dma source(%arg5 : memref<256xf32, #tpu.memory_space<hbm>>) target(%arg11 : memref<256xf32, #tpu.memory_space<vmem>>) target_semaphore(%run_scoped3A : memref<!tpu.dma_semaphore, #tpu.memory_space<semaphore_mem>>)
        tpu.wait_dma2 semaphore(%run_scoped3A : memref<!tpu.dma_semaphore, #tpu.memory_space<semaphore_mem>>) src(%arg5 : memref<256xf32, #tpu.memory_space<hbm>>) dst(%arg11 : memref<256xf32, #tpu.memory_space<vmem>>)
        tpu.yield
      }) : () -> ()
      "tpu.region"() ({
        %run_scoped3A = tpu.sem_alloc : memref<!tpu.dma_semaphore, #tpu.memory_space<semaphore_mem>>
        tpu.enqueue_dma source(%arg6 : memref<256xf32, #tpu.memory_space<hbm>>) target(%arg12 : memref<256xf32, #tpu.memory_space<vmem>>) target_semaphore(%run_scoped3A : memref<!tpu.dma_semaphore, #tpu.memory_space<semaphore_mem>>)
        tpu.wait_dma2 semaphore(%run_scoped3A : memref<!tpu.dma_semaphore, #tpu.memory_space<semaphore_mem>>) src(%arg6 : memref<256xf32, #tpu.memory_space<hbm>>) dst(%arg12 : memref<256xf32, #tpu.memory_space<vmem>>)
        tpu.yield
      }) : () -> ()
      %broadcast_in_dim3A = arith.constant 0.000000e+00 : f32
      %broadcast_in_dim3A_7 = vector.broadcast %broadcast_in_dim3A : f32 to vector<16xf32>
      %get3A = arith.constant 0 : index
      %get3A_8 = tpu.vector_load %arg10[%get3A] {strides = array<i32>} : memref<256xf32, #tpu.memory_space<vmem>>, vector<16xf32>,
      %get3A_9 = arith.constant 0 : index
      %get3A_10 = tpu.vector_load %arg11[%get3A_9] {strides = array<i32>} : memref<256xf32, #tpu.memory_space<vmem>>, vector<16xf32>,
      %mul3A_11 = arith.mulf %get3A_8, %get3A_10 : vector<16xf32>
      %add3A_12 = arith.addf %broadcast_in_dim3A_7, %mul3A_11 : vector<16xf32>
      %get3A_13 = arith.constant 16 : index
      %get3A_14 = tpu.vector_load %arg10[%get3A_13] {strides = array<i32>} : memref<256xf32, #tpu.memory_space<vmem>>, vector<16xf32>,
      %get3A_15 = arith.constant 16 : index
      %get3A_16 = tpu.vector_load %arg11[%get3A_15] {strides = array<i32>} : memref<256xf32, #tpu.memory_space<vmem>>, vector<16xf32>,
      %mul3A_17 = arith.mulf %get3A_14, %get3A_16 : vector<16xf32>
      %add3A_18 = arith.addf %add3A_12, %mul3A_17 : vector<16xf32>
      %get3A_19 = arith.constant 32 : index
      %get3A_20 = tpu.vector_load %arg10[%get3A_19] {strides = array<i32>} : memref<256xf32, #tpu.memory_space<vmem>>, vector<16xf32>,
      %get3A_21 = arith.constant 32 : index
      %get3A_22 = tpu.vector_load %arg11[%get3A_21] {strides = array<i32>} : memref<256xf32, #tpu.memory_space<vmem>>, vector<16xf32>,
      %mul3A_23 = arith.mulf %get3A_20, %get3A_22 : vector<16xf32>
      %add3A_24 = arith.addf %add3A_18, %mul3A_23 : vector<16xf32>
      %get3A_25 = arith.constant 48 : index
      %get3A_26 = tpu.vector_load %arg10[%get3A_25] {strides = array<i32>} : memref<256xf32, #tpu.memory_space<vmem>>, vector<16xf32>,
      %get3A_27 = arith.constant 48 : index
      %get3A_28 = tpu.vector_load %arg11[%get3A_27] {strides = array<i32>} : memref<256xf32, #tpu.memory_space<vmem>>, vector<16xf32>,
      %mul3A_29 = arith.mulf %get3A_26, %get3A_28 : vector<16xf32>
      %add3A_30 = arith.addf %add3A_24, %mul3A_29 : vector<16xf32>
      %get3A_31 = arith.constant 64 : index
      %get3A_32 = tpu.vector_load %arg10[%get3A_31] {strides = array<i32>} : memref<256xf32, #tpu.memory_space<vmem>>, vector<16xf32>,
      %get3A_33 = arith.constant 64 : index
      %get3A_34 = tpu.vector_load %arg11[%get3A_33] {strides = array<i32>} : memref<256xf32, #tpu.memory_space<vmem>>, vector<16xf32>,
      %mul3A_35 = arith.mulf %get3A_32, %get3A_34 : vector<16xf32>
      %add3A_36 = arith.addf %add3A_30, %mul3A_35 : vector<16xf32>
      %get3A_37 = arith.constant 80 : index
      %get3A_38 = tpu.vector_load %arg10[%get3A_37] {strides = array<i32>} : memref<256xf32, #tpu.memory_space<vmem>>, vector<16xf32>,
      %get3A_39 = arith.constant 80 : index
      %get3A_40 = tpu.vector_load %arg11[%get3A_39] {strides = array<i32>} : memref<256xf32, #tpu.memory_space<vmem>>, vector<16xf32>,
      %mul3A_41 = arith.mulf %get3A_38, %get3A_40 : vector<16xf32>
      %add3A_42 = arith.addf %add3A_36, %mul3A_41 : vector<16xf32>
      %get3A_43 = arith.constant 96 : index
      %get3A_44 = tpu.vector_load %arg10[%get3A_43] {strides = array<i32>} : memref<256xf32, #tpu.memory_space<vmem>>, vector<16xf32>,
      %get3A_45 = arith.constant 96 : index
      %get3A_46 = tpu.vector_load %arg11[%get3A_45] {strides = array<i32>} : memref<256xf32, #tpu.memory_space<vmem>>, vector<16xf32>,
      %mul3A_47 = arith.mulf %get3A_44, %get3A_46 : vector<16xf32>
      %add3A_48 = arith.addf %add3A_42, %mul3A_47 : vector<16xf32>
      %get3A_49 = arith.constant 112 : index
      %get3A_50 = tpu.vector_load %arg10[%get3A_49] {strides = array<i32>} : memref<256xf32, #tpu.memory_space<vmem>>, vector<16xf32>,
      %get3A_51 = arith.constant 112 : index
      %get3A_52 = tpu.vector_load %arg11[%get3A_51] {strides = array<i32>} : memref<256xf32, #tpu.memory_space<vmem>>, vector<16xf32>,
      %mul3A_53 = arith.mulf %get3A_50, %get3A_52 : vector<16xf32>
      %add3A_54 = arith.addf %add3A_48, %mul3A_53 : vector<16xf32>
      %get3A_55 = arith.constant 128 : index
      %get3A_56 = tpu.vector_load %arg10[%get3A_55] {strides = array<i32>} : memref<256xf32, #tpu.memory_space<vmem>>, vector<16xf32>,
      %get3A_57 = arith.constant 128 : index
      %get3A_58 = tpu.vector_load %arg11[%get3A_57] {strides = array<i32>} : memref<256xf32, #tpu.memory_space<vmem>>, vector<16xf32>,
      %mul3A_59 = arith.mulf %get3A_56, %get3A_58 : vector<16xf32>
      %add3A_60 = arith.addf %add3A_54, %mul3A_59 : vector<16xf32>
      %get3A_61 = arith.constant 144 : index
      %get3A_62 = tpu.vector_load %arg10[%get3A_61] {strides = array<i32>} : memref<256xf32, #tpu.memory_space<vmem>>, vector<16xf32>,
      %get3A_63 = arith.constant 144 : index
      %get3A_64 = tpu.vector_load %arg11[%get3A_63] {strides = array<i32>} : memref<256xf32, #tpu.memory_space<vmem>>, vector<16xf32>,
      %mul3A_65 = arith.mulf %get3A_62, %get3A_64 : vector<16xf32>
      %add3A_66 = arith.addf %add3A_60, %mul3A_65 : vector<16xf32>
      %get3A_67 = arith.constant 160 : index
      %get3A_68 = tpu.vector_load %arg10[%get3A_67] {strides = array<i32>} : memref<256xf32, #tpu.memory_space<vmem>>, vector<16xf32>,
      %get3A_69 = arith.constant 160 : index
      %get3A_70 = tpu.vector_load %arg11[%get3A_69] {strides = array<i32>} : memref<256xf32, #tpu.memory_space<vmem>>, vector<16xf32>,
      %mul3A_71 = arith.mulf %get3A_68, %get3A_70 : vector<16xf32>
      %add3A_72 = arith.addf %add3A_66, %mul3A_71 : vector<16xf32>
      %get3A_73 = arith.constant 176 : index
      %get3A_74 = tpu.vector_load %arg10[%get3A_73] {strides = array<i32>} : memref<256xf32, #tpu.memory_space<vmem>>, vector<16xf32>,
      %get3A_75 = arith.constant 176 : index
      %get3A_76 = tpu.vector_load %arg11[%get3A_75] {strides = array<i32>} : memref<256xf32, #tpu.memory_space<vmem>>, vector<16xf32>,
      %mul3A_77 = arith.mulf %get3A_74, %get3A_76 : vector<16xf32>
      %add3A_78 = arith.addf %add3A_72, %mul3A_77 : vector<16xf32>
      %get3A_79 = arith.constant 192 : index
      %get3A_80 = tpu.vector_load %arg10[%get3A_79] {strides = array<i32>} : memref<256xf32, #tpu.memory_space<vmem>>, vector<16xf32>,
      %get3A_81 = arith.constant 192 : index
      %get3A_82 = tpu.vector_load %arg11[%get3A_81] {strides = array<i32>} : memref<256xf32, #tpu.memory_space<vmem>>, vector<16xf32>,
      %mul3A_83 = arith.mulf %get3A_80, %get3A_82 : vector<16xf32>
      %add3A_84 = arith.addf %add3A_78, %mul3A_83 : vector<16xf32>
      %get3A_85 = arith.constant 208 : index
      %get3A_86 = tpu.vector_load %arg10[%get3A_85] {strides = array<i32>} : memref<256xf32, #tpu.memory_space<vmem>>, vector<16xf32>,
      %get3A_87 = arith.constant 208 : index
      %get3A_88 = tpu.vector_load %arg11[%get3A_87] {strides = array<i32>} : memref<256xf32, #tpu.memory_space<vmem>>, vector<16xf32>,
      %mul3A_89 = arith.mulf %get3A_86, %get3A_88 : vector<16xf32>
      %add3A_90 = arith.addf %add3A_84, %mul3A_89 : vector<16xf32>
      %get3A_91 = arith.constant 224 : index
      %get3A_92 = tpu.vector_load %arg10[%get3A_91] {strides = array<i32>} : memref<256xf32, #tpu.memory_space<vmem>>, vector<16xf32>,
      %get3A_93 = arith.constant 224 : index
      %get3A_94 = tpu.vector_load %arg11[%get3A_93] {strides = array<i32>} : memref<256xf32, #tpu.memory_space<vmem>>, vector<16xf32>,
      %mul3A_95 = arith.mulf %get3A_92, %get3A_94 : vector<16xf32>
      %add3A_96 = arith.addf %add3A_90, %mul3A_95 : vector<16xf32>
      %get3A_97 = arith.constant 240 : index
      %get3A_98 = tpu.vector_load %arg10[%get3A_97] {strides = array<i32>} : memref<256xf32, #tpu.memory_space<vmem>>, vector<16xf32>,
      %get3A_99 = arith.constant 240 : index
      %get3A_100 = tpu.vector_load %arg11[%get3A_99] {strides = array<i32>} : memref<256xf32, #tpu.memory_space<vmem>>, vector<16xf32>,
      %mul3A_101 = arith.mulf %get3A_98, %get3A_100 : vector<16xf32>
      %add3A_102 = arith.addf %add3A_96, %mul3A_101 : vector<16xf32>
      %broadcast_in_dim3A_103 = arith.constant true
      %broadcast_in_dim3A_104 = vector.broadcast %broadcast_in_dim3A_103 : i1 to vector<16xi1>
      %masked_cumsum3A = tpu.scan <sum>, %add3A_102 masked %broadcast_in_dim3A_104 : vector<16xf32>, vector<16xi1> -> vector<16xf32>
      %broadcast_in_dim3A_105 = arith.constant 15 : i32
      %broadcast_in_dim3A_106 = vector.broadcast %broadcast_in_dim3A_105 : i32 to vector<16x1xi32>
      %gather3A = vector.shape_cast %broadcast_in_dim3A_106 : vector<16x1xi32> to vector<16xi32>
      %gather3A_107 = tpu.dynamic_gather %masked_cumsum3A[%gather3A] in [0] : vector<16xf32>, vector<16xi32> -> vector<16xf32>
      %broadcast_in_dim3A_108 = arith.constant 0.000000e+00 : f32
      %broadcast_in_dim3A_109 = vector.broadcast %broadcast_in_dim3A_108 : f32 to vector<16xf32>
      %get3A_110 = arith.constant 0 : i32
      %get3A_111 = arith.index_cast %get3A_110 : i32 to index
      %get3A_112 = arith.constant 0 : index
      %get3A_113 = tpu.vector_load %arg9[%get3A_111, %get3A_112] {strides = array<i32>} : memref<8x256xf32, #tpu.memory_space<vmem>>, vector<16xf32>,
      %get3A_114 = arith.constant 0 : index
      %get3A_115 = tpu.vector_load %arg12[%get3A_114] {strides = array<i32>} : memref<256xf32, #tpu.memory_space<vmem>>, vector<16xf32>,
      %mul3A_116 = arith.mulf %get3A_113, %get3A_115 : vector<16xf32>
      %add3A_117 = arith.addf %broadcast_in_dim3A_109, %mul3A_116 : vector<16xf32>
      %get3A_118 = arith.constant 0 : i32
      %get3A_119 = arith.index_cast %get3A_118 : i32 to index
      %get3A_120 = arith.constant 16 : index
      %get3A_121 = tpu.vector_load %arg9[%get3A_119, %get3A_120] {strides = array<i32>} : memref<8x256xf32, #tpu.memory_space<vmem>>, vector<16xf32>,
      %get3A_122 = arith.constant 16 : index
      %get3A_123 = tpu.vector_load %arg12[%get3A_122] {strides = array<i32>} : memref<256xf32, #tpu.memory_space<vmem>>, vector<16xf32>,
      %mul3A_124 = arith.mulf %get3A_121, %get3A_123 : vector<16xf32>
      %add3A_125 = arith.addf %add3A_117, %mul3A_124 : vector<16xf32>
      %get3A_126 = arith.constant 0 : i32
      %get3A_127 = arith.index_cast %get3A_126 : i32 to index
      %get3A_128 = arith.constant 32 : index
      %get3A_129 = tpu.vector_load %arg9[%get3A_127, %get3A_128] {strides = array<i32>} : memref<8x256xf32, #tpu.memory_space<vmem>>, vector<16xf32>,
      %get3A_130 = arith.constant 32 : index
      %get3A_131 = tpu.vector_load %arg12[%get3A_130] {strides = array<i32>} : memref<256xf32, #tpu.memory_space<vmem>>, vector<16xf32>,
      %mul3A_132 = arith.mulf %get3A_129, %get3A_131 : vector<16xf32>
      %add3A_133 = arith.addf %add3A_125, %mul3A_132 : vector<16xf32>
      %get3A_134 = arith.constant 0 : i32
      %get3A_135 = arith.index_cast %get3A_134 : i32 to index
      %get3A_136 = arith.constant 48 : index
      %get3A_137 = tpu.vector_load %arg9[%get3A_135, %get3A_136] {strides = array<i32>} : memref<8x256xf32, #tpu.memory_space<vmem>>, vector<16xf32>,
      %get3A_138 = arith.constant 48 : index
      %get3A_139 = tpu.vector_load %arg12[%get3A_138] {strides = array<i32>} : memref<256xf32, #tpu.memory_space<vmem>>, vector<16xf32>,
      %mul3A_140 = arith.mulf %get3A_137, %get3A_139 : vector<16xf32>
      %add3A_141 = arith.addf %add3A_133, %mul3A_140 : vector<16xf32>
      %get3A_142 = arith.constant 0 : i32
      %get3A_143 = arith.index_cast %get3A_142 : i32 to index
      %get3A_144 = arith.constant 64 : index
      %get3A_145 = tpu.vector_load %arg9[%get3A_143, %get3A_144] {strides = array<i32>} : memref<8x256xf32, #tpu.memory_space<vmem>>, vector<16xf32>,
      %get3A_146 = arith.constant 64 : index
      %get3A_147 = tpu.vector_load %arg12[%get3A_146] {strides = array<i32>} : memref<256xf32, #tpu.memory_space<vmem>>, vector<16xf32>,
      %mul3A_148 = arith.mulf %get3A_145, %get3A_147 : vector<16xf32>
      %add3A_149 = arith.addf %add3A_141, %mul3A_148 : vector<16xf32>
      %get3A_150 = arith.constant 0 : i32
      %get3A_151 = arith.index_cast %get3A_150 : i32 to index
      %get3A_152 = arith.constant 80 : index
      %get3A_153 = tpu.vector_load %arg9[%get3A_151, %get3A_152] {strides = array<i32>} : memref<8x256xf32, #tpu.memory_space<vmem>>, vector<16xf32>,
      %get3A_154 = arith.constant 80 : index
      %get3A_155 = tpu.vector_load %arg12[%get3A_154] {strides = array<i32>} : memref<256xf32, #tpu.memory_space<vmem>>, vector<16xf32>,
      %mul3A_156 = arith.mulf %get3A_153, %get3A_155 : vector<16xf32>
      %add3A_157 = arith.addf %add3A_149, %mul3A_156 : vector<16xf32>
      %get3A_158 = arith.constant 0 : i32
      %get3A_159 = arith.index_cast %get3A_158 : i32 to index
      %get3A_160 = arith.constant 96 : index
      %get3A_161 = tpu.vector_load %arg9[%get3A_159, %get3A_160] {strides = array<i32>} : memref<8x256xf32, #tpu.memory_space<vmem>>, vector<16xf32>,
      %get3A_162 = arith.constant 96 : index
      %get3A_163 = tpu.vector_load %arg12[%get3A_162] {strides = array<i32>} : memref<256xf32, #tpu.memory_space<vmem>>, vector<16xf32>,
      %mul3A_164 = arith.mulf %get3A_161, %get3A_163 : vector<16xf32>
      %add3A_165 = arith.addf %add3A_157, %mul3A_164 : vector<16xf32>
      %get3A_166 = arith.constant 0 : i32
      %get3A_167 = arith.index_cast %get3A_166 : i32 to index
      %get3A_168 = arith.constant 112 : index
      %get3A_169 = tpu.vector_load %arg9[%get3A_167, %get3A_168] {strides = array<i32>} : memref<8x256xf32, #tpu.memory_space<vmem>>, vector<16xf32>,
      %get3A_170 = arith.constant 112 : index
      %get3A_171 = tpu.vector_load %arg12[%get3A_170] {strides = array<i32>} : memref<256xf32, #tpu.memory_space<vmem>>, vector<16xf32>,
      %mul3A_172 = arith.mulf %get3A_169, %get3A_171 : vector<16xf32>
      %add3A_173 = arith.addf %add3A_165, %mul3A_172 : vector<16xf32>
      %get3A_174 = arith.constant 0 : i32
      %get3A_175 = arith.index_cast %get3A_174 : i32 to index
      %get3A_176 = arith.constant 128 : index
      %get3A_177 = tpu.vector_load %arg9[%get3A_175, %get3A_176] {strides = array<i32>} : memref<8x256xf32, #tpu.memory_space<vmem>>, vector<16xf32>,
      %get3A_178 = arith.constant 128 : index
      %get3A_179 = tpu.vector_load %arg12[%get3A_178] {strides = array<i32>} : memref<256xf32, #tpu.memory_space<vmem>>, vector<16xf32>,
      %mul3A_180 = arith.mulf %get3A_177, %get3A_179 : vector<16xf32>
      %add3A_181 = arith.addf %add3A_173, %mul3A_180 : vector<16xf32>
      %get3A_182 = arith.constant 0 : i32
      %get3A_183 = arith.index_cast %get3A_182 : i32 to index
      %get3A_184 = arith.constant 144 : index
      %get3A_185 = tpu.vector_load %arg9[%get3A_183, %get3A_184] {strides = array<i32>} : memref<8x256xf32, #tpu.memory_space<vmem>>, vector<16xf32>,
      %get3A_186 = arith.constant 144 : index
      %get3A_187 = tpu.vector_load %arg12[%get3A_186] {strides = array<i32>} : memref<256xf32, #tpu.memory_space<vmem>>, vector<16xf32>,
      %mul3A_188 = arith.mulf %get3A_185, %get3A_187 : vector<16xf32>
      %add3A_189 = arith.addf %add3A_181, %mul3A_188 : vector<16xf32>
      %get3A_190 = arith.constant 0 : i32
      %get3A_191 = arith.index_cast %get3A_190 : i32 to index
      %get3A_192 = arith.constant 160 : index
      %get3A_193 = tpu.vector_load %arg9[%get3A_191, %get3A_192] {strides = array<i32>} : memref<8x256xf32, #tpu.memory_space<vmem>>, vector<16xf32>,
      %get3A_194 = arith.constant 160 : index
      %get3A_195 = tpu.vector_load %arg12[%get3A_194] {strides = array<i32>} : memref<256xf32, #tpu.memory_space<vmem>>, vector<16xf32>,
      %mul3A_196 = arith.mulf %get3A_193, %get3A_195 : vector<16xf32>
      %add3A_197 = arith.addf %add3A_189, %mul3A_196 : vector<16xf32>
      %get3A_198 = arith.constant 0 : i32
      %get3A_199 = arith.index_cast %get3A_198 : i32 to index
      %get3A_200 = arith.constant 176 : index
      %get3A_201 = tpu.vector_load %arg9[%get3A_199, %get3A_200] {strides = array<i32>} : memref<8x256xf32, #tpu.memory_space<vmem>>, vector<16xf32>,
      %get3A_202 = arith.constant 176 : index
      %get3A_203 = tpu.vector_load %arg12[%get3A_202] {strides = array<i32>} : memref<256xf32, #tpu.memory_space<vmem>>, vector<16xf32>,
      %mul3A_204 = arith.mulf %get3A_201, %get3A_203 : vector<16xf32>
      %add3A_205 = arith.addf %add3A_197, %mul3A_204 : vector<16xf32>
      %get3A_206 = arith.constant 0 : i32
      %get3A_207 = arith.index_cast %get3A_206 : i32 to index
      %get3A_208 = arith.constant 192 : index
      %get3A_209 = tpu.vector_load %arg9[%get3A_207, %get3A_208] {strides = array<i32>} : memref<8x256xf32, #tpu.memory_space<vmem>>, vector<16xf32>,
      %get3A_210 = arith.constant 192 : index
      %get3A_211 = tpu.vector_load %arg12[%get3A_210] {strides = array<i32>} : memref<256xf32, #tpu.memory_space<vmem>>, vector<16xf32>,
      %mul3A_212 = arith.mulf %get3A_209, %get3A_211 : vector<16xf32>
      %add3A_213 = arith.addf %add3A_205, %mul3A_212 : vector<16xf32>
      %get3A_214 = arith.constant 0 : i32
      %get3A_215 = arith.index_cast %get3A_214 : i32 to index
      %get3A_216 = arith.constant 208 : index
      %get3A_217 = tpu.vector_load %arg9[%get3A_215, %get3A_216] {strides = array<i32>} : memref<8x256xf32, #tpu.memory_space<vmem>>, vector<16xf32>,
      %get3A_218 = arith.constant 208 : index
      %get3A_219 = tpu.vector_load %arg12[%get3A_218] {strides = array<i32>} : memref<256xf32, #tpu.memory_space<vmem>>, vector<16xf32>,
      %mul3A_220 = arith.mulf %get3A_217, %get3A_219 : vector<16xf32>
      %add3A_221 = arith.addf %add3A_213, %mul3A_220 : vector<16xf32>
      %get3A_222 = arith.constant 0 : i32
      %get3A_223 = arith.index_cast %get3A_222 : i32 to index
      %get3A_224 = arith.constant 224 : index
      %get3A_225 = tpu.vector_load %arg9[%get3A_223, %get3A_224] {strides = array<i32>} : memref<8x256xf32, #tpu.memory_space<vmem>>, vector<16xf32>,
      %get3A_226 = arith.constant 224 : index
      %get3A_227 = tpu.vector_load %arg12[%get3A_226] {strides = array<i32>} : memref<256xf32, #tpu.memory_space<vmem>>, vector<16xf32>,
      %mul3A_228 = arith.mulf %get3A_225, %get3A_227 : vector<16xf32>
      %add3A_229 = arith.addf %add3A_221, %mul3A_228 : vector<16xf32>
      %get3A_230 = arith.constant 0 : i32
      %get3A_231 = arith.index_cast %get3A_230 : i32 to index
      %get3A_232 = arith.constant 240 : index
      %get3A_233 = tpu.vector_load %arg9[%get3A_231, %get3A_232] {strides = array<i32>} : memref<8x256xf32, #tpu.memory_space<vmem>>, vector<16xf32>,
      %get3A_234 = arith.constant 240 : index
      %get3A_235 = tpu.vector_load %arg12[%get3A_234] {strides = array<i32>} : memref<256xf32, #tpu.memory_space<vmem>>, vector<16xf32>,
      %mul3A_236 = arith.mulf %get3A_233, %get3A_235 : vector<16xf32>
      %add3A_237 = arith.addf %add3A_229, %mul3A_236 : vector<16xf32>
      %broadcast_in_dim3A_238 = arith.constant true
      %broadcast_in_dim3A_239 = vector.broadcast %broadcast_in_dim3A_238 : i1 to vector<16xi1>
      %masked_cumsum3A_240 = tpu.scan <sum>, %add3A_237 masked %broadcast_in_dim3A_239 : vector<16xf32>, vector<16xi1> -> vector<16xf32>
      %broadcast_in_dim3A_241 = arith.constant 15 : i32
      %broadcast_in_dim3A_242 = vector.broadcast %broadcast_in_dim3A_241 : i32 to vector<16x1xi32>
      %gather3A_243 = vector.shape_cast %broadcast_in_dim3A_242 : vector<16x1xi32> to vector<16xi32>
      %gather3A_244 = tpu.dynamic_gather %masked_cumsum3A_240[%gather3A_243] in [0] : vector<16xf32>, vector<16xi32> -> vector<16xf32>
      %add3A_245 = arith.addf %gather3A_244, %gather3A_107 : vector<16xf32>
      %neg3A = arith.constant 0.000000e+00 : f32
      %neg3A_246 = vector.broadcast %neg3A : f32 to vector<16xf32>
      %neg3A_247 = arith.subf %neg3A_246, %add3A_245 : vector<16xf32>
      %exp3A = math.exp %neg3A_247 : vector<16xf32>
      %add3A_248 = arith.constant 1.000000e+00 : f32
      %add3A_249 = vector.broadcast %add3A_248 : f32 to vector<16xf32>
      %add3A_250 = arith.addf %add3A_249, %exp3A : vector<16xf32>
      %div3A = arith.constant 1.000000e+00 : f32
      %div3A_251 = vector.broadcast %div3A : f32 to vector<16xf32>
      %div3A_252 = arith.divf %div3A_251, %add3A_250 : vector<16xf32>
      %get3A_253 = arith.constant 0 : i32
      %get3A_254 = arith.index_cast %get3A_253 : i32 to index
      %get3A_255 = arith.constant 0 : index
      %get3A_256 = tpu.vector_load %arg9[%get3A_254, %get3A_255] {strides = array<i32>} : memref<8x256xf32, #tpu.memory_space<vmem>>, vector<16xf32>,
      %sub3A = arith.constant 1.000000e+00 : f32
      %sub3A_257 = vector.broadcast %sub3A : f32 to vector<16xf32>
      %sub3A_258 = arith.subf %sub3A_257, %div3A_252 : vector<16xf32>
      %mul3A_259 = arith.mulf %get3A_256, %sub3A_258 : vector<16xf32>
      %get3A_260 = arith.constant 0 : index
      %get3A_261 = tpu.vector_load %arg10[%get3A_260] {strides = array<i32>} : memref<256xf32, #tpu.memory_space<vmem>>, vector<16xf32>,
      %mul3A_262 = arith.mulf %get3A_261, %div3A_252 : vector<16xf32>
      %add3A_263 = arith.addf %mul3A_259, %mul3A_262 : vector<16xf32>
      %swap3A = arith.constant 0 : i32
      %swap3A_264 = arith.index_cast %swap3A : i32 to index
      %swap3A_265 = arith.constant 0 : index
      %swap3A_266 = tpu.vector_load %arg13[%swap3A_264, %swap3A_265] {strides = array<i32>} : memref<8x256xf32, #tpu.memory_space<vmem>>, vector<16xf32>,
      tpu.vector_store %arg13[%swap3A_264, %swap3A_265], %add3A_263 {strides = array<i32>} : memref<8x256xf32, #tpu.memory_space<vmem>>, vector<16xf32>,
      %get3A_267 = arith.constant 0 : i32
      %get3A_268 = arith.index_cast %get3A_267 : i32 to index
      %get3A_269 = arith.constant 16 : index
      %get3A_270 = tpu.vector_load %arg9[%get3A_268, %get3A_269] {strides = array<i32>} : memref<8x256xf32, #tpu.memory_space<vmem>>, vector<16xf32>,
      %sub3A_271 = arith.constant 1.000000e+00 : f32
      %sub3A_272 = vector.broadcast %sub3A_271 : f32 to vector<16xf32>
      %sub3A_273 = arith.subf %sub3A_272, %div3A_252 : vector<16xf32>
      %mul3A_274 = arith.mulf %get3A_270, %sub3A_273 : vector<16xf32>
      %get3A_275 = arith.constant 16 : index
      %get3A_276 = tpu.vector_load %arg10[%get3A_275] {strides = array<i32>} : memref<256xf32, #tpu.memory_space<vmem>>, vector<16xf32>,
      %mul3A_277 = arith.mulf %get3A_276, %div3A_252 : vector<16xf32>
      %add3A_278 = arith.addf %mul3A_274, %mul3A_277 : vector<16xf32>
      %swap3A_279 = arith.constant 0 : i32
      %swap3A_280 = arith.index_cast %swap3A_279 : i32 to index
      %swap3A_281 = arith.constant 16 : index
      %swap3A_282 = tpu.vector_load %arg13[%swap3A_280, %swap3A_281] {strides = array<i32>} : memref<8x256xf32, #tpu.memory_space<vmem>>, vector<16xf32>,
      tpu.vector_store %arg13[%swap3A_280, %swap3A_281], %add3A_278 {strides = array<i32>} : memref<8x256xf32, #tpu.memory_space<vmem>>, vector<16xf32>,
      %get3A_283 = arith.constant 0 : i32
      %get3A_284 = arith.index_cast %get3A_283 : i32 to index
      %get3A_285 = arith.constant 32 : index
      %get3A_286 = tpu.vector_load %arg9[%get3A_284, %get3A_285] {strides = array<i32>} : memref<8x256xf32, #tpu.memory_space<vmem>>, vector<16xf32>,
      %sub3A_287 = arith.constant 1.000000e+00 : f32
      %sub3A_288 = vector.broadcast %sub3A_287 : f32 to vector<16xf32>
      %sub3A_289 = arith.subf %sub3A_288, %div3A_252 : vector<16xf32>
      %mul3A_290 = arith.mulf %get3A_286, %sub3A_289 : vector<16xf32>
      %get3A_291 = arith.constant 32 : index
      %get3A_292 = tpu.vector_load %arg10[%get3A_291] {strides = array<i32>} : memref<256xf32, #tpu.memory_space<vmem>>, vector<16xf32>,
      %mul3A_293 = arith.mulf %get3A_292, %div3A_252 : vector<16xf32>
      %add3A_294 = arith.addf %mul3A_290, %mul3A_293 : vector<16xf32>
      %swap3A_295 = arith.constant 0 : i32
      %swap3A_296 = arith.index_cast %swap3A_295 : i32 to index
      %swap3A_297 = arith.constant 32 : index
      %swap3A_298 = tpu.vector_load %arg13[%swap3A_296, %swap3A_297] {strides = array<i32>} : memref<8x256xf32, #tpu.memory_space<vmem>>, vector<16xf32>,
      tpu.vector_store %arg13[%swap3A_296, %swap3A_297], %add3A_294 {strides = array<i32>} : memref<8x256xf32, #tpu.memory_space<vmem>>, vector<16xf32>,
      %get3A_299 = arith.constant 0 : i32
      %get3A_300 = arith.index_cast %get3A_299 : i32 to index
      %get3A_301 = arith.constant 48 : index
      %get3A_302 = tpu.vector_load %arg9[%get3A_300, %get3A_301] {strides = array<i32>} : memref<8x256xf32, #tpu.memory_space<vmem>>, vector<16xf32>,
      %sub3A_303 = arith.constant 1.000000e+00 : f32
      %sub3A_304 = vector.broadcast %sub3A_303 : f32 to vector<16xf32>
      %sub3A_305 = arith.subf %sub3A_304, %div3A_252 : vector<16xf32>
      %mul3A_306 = arith.mulf %get3A_302, %sub3A_305 : vector<16xf32>
      %get3A_307 = arith.constant 48 : index
      %get3A_308 = tpu.vector_load %arg10[%get3A_307] {strides = array<i32>} : memref<256xf32, #tpu.memory_space<vmem>>, vector<16xf32>,
      %mul3A_309 = arith.mulf %get3A_308, %div3A_252 : vector<16xf32>
      %add3A_310 = arith.addf %mul3A_306, %mul3A_309 : vector<16xf32>
      %swap3A_311 = arith.constant 0 : i32
      %swap3A_312 = arith.index_cast %swap3A_311 : i32 to index
      %swap3A_313 = arith.constant 48 : index
      %swap3A_314 = tpu.vector_load %arg13[%swap3A_312, %swap3A_313] {strides = array<i32>} : memref<8x256xf32, #tpu.memory_space<vmem>>, vector<16xf32>,
      tpu.vector_store %arg13[%swap3A_312, %swap3A_313], %add3A_310 {strides = array<i32>} : memref<8x256xf32, #tpu.memory_space<vmem>>, vector<16xf32>,
      %get3A_315 = arith.constant 0 : i32
      %get3A_316 = arith.index_cast %get3A_315 : i32 to index
      %get3A_317 = arith.constant 64 : index
      %get3A_318 = tpu.vector_load %arg9[%get3A_316, %get3A_317] {strides = array<i32>} : memref<8x256xf32, #tpu.memory_space<vmem>>, vector<16xf32>,
      %sub3A_319 = arith.constant 1.000000e+00 : f32
      %sub3A_320 = vector.broadcast %sub3A_319 : f32 to vector<16xf32>
      %sub3A_321 = arith.subf %sub3A_320, %div3A_252 : vector<16xf32>
      %mul3A_322 = arith.mulf %get3A_318, %sub3A_321 : vector<16xf32>
      %get3A_323 = arith.constant 64 : index
      %get3A_324 = tpu.vector_load %arg10[%get3A_323] {strides = array<i32>} : memref<256xf32, #tpu.memory_space<vmem>>, vector<16xf32>,
      %mul3A_325 = arith.mulf %get3A_324, %div3A_252 : vector<16xf32>
      %add3A_326 = arith.addf %mul3A_322, %mul3A_325 : vector<16xf32>
      %swap3A_327 = arith.constant 0 : i32
      %swap3A_328 = arith.index_cast %swap3A_327 : i32 to index
      %swap3A_329 = arith.constant 64 : index
      %swap3A_330 = tpu.vector_load %arg13[%swap3A_328, %swap3A_329] {strides = array<i32>} : memref<8x256xf32, #tpu.memory_space<vmem>>, vector<16xf32>,
      tpu.vector_store %arg13[%swap3A_328, %swap3A_329], %add3A_326 {strides = array<i32>} : memref<8x256xf32, #tpu.memory_space<vmem>>, vector<16xf32>,
      %get3A_331 = arith.constant 0 : i32
      %get3A_332 = arith.index_cast %get3A_331 : i32 to index
      %get3A_333 = arith.constant 80 : index
      %get3A_334 = tpu.vector_load %arg9[%get3A_332, %get3A_333] {strides = array<i32>} : memref<8x256xf32, #tpu.memory_space<vmem>>, vector<16xf32>,
      %sub3A_335 = arith.constant 1.000000e+00 : f32
      %sub3A_336 = vector.broadcast %sub3A_335 : f32 to vector<16xf32>
      %sub3A_337 = arith.subf %sub3A_336, %div3A_252 : vector<16xf32>
      %mul3A_338 = arith.mulf %get3A_334, %sub3A_337 : vector<16xf32>
      %get3A_339 = arith.constant 80 : index
      %get3A_340 = tpu.vector_load %arg10[%get3A_339] {strides = array<i32>} : memref<256xf32, #tpu.memory_space<vmem>>, vector<16xf32>,
      %mul3A_341 = arith.mulf %get3A_340, %div3A_252 : vector<16xf32>
      %add3A_342 = arith.addf %mul3A_338, %mul3A_341 : vector<16xf32>
      %swap3A_343 = arith.constant 0 : i32
      %swap3A_344 = arith.index_cast %swap3A_343 : i32 to index
      %swap3A_345 = arith.constant 80 : index
      %swap3A_346 = tpu.vector_load %arg13[%swap3A_344, %swap3A_345] {strides = array<i32>} : memref<8x256xf32, #tpu.memory_space<vmem>>, vector<16xf32>,
      tpu.vector_store %arg13[%swap3A_344, %swap3A_345], %add3A_342 {strides = array<i32>} : memref<8x256xf32, #tpu.memory_space<vmem>>, vector<16xf32>,
      %get3A_347 = arith.constant 0 : i32
      %get3A_348 = arith.index_cast %get3A_347 : i32 to index
      %get3A_349 = arith.constant 96 : index
      %get3A_350 = tpu.vector_load %arg9[%get3A_348, %get3A_349] {strides = array<i32>} : memref<8x256xf32, #tpu.memory_space<vmem>>, vector<16xf32>,
      %sub3A_351 = arith.constant 1.000000e+00 : f32
      %sub3A_352 = vector.broadcast %sub3A_351 : f32 to vector<16xf32>
      %sub3A_353 = arith.subf %sub3A_352, %div3A_252 : vector<16xf32>
      %mul3A_354 = arith.mulf %get3A_350, %sub3A_353 : vector<16xf32>
      %get3A_355 = arith.constant 96 : index
      %get3A_356 = tpu.vector_load %arg10[%get3A_355] {strides = array<i32>} : memref<256xf32, #tpu.memory_space<vmem>>, vector<16xf32>,
      %mul3A_357 = arith.mulf %get3A_356, %div3A_252 : vector<16xf32>
      %add3A_358 = arith.addf %mul3A_354, %mul3A_357 : vector<16xf32>
      %swap3A_359 = arith.constant 0 : i32
      %swap3A_360 = arith.index_cast %swap3A_359 : i32 to index
      %swap3A_361 = arith.constant 96 : index
      %swap3A_362 = tpu.vector_load %arg13[%swap3A_360, %swap3A_361] {strides = array<i32>} : memref<8x256xf32, #tpu.memory_space<vmem>>, vector<16xf32>,
      tpu.vector_store %arg13[%swap3A_360, %swap3A_361], %add3A_358 {strides = array<i32>} : memref<8x256xf32, #tpu.memory_space<vmem>>, vector<16xf32>,
      %get3A_363 = arith.constant 0 : i32
      %get3A_364 = arith.index_cast %get3A_363 : i32 to index
      %get3A_365 = arith.constant 112 : index
      %get3A_366 = tpu.vector_load %arg9[%get3A_364, %get3A_365] {strides = array<i32>} : memref<8x256xf32, #tpu.memory_space<vmem>>, vector<16xf32>,
      %sub3A_367 = arith.constant 1.000000e+00 : f32
      %sub3A_368 = vector.broadcast %sub3A_367 : f32 to vector<16xf32>
      %sub3A_369 = arith.subf %sub3A_368, %div3A_252 : vector<16xf32>
      %mul3A_370 = arith.mulf %get3A_366, %sub3A_369 : vector<16xf32>
      %get3A_371 = arith.constant 112 : index
      %get3A_372 = tpu.vector_load %arg10[%get3A_371] {strides = array<i32>} : memref<256xf32, #tpu.memory_space<vmem>>, vector<16xf32>,
      %mul3A_373 = arith.mulf %get3A_372, %div3A_252 : vector<16xf32>
      %add3A_374 = arith.addf %mul3A_370, %mul3A_373 : vector<16xf32>
      %swap3A_375 = arith.constant 0 : i32
      %swap3A_376 = arith.index_cast %swap3A_375 : i32 to index
      %swap3A_377 = arith.constant 112 : index
      %swap3A_378 = tpu.vector_load %arg13[%swap3A_376, %swap3A_377] {strides = array<i32>} : memref<8x256xf32, #tpu.memory_space<vmem>>, vector<16xf32>,
      tpu.vector_store %arg13[%swap3A_376, %swap3A_377], %add3A_374 {strides = array<i32>} : memref<8x256xf32, #tpu.memory_space<vmem>>, vector<16xf32>,
      %get3A_379 = arith.constant 0 : i32
      %get3A_380 = arith.index_cast %get3A_379 : i32 to index
      %get3A_381 = arith.constant 128 : index
      %get3A_382 = tpu.vector_load %arg9[%get3A_380, %get3A_381] {strides = array<i32>} : memref<8x256xf32, #tpu.memory_space<vmem>>, vector<16xf32>,
      %sub3A_383 = arith.constant 1.000000e+00 : f32
      %sub3A_384 = vector.broadcast %sub3A_383 : f32 to vector<16xf32>
      %sub3A_385 = arith.subf %sub3A_384, %div3A_252 : vector<16xf32>
      %mul3A_386 = arith.mulf %get3A_382, %sub3A_385 : vector<16xf32>
      %get3A_387 = arith.constant 128 : index
      %get3A_388 = tpu.vector_load %arg10[%get3A_387] {strides = array<i32>} : memref<256xf32, #tpu.memory_space<vmem>>, vector<16xf32>,
      %mul3A_389 = arith.mulf %get3A_388, %div3A_252 : vector<16xf32>
      %add3A_390 = arith.addf %mul3A_386, %mul3A_389 : vector<16xf32>
      %swap3A_391 = arith.constant 0 : i32
      %swap3A_392 = arith.index_cast %swap3A_391 : i32 to index
      %swap3A_393 = arith.constant 128 : index
      %swap3A_394 = tpu.vector_load %arg13[%swap3A_392, %swap3A_393] {strides = array<i32>} : memref<8x256xf32, #tpu.memory_space<vmem>>, vector<16xf32>,
      tpu.vector_store %arg13[%swap3A_392, %swap3A_393], %add3A_390 {strides = array<i32>} : memref<8x256xf32, #tpu.memory_space<vmem>>, vector<16xf32>,
      %get3A_395 = arith.constant 0 : i32
      %get3A_396 = arith.index_cast %get3A_395 : i32 to index
      %get3A_397 = arith.constant 144 : index
      %get3A_398 = tpu.vector_load %arg9[%get3A_396, %get3A_397] {strides = array<i32>} : memref<8x256xf32, #tpu.memory_space<vmem>>, vector<16xf32>,
      %sub3A_399 = arith.constant 1.000000e+00 : f32
      %sub3A_400 = vector.broadcast %sub3A_399 : f32 to vector<16xf32>
      %sub3A_401 = arith.subf %sub3A_400, %div3A_252 : vector<16xf32>
      %mul3A_402 = arith.mulf %get3A_398, %sub3A_401 : vector<16xf32>
      %get3A_403 = arith.constant 144 : index
      %get3A_404 = tpu.vector_load %arg10[%get3A_403] {strides = array<i32>} : memref<256xf32, #tpu.memory_space<vmem>>, vector<16xf32>,
      %mul3A_405 = arith.mulf %get3A_404, %div3A_252 : vector<16xf32>
      %add3A_406 = arith.addf %mul3A_402, %mul3A_405 : vector<16xf32>
      %swap3A_407 = arith.constant 0 : i32
      %swap3A_408 = arith.index_cast %swap3A_407 : i32 to index
      %swap3A_409 = arith.constant 144 : index
      %swap3A_410 = tpu.vector_load %arg13[%swap3A_408, %swap3A_409] {strides = array<i32>} : memref<8x256xf32, #tpu.memory_space<vmem>>, vector<16xf32>,
      tpu.vector_store %arg13[%swap3A_408, %swap3A_409], %add3A_406 {strides = array<i32>} : memref<8x256xf32, #tpu.memory_space<vmem>>, vector<16xf32>,
      %get3A_411 = arith.constant 0 : i32
      %get3A_412 = arith.index_cast %get3A_411 : i32 to index
      %get3A_413 = arith.constant 160 : index
      %get3A_414 = tpu.vector_load %arg9[%get3A_412, %get3A_413] {strides = array<i32>} : memref<8x256xf32, #tpu.memory_space<vmem>>, vector<16xf32>,
      %sub3A_415 = arith.constant 1.000000e+00 : f32
      %sub3A_416 = vector.broadcast %sub3A_415 : f32 to vector<16xf32>
      %sub3A_417 = arith.subf %sub3A_416, %div3A_252 : vector<16xf32>
      %mul3A_418 = arith.mulf %get3A_414, %sub3A_417 : vector<16xf32>
      %get3A_419 = arith.constant 160 : index
      %get3A_420 = tpu.vector_load %arg10[%get3A_419] {strides = array<i32>} : memref<256xf32, #tpu.memory_space<vmem>>, vector<16xf32>,
      %mul3A_421 = arith.mulf %get3A_420, %div3A_252 : vector<16xf32>
      %add3A_422 = arith.addf %mul3A_418, %mul3A_421 : vector<16xf32>
      %swap3A_423 = arith.constant 0 : i32
      %swap3A_424 = arith.index_cast %swap3A_423 : i32 to index
      %swap3A_425 = arith.constant 160 : index
      %swap3A_426 = tpu.vector_load %arg13[%swap3A_424, %swap3A_425] {strides = array<i32>} : memref<8x256xf32, #tpu.memory_space<vmem>>, vector<16xf32>,
      tpu.vector_store %arg13[%swap3A_424, %swap3A_425], %add3A_422 {strides = array<i32>} : memref<8x256xf32, #tpu.memory_space<vmem>>, vector<16xf32>,
      %get3A_427 = arith.constant 0 : i32
      %get3A_428 = arith.index_cast %get3A_427 : i32 to index
      %get3A_429 = arith.constant 176 : index
      %get3A_430 = tpu.vector_load %arg9[%get3A_428, %get3A_429] {strides = array<i32>} : memref<8x256xf32, #tpu.memory_space<vmem>>, vector<16xf32>,
      %sub3A_431 = arith.constant 1.000000e+00 : f32
      %sub3A_432 = vector.broadcast %sub3A_431 : f32 to vector<16xf32>
      %sub3A_433 = arith.subf %sub3A_432, %div3A_252 : vector<16xf32>
      %mul3A_434 = arith.mulf %get3A_430, %sub3A_433 : vector<16xf32>
      %get3A_435 = arith.constant 176 : index
      %get3A_436 = tpu.vector_load %arg10[%get3A_435] {strides = array<i32>} : memref<256xf32, #tpu.memory_space<vmem>>, vector<16xf32>,
      %mul3A_437 = arith.mulf %get3A_436, %div3A_252 : vector<16xf32>
      %add3A_438 = arith.addf %mul3A_434, %mul3A_437 : vector<16xf32>
      %swap3A_439 = arith.constant 0 : i32
      %swap3A_440 = arith.index_cast %swap3A_439 : i32 to index
      %swap3A_441 = arith.constant 176 : index
      %swap3A_442 = tpu.vector_load %arg13[%swap3A_440, %swap3A_441] {strides = array<i32>} : memref<8x256xf32, #tpu.memory_space<vmem>>, vector<16xf32>,
      tpu.vector_store %arg13[%swap3A_440, %swap3A_441], %add3A_438 {strides = array<i32>} : memref<8x256xf32, #tpu.memory_space<vmem>>, vector<16xf32>,
      %get3A_443 = arith.constant 0 : i32
      %get3A_444 = arith.index_cast %get3A_443 : i32 to index
      %get3A_445 = arith.constant 192 : index
      %get3A_446 = tpu.vector_load %arg9[%get3A_444, %get3A_445] {strides = array<i32>} : memref<8x256xf32, #tpu.memory_space<vmem>>, vector<16xf32>,
      %sub3A_447 = arith.constant 1.000000e+00 : f32
      %sub3A_448 = vector.broadcast %sub3A_447 : f32 to vector<16xf32>
      %sub3A_449 = arith.subf %sub3A_448, %div3A_252 : vector<16xf32>
      %mul3A_450 = arith.mulf %get3A_446, %sub3A_449 : vector<16xf32>
      %get3A_451 = arith.constant 192 : index
      %get3A_452 = tpu.vector_load %arg10[%get3A_451] {strides = array<i32>} : memref<256xf32, #tpu.memory_space<vmem>>, vector<16xf32>,
      %mul3A_453 = arith.mulf %get3A_452, %div3A_252 : vector<16xf32>
      %add3A_454 = arith.addf %mul3A_450, %mul3A_453 : vector<16xf32>
      %swap3A_455 = arith.constant 0 : i32
      %swap3A_456 = arith.index_cast %swap3A_455 : i32 to index
      %swap3A_457 = arith.constant 192 : index
      %swap3A_458 = tpu.vector_load %arg13[%swap3A_456, %swap3A_457] {strides = array<i32>} : memref<8x256xf32, #tpu.memory_space<vmem>>, vector<16xf32>,
      tpu.vector_store %arg13[%swap3A_456, %swap3A_457], %add3A_454 {strides = array<i32>} : memref<8x256xf32, #tpu.memory_space<vmem>>, vector<16xf32>,
      %get3A_459 = arith.constant 0 : i32
      %get3A_460 = arith.index_cast %get3A_459 : i32 to index
      %get3A_461 = arith.constant 208 : index
      %get3A_462 = tpu.vector_load %arg9[%get3A_460, %get3A_461] {strides = array<i32>} : memref<8x256xf32, #tpu.memory_space<vmem>>, vector<16xf32>,
      %sub3A_463 = arith.constant 1.000000e+00 : f32
      %sub3A_464 = vector.broadcast %sub3A_463 : f32 to vector<16xf32>
      %sub3A_465 = arith.subf %sub3A_464, %div3A_252 : vector<16xf32>
      %mul3A_466 = arith.mulf %get3A_462, %sub3A_465 : vector<16xf32>
      %get3A_467 = arith.constant 208 : index
      %get3A_468 = tpu.vector_load %arg10[%get3A_467] {strides = array<i32>} : memref<256xf32, #tpu.memory_space<vmem>>, vector<16xf32>,
      %mul3A_469 = arith.mulf %get3A_468, %div3A_252 : vector<16xf32>
      %add3A_470 = arith.addf %mul3A_466, %mul3A_469 : vector<16xf32>
      %swap3A_471 = arith.constant 0 : i32
      %swap3A_472 = arith.index_cast %swap3A_471 : i32 to index
      %swap3A_473 = arith.constant 208 : index
      %swap3A_474 = tpu.vector_load %arg13[%swap3A_472, %swap3A_473] {strides = array<i32>} : memref<8x256xf32, #tpu.memory_space<vmem>>, vector<16xf32>,
      tpu.vector_store %arg13[%swap3A_472, %swap3A_473], %add3A_470 {strides = array<i32>} : memref<8x256xf32, #tpu.memory_space<vmem>>, vector<16xf32>,
      %get3A_475 = arith.constant 0 : i32
      %get3A_476 = arith.index_cast %get3A_475 : i32 to index
      %get3A_477 = arith.constant 224 : index
      %get3A_478 = tpu.vector_load %arg9[%get3A_476, %get3A_477] {strides = array<i32>} : memref<8x256xf32, #tpu.memory_space<vmem>>, vector<16xf32>,
      %sub3A_479 = arith.constant 1.000000e+00 : f32
      %sub3A_480 = vector.broadcast %sub3A_479 : f32 to vector<16xf32>
      %sub3A_481 = arith.subf %sub3A_480, %div3A_252 : vector<16xf32>
      %mul3A_482 = arith.mulf %get3A_478, %sub3A_481 : vector<16xf32>
      %get3A_483 = arith.constant 224 : index
      %get3A_484 = tpu.vector_load %arg10[%get3A_483] {strides = array<i32>} : memref<256xf32, #tpu.memory_space<vmem>>, vector<16xf32>,
      %mul3A_485 = arith.mulf %get3A_484, %div3A_252 : vector<16xf32>
      %add3A_486 = arith.addf %mul3A_482, %mul3A_485 : vector<16xf32>
      %swap3A_487 = arith.constant 0 : i32
      %swap3A_488 = arith.index_cast %swap3A_487 : i32 to index
      %swap3A_489 = arith.constant 224 : index
      %swap3A_490 = tpu.vector_load %arg13[%swap3A_488, %swap3A_489] {strides = array<i32>} : memref<8x256xf32, #tpu.memory_space<vmem>>, vector<16xf32>,
      tpu.vector_store %arg13[%swap3A_488, %swap3A_489], %add3A_486 {strides = array<i32>} : memref<8x256xf32, #tpu.memory_space<vmem>>, vector<16xf32>,
      %get3A_491 = arith.constant 0 : i32
      %get3A_492 = arith.index_cast %get3A_491 : i32 to index
      %get3A_493 = arith.constant 240 : index
      %get3A_494 = tpu.vector_load %arg9[%get3A_492, %get3A_493] {strides = array<i32>} : memref<8x256xf32, #tpu.memory_space<vmem>>, vector<16xf32>,
      %sub3A_495 = arith.constant 1.000000e+00 : f32
      %sub3A_496 = vector.broadcast %sub3A_495 : f32 to vector<16xf32>
      %sub3A_497 = arith.subf %sub3A_496, %div3A_252 : vector<16xf32>
      %mul3A_498 = arith.mulf %get3A_494, %sub3A_497 : vector<16xf32>
      %get3A_499 = arith.constant 240 : index
      %get3A_500 = tpu.vector_load %arg10[%get3A_499] {strides = array<i32>} : memref<256xf32, #tpu.memory_space<vmem>>, vector<16xf32>,
      %mul3A_501 = arith.mulf %get3A_500, %div3A_252 : vector<16xf32>
      %add3A_502 = arith.addf %mul3A_498, %mul3A_501 : vector<16xf32>
      %swap3A_503 = arith.constant 0 : i32
      %swap3A_504 = arith.index_cast %swap3A_503 : i32 to index
      %swap3A_505 = arith.constant 240 : index
      %swap3A_506 = tpu.vector_load %arg13[%swap3A_504, %swap3A_505] {strides = array<i32>} : memref<8x256xf32, #tpu.memory_space<vmem>>, vector<16xf32>,
      tpu.vector_store %arg13[%swap3A_504, %swap3A_505], %add3A_502 {strides = array<i32>} : memref<8x256xf32, #tpu.memory_space<vmem>>, vector<16xf32>,
      %broadcast_in_dim3A_507 = arith.constant 0.000000e+00 : f32
      %broadcast_in_dim3A_508 = vector.broadcast %broadcast_in_dim3A_507 : f32 to vector<16xf32>
      %get3A_509 = arith.constant 1 : i32
      %get3A_510 = arith.index_cast %get3A_509 : i32 to index
      %get3A_511 = arith.constant 0 : index
      %get3A_512 = tpu.vector_load %arg9[%get3A_510, %get3A_511] {strides = array<i32>} : memref<8x256xf32, #tpu.memory_space<vmem>>, vector<16xf32>,
      %get3A_513 = arith.constant 0 : index
      %get3A_514 = tpu.vector_load %arg12[%get3A_513] {strides = array<i32>} : memref<256xf32, #tpu.memory_space<vmem>>, vector<16xf32>,
      %mul3A_515 = arith.mulf %get3A_512, %get3A_514 : vector<16xf32>
      %add3A_516 = arith.addf %broadcast_in_dim3A_508, %mul3A_515 : vector<16xf32>
      %get3A_517 = arith.constant 1 : i32
      %get3A_518 = arith.index_cast %get3A_517 : i32 to index
      %get3A_519 = arith.constant 16 : index
      %get3A_520 = tpu.vector_load %arg9[%get3A_518, %get3A_519] {strides = array<i32>} : memref<8x256xf32, #tpu.memory_space<vmem>>, vector<16xf32>,
      %get3A_521 = arith.constant 16 : index
      %get3A_522 = tpu.vector_load %arg12[%get3A_521] {strides = array<i32>} : memref<256xf32, #tpu.memory_space<vmem>>, vector<16xf32>,
      %mul3A_523 = arith.mulf %get3A_520, %get3A_522 : vector<16xf32>
      %add3A_524 = arith.addf %add3A_516, %mul3A_523 : vector<16xf32>
      %get3A_525 = arith.constant 1 : i32
      %get3A_526 = arith.index_cast %get3A_525 : i32 to index
      %get3A_527 = arith.constant 32 : index
      %get3A_528 = tpu.vector_load %arg9[%get3A_526, %get3A_527] {strides = array<i32>} : memref<8x256xf32, #tpu.memory_space<vmem>>, vector<16xf32>,
      %get3A_529 = arith.constant 32 : index
      %get3A_530 = tpu.vector_load %arg12[%get3A_529] {strides = array<i32>} : memref<256xf32, #tpu.memory_space<vmem>>, vector<16xf32>,
      %mul3A_531 = arith.mulf %get3A_528, %get3A_530 : vector<16xf32>
      %add3A_532 = arith.addf %add3A_524, %mul3A_531 : vector<16xf32>
      %get3A_533 = arith.constant 1 : i32
      %get3A_534 = arith.index_cast %get3A_533 : i32 to index
      %get3A_535 = arith.constant 48 : index
      %get3A_536 = tpu.vector_load %arg9[%get3A_534, %get3A_535] {strides = array<i32>} : memref<8x256xf32, #tpu.memory_space<vmem>>, vector<16xf32>,
      %get3A_537 = arith.constant 48 : index
      %get3A_538 = tpu.vector_load %arg12[%get3A_537] {strides = array<i32>} : memref<256xf32, #tpu.memory_space<vmem>>, vector<16xf32>,
      %mul3A_539 = arith.mulf %get3A_536, %get3A_538 : vector<16xf32>
      %add3A_540 = arith.addf %add3A_532, %mul3A_539 : vector<16xf32>
      %get3A_541 = arith.constant 1 : i32
      %get3A_542 = arith.index_cast %get3A_541 : i32 to index
      %get3A_543 = arith.constant 64 : index
      %get3A_544 = tpu.vector_load %arg9[%get3A_542, %get3A_543] {strides = array<i32>} : memref<8x256xf32, #tpu.memory_space<vmem>>, vector<16xf32>,
      %get3A_545 = arith.constant 64 : index
      %get3A_546 = tpu.vector_load %arg12[%get3A_545] {strides = array<i32>} : memref<256xf32, #tpu.memory_space<vmem>>, vector<16xf32>,
      %mul3A_547 = arith.mulf %get3A_544, %get3A_546 : vector<16xf32>
      %add3A_548 = arith.addf %add3A_540, %mul3A_547 : vector<16xf32>
      %get3A_549 = arith.constant 1 : i32
      %get3A_550 = arith.index_cast %get3A_549 : i32 to index
      %get3A_551 = arith.constant 80 : index
      %get3A_552 = tpu.vector_load %arg9[%get3A_550, %get3A_551] {strides = array<i32>} : memref<8x256xf32, #tpu.memory_space<vmem>>, vector<16xf32>,
      %get3A_553 = arith.constant 80 : index
      %get3A_554 = tpu.vector_load %arg12[%get3A_553] {strides = array<i32>} : memref<256xf32, #tpu.memory_space<vmem>>, vector<16xf32>,
      %mul3A_555 = arith.mulf %get3A_552, %get3A_554 : vector<16xf32>
      %add3A_556 = arith.addf %add3A_548, %mul3A_555 : vector<16xf32>
      %get3A_557 = arith.constant 1 : i32
      %get3A_558 = arith.index_cast %get3A_557 : i32 to index
      %get3A_559 = arith.constant 96 : index
      %get3A_560 = tpu.vector_load %arg9[%get3A_558, %get3A_559] {strides = array<i32>} : memref<8x256xf32, #tpu.memory_space<vmem>>, vector<16xf32>,
      %get3A_561 = arith.constant 96 : index
      %get3A_562 = tpu.vector_load %arg12[%get3A_561] {strides = array<i32>} : memref<256xf32, #tpu.memory_space<vmem>>, vector<16xf32>,
      %mul3A_563 = arith.mulf %get3A_560, %get3A_562 : vector<16xf32>
      %add3A_564 = arith.addf %add3A_556, %mul3A_563 : vector<16xf32>
      %get3A_565 = arith.constant 1 : i32
      %get3A_566 = arith.index_cast %get3A_565 : i32 to index
      %get3A_567 = arith.constant 112 : index
      %get3A_568 = tpu.vector_load %arg9[%get3A_566, %get3A_567] {strides = array<i32>} : memref<8x256xf32, #tpu.memory_space<vmem>>, vector<16xf32>,
      %get3A_569 = arith.constant 112 : index
      %get3A_570 = tpu.vector_load %arg12[%get3A_569] {strides = array<i32>} : memref<256xf32, #tpu.memory_space<vmem>>, vector<16xf32>,
      %mul3A_571 = arith.mulf %get3A_568, %get3A_570 : vector<16xf32>
      %add3A_572 = arith.addf %add3A_564, %mul3A_571 : vector<16xf32>
      %get3A_573 = arith.constant 1 : i32
      %get3A_574 = arith.index_cast %get3A_573 : i32 to index
      %get3A_575 = arith.constant 128 : index
      %get3A_576 = tpu.vector_load %arg9[%get3A_574, %get3A_575] {strides = array<i32>} : memref<8x256xf32, #tpu.memory_space<vmem>>, vector<16xf32>,
      %get3A_577 = arith.constant 128 : index
      %get3A_578 = tpu.vector_load %arg12[%get3A_577] {strides = array<i32>} : memref<256xf32, #tpu.memory_space<vmem>>, vector<16xf32>,
      %mul3A_579 = arith.mulf %get3A_576, %get3A_578 : vector<16xf32>
      %add3A_580 = arith.addf %add3A_572, %mul3A_579 : vector<16xf32>
      %get3A_581 = arith.constant 1 : i32
      %get3A_582 = arith.index_cast %get3A_581 : i32 to index
      %get3A_583 = arith.constant 144 : index
      %get3A_584 = tpu.vector_load %arg9[%get3A_582, %get3A_583] {strides = array<i32>} : memref<8x256xf32, #tpu.memory_space<vmem>>, vector<16xf32>,
      %get3A_585 = arith.constant 144 : index
      %get3A_586 = tpu.vector_load %arg12[%get3A_585] {strides = array<i32>} : memref<256xf32, #tpu.memory_space<vmem>>, vector<16xf32>,
      %mul3A_587 = arith.mulf %get3A_584, %get3A_586 : vector<16xf32>
      %add3A_588 = arith.addf %add3A_580, %mul3A_587 : vector<16xf32>
      %get3A_589 = arith.constant 1 : i32
      %get3A_590 = arith.index_cast %get3A_589 : i32 to index
      %get3A_591 = arith.constant 160 : index
      %get3A_592 = tpu.vector_load %arg9[%get3A_590, %get3A_591] {strides = array<i32>} : memref<8x256xf32, #tpu.memory_space<vmem>>, vector<16xf32>,
      %get3A_593 = arith.constant 160 : index
      %get3A_594 = tpu.vector_load %arg12[%get3A_593] {strides = array<i32>} : memref<256xf32, #tpu.memory_space<vmem>>, vector<16xf32>,
      %mul3A_595 = arith.mulf %get3A_592, %get3A_594 : vector<16xf32>
      %add3A_596 = arith.addf %add3A_588, %mul3A_595 : vector<16xf32>
      %get3A_597 = arith.constant 1 : i32
      %get3A_598 = arith.index_cast %get3A_597 : i32 to index
      %get3A_599 = arith.constant 176 : index
      %get3A_600 = tpu.vector_load %arg9[%get3A_598, %get3A_599] {strides = array<i32>} : memref<8x256xf32, #tpu.memory_space<vmem>>, vector<16xf32>,
      %get3A_601 = arith.constant 176 : index
      %get3A_602 = tpu.vector_load %arg12[%get3A_601] {strides = array<i32>} : memref<256xf32, #tpu.memory_space<vmem>>, vector<16xf32>,
      %mul3A_603 = arith.mulf %get3A_600, %get3A_602 : vector<16xf32>
      %add3A_604 = arith.addf %add3A_596, %mul3A_603 : vector<16xf32>
      %get3A_605 = arith.constant 1 : i32
      %get3A_606 = arith.index_cast %get3A_605 : i32 to index
      %get3A_607 = arith.constant 192 : index
      %get3A_608 = tpu.vector_load %arg9[%get3A_606, %get3A_607] {strides = array<i32>} : memref<8x256xf32, #tpu.memory_space<vmem>>, vector<16xf32>,
      %get3A_609 = arith.constant 192 : index
      %get3A_610 = tpu.vector_load %arg12[%get3A_609] {strides = array<i32>} : memref<256xf32, #tpu.memory_space<vmem>>, vector<16xf32>,
      %mul3A_611 = arith.mulf %get3A_608, %get3A_610 : vector<16xf32>
      %add3A_612 = arith.addf %add3A_604, %mul3A_611 : vector<16xf32>
      %get3A_613 = arith.constant 1 : i32
      %get3A_614 = arith.index_cast %get3A_613 : i32 to index
      %get3A_615 = arith.constant 208 : index
      %get3A_616 = tpu.vector_load %arg9[%get3A_614, %get3A_615] {strides = array<i32>} : memref<8x256xf32, #tpu.memory_space<vmem>>, vector<16xf32>,
      %get3A_617 = arith.constant 208 : index
      %get3A_618 = tpu.vector_load %arg12[%get3A_617] {strides = array<i32>} : memref<256xf32, #tpu.memory_space<vmem>>, vector<16xf32>,
      %mul3A_619 = arith.mulf %get3A_616, %get3A_618 : vector<16xf32>
      %add3A_620 = arith.addf %add3A_612, %mul3A_619 : vector<16xf32>
      %get3A_621 = arith.constant 1 : i32
      %get3A_622 = arith.index_cast %get3A_621 : i32 to index
      %get3A_623 = arith.constant 224 : index
      %get3A_624 = tpu.vector_load %arg9[%get3A_622, %get3A_623] {strides = array<i32>} : memref<8x256xf32, #tpu.memory_space<vmem>>, vector<16xf32>,
      %get3A_625 = arith.constant 224 : index
      %get3A_626 = tpu.vector_load %arg12[%get3A_625] {strides = array<i32>} : memref<256xf32, #tpu.memory_space<vmem>>, vector<16xf32>,
      %mul3A_627 = arith.mulf %get3A_624, %get3A_626 : vector<16xf32>
      %add3A_628 = arith.addf %add3A_620, %mul3A_627 : vector<16xf32>
      %get3A_629 = arith.constant 1 : i32
      %get3A_630 = arith.index_cast %get3A_629 : i32 to index
      %get3A_631 = arith.constant 240 : index
      %get3A_632 = tpu.vector_load %arg9[%get3A_630, %get3A_631] {strides = array<i32>} : memref<8x256xf32, #tpu.memory_space<vmem>>, vector<16xf32>,
      %get3A_633 = arith.constant 240 : index
      %get3A_634 = tpu.vector_load %arg12[%get3A_633] {strides = array<i32>} : memref<256xf32, #tpu.memory_space<vmem>>, vector<16xf32>,
      %mul3A_635 = arith.mulf %get3A_632, %get3A_634 : vector<16xf32>
      %add3A_636 = arith.addf %add3A_628, %mul3A_635 : vector<16xf32>
      %broadcast_in_dim3A_637 = arith.constant true
      %broadcast_in_dim3A_638 = vector.broadcast %broadcast_in_dim3A_637 : i1 to vector<16xi1>
      %masked_cumsum3A_639 = tpu.scan <sum>, %add3A_636 masked %broadcast_in_dim3A_638 : vector<16xf32>, vector<16xi1> -> vector<16xf32>
      %broadcast_in_dim3A_640 = arith.constant 15 : i32
      %broadcast_in_dim3A_641 = vector.broadcast %broadcast_in_dim3A_640 : i32 to vector<16x1xi32>
      %gather3A_642 = vector.shape_cast %broadcast_in_dim3A_641 : vector<16x1xi32> to vector<16xi32>
      %gather3A_643 = tpu.dynamic_gather %masked_cumsum3A_639[%gather3A_642] in [0] : vector<16xf32>, vector<16xi32> -> vector<16xf32>
      %add3A_644 = arith.addf %gather3A_643, %gather3A_107 : vector<16xf32>
      %neg3A_645 = arith.constant 0.000000e+00 : f32
      %neg3A_646 = vector.broadcast %neg3A_645 : f32 to vector<16xf32>
      %neg3A_647 = arith.subf %neg3A_646, %add3A_644 : vector<16xf32>
      %exp3A_648 = math.exp %neg3A_647 : vector<16xf32>
      %add3A_649 = arith.constant 1.000000e+00 : f32
      %add3A_650 = vector.broadcast %add3A_649 : f32 to vector<16xf32>
      %add3A_651 = arith.addf %add3A_650, %exp3A_648 : vector<16xf32>
      %div3A_652 = arith.constant 1.000000e+00 : f32
      %div3A_653 = vector.broadcast %div3A_652 : f32 to vector<16xf32>
      %div3A_654 = arith.divf %div3A_653, %add3A_651 : vector<16xf32>
      %get3A_655 = arith.constant 1 : i32
      %get3A_656 = arith.index_cast %get3A_655 : i32 to index
      %get3A_657 = arith.constant 0 : index
      %get3A_658 = tpu.vector_load %arg9[%get3A_656, %get3A_657] {strides = array<i32>} : memref<8x256xf32, #tpu.memory_space<vmem>>, vector<16xf32>,
      %sub3A_659 = arith.constant 1.000000e+00 : f32
      %sub3A_660 = vector.broadcast %sub3A_659 : f32 to vector<16xf32>
      %sub3A_661 = arith.subf %sub3A_660, %div3A_654 : vector<16xf32>
      %mul3A_662 = arith.mulf %get3A_658, %sub3A_661 : vector<16xf32>
      %get3A_663 = arith.constant 0 : index
      %get3A_664 = tpu.vector_load %arg10[%get3A_663] {strides = array<i32>} : memref<256xf32, #tpu.memory_space<vmem>>, vector<16xf32>,
      %mul3A_665 = arith.mulf %get3A_664, %div3A_654 : vector<16xf32>
      %add3A_666 = arith.addf %mul3A_662, %mul3A_665 : vector<16xf32>
      %swap3A_667 = arith.constant 1 : i32
      %swap3A_668 = arith.index_cast %swap3A_667 : i32 to index
      %swap3A_669 = arith.constant 0 : index
      %swap3A_670 = tpu.vector_load %arg13[%swap3A_668, %swap3A_669] {strides = array<i32>} : memref<8x256xf32, #tpu.memory_space<vmem>>, vector<16xf32>,
      tpu.vector_store %arg13[%swap3A_668, %swap3A_669], %add3A_666 {strides = array<i32>} : memref<8x256xf32, #tpu.memory_space<vmem>>, vector<16xf32>,
      %get3A_671 = arith.constant 1 : i32
      %get3A_672 = arith.index_cast %get3A_671 : i32 to index
      %get3A_673 = arith.constant 16 : index
      %get3A_674 = tpu.vector_load %arg9[%get3A_672, %get3A_673] {strides = array<i32>} : memref<8x256xf32, #tpu.memory_space<vmem>>, vector<16xf32>,
      %sub3A_675 = arith.constant 1.000000e+00 : f32
      %sub3A_676 = vector.broadcast %sub3A_675 : f32 to vector<16xf32>
      %sub3A_677 = arith.subf %sub3A_676, %div3A_654 : vector<16xf32>
      %mul3A_678 = arith.mulf %get3A_674, %sub3A_677 : vector<16xf32>
      %get3A_679 = arith.constant 16 : index
      %get3A_680 = tpu.vector_load %arg10[%get3A_679] {strides = array<i32>} : memref<256xf32, #tpu.memory_space<vmem>>, vector<16xf32>,
      %mul3A_681 = arith.mulf %get3A_680, %div3A_654 : vector<16xf32>
      %add3A_682 = arith.addf %mul3A_678, %mul3A_681 : vector<16xf32>
      %swap3A_683 = arith.constant 1 : i32
      %swap3A_684 = arith.index_cast %swap3A_683 : i32 to index
      %swap3A_685 = arith.constant 16 : index
      %swap3A_686 = tpu.vector_load %arg13[%swap3A_684, %swap3A_685] {strides = array<i32>} : memref<8x256xf32, #tpu.memory_space<vmem>>, vector<16xf32>,
      tpu.vector_store %arg13[%swap3A_684, %swap3A_685], %add3A_682 {strides = array<i32>} : memref<8x256xf32, #tpu.memory_space<vmem>>, vector<16xf32>,
      %get3A_687 = arith.constant 1 : i32
      %get3A_688 = arith.index_cast %get3A_687 : i32 to index
      %get3A_689 = arith.constant 32 : index
      %get3A_690 = tpu.vector_load %arg9[%get3A_688, %get3A_689] {strides = array<i32>} : memref<8x256xf32, #tpu.memory_space<vmem>>, vector<16xf32>,
      %sub3A_691 = arith.constant 1.000000e+00 : f32
      %sub3A_692 = vector.broadcast %sub3A_691 : f32 to vector<16xf32>
      %sub3A_693 = arith.subf %sub3A_692, %div3A_654 : vector<16xf32>
      %mul3A_694 = arith.mulf %get3A_690, %sub3A_693 : vector<16xf32>
      %get3A_695 = arith.constant 32 : index
      %get3A_696 = tpu.vector_load %arg10[%get3A_695] {strides = array<i32>} : memref<256xf32, #tpu.memory_space<vmem>>, vector<16xf32>,
      %mul3A_697 = arith.mulf %get3A_696, %div3A_654 : vector<16xf32>
      %add3A_698 = arith.addf %mul3A_694, %mul3A_697 : vector<16xf32>
      %swap3A_699 = arith.constant 1 : i32
      %swap3A_700 = arith.index_cast %swap3A_699 : i32 to index
      %swap3A_701 = arith.constant 32 : index
      %swap3A_702 = tpu.vector_load %arg13[%swap3A_700, %swap3A_701] {strides = array<i32>} : memref<8x256xf32, #tpu.memory_space<vmem>>, vector<16xf32>,
      tpu.vector_store %arg13[%swap3A_700, %swap3A_701], %add3A_698 {strides = array<i32>} : memref<8x256xf32, #tpu.memory_space<vmem>>, vector<16xf32>,
      %get3A_703 = arith.constant 1 : i32
      %get3A_704 = arith.index_cast %get3A_703 : i32 to index
      %get3A_705 = arith.constant 48 : index
      %get3A_706 = tpu.vector_load %arg9[%get3A_704, %get3A_705] {strides = array<i32>} : memref<8x256xf32, #tpu.memory_space<vmem>>, vector<16xf32>,
      %sub3A_707 = arith.constant 1.000000e+00 : f32
      %sub3A_708 = vector.broadcast %sub3A_707 : f32 to vector<16xf32>
      %sub3A_709 = arith.subf %sub3A_708, %div3A_654 : vector<16xf32>
      %mul3A_710 = arith.mulf %get3A_706, %sub3A_709 : vector<16xf32>
      %get3A_711 = arith.constant 48 : index
      %get3A_712 = tpu.vector_load %arg10[%get3A_711] {strides = array<i32>} : memref<256xf32, #tpu.memory_space<vmem>>, vector<16xf32>,
      %mul3A_713 = arith.mulf %get3A_712, %div3A_654 : vector<16xf32>
      %add3A_714 = arith.addf %mul3A_710, %mul3A_713 : vector<16xf32>
      %swap3A_715 = arith.constant 1 : i32
      %swap3A_716 = arith.index_cast %swap3A_715 : i32 to index
      %swap3A_717 = arith.constant 48 : index
      %swap3A_718 = tpu.vector_load %arg13[%swap3A_716, %swap3A_717] {strides = array<i32>} : memref<8x256xf32, #tpu.memory_space<vmem>>, vector<16xf32>,
      tpu.vector_store %arg13[%swap3A_716, %swap3A_717], %add3A_714 {strides = array<i32>} : memref<8x256xf32, #tpu.memory_space<vmem>>, vector<16xf32>,
      %get3A_719 = arith.constant 1 : i32
      %get3A_720 = arith.index_cast %get3A_719 : i32 to index
      %get3A_721 = arith.constant 64 : index
      %get3A_722 = tpu.vector_load %arg9[%get3A_720, %get3A_721] {strides = array<i32>} : memref<8x256xf32, #tpu.memory_space<vmem>>, vector<16xf32>,
      %sub3A_723 = arith.constant 1.000000e+00 : f32
      %sub3A_724 = vector.broadcast %sub3A_723 : f32 to vector<16xf32>
      %sub3A_725 = arith.subf %sub3A_724, %div3A_654 : vector<16xf32>
      %mul3A_726 = arith.mulf %get3A_722, %sub3A_725 : vector<16xf32>
      %get3A_727 = arith.constant 64 : index
      %get3A_728 = tpu.vector_load %arg10[%get3A_727] {strides = array<i32>} : memref<256xf32, #tpu.memory_space<vmem>>, vector<16xf32>,
      %mul3A_729 = arith.mulf %get3A_728, %div3A_654 : vector<16xf32>
      %add3A_730 = arith.addf %mul3A_726, %mul3A_729 : vector<16xf32>
      %swap3A_731 = arith.constant 1 : i32
      %swap3A_732 = arith.index_cast %swap3A_731 : i32 to index
      %swap3A_733 = arith.constant 64 : index
      %swap3A_734 = tpu.vector_load %arg13[%swap3A_732, %swap3A_733] {strides = array<i32>} : memref<8x256xf32, #tpu.memory_space<vmem>>, vector<16xf32>,
      tpu.vector_store %arg13[%swap3A_732, %swap3A_733], %add3A_730 {strides = array<i32>} : memref<8x256xf32, #tpu.memory_space<vmem>>, vector<16xf32>,
      %get3A_735 = arith.constant 1 : i32
      %get3A_736 = arith.index_cast %get3A_735 : i32 to index
      %get3A_737 = arith.constant 80 : index
      %get3A_738 = tpu.vector_load %arg9[%get3A_736, %get3A_737] {strides = array<i32>} : memref<8x256xf32, #tpu.memory_space<vmem>>, vector<16xf32>,
      %sub3A_739 = arith.constant 1.000000e+00 : f32
      %sub3A_740 = vector.broadcast %sub3A_739 : f32 to vector<16xf32>
      %sub3A_741 = arith.subf %sub3A_740, %div3A_654 : vector<16xf32>
      %mul3A_742 = arith.mulf %get3A_738, %sub3A_741 : vector<16xf32>
      %get3A_743 = arith.constant 80 : index
      %get3A_744 = tpu.vector_load %arg10[%get3A_743] {strides = array<i32>} : memref<256xf32, #tpu.memory_space<vmem>>, vector<16xf32>,
      %mul3A_745 = arith.mulf %get3A_744, %div3A_654 : vector<16xf32>
      %add3A_746 = arith.addf %mul3A_742, %mul3A_745 : vector<16xf32>
      %swap3A_747 = arith.constant 1 : i32
      %swap3A_748 = arith.index_cast %swap3A_747 : i32 to index
      %swap3A_749 = arith.constant 80 : index
      %swap3A_750 = tpu.vector_load %arg13[%swap3A_748, %swap3A_749] {strides = array<i32>} : memref<8x256xf32, #tpu.memory_space<vmem>>, vector<16xf32>,
      tpu.vector_store %arg13[%swap3A_748, %swap3A_749], %add3A_746 {strides = array<i32>} : memref<8x256xf32, #tpu.memory_space<vmem>>, vector<16xf32>,
      %get3A_751 = arith.constant 1 : i32
      %get3A_752 = arith.index_cast %get3A_751 : i32 to index
      %get3A_753 = arith.constant 96 : index
      %get3A_754 = tpu.vector_load %arg9[%get3A_752, %get3A_753] {strides = array<i32>} : memref<8x256xf32, #tpu.memory_space<vmem>>, vector<16xf32>,
      %sub3A_755 = arith.constant 1.000000e+00 : f32
      %sub3A_756 = vector.broadcast %sub3A_755 : f32 to vector<16xf32>
      %sub3A_757 = arith.subf %sub3A_756, %div3A_654 : vector<16xf32>
      %mul3A_758 = arith.mulf %get3A_754, %sub3A_757 : vector<16xf32>
      %get3A_759 = arith.constant 96 : index
      %get3A_760 = tpu.vector_load %arg10[%get3A_759] {strides = array<i32>} : memref<256xf32, #tpu.memory_space<vmem>>, vector<16xf32>,
      %mul3A_761 = arith.mulf %get3A_760, %div3A_654 : vector<16xf32>
      %add3A_762 = arith.addf %mul3A_758, %mul3A_761 : vector<16xf32>
      %swap3A_763 = arith.constant 1 : i32
      %swap3A_764 = arith.index_cast %swap3A_763 : i32 to index
      %swap3A_765 = arith.constant 96 : index
      %swap3A_766 = tpu.vector_load %arg13[%swap3A_764, %swap3A_765] {strides = array<i32>} : memref<8x256xf32, #tpu.memory_space<vmem>>, vector<16xf32>,
      tpu.vector_store %arg13[%swap3A_764, %swap3A_765], %add3A_762 {strides = array<i32>} : memref<8x256xf32, #tpu.memory_space<vmem>>, vector<16xf32>,
      %get3A_767 = arith.constant 1 : i32
      %get3A_768 = arith.index_cast %get3A_767 : i32 to index
      %get3A_769 = arith.constant 112 : index
      %get3A_770 = tpu.vector_load %arg9[%get3A_768, %get3A_769] {strides = array<i32>} : memref<8x256xf32, #tpu.memory_space<vmem>>, vector<16xf32>,
      %sub3A_771 = arith.constant 1.000000e+00 : f32
      %sub3A_772 = vector.broadcast %sub3A_771 : f32 to vector<16xf32>
      %sub3A_773 = arith.subf %sub3A_772, %div3A_654 : vector<16xf32>
      %mul3A_774 = arith.mulf %get3A_770, %sub3A_773 : vector<16xf32>
      %get3A_775 = arith.constant 112 : index
      %get3A_776 = tpu.vector_load %arg10[%get3A_775] {strides = array<i32>} : memref<256xf32, #tpu.memory_space<vmem>>, vector<16xf32>,
      %mul3A_777 = arith.mulf %get3A_776, %div3A_654 : vector<16xf32>
      %add3A_778 = arith.addf %mul3A_774, %mul3A_777 : vector<16xf32>
      %swap3A_779 = arith.constant 1 : i32
      %swap3A_780 = arith.index_cast %swap3A_779 : i32 to index
      %swap3A_781 = arith.constant 112 : index
      %swap3A_782 = tpu.vector_load %arg13[%swap3A_780, %swap3A_781] {strides = array<i32>} : memref<8x256xf32, #tpu.memory_space<vmem>>, vector<16xf32>,
      tpu.vector_store %arg13[%swap3A_780, %swap3A_781], %add3A_778 {strides = array<i32>} : memref<8x256xf32, #tpu.memory_space<vmem>>, vector<16xf32>,
      %get3A_783 = arith.constant 1 : i32
      %get3A_784 = arith.index_cast %get3A_783 : i32 to index
      %get3A_785 = arith.constant 128 : index
      %get3A_786 = tpu.vector_load %arg9[%get3A_784, %get3A_785] {strides = array<i32>} : memref<8x256xf32, #tpu.memory_space<vmem>>, vector<16xf32>,
      %sub3A_787 = arith.constant 1.000000e+00 : f32
      %sub3A_788 = vector.broadcast %sub3A_787 : f32 to vector<16xf32>
      %sub3A_789 = arith.subf %sub3A_788, %div3A_654 : vector<16xf32>
      %mul3A_790 = arith.mulf %get3A_786, %sub3A_789 : vector<16xf32>
      %get3A_791 = arith.constant 128 : index
      %get3A_792 = tpu.vector_load %arg10[%get3A_791] {strides = array<i32>} : memref<256xf32, #tpu.memory_space<vmem>>, vector<16xf32>,
      %mul3A_793 = arith.mulf %get3A_792, %div3A_654 : vector<16xf32>
      %add3A_794 = arith.addf %mul3A_790, %mul3A_793 : vector<16xf32>
      %swap3A_795 = arith.constant 1 : i32
      %swap3A_796 = arith.index_cast %swap3A_795 : i32 to index
      %swap3A_797 = arith.constant 128 : index
      %swap3A_798 = tpu.vector_load %arg13[%swap3A_796, %swap3A_797] {strides = array<i32>} : memref<8x256xf32, #tpu.memory_space<vmem>>, vector<16xf32>,
      tpu.vector_store %arg13[%swap3A_796, %swap3A_797], %add3A_794 {strides = array<i32>} : memref<8x256xf32, #tpu.memory_space<vmem>>, vector<16xf32>,
      %get3A_799 = arith.constant 1 : i32
      %get3A_800 = arith.index_cast %get3A_799 : i32 to index
      %get3A_801 = arith.constant 144 : index
      %get3A_802 = tpu.vector_load %arg9[%get3A_800, %get3A_801] {strides = array<i32>} : memref<8x256xf32, #tpu.memory_space<vmem>>, vector<16xf32>,
      %sub3A_803 = arith.constant 1.000000e+00 : f32
      %sub3A_804 = vector.broadcast %sub3A_803 : f32 to vector<16xf32>
      %sub3A_805 = arith.subf %sub3A_804, %div3A_654 : vector<16xf32>
      %mul3A_806 = arith.mulf %get3A_802, %sub3A_805 : vector<16xf32>
      %get3A_807 = arith.constant 144 : index
      %get3A_808 = tpu.vector_load %arg10[%get3A_807] {strides = array<i32>} : memref<256xf32, #tpu.memory_space<vmem>>, vector<16xf32>,
      %mul3A_809 = arith.mulf %get3A_808, %div3A_654 : vector<16xf32>
      %add3A_810 = arith.addf %mul3A_806, %mul3A_809 : vector<16xf32>
      %swap3A_811 = arith.constant 1 : i32
      %swap3A_812 = arith.index_cast %swap3A_811 : i32 to index
      %swap3A_813 = arith.constant 144 : index
      %swap3A_814 = tpu.vector_load %arg13[%swap3A_812, %swap3A_813] {strides = array<i32>} : memref<8x256xf32, #tpu.memory_space<vmem>>, vector<16xf32>,
      tpu.vector_store %arg13[%swap3A_812, %swap3A_813], %add3A_810 {strides = array<i32>} : memref<8x256xf32, #tpu.memory_space<vmem>>, vector<16xf32>,
      %get3A_815 = arith.constant 1 : i32
      %get3A_816 = arith.index_cast %get3A_815 : i32 to index
      %get3A_817 = arith.constant 160 : index
      %get3A_818 = tpu.vector_load %arg9[%get3A_816, %get3A_817] {strides = array<i32>} : memref<8x256xf32, #tpu.memory_space<vmem>>, vector<16xf32>,
      %sub3A_819 = arith.constant 1.000000e+00 : f32
      %sub3A_820 = vector.broadcast %sub3A_819 : f32 to vector<16xf32>
      %sub3A_821 = arith.subf %sub3A_820, %div3A_654 : vector<16xf32>
      %mul3A_822 = arith.mulf %get3A_818, %sub3A_821 : vector<16xf32>
      %get3A_823 = arith.constant 160 : index
      %get3A_824 = tpu.vector_load %arg10[%get3A_823] {strides = array<i32>} : memref<256xf32, #tpu.memory_space<vmem>>, vector<16xf32>,
      %mul3A_825 = arith.mulf %get3A_824, %div3A_654 : vector<16xf32>
      %add3A_826 = arith.addf %mul3A_822, %mul3A_825 : vector<16xf32>
      %swap3A_827 = arith.constant 1 : i32
      %swap3A_828 = arith.index_cast %swap3A_827 : i32 to index
      %swap3A_829 = arith.constant 160 : index
      %swap3A_830 = tpu.vector_load %arg13[%swap3A_828, %swap3A_829] {strides = array<i32>} : memref<8x256xf32, #tpu.memory_space<vmem>>, vector<16xf32>,
      tpu.vector_store %arg13[%swap3A_828, %swap3A_829], %add3A_826 {strides = array<i32>} : memref<8x256xf32, #tpu.memory_space<vmem>>, vector<16xf32>,
      %get3A_831 = arith.constant 1 : i32
      %get3A_832 = arith.index_cast %get3A_831 : i32 to index
      %get3A_833 = arith.constant 176 : index
      %get3A_834 = tpu.vector_load %arg9[%get3A_832, %get3A_833] {strides = array<i32>} : memref<8x256xf32, #tpu.memory_space<vmem>>, vector<16xf32>,
      %sub3A_835 = arith.constant 1.000000e+00 : f32
      %sub3A_836 = vector.broadcast %sub3A_835 : f32 to vector<16xf32>
      %sub3A_837 = arith.subf %sub3A_836, %div3A_654 : vector<16xf32>
      %mul3A_838 = arith.mulf %get3A_834, %sub3A_837 : vector<16xf32>
      %get3A_839 = arith.constant 176 : index
      %get3A_840 = tpu.vector_load %arg10[%get3A_839] {strides = array<i32>} : memref<256xf32, #tpu.memory_space<vmem>>, vector<16xf32>,
      %mul3A_841 = arith.mulf %get3A_840, %div3A_654 : vector<16xf32>
      %add3A_842 = arith.addf %mul3A_838, %mul3A_841 : vector<16xf32>
      %swap3A_843 = arith.constant 1 : i32
      %swap3A_844 = arith.index_cast %swap3A_843 : i32 to index
      %swap3A_845 = arith.constant 176 : index
      %swap3A_846 = tpu.vector_load %arg13[%swap3A_844, %swap3A_845] {strides = array<i32>} : memref<8x256xf32, #tpu.memory_space<vmem>>, vector<16xf32>,
      tpu.vector_store %arg13[%swap3A_844, %swap3A_845], %add3A_842 {strides = array<i32>} : memref<8x256xf32, #tpu.memory_space<vmem>>, vector<16xf32>,
      %get3A_847 = arith.constant 1 : i32
      %get3A_848 = arith.index_cast %get3A_847 : i32 to index
      %get3A_849 = arith.constant 192 : index
      %get3A_850 = tpu.vector_load %arg9[%get3A_848, %get3A_849] {strides = array<i32>} : memref<8x256xf32, #tpu.memory_space<vmem>>, vector<16xf32>,
      %sub3A_851 = arith.constant 1.000000e+00 : f32
      %sub3A_852 = vector.broadcast %sub3A_851 : f32 to vector<16xf32>
      %sub3A_853 = arith.subf %sub3A_852, %div3A_654 : vector<16xf32>
      %mul3A_854 = arith.mulf %get3A_850, %sub3A_853 : vector<16xf32>
      %get3A_855 = arith.constant 192 : index
      %get3A_856 = tpu.vector_load %arg10[%get3A_855] {strides = array<i32>} : memref<256xf32, #tpu.memory_space<vmem>>, vector<16xf32>,
      %mul3A_857 = arith.mulf %get3A_856, %div3A_654 : vector<16xf32>
      %add3A_858 = arith.addf %mul3A_854, %mul3A_857 : vector<16xf32>
      %swap3A_859 = arith.constant 1 : i32
      %swap3A_860 = arith.index_cast %swap3A_859 : i32 to index
      %swap3A_861 = arith.constant 192 : index
      %swap3A_862 = tpu.vector_load %arg13[%swap3A_860, %swap3A_861] {strides = array<i32>} : memref<8x256xf32, #tpu.memory_space<vmem>>, vector<16xf32>,
      tpu.vector_store %arg13[%swap3A_860, %swap3A_861], %add3A_858 {strides = array<i32>} : memref<8x256xf32, #tpu.memory_space<vmem>>, vector<16xf32>,
      %get3A_863 = arith.constant 1 : i32
      %get3A_864 = arith.index_cast %get3A_863 : i32 to index
      %get3A_865 = arith.constant 208 : index
      %get3A_866 = tpu.vector_load %arg9[%get3A_864, %get3A_865] {strides = array<i32>} : memref<8x256xf32, #tpu.memory_space<vmem>>, vector<16xf32>,
      %sub3A_867 = arith.constant 1.000000e+00 : f32
      %sub3A_868 = vector.broadcast %sub3A_867 : f32 to vector<16xf32>
      %sub3A_869 = arith.subf %sub3A_868, %div3A_654 : vector<16xf32>
      %mul3A_870 = arith.mulf %get3A_866, %sub3A_869 : vector<16xf32>
      %get3A_871 = arith.constant 208 : index
      %get3A_872 = tpu.vector_load %arg10[%get3A_871] {strides = array<i32>} : memref<256xf32, #tpu.memory_space<vmem>>, vector<16xf32>,
      %mul3A_873 = arith.mulf %get3A_872, %div3A_654 : vector<16xf32>
      %add3A_874 = arith.addf %mul3A_870, %mul3A_873 : vector<16xf32>
      %swap3A_875 = arith.constant 1 : i32
      %swap3A_876 = arith.index_cast %swap3A_875 : i32 to index
      %swap3A_877 = arith.constant 208 : index
      %swap3A_878 = tpu.vector_load %arg13[%swap3A_876, %swap3A_877] {strides = array<i32>} : memref<8x256xf32, #tpu.memory_space<vmem>>, vector<16xf32>,
      tpu.vector_store %arg13[%swap3A_876, %swap3A_877], %add3A_874 {strides = array<i32>} : memref<8x256xf32, #tpu.memory_space<vmem>>, vector<16xf32>,
      %get3A_879 = arith.constant 1 : i32
      %get3A_880 = arith.index_cast %get3A_879 : i32 to index
      %get3A_881 = arith.constant 224 : index
      %get3A_882 = tpu.vector_load %arg9[%get3A_880, %get3A_881] {strides = array<i32>} : memref<8x256xf32, #tpu.memory_space<vmem>>, vector<16xf32>,
      %sub3A_883 = arith.constant 1.000000e+00 : f32
      %sub3A_884 = vector.broadcast %sub3A_883 : f32 to vector<16xf32>
      %sub3A_885 = arith.subf %sub3A_884, %div3A_654 : vector<16xf32>
      %mul3A_886 = arith.mulf %get3A_882, %sub3A_885 : vector<16xf32>
      %get3A_887 = arith.constant 224 : index
      %get3A_888 = tpu.vector_load %arg10[%get3A_887] {strides = array<i32>} : memref<256xf32, #tpu.memory_space<vmem>>, vector<16xf32>,
      %mul3A_889 = arith.mulf %get3A_888, %div3A_654 : vector<16xf32>
      %add3A_890 = arith.addf %mul3A_886, %mul3A_889 : vector<16xf32>
      %swap3A_891 = arith.constant 1 : i32
      %swap3A_892 = arith.index_cast %swap3A_891 : i32 to index
      %swap3A_893 = arith.constant 224 : index
      %swap3A_894 = tpu.vector_load %arg13[%swap3A_892, %swap3A_893] {strides = array<i32>} : memref<8x256xf32, #tpu.memory_space<vmem>>, vector<16xf32>,
      tpu.vector_store %arg13[%swap3A_892, %swap3A_893], %add3A_890 {strides = array<i32>} : memref<8x256xf32, #tpu.memory_space<vmem>>, vector<16xf32>,
      %get3A_895 = arith.constant 1 : i32
      %get3A_896 = arith.index_cast %get3A_895 : i32 to index
      %get3A_897 = arith.constant 240 : index
      %get3A_898 = tpu.vector_load %arg9[%get3A_896, %get3A_897] {strides = array<i32>} : memref<8x256xf32, #tpu.memory_space<vmem>>, vector<16xf32>,
      %sub3A_899 = arith.constant 1.000000e+00 : f32
      %sub3A_900 = vector.broadcast %sub3A_899 : f32 to vector<16xf32>
      %sub3A_901 = arith.subf %sub3A_900, %div3A_654 : vector<16xf32>
      %mul3A_902 = arith.mulf %get3A_898, %sub3A_901 : vector<16xf32>
      %get3A_903 = arith.constant 240 : index
      %get3A_904 = tpu.vector_load %arg10[%get3A_903] {strides = array<i32>} : memref<256xf32, #tpu.memory_space<vmem>>, vector<16xf32>,
      %mul3A_905 = arith.mulf %get3A_904, %div3A_654 : vector<16xf32>
      %add3A_906 = arith.addf %mul3A_902, %mul3A_905 : vector<16xf32>
      %swap3A_907 = arith.constant 1 : i32
      %swap3A_908 = arith.index_cast %swap3A_907 : i32 to index
      %swap3A_909 = arith.constant 240 : index
      %swap3A_910 = tpu.vector_load %arg13[%swap3A_908, %swap3A_909] {strides = array<i32>} : memref<8x256xf32, #tpu.memory_space<vmem>>, vector<16xf32>,
      tpu.vector_store %arg13[%swap3A_908, %swap3A_909], %add3A_906 {strides = array<i32>} : memref<8x256xf32, #tpu.memory_space<vmem>>, vector<16xf32>,
      %broadcast_in_dim3A_911 = arith.constant 0.000000e+00 : f32
      %broadcast_in_dim3A_912 = vector.broadcast %broadcast_in_dim3A_911 : f32 to vector<16xf32>
      %get3A_913 = arith.constant 2 : i32
      %get3A_914 = arith.index_cast %get3A_913 : i32 to index
      %get3A_915 = arith.constant 0 : index
      %get3A_916 = tpu.vector_load %arg9[%get3A_914, %get3A_915] {strides = array<i32>} : memref<8x256xf32, #tpu.memory_space<vmem>>, vector<16xf32>,
      %get3A_917 = arith.constant 0 : index
      %get3A_918 = tpu.vector_load %arg12[%get3A_917] {strides = array<i32>} : memref<256xf32, #tpu.memory_space<vmem>>, vector<16xf32>,
      %mul3A_919 = arith.mulf %get3A_916, %get3A_918 : vector<16xf32>
      %add3A_920 = arith.addf %broadcast_in_dim3A_912, %mul3A_919 : vector<16xf32>
      %get3A_921 = arith.constant 2 : i32
      %get3A_922 = arith.index_cast %get3A_921 : i32 to index
      %get3A_923 = arith.constant 16 : index
      %get3A_924 = tpu.vector_load %arg9[%get3A_922, %get3A_923] {strides = array<i32>} : memref<8x256xf32, #tpu.memory_space<vmem>>, vector<16xf32>,
      %get3A_925 = arith.constant 16 : index
      %get3A_926 = tpu.vector_load %arg12[%get3A_925] {strides = array<i32>} : memref<256xf32, #tpu.memory_space<vmem>>, vector<16xf32>,
      %mul3A_927 = arith.mulf %get3A_924, %get3A_926 : vector<16xf32>
      %add3A_928 = arith.addf %add3A_920, %mul3A_927 : vector<16xf32>
      %get3A_929 = arith.constant 2 : i32
      %get3A_930 = arith.index_cast %get3A_929 : i32 to index
      %get3A_931 = arith.constant 32 : index
      %get3A_932 = tpu.vector_load %arg9[%get3A_930, %get3A_931] {strides = array<i32>} : memref<8x256xf32, #tpu.memory_space<vmem>>, vector<16xf32>,
      %get3A_933 = arith.constant 32 : index
      %get3A_934 = tpu.vector_load %arg12[%get3A_933] {strides = array<i32>} : memref<256xf32, #tpu.memory_space<vmem>>, vector<16xf32>,
      %mul3A_935 = arith.mulf %get3A_932, %get3A_934 : vector<16xf32>
      %add3A_936 = arith.addf %add3A_928, %mul3A_935 : vector<16xf32>
      %get3A_937 = arith.constant 2 : i32
      %get3A_938 = arith.index_cast %get3A_937 : i32 to index
      %get3A_939 = arith.constant 48 : index
      %get3A_940 = tpu.vector_load %arg9[%get3A_938, %get3A_939] {strides = array<i32>} : memref<8x256xf32, #tpu.memory_space<vmem>>, vector<16xf32>,
      %get3A_941 = arith.constant 48 : index
      %get3A_942 = tpu.vector_load %arg12[%get3A_941] {strides = array<i32>} : memref<256xf32, #tpu.memory_space<vmem>>, vector<16xf32>,
      %mul3A_943 = arith.mulf %get3A_940, %get3A_942 : vector<16xf32>
      %add3A_944 = arith.addf %add3A_936, %mul3A_943 : vector<16xf32>
      %get3A_945 = arith.constant 2 : i32
      %get3A_946 = arith.index_cast %get3A_945 : i32 to index
      %get3A_947 = arith.constant 64 : index
      %get3A_948 = tpu.vector_load %arg9[%get3A_946, %get3A_947] {strides = array<i32>} : memref<8x256xf32, #tpu.memory_space<vmem>>, vector<16xf32>,
      %get3A_949 = arith.constant 64 : index
      %get3A_950 = tpu.vector_load %arg12[%get3A_949] {strides = array<i32>} : memref<256xf32, #tpu.memory_space<vmem>>, vector<16xf32>,
      %mul3A_951 = arith.mulf %get3A_948, %get3A_950 : vector<16xf32>
      %add3A_952 = arith.addf %add3A_944, %mul3A_951 : vector<16xf32>
      %get3A_953 = arith.constant 2 : i32
      %get3A_954 = arith.index_cast %get3A_953 : i32 to index
      %get3A_955 = arith.constant 80 : index
      %get3A_956 = tpu.vector_load %arg9[%get3A_954, %get3A_955] {strides = array<i32>} : memref<8x256xf32, #tpu.memory_space<vmem>>, vector<16xf32>,
      %get3A_957 = arith.constant 80 : index
      %get3A_958 = tpu.vector_load %arg12[%get3A_957] {strides = array<i32>} : memref<256xf32, #tpu.memory_space<vmem>>, vector<16xf32>,
      %mul3A_959 = arith.mulf %get3A_956, %get3A_958 : vector<16xf32>
      %add3A_960 = arith.addf %add3A_952, %mul3A_959 : vector<16xf32>
      %get3A_961 = arith.constant 2 : i32
      %get3A_962 = arith.index_cast %get3A_961 : i32 to index
      %get3A_963 = arith.constant 96 : index
      %get3A_964 = tpu.vector_load %arg9[%get3A_962, %get3A_963] {strides = array<i32>} : memref<8x256xf32, #tpu.memory_space<vmem>>, vector<16xf32>,
      %get3A_965 = arith.constant 96 : index
      %get3A_966 = tpu.vector_load %arg12[%get3A_965] {strides = array<i32>} : memref<256xf32, #tpu.memory_space<vmem>>, vector<16xf32>,
      %mul3A_967 = arith.mulf %get3A_964, %get3A_966 : vector<16xf32>
      %add3A_968 = arith.addf %add3A_960, %mul3A_967 : vector<16xf32>
      %get3A_969 = arith.constant 2 : i32
      %get3A_970 = arith.index_cast %get3A_969 : i32 to index
      %get3A_971 = arith.constant 112 : index
      %get3A_972 = tpu.vector_load %arg9[%get3A_970, %get3A_971] {strides = array<i32>} : memref<8x256xf32, #tpu.memory_space<vmem>>, vector<16xf32>,
      %get3A_973 = arith.constant 112 : index
      %get3A_974 = tpu.vector_load %arg12[%get3A_973] {strides = array<i32>} : memref<256xf32, #tpu.memory_space<vmem>>, vector<16xf32>,
      %mul3A_975 = arith.mulf %get3A_972, %get3A_974 : vector<16xf32>
      %add3A_976 = arith.addf %add3A_968, %mul3A_975 : vector<16xf32>
      %get3A_977 = arith.constant 2 : i32
      %get3A_978 = arith.index_cast %get3A_977 : i32 to index
      %get3A_979 = arith.constant 128 : index
      %get3A_980 = tpu.vector_load %arg9[%get3A_978, %get3A_979] {strides = array<i32>} : memref<8x256xf32, #tpu.memory_space<vmem>>, vector<16xf32>,
      %get3A_981 = arith.constant 128 : index
      %get3A_982 = tpu.vector_load %arg12[%get3A_981] {strides = array<i32>} : memref<256xf32, #tpu.memory_space<vmem>>, vector<16xf32>,
      %mul3A_983 = arith.mulf %get3A_980, %get3A_982 : vector<16xf32>
      %add3A_984 = arith.addf %add3A_976, %mul3A_983 : vector<16xf32>
      %get3A_985 = arith.constant 2 : i32
      %get3A_986 = arith.index_cast %get3A_985 : i32 to index
      %get3A_987 = arith.constant 144 : index
      %get3A_988 = tpu.vector_load %arg9[%get3A_986, %get3A_987] {strides = array<i32>} : memref<8x256xf32, #tpu.memory_space<vmem>>, vector<16xf32>,
      %get3A_989 = arith.constant 144 : index
      %get3A_990 = tpu.vector_load %arg12[%get3A_989] {strides = array<i32>} : memref<256xf32, #tpu.memory_space<vmem>>, vector<16xf32>,
      %mul3A_991 = arith.mulf %get3A_988, %get3A_990 : vector<16xf32>
      %add3A_992 = arith.addf %add3A_984, %mul3A_991 : vector<16xf32>
      %get3A_993 = arith.constant 2 : i32
      %get3A_994 = arith.index_cast %get3A_993 : i32 to index
      %get3A_995 = arith.constant 160 : index
      %get3A_996 = tpu.vector_load %arg9[%get3A_994, %get3A_995] {strides = array<i32>} : memref<8x256xf32, #tpu.memory_space<vmem>>, vector<16xf32>,
      %get3A_997 = arith.constant 160 : index
      %get3A_998 = tpu.vector_load %arg12[%get3A_997] {strides = array<i32>} : memref<256xf32, #tpu.memory_space<vmem>>, vector<16xf32>,
      %mul3A_999 = arith.mulf %get3A_996, %get3A_998 : vector<16xf32>
      %add3A_1000 = arith.addf %add3A_992, %mul3A_999 : vector<16xf32>
      %get3A_1001 = arith.constant 2 : i32
      %get3A_1002 = arith.index_cast %get3A_1001 : i32 to index
      %get3A_1003 = arith.constant 176 : index
      %get3A_1004 = tpu.vector_load %arg9[%get3A_1002, %get3A_1003] {strides = array<i32>} : memref<8x256xf32, #tpu.memory_space<vmem>>, vector<16xf32>,
      %get3A_1005 = arith.constant 176 : index
      %get3A_1006 = tpu.vector_load %arg12[%get3A_1005] {strides = array<i32>} : memref<256xf32, #tpu.memory_space<vmem>>, vector<16xf32>,
      %mul3A_1007 = arith.mulf %get3A_1004, %get3A_1006 : vector<16xf32>
      %add3A_1008 = arith.addf %add3A_1000, %mul3A_1007 : vector<16xf32>
      %get3A_1009 = arith.constant 2 : i32
      %get3A_1010 = arith.index_cast %get3A_1009 : i32 to index
      %get3A_1011 = arith.constant 192 : index
      %get3A_1012 = tpu.vector_load %arg9[%get3A_1010, %get3A_1011] {strides = array<i32>} : memref<8x256xf32, #tpu.memory_space<vmem>>, vector<16xf32>,
      %get3A_1013 = arith.constant 192 : index
      %get3A_1014 = tpu.vector_load %arg12[%get3A_1013] {strides = array<i32>} : memref<256xf32, #tpu.memory_space<vmem>>, vector<16xf32>,
      %mul3A_1015 = arith.mulf %get3A_1012, %get3A_1014 : vector<16xf32>
      %add3A_1016 = arith.addf %add3A_1008, %mul3A_1015 : vector<16xf32>
      %get3A_1017 = arith.constant 2 : i32
      %get3A_1018 = arith.index_cast %get3A_1017 : i32 to index
      %get3A_1019 = arith.constant 208 : index
      %get3A_1020 = tpu.vector_load %arg9[%get3A_1018, %get3A_1019] {strides = array<i32>} : memref<8x256xf32, #tpu.memory_space<vmem>>, vector<16xf32>,
      %get3A_1021 = arith.constant 208 : index
      %get3A_1022 = tpu.vector_load %arg12[%get3A_1021] {strides = array<i32>} : memref<256xf32, #tpu.memory_space<vmem>>, vector<16xf32>,
      %mul3A_1023 = arith.mulf %get3A_1020, %get3A_1022 : vector<16xf32>
      %add3A_1024 = arith.addf %add3A_1016, %mul3A_1023 : vector<16xf32>
      %get3A_1025 = arith.constant 2 : i32
      %get3A_1026 = arith.index_cast %get3A_1025 : i32 to index
      %get3A_1027 = arith.constant 224 : index
      %get3A_1028 = tpu.vector_load %arg9[%get3A_1026, %get3A_1027] {strides = array<i32>} : memref<8x256xf32, #tpu.memory_space<vmem>>, vector<16xf32>,
      %get3A_1029 = arith.constant 224 : index
      %get3A_1030 = tpu.vector_load %arg12[%get3A_1029] {strides = array<i32>} : memref<256xf32, #tpu.memory_space<vmem>>, vector<16xf32>,
      %mul3A_1031 = arith.mulf %get3A_1028, %get3A_1030 : vector<16xf32>
      %add3A_1032 = arith.addf %add3A_1024, %mul3A_1031 : vector<16xf32>
      %get3A_1033 = arith.constant 2 : i32
      %get3A_1034 = arith.index_cast %get3A_1033 : i32 to index
      %get3A_1035 = arith.constant 240 : index
      %get3A_1036 = tpu.vector_load %arg9[%get3A_1034, %get3A_1035] {strides = array<i32>} : memref<8x256xf32, #tpu.memory_space<vmem>>, vector<16xf32>,
      %get3A_1037 = arith.constant 240 : index
      %get3A_1038 = tpu.vector_load %arg12[%get3A_1037] {strides = array<i32>} : memref<256xf32, #tpu.memory_space<vmem>>, vector<16xf32>,
      %mul3A_1039 = arith.mulf %get3A_1036, %get3A_1038 : vector<16xf32>
      %add3A_1040 = arith.addf %add3A_1032, %mul3A_1039 : vector<16xf32>
      %broadcast_in_dim3A_1041 = arith.constant true
      %broadcast_in_dim3A_1042 = vector.broadcast %broadcast_in_dim3A_1041 : i1 to vector<16xi1>
      %masked_cumsum3A_1043 = tpu.scan <sum>, %add3A_1040 masked %broadcast_in_dim3A_1042 : vector<16xf32>, vector<16xi1> -> vector<16xf32>
      %broadcast_in_dim3A_1044 = arith.constant 15 : i32
      %broadcast_in_dim3A_1045 = vector.broadcast %broadcast_in_dim3A_1044 : i32 to vector<16x1xi32>
      %gather3A_1046 = vector.shape_cast %broadcast_in_dim3A_1045 : vector<16x1xi32> to vector<16xi32>
      %gather3A_1047 = tpu.dynamic_gather %masked_cumsum3A_1043[%gather3A_1046] in [0] : vector<16xf32>, vector<16xi32> -> vector<16xf32>
      %add3A_1048 = arith.addf %gather3A_1047, %gather3A_107 : vector<16xf32>
      %neg3A_1049 = arith.constant 0.000000e+00 : f32
      %neg3A_1050 = vector.broadcast %neg3A_1049 : f32 to vector<16xf32>
      %neg3A_1051 = arith.subf %neg3A_1050, %add3A_1048 : vector<16xf32>
      %exp3A_1052 = math.exp %neg3A_1051 : vector<16xf32>
      %add3A_1053 = arith.constant 1.000000e+00 : f32
      %add3A_1054 = vector.broadcast %add3A_1053 : f32 to vector<16xf32>
      %add3A_1055 = arith.addf %add3A_1054, %exp3A_1052 : vector<16xf32>
      %div3A_1056 = arith.constant 1.000000e+00 : f32
      %div3A_1057 = vector.broadcast %div3A_1056 : f32 to vector<16xf32>
      %div3A_1058 = arith.divf %div3A_1057, %add3A_1055 : vector<16xf32>
      %get3A_1059 = arith.constant 2 : i32
      %get3A_1060 = arith.index_cast %get3A_1059 : i32 to index
      %get3A_1061 = arith.constant 0 : index
      %get3A_1062 = tpu.vector_load %arg9[%get3A_1060, %get3A_1061] {strides = array<i32>} : memref<8x256xf32, #tpu.memory_space<vmem>>, vector<16xf32>,
      %sub3A_1063 = arith.constant 1.000000e+00 : f32
      %sub3A_1064 = vector.broadcast %sub3A_1063 : f32 to vector<16xf32>
      %sub3A_1065 = arith.subf %sub3A_1064, %div3A_1058 : vector<16xf32>
      %mul3A_1066 = arith.mulf %get3A_1062, %sub3A_1065 : vector<16xf32>
      %get3A_1067 = arith.constant 0 : index
      %get3A_1068 = tpu.vector_load %arg10[%get3A_1067] {strides = array<i32>} : memref<256xf32, #tpu.memory_space<vmem>>, vector<16xf32>,
      %mul3A_1069 = arith.mulf %get3A_1068, %div3A_1058 : vector<16xf32>
      %add3A_1070 = arith.addf %mul3A_1066, %mul3A_1069 : vector<16xf32>
      %swap3A_1071 = arith.constant 2 : i32
      %swap3A_1072 = arith.index_cast %swap3A_1071 : i32 to index
      %swap3A_1073 = arith.constant 0 : index
      %swap3A_1074 = tpu.vector_load %arg13[%swap3A_1072, %swap3A_1073] {strides = array<i32>} : memref<8x256xf32, #tpu.memory_space<vmem>>, vector<16xf32>,
      tpu.vector_store %arg13[%swap3A_1072, %swap3A_1073], %add3A_1070 {strides = array<i32>} : memref<8x256xf32, #tpu.memory_space<vmem>>, vector<16xf32>,
      %get3A_1075 = arith.constant 2 : i32
      %get3A_1076 = arith.index_cast %get3A_1075 : i32 to index
      %get3A_1077 = arith.constant 16 : index
      %get3A_1078 = tpu.vector_load %arg9[%get3A_1076, %get3A_1077] {strides = array<i32>} : memref<8x256xf32, #tpu.memory_space<vmem>>, vector<16xf32>,
      %sub3A_1079 = arith.constant 1.000000e+00 : f32
      %sub3A_1080 = vector.broadcast %sub3A_1079 : f32 to vector<16xf32>
      %sub3A_1081 = arith.subf %sub3A_1080, %div3A_1058 : vector<16xf32>
      %mul3A_1082 = arith.mulf %get3A_1078, %sub3A_1081 : vector<16xf32>
      %get3A_1083 = arith.constant 16 : index
      %get3A_1084 = tpu.vector_load %arg10[%get3A_1083] {strides = array<i32>} : memref<256xf32, #tpu.memory_space<vmem>>, vector<16xf32>,
      %mul3A_1085 = arith.mulf %get3A_1084, %div3A_1058 : vector<16xf32>
      %add3A_1086 = arith.addf %mul3A_1082, %mul3A_1085 : vector<16xf32>
      %swap3A_1087 = arith.constant 2 : i32
      %swap3A_1088 = arith.index_cast %swap3A_1087 : i32 to index
      %swap3A_1089 = arith.constant 16 : index
      %swap3A_1090 = tpu.vector_load %arg13[%swap3A_1088, %swap3A_1089] {strides = array<i32>} : memref<8x256xf32, #tpu.memory_space<vmem>>, vector<16xf32>,
      tpu.vector_store %arg13[%swap3A_1088, %swap3A_1089], %add3A_1086 {strides = array<i32>} : memref<8x256xf32, #tpu.memory_space<vmem>>, vector<16xf32>,
      %get3A_1091 = arith.constant 2 : i32
      %get3A_1092 = arith.index_cast %get3A_1091 : i32 to index
      %get3A_1093 = arith.constant 32 : index
      %get3A_1094 = tpu.vector_load %arg9[%get3A_1092, %get3A_1093] {strides = array<i32>} : memref<8x256xf32, #tpu.memory_space<vmem>>, vector<16xf32>,
      %sub3A_1095 = arith.constant 1.000000e+00 : f32
      %sub3A_1096 = vector.broadcast %sub3A_1095 : f32 to vector<16xf32>
      %sub3A_1097 = arith.subf %sub3A_1096, %div3A_1058 : vector<16xf32>
      %mul3A_1098 = arith.mulf %get3A_1094, %sub3A_1097 : vector<16xf32>
      %get3A_1099 = arith.constant 32 : index
      %get3A_1100 = tpu.vector_load %arg10[%get3A_1099] {strides = array<i32>} : memref<256xf32, #tpu.memory_space<vmem>>, vector<16xf32>,
      %mul3A_1101 = arith.mulf %get3A_1100, %div3A_1058 : vector<16xf32>
      %add3A_1102 = arith.addf %mul3A_1098, %mul3A_1101 : vector<16xf32>
      %swap3A_1103 = arith.constant 2 : i32
      %swap3A_1104 = arith.index_cast %swap3A_1103 : i32 to index
      %swap3A_1105 = arith.constant 32 : index
      %swap3A_1106 = tpu.vector_load %arg13[%swap3A_1104, %swap3A_1105] {strides = array<i32>} : memref<8x256xf32, #tpu.memory_space<vmem>>, vector<16xf32>,
      tpu.vector_store %arg13[%swap3A_1104, %swap3A_1105], %add3A_1102 {strides = array<i32>} : memref<8x256xf32, #tpu.memory_space<vmem>>, vector<16xf32>,
      %get3A_1107 = arith.constant 2 : i32
      %get3A_1108 = arith.index_cast %get3A_1107 : i32 to index
      %get3A_1109 = arith.constant 48 : index
      %get3A_1110 = tpu.vector_load %arg9[%get3A_1108, %get3A_1109] {strides = array<i32>} : memref<8x256xf32, #tpu.memory_space<vmem>>, vector<16xf32>,
      %sub3A_1111 = arith.constant 1.000000e+00 : f32
      %sub3A_1112 = vector.broadcast %sub3A_1111 : f32 to vector<16xf32>
      %sub3A_1113 = arith.subf %sub3A_1112, %div3A_1058 : vector<16xf32>
      %mul3A_1114 = arith.mulf %get3A_1110, %sub3A_1113 : vector<16xf32>
      %get3A_1115 = arith.constant 48 : index
      %get3A_1116 = tpu.vector_load %arg10[%get3A_1115] {strides = array<i32>} : memref<256xf32, #tpu.memory_space<vmem>>, vector<16xf32>,
      %mul3A_1117 = arith.mulf %get3A_1116, %div3A_1058 : vector<16xf32>
      %add3A_1118 = arith.addf %mul3A_1114, %mul3A_1117 : vector<16xf32>
      %swap3A_1119 = arith.constant 2 : i32
      %swap3A_1120 = arith.index_cast %swap3A_1119 : i32 to index
      %swap3A_1121 = arith.constant 48 : index
      %swap3A_1122 = tpu.vector_load %arg13[%swap3A_1120, %swap3A_1121] {strides = array<i32>} : memref<8x256xf32, #tpu.memory_space<vmem>>, vector<16xf32>,
      tpu.vector_store %arg13[%swap3A_1120, %swap3A_1121], %add3A_1118 {strides = array<i32>} : memref<8x256xf32, #tpu.memory_space<vmem>>, vector<16xf32>,
      %get3A_1123 = arith.constant 2 : i32
      %get3A_1124 = arith.index_cast %get3A_1123 : i32 to index
      %get3A_1125 = arith.constant 64 : index
      %get3A_1126 = tpu.vector_load %arg9[%get3A_1124, %get3A_1125] {strides = array<i32>} : memref<8x256xf32, #tpu.memory_space<vmem>>, vector<16xf32>,
      %sub3A_1127 = arith.constant 1.000000e+00 : f32
      %sub3A_1128 = vector.broadcast %sub3A_1127 : f32 to vector<16xf32>
      %sub3A_1129 = arith.subf %sub3A_1128, %div3A_1058 : vector<16xf32>
      %mul3A_1130 = arith.mulf %get3A_1126, %sub3A_1129 : vector<16xf32>
      %get3A_1131 = arith.constant 64 : index
      %get3A_1132 = tpu.vector_load %arg10[%get3A_1131] {strides = array<i32>} : memref<256xf32, #tpu.memory_space<vmem>>, vector<16xf32>,
      %mul3A_1133 = arith.mulf %get3A_1132, %div3A_1058 : vector<16xf32>
      %add3A_1134 = arith.addf %mul3A_1130, %mul3A_1133 : vector<16xf32>
      %swap3A_1135 = arith.constant 2 : i32
      %swap3A_1136 = arith.index_cast %swap3A_1135 : i32 to index
      %swap3A_1137 = arith.constant 64 : index
      %swap3A_1138 = tpu.vector_load %arg13[%swap3A_1136, %swap3A_1137] {strides = array<i32>} : memref<8x256xf32, #tpu.memory_space<vmem>>, vector<16xf32>,
      tpu.vector_store %arg13[%swap3A_1136, %swap3A_1137], %add3A_1134 {strides = array<i32>} : memref<8x256xf32, #tpu.memory_space<vmem>>, vector<16xf32>,
      %get3A_1139 = arith.constant 2 : i32
      %get3A_1140 = arith.index_cast %get3A_1139 : i32 to index
      %get3A_1141 = arith.constant 80 : index
      %get3A_1142 = tpu.vector_load %arg9[%get3A_1140, %get3A_1141] {strides = array<i32>} : memref<8x256xf32, #tpu.memory_space<vmem>>, vector<16xf32>,
      %sub3A_1143 = arith.constant 1.000000e+00 : f32
      %sub3A_1144 = vector.broadcast %sub3A_1143 : f32 to vector<16xf32>
      %sub3A_1145 = arith.subf %sub3A_1144, %div3A_1058 : vector<16xf32>
      %mul3A_1146 = arith.mulf %get3A_1142, %sub3A_1145 : vector<16xf32>
      %get3A_1147 = arith.constant 80 : index
      %get3A_1148 = tpu.vector_load %arg10[%get3A_1147] {strides = array<i32>} : memref<256xf32, #tpu.memory_space<vmem>>, vector<16xf32>,
      %mul3A_1149 = arith.mulf %get3A_1148, %div3A_1058 : vector<16xf32>
      %add3A_1150 = arith.addf %mul3A_1146, %mul3A_1149 : vector<16xf32>
      %swap3A_1151 = arith.constant 2 : i32
      %swap3A_1152 = arith.index_cast %swap3A_1151 : i32 to index
      %swap3A_1153 = arith.constant 80 : index
      %swap3A_1154 = tpu.vector_load %arg13[%swap3A_1152, %swap3A_1153] {strides = array<i32>} : memref<8x256xf32, #tpu.memory_space<vmem>>, vector<16xf32>,
      tpu.vector_store %arg13[%swap3A_1152, %swap3A_1153], %add3A_1150 {strides = array<i32>} : memref<8x256xf32, #tpu.memory_space<vmem>>, vector<16xf32>,
      %get3A_1155 = arith.constant 2 : i32
      %get3A_1156 = arith.index_cast %get3A_1155 : i32 to index
      %get3A_1157 = arith.constant 96 : index
      %get3A_1158 = tpu.vector_load %arg9[%get3A_1156, %get3A_1157] {strides = array<i32>} : memref<8x256xf32, #tpu.memory_space<vmem>>, vector<16xf32>,
      %sub3A_1159 = arith.constant 1.000000e+00 : f32
      %sub3A_1160 = vector.broadcast %sub3A_1159 : f32 to vector<16xf32>
      %sub3A_1161 = arith.subf %sub3A_1160, %div3A_1058 : vector<16xf32>
      %mul3A_1162 = arith.mulf %get3A_1158, %sub3A_1161 : vector<16xf32>
      %get3A_1163 = arith.constant 96 : index
      %get3A_1164 = tpu.vector_load %arg10[%get3A_1163] {strides = array<i32>} : memref<256xf32, #tpu.memory_space<vmem>>, vector<16xf32>,
      %mul3A_1165 = arith.mulf %get3A_1164, %div3A_1058 : vector<16xf32>
      %add3A_1166 = arith.addf %mul3A_1162, %mul3A_1165 : vector<16xf32>
      %swap3A_1167 = arith.constant 2 : i32
      %swap3A_1168 = arith.index_cast %swap3A_1167 : i32 to index
      %swap3A_1169 = arith.constant 96 : index
      %swap3A_1170 = tpu.vector_load %arg13[%swap3A_1168, %swap3A_1169] {strides = array<i32>} : memref<8x256xf32, #tpu.memory_space<vmem>>, vector<16xf32>,
      tpu.vector_store %arg13[%swap3A_1168, %swap3A_1169], %add3A_1166 {strides = array<i32>} : memref<8x256xf32, #tpu.memory_space<vmem>>, vector<16xf32>,
      %get3A_1171 = arith.constant 2 : i32
      %get3A_1172 = arith.index_cast %get3A_1171 : i32 to index
      %get3A_1173 = arith.constant 112 : index
      %get3A_1174 = tpu.vector_load %arg9[%get3A_1172, %get3A_1173] {strides = array<i32>} : memref<8x256xf32, #tpu.memory_space<vmem>>, vector<16xf32>,
      %sub3A_1175 = arith.constant 1.000000e+00 : f32
      %sub3A_1176 = vector.broadcast %sub3A_1175 : f32 to vector<16xf32>
      %sub3A_1177 = arith.subf %sub3A_1176, %div3A_1058 : vector<16xf32>
      %mul3A_1178 = arith.mulf %get3A_1174, %sub3A_1177 : vector<16xf32>
      %get3A_1179 = arith.constant 112 : index
      %get3A_1180 = tpu.vector_load %arg10[%get3A_1179] {strides = array<i32>} : memref<256xf32, #tpu.memory_space<vmem>>, vector<16xf32>,
      %mul3A_1181 = arith.mulf %get3A_1180, %div3A_1058 : vector<16xf32>
      %add3A_1182 = arith.addf %mul3A_1178, %mul3A_1181 : vector<16xf32>
      %swap3A_1183 = arith.constant 2 : i32
      %swap3A_1184 = arith.index_cast %swap3A_1183 : i32 to index
      %swap3A_1185 = arith.constant 112 : index
      %swap3A_1186 = tpu.vector_load %arg13[%swap3A_1184, %swap3A_1185] {strides = array<i32>} : memref<8x256xf32, #tpu.memory_space<vmem>>, vector<16xf32>,
      tpu.vector_store %arg13[%swap3A_1184, %swap3A_1185], %add3A_1182 {strides = array<i32>} : memref<8x256xf32, #tpu.memory_space<vmem>>, vector<16xf32>,
      %get3A_1187 = arith.constant 2 : i32
      %get3A_1188 = arith.index_cast %get3A_1187 : i32 to index
      %get3A_1189 = arith.constant 128 : index
      %get3A_1190 = tpu.vector_load %arg9[%get3A_1188, %get3A_1189] {strides = array<i32>} : memref<8x256xf32, #tpu.memory_space<vmem>>, vector<16xf32>,
      %sub3A_1191 = arith.constant 1.000000e+00 : f32
      %sub3A_1192 = vector.broadcast %sub3A_1191 : f32 to vector<16xf32>
      %sub3A_1193 = arith.subf %sub3A_1192, %div3A_1058 : vector<16xf32>
      %mul3A_1194 = arith.mulf %get3A_1190, %sub3A_1193 : vector<16xf32>
      %get3A_1195 = arith.constant 128 : index
      %get3A_1196 = tpu.vector_load %arg10[%get3A_1195] {strides = array<i32>} : memref<256xf32, #tpu.memory_space<vmem>>, vector<16xf32>,
      %mul3A_1197 = arith.mulf %get3A_1196, %div3A_1058 : vector<16xf32>
      %add3A_1198 = arith.addf %mul3A_1194, %mul3A_1197 : vector<16xf32>
      %swap3A_1199 = arith.constant 2 : i32
      %swap3A_1200 = arith.index_cast %swap3A_1199 : i32 to index
      %swap3A_1201 = arith.constant 128 : index
      %swap3A_1202 = tpu.vector_load %arg13[%swap3A_1200, %swap3A_1201] {strides = array<i32>} : memref<8x256xf32, #tpu.memory_space<vmem>>, vector<16xf32>,
      tpu.vector_store %arg13[%swap3A_1200, %swap3A_1201], %add3A_1198 {strides = array<i32>} : memref<8x256xf32, #tpu.memory_space<vmem>>, vector<16xf32>,
      %get3A_1203 = arith.constant 2 : i32
      %get3A_1204 = arith.index_cast %get3A_1203 : i32 to index
      %get3A_1205 = arith.constant 144 : index
      %get3A_1206 = tpu.vector_load %arg9[%get3A_1204, %get3A_1205] {strides = array<i32>} : memref<8x256xf32, #tpu.memory_space<vmem>>, vector<16xf32>,
      %sub3A_1207 = arith.constant 1.000000e+00 : f32
      %sub3A_1208 = vector.broadcast %sub3A_1207 : f32 to vector<16xf32>
      %sub3A_1209 = arith.subf %sub3A_1208, %div3A_1058 : vector<16xf32>
      %mul3A_1210 = arith.mulf %get3A_1206, %sub3A_1209 : vector<16xf32>
      %get3A_1211 = arith.constant 144 : index
      %get3A_1212 = tpu.vector_load %arg10[%get3A_1211] {strides = array<i32>} : memref<256xf32, #tpu.memory_space<vmem>>, vector<16xf32>,
      %mul3A_1213 = arith.mulf %get3A_1212, %div3A_1058 : vector<16xf32>
      %add3A_1214 = arith.addf %mul3A_1210, %mul3A_1213 : vector<16xf32>
      %swap3A_1215 = arith.constant 2 : i32
      %swap3A_1216 = arith.index_cast %swap3A_1215 : i32 to index
      %swap3A_1217 = arith.constant 144 : index
      %swap3A_1218 = tpu.vector_load %arg13[%swap3A_1216, %swap3A_1217] {strides = array<i32>} : memref<8x256xf32, #tpu.memory_space<vmem>>, vector<16xf32>,
      tpu.vector_store %arg13[%swap3A_1216, %swap3A_1217], %add3A_1214 {strides = array<i32>} : memref<8x256xf32, #tpu.memory_space<vmem>>, vector<16xf32>,
      %get3A_1219 = arith.constant 2 : i32
      %get3A_1220 = arith.index_cast %get3A_1219 : i32 to index
      %get3A_1221 = arith.constant 160 : index
      %get3A_1222 = tpu.vector_load %arg9[%get3A_1220, %get3A_1221] {strides = array<i32>} : memref<8x256xf32, #tpu.memory_space<vmem>>, vector<16xf32>,
      %sub3A_1223 = arith.constant 1.000000e+00 : f32
      %sub3A_1224 = vector.broadcast %sub3A_1223 : f32 to vector<16xf32>
      %sub3A_1225 = arith.subf %sub3A_1224, %div3A_1058 : vector<16xf32>
      %mul3A_1226 = arith.mulf %get3A_1222, %sub3A_1225 : vector<16xf32>
      %get3A_1227 = arith.constant 160 : index
      %get3A_1228 = tpu.vector_load %arg10[%get3A_1227] {strides = array<i32>} : memref<256xf32, #tpu.memory_space<vmem>>, vector<16xf32>,
      %mul3A_1229 = arith.mulf %get3A_1228, %div3A_1058 : vector<16xf32>
      %add3A_1230 = arith.addf %mul3A_1226, %mul3A_1229 : vector<16xf32>
      %swap3A_1231 = arith.constant 2 : i32
      %swap3A_1232 = arith.index_cast %swap3A_1231 : i32 to index
      %swap3A_1233 = arith.constant 160 : index
      %swap3A_1234 = tpu.vector_load %arg13[%swap3A_1232, %swap3A_1233] {strides = array<i32>} : memref<8x256xf32, #tpu.memory_space<vmem>>, vector<16xf32>,
      tpu.vector_store %arg13[%swap3A_1232, %swap3A_1233], %add3A_1230 {strides = array<i32>} : memref<8x256xf32, #tpu.memory_space<vmem>>, vector<16xf32>,
      %get3A_1235 = arith.constant 2 : i32
      %get3A_1236 = arith.index_cast %get3A_1235 : i32 to index
      %get3A_1237 = arith.constant 176 : index
      %get3A_1238 = tpu.vector_load %arg9[%get3A_1236, %get3A_1237] {strides = array<i32>} : memref<8x256xf32, #tpu.memory_space<vmem>>, vector<16xf32>,
      %sub3A_1239 = arith.constant 1.000000e+00 : f32
      %sub3A_1240 = vector.broadcast %sub3A_1239 : f32 to vector<16xf32>
      %sub3A_1241 = arith.subf %sub3A_1240, %div3A_1058 : vector<16xf32>
      %mul3A_1242 = arith.mulf %get3A_1238, %sub3A_1241 : vector<16xf32>
      %get3A_1243 = arith.constant 176 : index
      %get3A_1244 = tpu.vector_load %arg10[%get3A_1243] {strides = array<i32>} : memref<256xf32, #tpu.memory_space<vmem>>, vector<16xf32>,
      %mul3A_1245 = arith.mulf %get3A_1244, %div3A_1058 : vector<16xf32>
      %add3A_1246 = arith.addf %mul3A_1242, %mul3A_1245 : vector<16xf32>
      %swap3A_1247 = arith.constant 2 : i32
      %swap3A_1248 = arith.index_cast %swap3A_1247 : i32 to index
      %swap3A_1249 = arith.constant 176 : index
      %swap3A_1250 = tpu.vector_load %arg13[%swap3A_1248, %swap3A_1249] {strides = array<i32>} : memref<8x256xf32, #tpu.memory_space<vmem>>, vector<16xf32>,
      tpu.vector_store %arg13[%swap3A_1248, %swap3A_1249], %add3A_1246 {strides = array<i32>} : memref<8x256xf32, #tpu.memory_space<vmem>>, vector<16xf32>,
      %get3A_1251 = arith.constant 2 : i32
      %get3A_1252 = arith.index_cast %get3A_1251 : i32 to index
      %get3A_1253 = arith.constant 192 : index
      %get3A_1254 = tpu.vector_load %arg9[%get3A_1252, %get3A_1253] {strides = array<i32>} : memref<8x256xf32, #tpu.memory_space<vmem>>, vector<16xf32>,
      %sub3A_1255 = arith.constant 1.000000e+00 : f32
      %sub3A_1256 = vector.broadcast %sub3A_1255 : f32 to vector<16xf32>
      %sub3A_1257 = arith.subf %sub3A_1256, %div3A_1058 : vector<16xf32>
      %mul3A_1258 = arith.mulf %get3A_1254, %sub3A_1257 : vector<16xf32>
      %get3A_1259 = arith.constant 192 : index
      %get3A_1260 = tpu.vector_load %arg10[%get3A_1259] {strides = array<i32>} : memref<256xf32, #tpu.memory_space<vmem>>, vector<16xf32>,
      %mul3A_1261 = arith.mulf %get3A_1260, %div3A_1058 : vector<16xf32>
      %add3A_1262 = arith.addf %mul3A_1258, %mul3A_1261 : vector<16xf32>
      %swap3A_1263 = arith.constant 2 : i32
      %swap3A_1264 = arith.index_cast %swap3A_1263 : i32 to index
      %swap3A_1265 = arith.constant 192 : index
      %swap3A_1266 = tpu.vector_load %arg13[%swap3A_1264, %swap3A_1265] {strides = array<i32>} : memref<8x256xf32, #tpu.memory_space<vmem>>, vector<16xf32>,
      tpu.vector_store %arg13[%swap3A_1264, %swap3A_1265], %add3A_1262 {strides = array<i32>} : memref<8x256xf32, #tpu.memory_space<vmem>>, vector<16xf32>,
      %get3A_1267 = arith.constant 2 : i32
      %get3A_1268 = arith.index_cast %get3A_1267 : i32 to index
      %get3A_1269 = arith.constant 208 : index
      %get3A_1270 = tpu.vector_load %arg9[%get3A_1268, %get3A_1269] {strides = array<i32>} : memref<8x256xf32, #tpu.memory_space<vmem>>, vector<16xf32>,
      %sub3A_1271 = arith.constant 1.000000e+00 : f32
      %sub3A_1272 = vector.broadcast %sub3A_1271 : f32 to vector<16xf32>
      %sub3A_1273 = arith.subf %sub3A_1272, %div3A_1058 : vector<16xf32>
      %mul3A_1274 = arith.mulf %get3A_1270, %sub3A_1273 : vector<16xf32>
      %get3A_1275 = arith.constant 208 : index
      %get3A_1276 = tpu.vector_load %arg10[%get3A_1275] {strides = array<i32>} : memref<256xf32, #tpu.memory_space<vmem>>, vector<16xf32>,
      %mul3A_1277 = arith.mulf %get3A_1276, %div3A_1058 : vector<16xf32>
      %add3A_1278 = arith.addf %mul3A_1274, %mul3A_1277 : vector<16xf32>
      %swap3A_1279 = arith.constant 2 : i32
      %swap3A_1280 = arith.index_cast %swap3A_1279 : i32 to index
      %swap3A_1281 = arith.constant 208 : index
      %swap3A_1282 = tpu.vector_load %arg13[%swap3A_1280, %swap3A_1281] {strides = array<i32>} : memref<8x256xf32, #tpu.memory_space<vmem>>, vector<16xf32>,
      tpu.vector_store %arg13[%swap3A_1280, %swap3A_1281], %add3A_1278 {strides = array<i32>} : memref<8x256xf32, #tpu.memory_space<vmem>>, vector<16xf32>,
      %get3A_1283 = arith.constant 2 : i32
      %get3A_1284 = arith.index_cast %get3A_1283 : i32 to index
      %get3A_1285 = arith.constant 224 : index
      %get3A_1286 = tpu.vector_load %arg9[%get3A_1284, %get3A_1285] {strides = array<i32>} : memref<8x256xf32, #tpu.memory_space<vmem>>, vector<16xf32>,
      %sub3A_1287 = arith.constant 1.000000e+00 : f32
      %sub3A_1288 = vector.broadcast %sub3A_1287 : f32 to vector<16xf32>
      %sub3A_1289 = arith.subf %sub3A_1288, %div3A_1058 : vector<16xf32>
      %mul3A_1290 = arith.mulf %get3A_1286, %sub3A_1289 : vector<16xf32>
      %get3A_1291 = arith.constant 224 : index
      %get3A_1292 = tpu.vector_load %arg10[%get3A_1291] {strides = array<i32>} : memref<256xf32, #tpu.memory_space<vmem>>, vector<16xf32>,
      %mul3A_1293 = arith.mulf %get3A_1292, %div3A_1058 : vector<16xf32>
      %add3A_1294 = arith.addf %mul3A_1290, %mul3A_1293 : vector<16xf32>
      %swap3A_1295 = arith.constant 2 : i32
      %swap3A_1296 = arith.index_cast %swap3A_1295 : i32 to index
      %swap3A_1297 = arith.constant 224 : index
      %swap3A_1298 = tpu.vector_load %arg13[%swap3A_1296, %swap3A_1297] {strides = array<i32>} : memref<8x256xf32, #tpu.memory_space<vmem>>, vector<16xf32>,
      tpu.vector_store %arg13[%swap3A_1296, %swap3A_1297], %add3A_1294 {strides = array<i32>} : memref<8x256xf32, #tpu.memory_space<vmem>>, vector<16xf32>,
      %get3A_1299 = arith.constant 2 : i32
      %get3A_1300 = arith.index_cast %get3A_1299 : i32 to index
      %get3A_1301 = arith.constant 240 : index
      %get3A_1302 = tpu.vector_load %arg9[%get3A_1300, %get3A_1301] {strides = array<i32>} : memref<8x256xf32, #tpu.memory_space<vmem>>, vector<16xf32>,
      %sub3A_1303 = arith.constant 1.000000e+00 : f32
      %sub3A_1304 = vector.broadcast %sub3A_1303 : f32 to vector<16xf32>
      %sub3A_1305 = arith.subf %sub3A_1304, %div3A_1058 : vector<16xf32>
      %mul3A_1306 = arith.mulf %get3A_1302, %sub3A_1305 : vector<16xf32>
      %get3A_1307 = arith.constant 240 : index
      %get3A_1308 = tpu.vector_load %arg10[%get3A_1307] {strides = array<i32>} : memref<256xf32, #tpu.memory_space<vmem>>, vector<16xf32>,
      %mul3A_1309 = arith.mulf %get3A_1308, %div3A_1058 : vector<16xf32>
      %add3A_1310 = arith.addf %mul3A_1306, %mul3A_1309 : vector<16xf32>
      %swap3A_1311 = arith.constant 2 : i32
      %swap3A_1312 = arith.index_cast %swap3A_1311 : i32 to index
      %swap3A_1313 = arith.constant 240 : index
      %swap3A_1314 = tpu.vector_load %arg13[%swap3A_1312, %swap3A_1313] {strides = array<i32>} : memref<8x256xf32, #tpu.memory_space<vmem>>, vector<16xf32>,
      tpu.vector_store %arg13[%swap3A_1312, %swap3A_1313], %add3A_1310 {strides = array<i32>} : memref<8x256xf32, #tpu.memory_space<vmem>>, vector<16xf32>,
      %broadcast_in_dim3A_1315 = arith.constant 0.000000e+00 : f32
      %broadcast_in_dim3A_1316 = vector.broadcast %broadcast_in_dim3A_1315 : f32 to vector<16xf32>
      %get3A_1317 = arith.constant 3 : i32
      %get3A_1318 = arith.index_cast %get3A_1317 : i32 to index
      %get3A_1319 = arith.constant 0 : index
      %get3A_1320 = tpu.vector_load %arg9[%get3A_1318, %get3A_1319] {strides = array<i32>} : memref<8x256xf32, #tpu.memory_space<vmem>>, vector<16xf32>,
      %get3A_1321 = arith.constant 0 : index
      %get3A_1322 = tpu.vector_load %arg12[%get3A_1321] {strides = array<i32>} : memref<256xf32, #tpu.memory_space<vmem>>, vector<16xf32>,
      %mul3A_1323 = arith.mulf %get3A_1320, %get3A_1322 : vector<16xf32>
      %add3A_1324 = arith.addf %broadcast_in_dim3A_1316, %mul3A_1323 : vector<16xf32>
      %get3A_1325 = arith.constant 3 : i32
      %get3A_1326 = arith.index_cast %get3A_1325 : i32 to index
      %get3A_1327 = arith.constant 16 : index
      %get3A_1328 = tpu.vector_load %arg9[%get3A_1326, %get3A_1327] {strides = array<i32>} : memref<8x256xf32, #tpu.memory_space<vmem>>, vector<16xf32>,
      %get3A_1329 = arith.constant 16 : index
      %get3A_1330 = tpu.vector_load %arg12[%get3A_1329] {strides = array<i32>} : memref<256xf32, #tpu.memory_space<vmem>>, vector<16xf32>,
      %mul3A_1331 = arith.mulf %get3A_1328, %get3A_1330 : vector<16xf32>
      %add3A_1332 = arith.addf %add3A_1324, %mul3A_1331 : vector<16xf32>
      %get3A_1333 = arith.constant 3 : i32
      %get3A_1334 = arith.index_cast %get3A_1333 : i32 to index
      %get3A_1335 = arith.constant 32 : index
      %get3A_1336 = tpu.vector_load %arg9[%get3A_1334, %get3A_1335] {strides = array<i32>} : memref<8x256xf32, #tpu.memory_space<vmem>>, vector<16xf32>,
      %get3A_1337 = arith.constant 32 : index
      %get3A_1338 = tpu.vector_load %arg12[%get3A_1337] {strides = array<i32>} : memref<256xf32, #tpu.memory_space<vmem>>, vector<16xf32>,
      %mul3A_1339 = arith.mulf %get3A_1336, %get3A_1338 : vector<16xf32>
      %add3A_1340 = arith.addf %add3A_1332, %mul3A_1339 : vector<16xf32>
      %get3A_1341 = arith.constant 3 : i32
      %get3A_1342 = arith.index_cast %get3A_1341 : i32 to index
      %get3A_1343 = arith.constant 48 : index
      %get3A_1344 = tpu.vector_load %arg9[%get3A_1342, %get3A_1343] {strides = array<i32>} : memref<8x256xf32, #tpu.memory_space<vmem>>, vector<16xf32>,
      %get3A_1345 = arith.constant 48 : index
      %get3A_1346 = tpu.vector_load %arg12[%get3A_1345] {strides = array<i32>} : memref<256xf32, #tpu.memory_space<vmem>>, vector<16xf32>,
      %mul3A_1347 = arith.mulf %get3A_1344, %get3A_1346 : vector<16xf32>
      %add3A_1348 = arith.addf %add3A_1340, %mul3A_1347 : vector<16xf32>
      %get3A_1349 = arith.constant 3 : i32
      %get3A_1350 = arith.index_cast %get3A_1349 : i32 to index
      %get3A_1351 = arith.constant 64 : index
      %get3A_1352 = tpu.vector_load %arg9[%get3A_1350, %get3A_1351] {strides = array<i32>} : memref<8x256xf32, #tpu.memory_space<vmem>>, vector<16xf32>,
      %get3A_1353 = arith.constant 64 : index
      %get3A_1354 = tpu.vector_load %arg12[%get3A_1353] {strides = array<i32>} : memref<256xf32, #tpu.memory_space<vmem>>, vector<16xf32>,
      %mul3A_1355 = arith.mulf %get3A_1352, %get3A_1354 : vector<16xf32>
      %add3A_1356 = arith.addf %add3A_1348, %mul3A_1355 : vector<16xf32>
      %get3A_1357 = arith.constant 3 : i32
      %get3A_1358 = arith.index_cast %get3A_1357 : i32 to index
      %get3A_1359 = arith.constant 80 : index
      %get3A_1360 = tpu.vector_load %arg9[%get3A_1358, %get3A_1359] {strides = array<i32>} : memref<8x256xf32, #tpu.memory_space<vmem>>, vector<16xf32>,
      %get3A_1361 = arith.constant 80 : index
      %get3A_1362 = tpu.vector_load %arg12[%get3A_1361] {strides = array<i32>} : memref<256xf32, #tpu.memory_space<vmem>>, vector<16xf32>,
      %mul3A_1363 = arith.mulf %get3A_1360, %get3A_1362 : vector<16xf32>
      %add3A_1364 = arith.addf %add3A_1356, %mul3A_1363 : vector<16xf32>
      %get3A_1365 = arith.constant 3 : i32
      %get3A_1366 = arith.index_cast %get3A_1365 : i32 to index
      %get3A_1367 = arith.constant 96 : index
      %get3A_1368 = tpu.vector_load %arg9[%get3A_1366, %get3A_1367] {strides = array<i32>} : memref<8x256xf32, #tpu.memory_space<vmem>>, vector<16xf32>,
      %get3A_1369 = arith.constant 96 : index
      %get3A_1370 = tpu.vector_load %arg12[%get3A_1369] {strides = array<i32>} : memref<256xf32, #tpu.memory_space<vmem>>, vector<16xf32>,
      %mul3A_1371 = arith.mulf %get3A_1368, %get3A_1370 : vector<16xf32>
      %add3A_1372 = arith.addf %add3A_1364, %mul3A_1371 : vector<16xf32>
      %get3A_1373 = arith.constant 3 : i32
      %get3A_1374 = arith.index_cast %get3A_1373 : i32 to index
      %get3A_1375 = arith.constant 112 : index
      %get3A_1376 = tpu.vector_load %arg9[%get3A_1374, %get3A_1375] {strides = array<i32>} : memref<8x256xf32, #tpu.memory_space<vmem>>, vector<16xf32>,
      %get3A_1377 = arith.constant 112 : index
      %get3A_1378 = tpu.vector_load %arg12[%get3A_1377] {strides = array<i32>} : memref<256xf32, #tpu.memory_space<vmem>>, vector<16xf32>,
      %mul3A_1379 = arith.mulf %get3A_1376, %get3A_1378 : vector<16xf32>
      %add3A_1380 = arith.addf %add3A_1372, %mul3A_1379 : vector<16xf32>
      %get3A_1381 = arith.constant 3 : i32
      %get3A_1382 = arith.index_cast %get3A_1381 : i32 to index
      %get3A_1383 = arith.constant 128 : index
      %get3A_1384 = tpu.vector_load %arg9[%get3A_1382, %get3A_1383] {strides = array<i32>} : memref<8x256xf32, #tpu.memory_space<vmem>>, vector<16xf32>,
      %get3A_1385 = arith.constant 128 : index
      %get3A_1386 = tpu.vector_load %arg12[%get3A_1385] {strides = array<i32>} : memref<256xf32, #tpu.memory_space<vmem>>, vector<16xf32>,
      %mul3A_1387 = arith.mulf %get3A_1384, %get3A_1386 : vector<16xf32>
      %add3A_1388 = arith.addf %add3A_1380, %mul3A_1387 : vector<16xf32>
      %get3A_1389 = arith.constant 3 : i32
      %get3A_1390 = arith.index_cast %get3A_1389 : i32 to index
      %get3A_1391 = arith.constant 144 : index
      %get3A_1392 = tpu.vector_load %arg9[%get3A_1390, %get3A_1391] {strides = array<i32>} : memref<8x256xf32, #tpu.memory_space<vmem>>, vector<16xf32>,
      %get3A_1393 = arith.constant 144 : index
      %get3A_1394 = tpu.vector_load %arg12[%get3A_1393] {strides = array<i32>} : memref<256xf32, #tpu.memory_space<vmem>>, vector<16xf32>,
      %mul3A_1395 = arith.mulf %get3A_1392, %get3A_1394 : vector<16xf32>
      %add3A_1396 = arith.addf %add3A_1388, %mul3A_1395 : vector<16xf32>
      %get3A_1397 = arith.constant 3 : i32
      %get3A_1398 = arith.index_cast %get3A_1397 : i32 to index
      %get3A_1399 = arith.constant 160 : index
      %get3A_1400 = tpu.vector_load %arg9[%get3A_1398, %get3A_1399] {strides = array<i32>} : memref<8x256xf32, #tpu.memory_space<vmem>>, vector<16xf32>,
      %get3A_1401 = arith.constant 160 : index
      %get3A_1402 = tpu.vector_load %arg12[%get3A_1401] {strides = array<i32>} : memref<256xf32, #tpu.memory_space<vmem>>, vector<16xf32>,
      %mul3A_1403 = arith.mulf %get3A_1400, %get3A_1402 : vector<16xf32>
      %add3A_1404 = arith.addf %add3A_1396, %mul3A_1403 : vector<16xf32>
      %get3A_1405 = arith.constant 3 : i32
      %get3A_1406 = arith.index_cast %get3A_1405 : i32 to index
      %get3A_1407 = arith.constant 176 : index
      %get3A_1408 = tpu.vector_load %arg9[%get3A_1406, %get3A_1407] {strides = array<i32>} : memref<8x256xf32, #tpu.memory_space<vmem>>, vector<16xf32>,
      %get3A_1409 = arith.constant 176 : index
      %get3A_1410 = tpu.vector_load %arg12[%get3A_1409] {strides = array<i32>} : memref<256xf32, #tpu.memory_space<vmem>>, vector<16xf32>,
      %mul3A_1411 = arith.mulf %get3A_1408, %get3A_1410 : vector<16xf32>
      %add3A_1412 = arith.addf %add3A_1404, %mul3A_1411 : vector<16xf32>
      %get3A_1413 = arith.constant 3 : i32
      %get3A_1414 = arith.index_cast %get3A_1413 : i32 to index
      %get3A_1415 = arith.constant 192 : index
      %get3A_1416 = tpu.vector_load %arg9[%get3A_1414, %get3A_1415] {strides = array<i32>} : memref<8x256xf32, #tpu.memory_space<vmem>>, vector<16xf32>,
      %get3A_1417 = arith.constant 192 : index
      %get3A_1418 = tpu.vector_load %arg12[%get3A_1417] {strides = array<i32>} : memref<256xf32, #tpu.memory_space<vmem>>, vector<16xf32>,
      %mul3A_1419 = arith.mulf %get3A_1416, %get3A_1418 : vector<16xf32>
      %add3A_1420 = arith.addf %add3A_1412, %mul3A_1419 : vector<16xf32>
      %get3A_1421 = arith.constant 3 : i32
      %get3A_1422 = arith.index_cast %get3A_1421 : i32 to index
      %get3A_1423 = arith.constant 208 : index
      %get3A_1424 = tpu.vector_load %arg9[%get3A_1422, %get3A_1423] {strides = array<i32>} : memref<8x256xf32, #tpu.memory_space<vmem>>, vector<16xf32>,
      %get3A_1425 = arith.constant 208 : index
      %get3A_1426 = tpu.vector_load %arg12[%get3A_1425] {strides = array<i32>} : memref<256xf32, #tpu.memory_space<vmem>>, vector<16xf32>,
      %mul3A_1427 = arith.mulf %get3A_1424, %get3A_1426 : vector<16xf32>
      %add3A_1428 = arith.addf %add3A_1420, %mul3A_1427 : vector<16xf32>
      %get3A_1429 = arith.constant 3 : i32
      %get3A_1430 = arith.index_cast %get3A_1429 : i32 to index
      %get3A_1431 = arith.constant 224 : index
      %get3A_1432 = tpu.vector_load %arg9[%get3A_1430, %get3A_1431] {strides = array<i32>} : memref<8x256xf32, #tpu.memory_space<vmem>>, vector<16xf32>,
      %get3A_1433 = arith.constant 224 : index
      %get3A_1434 = tpu.vector_load %arg12[%get3A_1433] {strides = array<i32>} : memref<256xf32, #tpu.memory_space<vmem>>, vector<16xf32>,
      %mul3A_1435 = arith.mulf %get3A_1432, %get3A_1434 : vector<16xf32>
      %add3A_1436 = arith.addf %add3A_1428, %mul3A_1435 : vector<16xf32>
      %get3A_1437 = arith.constant 3 : i32
      %get3A_1438 = arith.index_cast %get3A_1437 : i32 to index
      %get3A_1439 = arith.constant 240 : index
      %get3A_1440 = tpu.vector_load %arg9[%get3A_1438, %get3A_1439] {strides = array<i32>} : memref<8x256xf32, #tpu.memory_space<vmem>>, vector<16xf32>,
      %get3A_1441 = arith.constant 240 : index
      %get3A_1442 = tpu.vector_load %arg12[%get3A_1441] {strides = array<i32>} : memref<256xf32, #tpu.memory_space<vmem>>, vector<16xf32>,
      %mul3A_1443 = arith.mulf %get3A_1440, %get3A_1442 : vector<16xf32>
      %add3A_1444 = arith.addf %add3A_1436, %mul3A_1443 : vector<16xf32>
      %broadcast_in_dim3A_1445 = arith.constant true
      %broadcast_in_dim3A_1446 = vector.broadcast %broadcast_in_dim3A_1445 : i1 to vector<16xi1>
      %masked_cumsum3A_1447 = tpu.scan <sum>, %add3A_1444 masked %broadcast_in_dim3A_1446 : vector<16xf32>, vector<16xi1> -> vector<16xf32>
      %broadcast_in_dim3A_1448 = arith.constant 15 : i32
      %broadcast_in_dim3A_1449 = vector.broadcast %broadcast_in_dim3A_1448 : i32 to vector<16x1xi32>
      %gather3A_1450 = vector.shape_cast %broadcast_in_dim3A_1449 : vector<16x1xi32> to vector<16xi32>
      %gather3A_1451 = tpu.dynamic_gather %masked_cumsum3A_1447[%gather3A_1450] in [0] : vector<16xf32>, vector<16xi32> -> vector<16xf32>
      %add3A_1452 = arith.addf %gather3A_1451, %gather3A_107 : vector<16xf32>
      %neg3A_1453 = arith.constant 0.000000e+00 : f32
      %neg3A_1454 = vector.broadcast %neg3A_1453 : f32 to vector<16xf32>
      %neg3A_1455 = arith.subf %neg3A_1454, %add3A_1452 : vector<16xf32>
      %exp3A_1456 = math.exp %neg3A_1455 : vector<16xf32>
      %add3A_1457 = arith.constant 1.000000e+00 : f32
      %add3A_1458 = vector.broadcast %add3A_1457 : f32 to vector<16xf32>
      %add3A_1459 = arith.addf %add3A_1458, %exp3A_1456 : vector<16xf32>
      %div3A_1460 = arith.constant 1.000000e+00 : f32
      %div3A_1461 = vector.broadcast %div3A_1460 : f32 to vector<16xf32>
      %div3A_1462 = arith.divf %div3A_1461, %add3A_1459 : vector<16xf32>
      %get3A_1463 = arith.constant 3 : i32
      %get3A_1464 = arith.index_cast %get3A_1463 : i32 to index
      %get3A_1465 = arith.constant 0 : index
      %get3A_1466 = tpu.vector_load %arg9[%get3A_1464, %get3A_1465] {strides = array<i32>} : memref<8x256xf32, #tpu.memory_space<vmem>>, vector<16xf32>,
      %sub3A_1467 = arith.constant 1.000000e+00 : f32
      %sub3A_1468 = vector.broadcast %sub3A_1467 : f32 to vector<16xf32>
      %sub3A_1469 = arith.subf %sub3A_1468, %div3A_1462 : vector<16xf32>
      %mul3A_1470 = arith.mulf %get3A_1466, %sub3A_1469 : vector<16xf32>
      %get3A_1471 = arith.constant 0 : index
      %get3A_1472 = tpu.vector_load %arg10[%get3A_1471] {strides = array<i32>} : memref<256xf32, #tpu.memory_space<vmem>>, vector<16xf32>,
      %mul3A_1473 = arith.mulf %get3A_1472, %div3A_1462 : vector<16xf32>
      %add3A_1474 = arith.addf %mul3A_1470, %mul3A_1473 : vector<16xf32>
      %swap3A_1475 = arith.constant 3 : i32
      %swap3A_1476 = arith.index_cast %swap3A_1475 : i32 to index
      %swap3A_1477 = arith.constant 0 : index
      %swap3A_1478 = tpu.vector_load %arg13[%swap3A_1476, %swap3A_1477] {strides = array<i32>} : memref<8x256xf32, #tpu.memory_space<vmem>>, vector<16xf32>,
      tpu.vector_store %arg13[%swap3A_1476, %swap3A_1477], %add3A_1474 {strides = array<i32>} : memref<8x256xf32, #tpu.memory_space<vmem>>, vector<16xf32>,
      %get3A_1479 = arith.constant 3 : i32
      %get3A_1480 = arith.index_cast %get3A_1479 : i32 to index
      %get3A_1481 = arith.constant 16 : index
      %get3A_1482 = tpu.vector_load %arg9[%get3A_1480, %get3A_1481] {strides = array<i32>} : memref<8x256xf32, #tpu.memory_space<vmem>>, vector<16xf32>,
      %sub3A_1483 = arith.constant 1.000000e+00 : f32
      %sub3A_1484 = vector.broadcast %sub3A_1483 : f32 to vector<16xf32>
      %sub3A_1485 = arith.subf %sub3A_1484, %div3A_1462 : vector<16xf32>
      %mul3A_1486 = arith.mulf %get3A_1482, %sub3A_1485 : vector<16xf32>
      %get3A_1487 = arith.constant 16 : index
      %get3A_1488 = tpu.vector_load %arg10[%get3A_1487] {strides = array<i32>} : memref<256xf32, #tpu.memory_space<vmem>>, vector<16xf32>,
      %mul3A_1489 = arith.mulf %get3A_1488, %div3A_1462 : vector<16xf32>
      %add3A_1490 = arith.addf %mul3A_1486, %mul3A_1489 : vector<16xf32>
      %swap3A_1491 = arith.constant 3 : i32
      %swap3A_1492 = arith.index_cast %swap3A_1491 : i32 to index
      %swap3A_1493 = arith.constant 16 : index
      %swap3A_1494 = tpu.vector_load %arg13[%swap3A_1492, %swap3A_1493] {strides = array<i32>} : memref<8x256xf32, #tpu.memory_space<vmem>>, vector<16xf32>,
      tpu.vector_store %arg13[%swap3A_1492, %swap3A_1493], %add3A_1490 {strides = array<i32>} : memref<8x256xf32, #tpu.memory_space<vmem>>, vector<16xf32>,
      %get3A_1495 = arith.constant 3 : i32
      %get3A_1496 = arith.index_cast %get3A_1495 : i32 to index
      %get3A_1497 = arith.constant 32 : index
      %get3A_1498 = tpu.vector_load %arg9[%get3A_1496, %get3A_1497] {strides = array<i32>} : memref<8x256xf32, #tpu.memory_space<vmem>>, vector<16xf32>,
      %sub3A_1499 = arith.constant 1.000000e+00 : f32
      %sub3A_1500 = vector.broadcast %sub3A_1499 : f32 to vector<16xf32>
      %sub3A_1501 = arith.subf %sub3A_1500, %div3A_1462 : vector<16xf32>
      %mul3A_1502 = arith.mulf %get3A_1498, %sub3A_1501 : vector<16xf32>
      %get3A_1503 = arith.constant 32 : index
      %get3A_1504 = tpu.vector_load %arg10[%get3A_1503] {strides = array<i32>} : memref<256xf32, #tpu.memory_space<vmem>>, vector<16xf32>,
      %mul3A_1505 = arith.mulf %get3A_1504, %div3A_1462 : vector<16xf32>
      %add3A_1506 = arith.addf %mul3A_1502, %mul3A_1505 : vector<16xf32>
      %swap3A_1507 = arith.constant 3 : i32
      %swap3A_1508 = arith.index_cast %swap3A_1507 : i32 to index
      %swap3A_1509 = arith.constant 32 : index
      %swap3A_1510 = tpu.vector_load %arg13[%swap3A_1508, %swap3A_1509] {strides = array<i32>} : memref<8x256xf32, #tpu.memory_space<vmem>>, vector<16xf32>,
      tpu.vector_store %arg13[%swap3A_1508, %swap3A_1509], %add3A_1506 {strides = array<i32>} : memref<8x256xf32, #tpu.memory_space<vmem>>, vector<16xf32>,
      %get3A_1511 = arith.constant 3 : i32
      %get3A_1512 = arith.index_cast %get3A_1511 : i32 to index
      %get3A_1513 = arith.constant 48 : index
      %get3A_1514 = tpu.vector_load %arg9[%get3A_1512, %get3A_1513] {strides = array<i32>} : memref<8x256xf32, #tpu.memory_space<vmem>>, vector<16xf32>,
      %sub3A_1515 = arith.constant 1.000000e+00 : f32
      %sub3A_1516 = vector.broadcast %sub3A_1515 : f32 to vector<16xf32>
      %sub3A_1517 = arith.subf %sub3A_1516, %div3A_1462 : vector<16xf32>
      %mul3A_1518 = arith.mulf %get3A_1514, %sub3A_1517 : vector<16xf32>
      %get3A_1519 = arith.constant 48 : index
      %get3A_1520 = tpu.vector_load %arg10[%get3A_1519] {strides = array<i32>} : memref<256xf32, #tpu.memory_space<vmem>>, vector<16xf32>,
      %mul3A_1521 = arith.mulf %get3A_1520, %div3A_1462 : vector<16xf32>
      %add3A_1522 = arith.addf %mul3A_1518, %mul3A_1521 : vector<16xf32>
      %swap3A_1523 = arith.constant 3 : i32
      %swap3A_1524 = arith.index_cast %swap3A_1523 : i32 to index
      %swap3A_1525 = arith.constant 48 : index
      %swap3A_1526 = tpu.vector_load %arg13[%swap3A_1524, %swap3A_1525] {strides = array<i32>} : memref<8x256xf32, #tpu.memory_space<vmem>>, vector<16xf32>,
      tpu.vector_store %arg13[%swap3A_1524, %swap3A_1525], %add3A_1522 {strides = array<i32>} : memref<8x256xf32, #tpu.memory_space<vmem>>, vector<16xf32>,
      %get3A_1527 = arith.constant 3 : i32
      %get3A_1528 = arith.index_cast %get3A_1527 : i32 to index
      %get3A_1529 = arith.constant 64 : index
      %get3A_1530 = tpu.vector_load %arg9[%get3A_1528, %get3A_1529] {strides = array<i32>} : memref<8x256xf32, #tpu.memory_space<vmem>>, vector<16xf32>,
      %sub3A_1531 = arith.constant 1.000000e+00 : f32
      %sub3A_1532 = vector.broadcast %sub3A_1531 : f32 to vector<16xf32>
      %sub3A_1533 = arith.subf %sub3A_1532, %div3A_1462 : vector<16xf32>
      %mul3A_1534 = arith.mulf %get3A_1530, %sub3A_1533 : vector<16xf32>
      %get3A_1535 = arith.constant 64 : index
      %get3A_1536 = tpu.vector_load %arg10[%get3A_1535] {strides = array<i32>} : memref<256xf32, #tpu.memory_space<vmem>>, vector<16xf32>,
      %mul3A_1537 = arith.mulf %get3A_1536, %div3A_1462 : vector<16xf32>
      %add3A_1538 = arith.addf %mul3A_1534, %mul3A_1537 : vector<16xf32>
      %swap3A_1539 = arith.constant 3 : i32
      %swap3A_1540 = arith.index_cast %swap3A_1539 : i32 to index
      %swap3A_1541 = arith.constant 64 : index
      %swap3A_1542 = tpu.vector_load %arg13[%swap3A_1540, %swap3A_1541] {strides = array<i32>} : memref<8x256xf32, #tpu.memory_space<vmem>>, vector<16xf32>,
      tpu.vector_store %arg13[%swap3A_1540, %swap3A_1541], %add3A_1538 {strides = array<i32>} : memref<8x256xf32, #tpu.memory_space<vmem>>, vector<16xf32>,
      %get3A_1543 = arith.constant 3 : i32
      %get3A_1544 = arith.index_cast %get3A_1543 : i32 to index
      %get3A_1545 = arith.constant 80 : index
      %get3A_1546 = tpu.vector_load %arg9[%get3A_1544, %get3A_1545] {strides = array<i32>} : memref<8x256xf32, #tpu.memory_space<vmem>>, vector<16xf32>,
      %sub3A_1547 = arith.constant 1.000000e+00 : f32
      %sub3A_1548 = vector.broadcast %sub3A_1547 : f32 to vector<16xf32>
      %sub3A_1549 = arith.subf %sub3A_1548, %div3A_1462 : vector<16xf32>
      %mul3A_1550 = arith.mulf %get3A_1546, %sub3A_1549 : vector<16xf32>
      %get3A_1551 = arith.constant 80 : index
      %get3A_1552 = tpu.vector_load %arg10[%get3A_1551] {strides = array<i32>} : memref<256xf32, #tpu.memory_space<vmem>>, vector<16xf32>,
      %mul3A_1553 = arith.mulf %get3A_1552, %div3A_1462 : vector<16xf32>
      %add3A_1554 = arith.addf %mul3A_1550, %mul3A_1553 : vector<16xf32>
      %swap3A_1555 = arith.constant 3 : i32
      %swap3A_1556 = arith.index_cast %swap3A_1555 : i32 to index
      %swap3A_1557 = arith.constant 80 : index
      %swap3A_1558 = tpu.vector_load %arg13[%swap3A_1556, %swap3A_1557] {strides = array<i32>} : memref<8x256xf32, #tpu.memory_space<vmem>>, vector<16xf32>,
      tpu.vector_store %arg13[%swap3A_1556, %swap3A_1557], %add3A_1554 {strides = array<i32>} : memref<8x256xf32, #tpu.memory_space<vmem>>, vector<16xf32>,
      %get3A_1559 = arith.constant 3 : i32
      %get3A_1560 = arith.index_cast %get3A_1559 : i32 to index
      %get3A_1561 = arith.constant 96 : index
      %get3A_1562 = tpu.vector_load %arg9[%get3A_1560, %get3A_1561] {strides = array<i32>} : memref<8x256xf32, #tpu.memory_space<vmem>>, vector<16xf32>,
      %sub3A_1563 = arith.constant 1.000000e+00 : f32
      %sub3A_1564 = vector.broadcast %sub3A_1563 : f32 to vector<16xf32>
      %sub3A_1565 = arith.subf %sub3A_1564, %div3A_1462 : vector<16xf32>
      %mul3A_1566 = arith.mulf %get3A_1562, %sub3A_1565 : vector<16xf32>
      %get3A_1567 = arith.constant 96 : index
      %get3A_1568 = tpu.vector_load %arg10[%get3A_1567] {strides = array<i32>} : memref<256xf32, #tpu.memory_space<vmem>>, vector<16xf32>,
      %mul3A_1569 = arith.mulf %get3A_1568, %div3A_1462 : vector<16xf32>
      %add3A_1570 = arith.addf %mul3A_1566, %mul3A_1569 : vector<16xf32>
      %swap3A_1571 = arith.constant 3 : i32
      %swap3A_1572 = arith.index_cast %swap3A_1571 : i32 to index
      %swap3A_1573 = arith.constant 96 : index
      %swap3A_1574 = tpu.vector_load %arg13[%swap3A_1572, %swap3A_1573] {strides = array<i32>} : memref<8x256xf32, #tpu.memory_space<vmem>>, vector<16xf32>,
      tpu.vector_store %arg13[%swap3A_1572, %swap3A_1573], %add3A_1570 {strides = array<i32>} : memref<8x256xf32, #tpu.memory_space<vmem>>, vector<16xf32>,
      %get3A_1575 = arith.constant 3 : i32
      %get3A_1576 = arith.index_cast %get3A_1575 : i32 to index
      %get3A_1577 = arith.constant 112 : index
      %get3A_1578 = tpu.vector_load %arg9[%get3A_1576, %get3A_1577] {strides = array<i32>} : memref<8x256xf32, #tpu.memory_space<vmem>>, vector<16xf32>,
      %sub3A_1579 = arith.constant 1.000000e+00 : f32
      %sub3A_1580 = vector.broadcast %sub3A_1579 : f32 to vector<16xf32>
      %sub3A_1581 = arith.subf %sub3A_1580, %div3A_1462 : vector<16xf32>
      %mul3A_1582 = arith.mulf %get3A_1578, %sub3A_1581 : vector<16xf32>
      %get3A_1583 = arith.constant 112 : index
      %get3A_1584 = tpu.vector_load %arg10[%get3A_1583] {strides = array<i32>} : memref<256xf32, #tpu.memory_space<vmem>>, vector<16xf32>,
      %mul3A_1585 = arith.mulf %get3A_1584, %div3A_1462 : vector<16xf32>
      %add3A_1586 = arith.addf %mul3A_1582, %mul3A_1585 : vector<16xf32>
      %swap3A_1587 = arith.constant 3 : i32
      %swap3A_1588 = arith.index_cast %swap3A_1587 : i32 to index
      %swap3A_1589 = arith.constant 112 : index
      %swap3A_1590 = tpu.vector_load %arg13[%swap3A_1588, %swap3A_1589] {strides = array<i32>} : memref<8x256xf32, #tpu.memory_space<vmem>>, vector<16xf32>,
      tpu.vector_store %arg13[%swap3A_1588, %swap3A_1589], %add3A_1586 {strides = array<i32>} : memref<8x256xf32, #tpu.memory_space<vmem>>, vector<16xf32>,
      %get3A_1591 = arith.constant 3 : i32
      %get3A_1592 = arith.index_cast %get3A_1591 : i32 to index
      %get3A_1593 = arith.constant 128 : index
      %get3A_1594 = tpu.vector_load %arg9[%get3A_1592, %get3A_1593] {strides = array<i32>} : memref<8x256xf32, #tpu.memory_space<vmem>>, vector<16xf32>,
      %sub3A_1595 = arith.constant 1.000000e+00 : f32
      %sub3A_1596 = vector.broadcast %sub3A_1595 : f32 to vector<16xf32>
      %sub3A_1597 = arith.subf %sub3A_1596, %div3A_1462 : vector<16xf32>
      %mul3A_1598 = arith.mulf %get3A_1594, %sub3A_1597 : vector<16xf32>
      %get3A_1599 = arith.constant 128 : index
      %get3A_1600 = tpu.vector_load %arg10[%get3A_1599] {strides = array<i32>} : memref<256xf32, #tpu.memory_space<vmem>>, vector<16xf32>,
      %mul3A_1601 = arith.mulf %get3A_1600, %div3A_1462 : vector<16xf32>
      %add3A_1602 = arith.addf %mul3A_1598, %mul3A_1601 : vector<16xf32>
      %swap3A_1603 = arith.constant 3 : i32
      %swap3A_1604 = arith.index_cast %swap3A_1603 : i32 to index
      %swap3A_1605 = arith.constant 128 : index
      %swap3A_1606 = tpu.vector_load %arg13[%swap3A_1604, %swap3A_1605] {strides = array<i32>} : memref<8x256xf32, #tpu.memory_space<vmem>>, vector<16xf32>,
      tpu.vector_store %arg13[%swap3A_1604, %swap3A_1605], %add3A_1602 {strides = array<i32>} : memref<8x256xf32, #tpu.memory_space<vmem>>, vector<16xf32>,
      %get3A_1607 = arith.constant 3 : i32
      %get3A_1608 = arith.index_cast %get3A_1607 : i32 to index
      %get3A_1609 = arith.constant 144 : index
      %get3A_1610 = tpu.vector_load %arg9[%get3A_1608, %get3A_1609] {strides = array<i32>} : memref<8x256xf32, #tpu.memory_space<vmem>>, vector<16xf32>,
      %sub3A_1611 = arith.constant 1.000000e+00 : f32
      %sub3A_1612 = vector.broadcast %sub3A_1611 : f32 to vector<16xf32>
      %sub3A_1613 = arith.subf %sub3A_1612, %div3A_1462 : vector<16xf32>
      %mul3A_1614 = arith.mulf %get3A_1610, %sub3A_1613 : vector<16xf32>
      %get3A_1615 = arith.constant 144 : index
      %get3A_1616 = tpu.vector_load %arg10[%get3A_1615] {strides = array<i32>} : memref<256xf32, #tpu.memory_space<vmem>>, vector<16xf32>,
      %mul3A_1617 = arith.mulf %get3A_1616, %div3A_1462 : vector<16xf32>
      %add3A_1618 = arith.addf %mul3A_1614, %mul3A_1617 : vector<16xf32>
      %swap3A_1619 = arith.constant 3 : i32
      %swap3A_1620 = arith.index_cast %swap3A_1619 : i32 to index
      %swap3A_1621 = arith.constant 144 : index
      %swap3A_1622 = tpu.vector_load %arg13[%swap3A_1620, %swap3A_1621] {strides = array<i32>} : memref<8x256xf32, #tpu.memory_space<vmem>>, vector<16xf32>,
      tpu.vector_store %arg13[%swap3A_1620, %swap3A_1621], %add3A_1618 {strides = array<i32>} : memref<8x256xf32, #tpu.memory_space<vmem>>, vector<16xf32>,
      %get3A_1623 = arith.constant 3 : i32
      %get3A_1624 = arith.index_cast %get3A_1623 : i32 to index
      %get3A_1625 = arith.constant 160 : index
      %get3A_1626 = tpu.vector_load %arg9[%get3A_1624, %get3A_1625] {strides = array<i32>} : memref<8x256xf32, #tpu.memory_space<vmem>>, vector<16xf32>,
      %sub3A_1627 = arith.constant 1.000000e+00 : f32
      %sub3A_1628 = vector.broadcast %sub3A_1627 : f32 to vector<16xf32>
      %sub3A_1629 = arith.subf %sub3A_1628, %div3A_1462 : vector<16xf32>
      %mul3A_1630 = arith.mulf %get3A_1626, %sub3A_1629 : vector<16xf32>
      %get3A_1631 = arith.constant 160 : index
      %get3A_1632 = tpu.vector_load %arg10[%get3A_1631] {strides = array<i32>} : memref<256xf32, #tpu.memory_space<vmem>>, vector<16xf32>,
      %mul3A_1633 = arith.mulf %get3A_1632, %div3A_1462 : vector<16xf32>
      %add3A_1634 = arith.addf %mul3A_1630, %mul3A_1633 : vector<16xf32>
      %swap3A_1635 = arith.constant 3 : i32
      %swap3A_1636 = arith.index_cast %swap3A_1635 : i32 to index
      %swap3A_1637 = arith.constant 160 : index
      %swap3A_1638 = tpu.vector_load %arg13[%swap3A_1636, %swap3A_1637] {strides = array<i32>} : memref<8x256xf32, #tpu.memory_space<vmem>>, vector<16xf32>,
      tpu.vector_store %arg13[%swap3A_1636, %swap3A_1637], %add3A_1634 {strides = array<i32>} : memref<8x256xf32, #tpu.memory_space<vmem>>, vector<16xf32>,
      %get3A_1639 = arith.constant 3 : i32
      %get3A_1640 = arith.index_cast %get3A_1639 : i32 to index
      %get3A_1641 = arith.constant 176 : index
      %get3A_1642 = tpu.vector_load %arg9[%get3A_1640, %get3A_1641] {strides = array<i32>} : memref<8x256xf32, #tpu.memory_space<vmem>>, vector<16xf32>,
      %sub3A_1643 = arith.constant 1.000000e+00 : f32
      %sub3A_1644 = vector.broadcast %sub3A_1643 : f32 to vector<16xf32>
      %sub3A_1645 = arith.subf %sub3A_1644, %div3A_1462 : vector<16xf32>
      %mul3A_1646 = arith.mulf %get3A_1642, %sub3A_1645 : vector<16xf32>
      %get3A_1647 = arith.constant 176 : index
      %get3A_1648 = tpu.vector_load %arg10[%get3A_1647] {strides = array<i32>} : memref<256xf32, #tpu.memory_space<vmem>>, vector<16xf32>,
      %mul3A_1649 = arith.mulf %get3A_1648, %div3A_1462 : vector<16xf32>
      %add3A_1650 = arith.addf %mul3A_1646, %mul3A_1649 : vector<16xf32>
      %swap3A_1651 = arith.constant 3 : i32
      %swap3A_1652 = arith.index_cast %swap3A_1651 : i32 to index
      %swap3A_1653 = arith.constant 176 : index
      %swap3A_1654 = tpu.vector_load %arg13[%swap3A_1652, %swap3A_1653] {strides = array<i32>} : memref<8x256xf32, #tpu.memory_space<vmem>>, vector<16xf32>,
      tpu.vector_store %arg13[%swap3A_1652, %swap3A_1653], %add3A_1650 {strides = array<i32>} : memref<8x256xf32, #tpu.memory_space<vmem>>, vector<16xf32>,
      %get3A_1655 = arith.constant 3 : i32
      %get3A_1656 = arith.index_cast %get3A_1655 : i32 to index
      %get3A_1657 = arith.constant 192 : index
      %get3A_1658 = tpu.vector_load %arg9[%get3A_1656, %get3A_1657] {strides = array<i32>} : memref<8x256xf32, #tpu.memory_space<vmem>>, vector<16xf32>,
      %sub3A_1659 = arith.constant 1.000000e+00 : f32
      %sub3A_1660 = vector.broadcast %sub3A_1659 : f32 to vector<16xf32>
      %sub3A_1661 = arith.subf %sub3A_1660, %div3A_1462 : vector<16xf32>
      %mul3A_1662 = arith.mulf %get3A_1658, %sub3A_1661 : vector<16xf32>
      %get3A_1663 = arith.constant 192 : index
      %get3A_1664 = tpu.vector_load %arg10[%get3A_1663] {strides = array<i32>} : memref<256xf32, #tpu.memory_space<vmem>>, vector<16xf32>,
      %mul3A_1665 = arith.mulf %get3A_1664, %div3A_1462 : vector<16xf32>
      %add3A_1666 = arith.addf %mul3A_1662, %mul3A_1665 : vector<16xf32>
      %swap3A_1667 = arith.constant 3 : i32
      %swap3A_1668 = arith.index_cast %swap3A_1667 : i32 to index
      %swap3A_1669 = arith.constant 192 : index
      %swap3A_1670 = tpu.vector_load %arg13[%swap3A_1668, %swap3A_1669] {strides = array<i32>} : memref<8x256xf32, #tpu.memory_space<vmem>>, vector<16xf32>,
      tpu.vector_store %arg13[%swap3A_1668, %swap3A_1669], %add3A_1666 {strides = array<i32>} : memref<8x256xf32, #tpu.memory_space<vmem>>, vector<16xf32>,
      %get3A_1671 = arith.constant 3 : i32
      %get3A_1672 = arith.index_cast %get3A_1671 : i32 to index
      %get3A_1673 = arith.constant 208 : index
      %get3A_1674 = tpu.vector_load %arg9[%get3A_1672, %get3A_1673] {strides = array<i32>} : memref<8x256xf32, #tpu.memory_space<vmem>>, vector<16xf32>,
      %sub3A_1675 = arith.constant 1.000000e+00 : f32
      %sub3A_1676 = vector.broadcast %sub3A_1675 : f32 to vector<16xf32>
      %sub3A_1677 = arith.subf %sub3A_1676, %div3A_1462 : vector<16xf32>
      %mul3A_1678 = arith.mulf %get3A_1674, %sub3A_1677 : vector<16xf32>
      %get3A_1679 = arith.constant 208 : index
      %get3A_1680 = tpu.vector_load %arg10[%get3A_1679] {strides = array<i32>} : memref<256xf32, #tpu.memory_space<vmem>>, vector<16xf32>,
      %mul3A_1681 = arith.mulf %get3A_1680, %div3A_1462 : vector<16xf32>
      %add3A_1682 = arith.addf %mul3A_1678, %mul3A_1681 : vector<16xf32>
      %swap3A_1683 = arith.constant 3 : i32
      %swap3A_1684 = arith.index_cast %swap3A_1683 : i32 to index
      %swap3A_1685 = arith.constant 208 : index
      %swap3A_1686 = tpu.vector_load %arg13[%swap3A_1684, %swap3A_1685] {strides = array<i32>} : memref<8x256xf32, #tpu.memory_space<vmem>>, vector<16xf32>,
      tpu.vector_store %arg13[%swap3A_1684, %swap3A_1685], %add3A_1682 {strides = array<i32>} : memref<8x256xf32, #tpu.memory_space<vmem>>, vector<16xf32>,
      %get3A_1687 = arith.constant 3 : i32
      %get3A_1688 = arith.index_cast %get3A_1687 : i32 to index
      %get3A_1689 = arith.constant 224 : index
      %get3A_1690 = tpu.vector_load %arg9[%get3A_1688, %get3A_1689] {strides = array<i32>} : memref<8x256xf32, #tpu.memory_space<vmem>>, vector<16xf32>,
      %sub3A_1691 = arith.constant 1.000000e+00 : f32
      %sub3A_1692 = vector.broadcast %sub3A_1691 : f32 to vector<16xf32>
      %sub3A_1693 = arith.subf %sub3A_1692, %div3A_1462 : vector<16xf32>
      %mul3A_1694 = arith.mulf %get3A_1690, %sub3A_1693 : vector<16xf32>
      %get3A_1695 = arith.constant 224 : index
      %get3A_1696 = tpu.vector_load %arg10[%get3A_1695] {strides = array<i32>} : memref<256xf32, #tpu.memory_space<vmem>>, vector<16xf32>,
      %mul3A_1697 = arith.mulf %get3A_1696, %div3A_1462 : vector<16xf32>
      %add3A_1698 = arith.addf %mul3A_1694, %mul3A_1697 : vector<16xf32>
      %swap3A_1699 = arith.constant 3 : i32
      %swap3A_1700 = arith.index_cast %swap3A_1699 : i32 to index
      %swap3A_1701 = arith.constant 224 : index
      %swap3A_1702 = tpu.vector_load %arg13[%swap3A_1700, %swap3A_1701] {strides = array<i32>} : memref<8x256xf32, #tpu.memory_space<vmem>>, vector<16xf32>,
      tpu.vector_store %arg13[%swap3A_1700, %swap3A_1701], %add3A_1698 {strides = array<i32>} : memref<8x256xf32, #tpu.memory_space<vmem>>, vector<16xf32>,
      %get3A_1703 = arith.constant 3 : i32
      %get3A_1704 = arith.index_cast %get3A_1703 : i32 to index
      %get3A_1705 = arith.constant 240 : index
      %get3A_1706 = tpu.vector_load %arg9[%get3A_1704, %get3A_1705] {strides = array<i32>} : memref<8x256xf32, #tpu.memory_space<vmem>>, vector<16xf32>,
      %sub3A_1707 = arith.constant 1.000000e+00 : f32
      %sub3A_1708 = vector.broadcast %sub3A_1707 : f32 to vector<16xf32>
      %sub3A_1709 = arith.subf %sub3A_1708, %div3A_1462 : vector<16xf32>
      %mul3A_1710 = arith.mulf %get3A_1706, %sub3A_1709 : vector<16xf32>
      %get3A_1711 = arith.constant 240 : index
      %get3A_1712 = tpu.vector_load %arg10[%get3A_1711] {strides = array<i32>} : memref<256xf32, #tpu.memory_space<vmem>>, vector<16xf32>,
      %mul3A_1713 = arith.mulf %get3A_1712, %div3A_1462 : vector<16xf32>
      %add3A_1714 = arith.addf %mul3A_1710, %mul3A_1713 : vector<16xf32>
      %swap3A_1715 = arith.constant 3 : i32
      %swap3A_1716 = arith.index_cast %swap3A_1715 : i32 to index
      %swap3A_1717 = arith.constant 240 : index
      %swap3A_1718 = tpu.vector_load %arg13[%swap3A_1716, %swap3A_1717] {strides = array<i32>} : memref<8x256xf32, #tpu.memory_space<vmem>>, vector<16xf32>,
      tpu.vector_store %arg13[%swap3A_1716, %swap3A_1717], %add3A_1714 {strides = array<i32>} : memref<8x256xf32, #tpu.memory_space<vmem>>, vector<16xf32>,
      %broadcast_in_dim3A_1719 = arith.constant 0.000000e+00 : f32
      %broadcast_in_dim3A_1720 = vector.broadcast %broadcast_in_dim3A_1719 : f32 to vector<16xf32>
      %get3A_1721 = arith.constant 4 : i32
      %get3A_1722 = arith.index_cast %get3A_1721 : i32 to index
      %get3A_1723 = arith.constant 0 : index
      %get3A_1724 = tpu.vector_load %arg9[%get3A_1722, %get3A_1723] {strides = array<i32>} : memref<8x256xf32, #tpu.memory_space<vmem>>, vector<16xf32>,
      %get3A_1725 = arith.constant 0 : index
      %get3A_1726 = tpu.vector_load %arg12[%get3A_1725] {strides = array<i32>} : memref<256xf32, #tpu.memory_space<vmem>>, vector<16xf32>,
      %mul3A_1727 = arith.mulf %get3A_1724, %get3A_1726 : vector<16xf32>
      %add3A_1728 = arith.addf %broadcast_in_dim3A_1720, %mul3A_1727 : vector<16xf32>
      %get3A_1729 = arith.constant 4 : i32
      %get3A_1730 = arith.index_cast %get3A_1729 : i32 to index
      %get3A_1731 = arith.constant 16 : index
      %get3A_1732 = tpu.vector_load %arg9[%get3A_1730, %get3A_1731] {strides = array<i32>} : memref<8x256xf32, #tpu.memory_space<vmem>>, vector<16xf32>,
      %get3A_1733 = arith.constant 16 : index
      %get3A_1734 = tpu.vector_load %arg12[%get3A_1733] {strides = array<i32>} : memref<256xf32, #tpu.memory_space<vmem>>, vector<16xf32>,
      %mul3A_1735 = arith.mulf %get3A_1732, %get3A_1734 : vector<16xf32>
      %add3A_1736 = arith.addf %add3A_1728, %mul3A_1735 : vector<16xf32>
      %get3A_1737 = arith.constant 4 : i32
      %get3A_1738 = arith.index_cast %get3A_1737 : i32 to index
      %get3A_1739 = arith.constant 32 : index
      %get3A_1740 = tpu.vector_load %arg9[%get3A_1738, %get3A_1739] {strides = array<i32>} : memref<8x256xf32, #tpu.memory_space<vmem>>, vector<16xf32>,
      %get3A_1741 = arith.constant 32 : index
      %get3A_1742 = tpu.vector_load %arg12[%get3A_1741] {strides = array<i32>} : memref<256xf32, #tpu.memory_space<vmem>>, vector<16xf32>,
      %mul3A_1743 = arith.mulf %get3A_1740, %get3A_1742 : vector<16xf32>
      %add3A_1744 = arith.addf %add3A_1736, %mul3A_1743 : vector<16xf32>
      %get3A_1745 = arith.constant 4 : i32
      %get3A_1746 = arith.index_cast %get3A_1745 : i32 to index
      %get3A_1747 = arith.constant 48 : index
      %get3A_1748 = tpu.vector_load %arg9[%get3A_1746, %get3A_1747] {strides = array<i32>} : memref<8x256xf32, #tpu.memory_space<vmem>>, vector<16xf32>,
      %get3A_1749 = arith.constant 48 : index
      %get3A_1750 = tpu.vector_load %arg12[%get3A_1749] {strides = array<i32>} : memref<256xf32, #tpu.memory_space<vmem>>, vector<16xf32>,
      %mul3A_1751 = arith.mulf %get3A_1748, %get3A_1750 : vector<16xf32>
      %add3A_1752 = arith.addf %add3A_1744, %mul3A_1751 : vector<16xf32>
      %get3A_1753 = arith.constant 4 : i32
      %get3A_1754 = arith.index_cast %get3A_1753 : i32 to index
      %get3A_1755 = arith.constant 64 : index
      %get3A_1756 = tpu.vector_load %arg9[%get3A_1754, %get3A_1755] {strides = array<i32>} : memref<8x256xf32, #tpu.memory_space<vmem>>, vector<16xf32>,
      %get3A_1757 = arith.constant 64 : index
      %get3A_1758 = tpu.vector_load %arg12[%get3A_1757] {strides = array<i32>} : memref<256xf32, #tpu.memory_space<vmem>>, vector<16xf32>,
      %mul3A_1759 = arith.mulf %get3A_1756, %get3A_1758 : vector<16xf32>
      %add3A_1760 = arith.addf %add3A_1752, %mul3A_1759 : vector<16xf32>
      %get3A_1761 = arith.constant 4 : i32
      %get3A_1762 = arith.index_cast %get3A_1761 : i32 to index
      %get3A_1763 = arith.constant 80 : index
      %get3A_1764 = tpu.vector_load %arg9[%get3A_1762, %get3A_1763] {strides = array<i32>} : memref<8x256xf32, #tpu.memory_space<vmem>>, vector<16xf32>,
      %get3A_1765 = arith.constant 80 : index
      %get3A_1766 = tpu.vector_load %arg12[%get3A_1765] {strides = array<i32>} : memref<256xf32, #tpu.memory_space<vmem>>, vector<16xf32>,
      %mul3A_1767 = arith.mulf %get3A_1764, %get3A_1766 : vector<16xf32>
      %add3A_1768 = arith.addf %add3A_1760, %mul3A_1767 : vector<16xf32>
      %get3A_1769 = arith.constant 4 : i32
      %get3A_1770 = arith.index_cast %get3A_1769 : i32 to index
      %get3A_1771 = arith.constant 96 : index
      %get3A_1772 = tpu.vector_load %arg9[%get3A_1770, %get3A_1771] {strides = array<i32>} : memref<8x256xf32, #tpu.memory_space<vmem>>, vector<16xf32>,
      %get3A_1773 = arith.constant 96 : index
      %get3A_1774 = tpu.vector_load %arg12[%get3A_1773] {strides = array<i32>} : memref<256xf32, #tpu.memory_space<vmem>>, vector<16xf32>,
      %mul3A_1775 = arith.mulf %get3A_1772, %get3A_1774 : vector<16xf32>
      %add3A_1776 = arith.addf %add3A_1768, %mul3A_1775 : vector<16xf32>
      %get3A_1777 = arith.constant 4 : i32
      %get3A_1778 = arith.index_cast %get3A_1777 : i32 to index
      %get3A_1779 = arith.constant 112 : index
      %get3A_1780 = tpu.vector_load %arg9[%get3A_1778, %get3A_1779] {strides = array<i32>} : memref<8x256xf32, #tpu.memory_space<vmem>>, vector<16xf32>,
      %get3A_1781 = arith.constant 112 : index
      %get3A_1782 = tpu.vector_load %arg12[%get3A_1781] {strides = array<i32>} : memref<256xf32, #tpu.memory_space<vmem>>, vector<16xf32>,
      %mul3A_1783 = arith.mulf %get3A_1780, %get3A_1782 : vector<16xf32>
      %add3A_1784 = arith.addf %add3A_1776, %mul3A_1783 : vector<16xf32>
      %get3A_1785 = arith.constant 4 : i32
      %get3A_1786 = arith.index_cast %get3A_1785 : i32 to index
      %get3A_1787 = arith.constant 128 : index
      %get3A_1788 = tpu.vector_load %arg9[%get3A_1786, %get3A_1787] {strides = array<i32>} : memref<8x256xf32, #tpu.memory_space<vmem>>, vector<16xf32>,
      %get3A_1789 = arith.constant 128 : index
      %get3A_1790 = tpu.vector_load %arg12[%get3A_1789] {strides = array<i32>} : memref<256xf32, #tpu.memory_space<vmem>>, vector<16xf32>,
      %mul3A_1791 = arith.mulf %get3A_1788, %get3A_1790 : vector<16xf32>
      %add3A_1792 = arith.addf %add3A_1784, %mul3A_1791 : vector<16xf32>
      %get3A_1793 = arith.constant 4 : i32
      %get3A_1794 = arith.index_cast %get3A_1793 : i32 to index
      %get3A_1795 = arith.constant 144 : index
      %get3A_1796 = tpu.vector_load %arg9[%get3A_1794, %get3A_1795] {strides = array<i32>} : memref<8x256xf32, #tpu.memory_space<vmem>>, vector<16xf32>,
      %get3A_1797 = arith.constant 144 : index
      %get3A_1798 = tpu.vector_load %arg12[%get3A_1797] {strides = array<i32>} : memref<256xf32, #tpu.memory_space<vmem>>, vector<16xf32>,
      %mul3A_1799 = arith.mulf %get3A_1796, %get3A_1798 : vector<16xf32>
      %add3A_1800 = arith.addf %add3A_1792, %mul3A_1799 : vector<16xf32>
      %get3A_1801 = arith.constant 4 : i32
      %get3A_1802 = arith.index_cast %get3A_1801 : i32 to index
      %get3A_1803 = arith.constant 160 : index
      %get3A_1804 = tpu.vector_load %arg9[%get3A_1802, %get3A_1803] {strides = array<i32>} : memref<8x256xf32, #tpu.memory_space<vmem>>, vector<16xf32>,
      %get3A_1805 = arith.constant 160 : index
      %get3A_1806 = tpu.vector_load %arg12[%get3A_1805] {strides = array<i32>} : memref<256xf32, #tpu.memory_space<vmem>>, vector<16xf32>,
      %mul3A_1807 = arith.mulf %get3A_1804, %get3A_1806 : vector<16xf32>
      %add3A_1808 = arith.addf %add3A_1800, %mul3A_1807 : vector<16xf32>
      %get3A_1809 = arith.constant 4 : i32
      %get3A_1810 = arith.index_cast %get3A_1809 : i32 to index
      %get3A_1811 = arith.constant 176 : index
      %get3A_1812 = tpu.vector_load %arg9[%get3A_1810, %get3A_1811] {strides = array<i32>} : memref<8x256xf32, #tpu.memory_space<vmem>>, vector<16xf32>,
      %get3A_1813 = arith.constant 176 : index
      %get3A_1814 = tpu.vector_load %arg12[%get3A_1813] {strides = array<i32>} : memref<256xf32, #tpu.memory_space<vmem>>, vector<16xf32>,
      %mul3A_1815 = arith.mulf %get3A_1812, %get3A_1814 : vector<16xf32>
      %add3A_1816 = arith.addf %add3A_1808, %mul3A_1815 : vector<16xf32>
      %get3A_1817 = arith.constant 4 : i32
      %get3A_1818 = arith.index_cast %get3A_1817 : i32 to index
      %get3A_1819 = arith.constant 192 : index
      %get3A_1820 = tpu.vector_load %arg9[%get3A_1818, %get3A_1819] {strides = array<i32>} : memref<8x256xf32, #tpu.memory_space<vmem>>, vector<16xf32>,
      %get3A_1821 = arith.constant 192 : index
      %get3A_1822 = tpu.vector_load %arg12[%get3A_1821] {strides = array<i32>} : memref<256xf32, #tpu.memory_space<vmem>>, vector<16xf32>,
      %mul3A_1823 = arith.mulf %get3A_1820, %get3A_1822 : vector<16xf32>
      %add3A_1824 = arith.addf %add3A_1816, %mul3A_1823 : vector<16xf32>
      %get3A_1825 = arith.constant 4 : i32
      %get3A_1826 = arith.index_cast %get3A_1825 : i32 to index
      %get3A_1827 = arith.constant 208 : index
      %get3A_1828 = tpu.vector_load %arg9[%get3A_1826, %get3A_1827] {strides = array<i32>} : memref<8x256xf32, #tpu.memory_space<vmem>>, vector<16xf32>,
      %get3A_1829 = arith.constant 208 : index
      %get3A_1830 = tpu.vector_load %arg12[%get3A_1829] {strides = array<i32>} : memref<256xf32, #tpu.memory_space<vmem>>, vector<16xf32>,
      %mul3A_1831 = arith.mulf %get3A_1828, %get3A_1830 : vector<16xf32>
      %add3A_1832 = arith.addf %add3A_1824, %mul3A_1831 : vector<16xf32>
      %get3A_1833 = arith.constant 4 : i32
      %get3A_1834 = arith.index_cast %get3A_1833 : i32 to index
      %get3A_1835 = arith.constant 224 : index
      %get3A_1836 = tpu.vector_load %arg9[%get3A_1834, %get3A_1835] {strides = array<i32>} : memref<8x256xf32, #tpu.memory_space<vmem>>, vector<16xf32>,
      %get3A_1837 = arith.constant 224 : index
      %get3A_1838 = tpu.vector_load %arg12[%get3A_1837] {strides = array<i32>} : memref<256xf32, #tpu.memory_space<vmem>>, vector<16xf32>,
      %mul3A_1839 = arith.mulf %get3A_1836, %get3A_1838 : vector<16xf32>
      %add3A_1840 = arith.addf %add3A_1832, %mul3A_1839 : vector<16xf32>
      %get3A_1841 = arith.constant 4 : i32
      %get3A_1842 = arith.index_cast %get3A_1841 : i32 to index
      %get3A_1843 = arith.constant 240 : index
      %get3A_1844 = tpu.vector_load %arg9[%get3A_1842, %get3A_1843] {strides = array<i32>} : memref<8x256xf32, #tpu.memory_space<vmem>>, vector<16xf32>,
      %get3A_1845 = arith.constant 240 : index
      %get3A_1846 = tpu.vector_load %arg12[%get3A_1845] {strides = array<i32>} : memref<256xf32, #tpu.memory_space<vmem>>, vector<16xf32>,
      %mul3A_1847 = arith.mulf %get3A_1844, %get3A_1846 : vector<16xf32>
      %add3A_1848 = arith.addf %add3A_1840, %mul3A_1847 : vector<16xf32>
      %broadcast_in_dim3A_1849 = arith.constant true
      %broadcast_in_dim3A_1850 = vector.broadcast %broadcast_in_dim3A_1849 : i1 to vector<16xi1>
      %masked_cumsum3A_1851 = tpu.scan <sum>, %add3A_1848 masked %broadcast_in_dim3A_1850 : vector<16xf32>, vector<16xi1> -> vector<16xf32>
      %broadcast_in_dim3A_1852 = arith.constant 15 : i32
      %broadcast_in_dim3A_1853 = vector.broadcast %broadcast_in_dim3A_1852 : i32 to vector<16x1xi32>
      %gather3A_1854 = vector.shape_cast %broadcast_in_dim3A_1853 : vector<16x1xi32> to vector<16xi32>
      %gather3A_1855 = tpu.dynamic_gather %masked_cumsum3A_1851[%gather3A_1854] in [0] : vector<16xf32>, vector<16xi32> -> vector<16xf32>
      %add3A_1856 = arith.addf %gather3A_1855, %gather3A_107 : vector<16xf32>
      %neg3A_1857 = arith.constant 0.000000e+00 : f32
      %neg3A_1858 = vector.broadcast %neg3A_1857 : f32 to vector<16xf32>
      %neg3A_1859 = arith.subf %neg3A_1858, %add3A_1856 : vector<16xf32>
      %exp3A_1860 = math.exp %neg3A_1859 : vector<16xf32>
      %add3A_1861 = arith.constant 1.000000e+00 : f32
      %add3A_1862 = vector.broadcast %add3A_1861 : f32 to vector<16xf32>
      %add3A_1863 = arith.addf %add3A_1862, %exp3A_1860 : vector<16xf32>
      %div3A_1864 = arith.constant 1.000000e+00 : f32
      %div3A_1865 = vector.broadcast %div3A_1864 : f32 to vector<16xf32>
      %div3A_1866 = arith.divf %div3A_1865, %add3A_1863 : vector<16xf32>
      %get3A_1867 = arith.constant 4 : i32
      %get3A_1868 = arith.index_cast %get3A_1867 : i32 to index
      %get3A_1869 = arith.constant 0 : index
      %get3A_1870 = tpu.vector_load %arg9[%get3A_1868, %get3A_1869] {strides = array<i32>} : memref<8x256xf32, #tpu.memory_space<vmem>>, vector<16xf32>,
      %sub3A_1871 = arith.constant 1.000000e+00 : f32
      %sub3A_1872 = vector.broadcast %sub3A_1871 : f32 to vector<16xf32>
      %sub3A_1873 = arith.subf %sub3A_1872, %div3A_1866 : vector<16xf32>
      %mul3A_1874 = arith.mulf %get3A_1870, %sub3A_1873 : vector<16xf32>
      %get3A_1875 = arith.constant 0 : index
      %get3A_1876 = tpu.vector_load %arg10[%get3A_1875] {strides = array<i32>} : memref<256xf32, #tpu.memory_space<vmem>>, vector<16xf32>,
      %mul3A_1877 = arith.mulf %get3A_1876, %div3A_1866 : vector<16xf32>
      %add3A_1878 = arith.addf %mul3A_1874, %mul3A_1877 : vector<16xf32>
      %swap3A_1879 = arith.constant 4 : i32
      %swap3A_1880 = arith.index_cast %swap3A_1879 : i32 to index
      %swap3A_1881 = arith.constant 0 : index
      %swap3A_1882 = tpu.vector_load %arg13[%swap3A_1880, %swap3A_1881] {strides = array<i32>} : memref<8x256xf32, #tpu.memory_space<vmem>>, vector<16xf32>,
      tpu.vector_store %arg13[%swap3A_1880, %swap3A_1881], %add3A_1878 {strides = array<i32>} : memref<8x256xf32, #tpu.memory_space<vmem>>, vector<16xf32>,
      %get3A_1883 = arith.constant 4 : i32
      %get3A_1884 = arith.index_cast %get3A_1883 : i32 to index
      %get3A_1885 = arith.constant 16 : index
      %get3A_1886 = tpu.vector_load %arg9[%get3A_1884, %get3A_1885] {strides = array<i32>} : memref<8x256xf32, #tpu.memory_space<vmem>>, vector<16xf32>,
      %sub3A_1887 = arith.constant 1.000000e+00 : f32
      %sub3A_1888 = vector.broadcast %sub3A_1887 : f32 to vector<16xf32>
      %sub3A_1889 = arith.subf %sub3A_1888, %div3A_1866 : vector<16xf32>
      %mul3A_1890 = arith.mulf %get3A_1886, %sub3A_1889 : vector<16xf32>
      %get3A_1891 = arith.constant 16 : index
      %get3A_1892 = tpu.vector_load %arg10[%get3A_1891] {strides = array<i32>} : memref<256xf32, #tpu.memory_space<vmem>>, vector<16xf32>,
      %mul3A_1893 = arith.mulf %get3A_1892, %div3A_1866 : vector<16xf32>
      %add3A_1894 = arith.addf %mul3A_1890, %mul3A_1893 : vector<16xf32>
      %swap3A_1895 = arith.constant 4 : i32
      %swap3A_1896 = arith.index_cast %swap3A_1895 : i32 to index
      %swap3A_1897 = arith.constant 16 : index
      %swap3A_1898 = tpu.vector_load %arg13[%swap3A_1896, %swap3A_1897] {strides = array<i32>} : memref<8x256xf32, #tpu.memory_space<vmem>>, vector<16xf32>,
      tpu.vector_store %arg13[%swap3A_1896, %swap3A_1897], %add3A_1894 {strides = array<i32>} : memref<8x256xf32, #tpu.memory_space<vmem>>, vector<16xf32>,
      %get3A_1899 = arith.constant 4 : i32
      %get3A_1900 = arith.index_cast %get3A_1899 : i32 to index
      %get3A_1901 = arith.constant 32 : index
      %get3A_1902 = tpu.vector_load %arg9[%get3A_1900, %get3A_1901] {strides = array<i32>} : memref<8x256xf32, #tpu.memory_space<vmem>>, vector<16xf32>,
      %sub3A_1903 = arith.constant 1.000000e+00 : f32
      %sub3A_1904 = vector.broadcast %sub3A_1903 : f32 to vector<16xf32>
      %sub3A_1905 = arith.subf %sub3A_1904, %div3A_1866 : vector<16xf32>
      %mul3A_1906 = arith.mulf %get3A_1902, %sub3A_1905 : vector<16xf32>
      %get3A_1907 = arith.constant 32 : index
      %get3A_1908 = tpu.vector_load %arg10[%get3A_1907] {strides = array<i32>} : memref<256xf32, #tpu.memory_space<vmem>>, vector<16xf32>,
      %mul3A_1909 = arith.mulf %get3A_1908, %div3A_1866 : vector<16xf32>
      %add3A_1910 = arith.addf %mul3A_1906, %mul3A_1909 : vector<16xf32>
      %swap3A_1911 = arith.constant 4 : i32
      %swap3A_1912 = arith.index_cast %swap3A_1911 : i32 to index
      %swap3A_1913 = arith.constant 32 : index
      %swap3A_1914 = tpu.vector_load %arg13[%swap3A_1912, %swap3A_1913] {strides = array<i32>} : memref<8x256xf32, #tpu.memory_space<vmem>>, vector<16xf32>,
      tpu.vector_store %arg13[%swap3A_1912, %swap3A_1913], %add3A_1910 {strides = array<i32>} : memref<8x256xf32, #tpu.memory_space<vmem>>, vector<16xf32>,
      %get3A_1915 = arith.constant 4 : i32
      %get3A_1916 = arith.index_cast %get3A_1915 : i32 to index
      %get3A_1917 = arith.constant 48 : index
      %get3A_1918 = tpu.vector_load %arg9[%get3A_1916, %get3A_1917] {strides = array<i32>} : memref<8x256xf32, #tpu.memory_space<vmem>>, vector<16xf32>,
      %sub3A_1919 = arith.constant 1.000000e+00 : f32
      %sub3A_1920 = vector.broadcast %sub3A_1919 : f32 to vector<16xf32>
      %sub3A_1921 = arith.subf %sub3A_1920, %div3A_1866 : vector<16xf32>
      %mul3A_1922 = arith.mulf %get3A_1918, %sub3A_1921 : vector<16xf32>
      %get3A_1923 = arith.constant 48 : index
      %get3A_1924 = tpu.vector_load %arg10[%get3A_1923] {strides = array<i32>} : memref<256xf32, #tpu.memory_space<vmem>>, vector<16xf32>,
      %mul3A_1925 = arith.mulf %get3A_1924, %div3A_1866 : vector<16xf32>
      %add3A_1926 = arith.addf %mul3A_1922, %mul3A_1925 : vector<16xf32>
      %swap3A_1927 = arith.constant 4 : i32
      %swap3A_1928 = arith.index_cast %swap3A_1927 : i32 to index
      %swap3A_1929 = arith.constant 48 : index
      %swap3A_1930 = tpu.vector_load %arg13[%swap3A_1928, %swap3A_1929] {strides = array<i32>} : memref<8x256xf32, #tpu.memory_space<vmem>>, vector<16xf32>,
      tpu.vector_store %arg13[%swap3A_1928, %swap3A_1929], %add3A_1926 {strides = array<i32>} : memref<8x256xf32, #tpu.memory_space<vmem>>, vector<16xf32>,
      %get3A_1931 = arith.constant 4 : i32
      %get3A_1932 = arith.index_cast %get3A_1931 : i32 to index
      %get3A_1933 = arith.constant 64 : index
      %get3A_1934 = tpu.vector_load %arg9[%get3A_1932, %get3A_1933] {strides = array<i32>} : memref<8x256xf32, #tpu.memory_space<vmem>>, vector<16xf32>,
      %sub3A_1935 = arith.constant 1.000000e+00 : f32
      %sub3A_1936 = vector.broadcast %sub3A_1935 : f32 to vector<16xf32>
      %sub3A_1937 = arith.subf %sub3A_1936, %div3A_1866 : vector<16xf32>
      %mul3A_1938 = arith.mulf %get3A_1934, %sub3A_1937 : vector<16xf32>
      %get3A_1939 = arith.constant 64 : index
      %get3A_1940 = tpu.vector_load %arg10[%get3A_1939] {strides = array<i32>} : memref<256xf32, #tpu.memory_space<vmem>>, vector<16xf32>,
      %mul3A_1941 = arith.mulf %get3A_1940, %div3A_1866 : vector<16xf32>
      %add3A_1942 = arith.addf %mul3A_1938, %mul3A_1941 : vector<16xf32>
      %swap3A_1943 = arith.constant 4 : i32
      %swap3A_1944 = arith.index_cast %swap3A_1943 : i32 to index
      %swap3A_1945 = arith.constant 64 : index
      %swap3A_1946 = tpu.vector_load %arg13[%swap3A_1944, %swap3A_1945] {strides = array<i32>} : memref<8x256xf32, #tpu.memory_space<vmem>>, vector<16xf32>,
      tpu.vector_store %arg13[%swap3A_1944, %swap3A_1945], %add3A_1942 {strides = array<i32>} : memref<8x256xf32, #tpu.memory_space<vmem>>, vector<16xf32>,
      %get3A_1947 = arith.constant 4 : i32
      %get3A_1948 = arith.index_cast %get3A_1947 : i32 to index
      %get3A_1949 = arith.constant 80 : index
      %get3A_1950 = tpu.vector_load %arg9[%get3A_1948, %get3A_1949] {strides = array<i32>} : memref<8x256xf32, #tpu.memory_space<vmem>>, vector<16xf32>,
      %sub3A_1951 = arith.constant 1.000000e+00 : f32
      %sub3A_1952 = vector.broadcast %sub3A_1951 : f32 to vector<16xf32>
      %sub3A_1953 = arith.subf %sub3A_1952, %div3A_1866 : vector<16xf32>
      %mul3A_1954 = arith.mulf %get3A_1950, %sub3A_1953 : vector<16xf32>
      %get3A_1955 = arith.constant 80 : index
      %get3A_1956 = tpu.vector_load %arg10[%get3A_1955] {strides = array<i32>} : memref<256xf32, #tpu.memory_space<vmem>>, vector<16xf32>,
      %mul3A_1957 = arith.mulf %get3A_1956, %div3A_1866 : vector<16xf32>
      %add3A_1958 = arith.addf %mul3A_1954, %mul3A_1957 : vector<16xf32>
      %swap3A_1959 = arith.constant 4 : i32
      %swap3A_1960 = arith.index_cast %swap3A_1959 : i32 to index
      %swap3A_1961 = arith.constant 80 : index
      %swap3A_1962 = tpu.vector_load %arg13[%swap3A_1960, %swap3A_1961] {strides = array<i32>} : memref<8x256xf32, #tpu.memory_space<vmem>>, vector<16xf32>,
      tpu.vector_store %arg13[%swap3A_1960, %swap3A_1961], %add3A_1958 {strides = array<i32>} : memref<8x256xf32, #tpu.memory_space<vmem>>, vector<16xf32>,
      %get3A_1963 = arith.constant 4 : i32
      %get3A_1964 = arith.index_cast %get3A_1963 : i32 to index
      %get3A_1965 = arith.constant 96 : index
      %get3A_1966 = tpu.vector_load %arg9[%get3A_1964, %get3A_1965] {strides = array<i32>} : memref<8x256xf32, #tpu.memory_space<vmem>>, vector<16xf32>,
      %sub3A_1967 = arith.constant 1.000000e+00 : f32
      %sub3A_1968 = vector.broadcast %sub3A_1967 : f32 to vector<16xf32>
      %sub3A_1969 = arith.subf %sub3A_1968, %div3A_1866 : vector<16xf32>
      %mul3A_1970 = arith.mulf %get3A_1966, %sub3A_1969 : vector<16xf32>
      %get3A_1971 = arith.constant 96 : index
      %get3A_1972 = tpu.vector_load %arg10[%get3A_1971] {strides = array<i32>} : memref<256xf32, #tpu.memory_space<vmem>>, vector<16xf32>,
      %mul3A_1973 = arith.mulf %get3A_1972, %div3A_1866 : vector<16xf32>
      %add3A_1974 = arith.addf %mul3A_1970, %mul3A_1973 : vector<16xf32>
      %swap3A_1975 = arith.constant 4 : i32
      %swap3A_1976 = arith.index_cast %swap3A_1975 : i32 to index
      %swap3A_1977 = arith.constant 96 : index
      %swap3A_1978 = tpu.vector_load %arg13[%swap3A_1976, %swap3A_1977] {strides = array<i32>} : memref<8x256xf32, #tpu.memory_space<vmem>>, vector<16xf32>,
      tpu.vector_store %arg13[%swap3A_1976, %swap3A_1977], %add3A_1974 {strides = array<i32>} : memref<8x256xf32, #tpu.memory_space<vmem>>, vector<16xf32>,
      %get3A_1979 = arith.constant 4 : i32
      %get3A_1980 = arith.index_cast %get3A_1979 : i32 to index
      %get3A_1981 = arith.constant 112 : index
      %get3A_1982 = tpu.vector_load %arg9[%get3A_1980, %get3A_1981] {strides = array<i32>} : memref<8x256xf32, #tpu.memory_space<vmem>>, vector<16xf32>,
      %sub3A_1983 = arith.constant 1.000000e+00 : f32
      %sub3A_1984 = vector.broadcast %sub3A_1983 : f32 to vector<16xf32>
      %sub3A_1985 = arith.subf %sub3A_1984, %div3A_1866 : vector<16xf32>
      %mul3A_1986 = arith.mulf %get3A_1982, %sub3A_1985 : vector<16xf32>
      %get3A_1987 = arith.constant 112 : index
      %get3A_1988 = tpu.vector_load %arg10[%get3A_1987] {strides = array<i32>} : memref<256xf32, #tpu.memory_space<vmem>>, vector<16xf32>,
      %mul3A_1989 = arith.mulf %get3A_1988, %div3A_1866 : vector<16xf32>
      %add3A_1990 = arith.addf %mul3A_1986, %mul3A_1989 : vector<16xf32>
      %swap3A_1991 = arith.constant 4 : i32
      %swap3A_1992 = arith.index_cast %swap3A_1991 : i32 to index
      %swap3A_1993 = arith.constant 112 : index
      %swap3A_1994 = tpu.vector_load %arg13[%swap3A_1992, %swap3A_1993] {strides = array<i32>} : memref<8x256xf32, #tpu.memory_space<vmem>>, vector<16xf32>,
      tpu.vector_store %arg13[%swap3A_1992, %swap3A_1993], %add3A_1990 {strides = array<i32>} : memref<8x256xf32, #tpu.memory_space<vmem>>, vector<16xf32>,
      %get3A_1995 = arith.constant 4 : i32
      %get3A_1996 = arith.index_cast %get3A_1995 : i32 to index
      %get3A_1997 = arith.constant 128 : index
      %get3A_1998 = tpu.vector_load %arg9[%get3A_1996, %get3A_1997] {strides = array<i32>} : memref<8x256xf32, #tpu.memory_space<vmem>>, vector<16xf32>,
      %sub3A_1999 = arith.constant 1.000000e+00 : f32
      %sub3A_2000 = vector.broadcast %sub3A_1999 : f32 to vector<16xf32>
      %sub3A_2001 = arith.subf %sub3A_2000, %div3A_1866 : vector<16xf32>
      %mul3A_2002 = arith.mulf %get3A_1998, %sub3A_2001 : vector<16xf32>
      %get3A_2003 = arith.constant 128 : index
      %get3A_2004 = tpu.vector_load %arg10[%get3A_2003] {strides = array<i32>} : memref<256xf32, #tpu.memory_space<vmem>>, vector<16xf32>,
      %mul3A_2005 = arith.mulf %get3A_2004, %div3A_1866 : vector<16xf32>
      %add3A_2006 = arith.addf %mul3A_2002, %mul3A_2005 : vector<16xf32>
      %swap3A_2007 = arith.constant 4 : i32
      %swap3A_2008 = arith.index_cast %swap3A_2007 : i32 to index
      %swap3A_2009 = arith.constant 128 : index
      %swap3A_2010 = tpu.vector_load %arg13[%swap3A_2008, %swap3A_2009] {strides = array<i32>} : memref<8x256xf32, #tpu.memory_space<vmem>>, vector<16xf32>,
      tpu.vector_store %arg13[%swap3A_2008, %swap3A_2009], %add3A_2006 {strides = array<i32>} : memref<8x256xf32, #tpu.memory_space<vmem>>, vector<16xf32>,
      %get3A_2011 = arith.constant 4 : i32
      %get3A_2012 = arith.index_cast %get3A_2011 : i32 to index
      %get3A_2013 = arith.constant 144 : index
      %get3A_2014 = tpu.vector_load %arg9[%get3A_2012, %get3A_2013] {strides = array<i32>} : memref<8x256xf32, #tpu.memory_space<vmem>>, vector<16xf32>,
      %sub3A_2015 = arith.constant 1.000000e+00 : f32
      %sub3A_2016 = vector.broadcast %sub3A_2015 : f32 to vector<16xf32>
      %sub3A_2017 = arith.subf %sub3A_2016, %div3A_1866 : vector<16xf32>
      %mul3A_2018 = arith.mulf %get3A_2014, %sub3A_2017 : vector<16xf32>
      %get3A_2019 = arith.constant 144 : index
      %get3A_2020 = tpu.vector_load %arg10[%get3A_2019] {strides = array<i32>} : memref<256xf32, #tpu.memory_space<vmem>>, vector<16xf32>,
      %mul3A_2021 = arith.mulf %get3A_2020, %div3A_1866 : vector<16xf32>
      %add3A_2022 = arith.addf %mul3A_2018, %mul3A_2021 : vector<16xf32>
      %swap3A_2023 = arith.constant 4 : i32
      %swap3A_2024 = arith.index_cast %swap3A_2023 : i32 to index
      %swap3A_2025 = arith.constant 144 : index
      %swap3A_2026 = tpu.vector_load %arg13[%swap3A_2024, %swap3A_2025] {strides = array<i32>} : memref<8x256xf32, #tpu.memory_space<vmem>>, vector<16xf32>,
      tpu.vector_store %arg13[%swap3A_2024, %swap3A_2025], %add3A_2022 {strides = array<i32>} : memref<8x256xf32, #tpu.memory_space<vmem>>, vector<16xf32>,
      %get3A_2027 = arith.constant 4 : i32
      %get3A_2028 = arith.index_cast %get3A_2027 : i32 to index
      %get3A_2029 = arith.constant 160 : index
      %get3A_2030 = tpu.vector_load %arg9[%get3A_2028, %get3A_2029] {strides = array<i32>} : memref<8x256xf32, #tpu.memory_space<vmem>>, vector<16xf32>,
      %sub3A_2031 = arith.constant 1.000000e+00 : f32
      %sub3A_2032 = vector.broadcast %sub3A_2031 : f32 to vector<16xf32>
      %sub3A_2033 = arith.subf %sub3A_2032, %div3A_1866 : vector<16xf32>
      %mul3A_2034 = arith.mulf %get3A_2030, %sub3A_2033 : vector<16xf32>
      %get3A_2035 = arith.constant 160 : index
      %get3A_2036 = tpu.vector_load %arg10[%get3A_2035] {strides = array<i32>} : memref<256xf32, #tpu.memory_space<vmem>>, vector<16xf32>,
      %mul3A_2037 = arith.mulf %get3A_2036, %div3A_1866 : vector<16xf32>
      %add3A_2038 = arith.addf %mul3A_2034, %mul3A_2037 : vector<16xf32>
      %swap3A_2039 = arith.constant 4 : i32
      %swap3A_2040 = arith.index_cast %swap3A_2039 : i32 to index
      %swap3A_2041 = arith.constant 160 : index
      %swap3A_2042 = tpu.vector_load %arg13[%swap3A_2040, %swap3A_2041] {strides = array<i32>} : memref<8x256xf32, #tpu.memory_space<vmem>>, vector<16xf32>,
      tpu.vector_store %arg13[%swap3A_2040, %swap3A_2041], %add3A_2038 {strides = array<i32>} : memref<8x256xf32, #tpu.memory_space<vmem>>, vector<16xf32>,
      %get3A_2043 = arith.constant 4 : i32
      %get3A_2044 = arith.index_cast %get3A_2043 : i32 to index
      %get3A_2045 = arith.constant 176 : index
      %get3A_2046 = tpu.vector_load %arg9[%get3A_2044, %get3A_2045] {strides = array<i32>} : memref<8x256xf32, #tpu.memory_space<vmem>>, vector<16xf32>,
      %sub3A_2047 = arith.constant 1.000000e+00 : f32
      %sub3A_2048 = vector.broadcast %sub3A_2047 : f32 to vector<16xf32>
      %sub3A_2049 = arith.subf %sub3A_2048, %div3A_1866 : vector<16xf32>
      %mul3A_2050 = arith.mulf %get3A_2046, %sub3A_2049 : vector<16xf32>
      %get3A_2051 = arith.constant 176 : index
      %get3A_2052 = tpu.vector_load %arg10[%get3A_2051] {strides = array<i32>} : memref<256xf32, #tpu.memory_space<vmem>>, vector<16xf32>,
      %mul3A_2053 = arith.mulf %get3A_2052, %div3A_1866 : vector<16xf32>
      %add3A_2054 = arith.addf %mul3A_2050, %mul3A_2053 : vector<16xf32>
      %swap3A_2055 = arith.constant 4 : i32
      %swap3A_2056 = arith.index_cast %swap3A_2055 : i32 to index
      %swap3A_2057 = arith.constant 176 : index
      %swap3A_2058 = tpu.vector_load %arg13[%swap3A_2056, %swap3A_2057] {strides = array<i32>} : memref<8x256xf32, #tpu.memory_space<vmem>>, vector<16xf32>,
      tpu.vector_store %arg13[%swap3A_2056, %swap3A_2057], %add3A_2054 {strides = array<i32>} : memref<8x256xf32, #tpu.memory_space<vmem>>, vector<16xf32>,
      %get3A_2059 = arith.constant 4 : i32
      %get3A_2060 = arith.index_cast %get3A_2059 : i32 to index
      %get3A_2061 = arith.constant 192 : index
      %get3A_2062 = tpu.vector_load %arg9[%get3A_2060, %get3A_2061] {strides = array<i32>} : memref<8x256xf32, #tpu.memory_space<vmem>>, vector<16xf32>,
      %sub3A_2063 = arith.constant 1.000000e+00 : f32
      %sub3A_2064 = vector.broadcast %sub3A_2063 : f32 to vector<16xf32>
      %sub3A_2065 = arith.subf %sub3A_2064, %div3A_1866 : vector<16xf32>
      %mul3A_2066 = arith.mulf %get3A_2062, %sub3A_2065 : vector<16xf32>
      %get3A_2067 = arith.constant 192 : index
      %get3A_2068 = tpu.vector_load %arg10[%get3A_2067] {strides = array<i32>} : memref<256xf32, #tpu.memory_space<vmem>>, vector<16xf32>,
      %mul3A_2069 = arith.mulf %get3A_2068, %div3A_1866 : vector<16xf32>
      %add3A_2070 = arith.addf %mul3A_2066, %mul3A_2069 : vector<16xf32>
      %swap3A_2071 = arith.constant 4 : i32
      %swap3A_2072 = arith.index_cast %swap3A_2071 : i32 to index
      %swap3A_2073 = arith.constant 192 : index
      %swap3A_2074 = tpu.vector_load %arg13[%swap3A_2072, %swap3A_2073] {strides = array<i32>} : memref<8x256xf32, #tpu.memory_space<vmem>>, vector<16xf32>,
      tpu.vector_store %arg13[%swap3A_2072, %swap3A_2073], %add3A_2070 {strides = array<i32>} : memref<8x256xf32, #tpu.memory_space<vmem>>, vector<16xf32>,
      %get3A_2075 = arith.constant 4 : i32
      %get3A_2076 = arith.index_cast %get3A_2075 : i32 to index
      %get3A_2077 = arith.constant 208 : index
      %get3A_2078 = tpu.vector_load %arg9[%get3A_2076, %get3A_2077] {strides = array<i32>} : memref<8x256xf32, #tpu.memory_space<vmem>>, vector<16xf32>,
      %sub3A_2079 = arith.constant 1.000000e+00 : f32
      %sub3A_2080 = vector.broadcast %sub3A_2079 : f32 to vector<16xf32>
      %sub3A_2081 = arith.subf %sub3A_2080, %div3A_1866 : vector<16xf32>
      %mul3A_2082 = arith.mulf %get3A_2078, %sub3A_2081 : vector<16xf32>
      %get3A_2083 = arith.constant 208 : index
      %get3A_2084 = tpu.vector_load %arg10[%get3A_2083] {strides = array<i32>} : memref<256xf32, #tpu.memory_space<vmem>>, vector<16xf32>,
      %mul3A_2085 = arith.mulf %get3A_2084, %div3A_1866 : vector<16xf32>
      %add3A_2086 = arith.addf %mul3A_2082, %mul3A_2085 : vector<16xf32>
      %swap3A_2087 = arith.constant 4 : i32
      %swap3A_2088 = arith.index_cast %swap3A_2087 : i32 to index
      %swap3A_2089 = arith.constant 208 : index
      %swap3A_2090 = tpu.vector_load %arg13[%swap3A_2088, %swap3A_2089] {strides = array<i32>} : memref<8x256xf32, #tpu.memory_space<vmem>>, vector<16xf32>,
      tpu.vector_store %arg13[%swap3A_2088, %swap3A_2089], %add3A_2086 {strides = array<i32>} : memref<8x256xf32, #tpu.memory_space<vmem>>, vector<16xf32>,
      %get3A_2091 = arith.constant 4 : i32
      %get3A_2092 = arith.index_cast %get3A_2091 : i32 to index
      %get3A_2093 = arith.constant 224 : index
      %get3A_2094 = tpu.vector_load %arg9[%get3A_2092, %get3A_2093] {strides = array<i32>} : memref<8x256xf32, #tpu.memory_space<vmem>>, vector<16xf32>,
      %sub3A_2095 = arith.constant 1.000000e+00 : f32
      %sub3A_2096 = vector.broadcast %sub3A_2095 : f32 to vector<16xf32>
      %sub3A_2097 = arith.subf %sub3A_2096, %div3A_1866 : vector<16xf32>
      %mul3A_2098 = arith.mulf %get3A_2094, %sub3A_2097 : vector<16xf32>
      %get3A_2099 = arith.constant 224 : index
      %get3A_2100 = tpu.vector_load %arg10[%get3A_2099] {strides = array<i32>} : memref<256xf32, #tpu.memory_space<vmem>>, vector<16xf32>,
      %mul3A_2101 = arith.mulf %get3A_2100, %div3A_1866 : vector<16xf32>
      %add3A_2102 = arith.addf %mul3A_2098, %mul3A_2101 : vector<16xf32>
      %swap3A_2103 = arith.constant 4 : i32
      %swap3A_2104 = arith.index_cast %swap3A_2103 : i32 to index
      %swap3A_2105 = arith.constant 224 : index
      %swap3A_2106 = tpu.vector_load %arg13[%swap3A_2104, %swap3A_2105] {strides = array<i32>} : memref<8x256xf32, #tpu.memory_space<vmem>>, vector<16xf32>,
      tpu.vector_store %arg13[%swap3A_2104, %swap3A_2105], %add3A_2102 {strides = array<i32>} : memref<8x256xf32, #tpu.memory_space<vmem>>, vector<16xf32>,
      %get3A_2107 = arith.constant 4 : i32
      %get3A_2108 = arith.index_cast %get3A_2107 : i32 to index
      %get3A_2109 = arith.constant 240 : index
      %get3A_2110 = tpu.vector_load %arg9[%get3A_2108, %get3A_2109] {strides = array<i32>} : memref<8x256xf32, #tpu.memory_space<vmem>>, vector<16xf32>,
      %sub3A_2111 = arith.constant 1.000000e+00 : f32
      %sub3A_2112 = vector.broadcast %sub3A_2111 : f32 to vector<16xf32>
      %sub3A_2113 = arith.subf %sub3A_2112, %div3A_1866 : vector<16xf32>
      %mul3A_2114 = arith.mulf %get3A_2110, %sub3A_2113 : vector<16xf32>
      %get3A_2115 = arith.constant 240 : index
      %get3A_2116 = tpu.vector_load %arg10[%get3A_2115] {strides = array<i32>} : memref<256xf32, #tpu.memory_space<vmem>>, vector<16xf32>,
      %mul3A_2117 = arith.mulf %get3A_2116, %div3A_1866 : vector<16xf32>
      %add3A_2118 = arith.addf %mul3A_2114, %mul3A_2117 : vector<16xf32>
      %swap3A_2119 = arith.constant 4 : i32
      %swap3A_2120 = arith.index_cast %swap3A_2119 : i32 to index
      %swap3A_2121 = arith.constant 240 : index
      %swap3A_2122 = tpu.vector_load %arg13[%swap3A_2120, %swap3A_2121] {strides = array<i32>} : memref<8x256xf32, #tpu.memory_space<vmem>>, vector<16xf32>,
      tpu.vector_store %arg13[%swap3A_2120, %swap3A_2121], %add3A_2118 {strides = array<i32>} : memref<8x256xf32, #tpu.memory_space<vmem>>, vector<16xf32>,
      %broadcast_in_dim3A_2123 = arith.constant 0.000000e+00 : f32
      %broadcast_in_dim3A_2124 = vector.broadcast %broadcast_in_dim3A_2123 : f32 to vector<16xf32>
      %get3A_2125 = arith.constant 5 : i32
      %get3A_2126 = arith.index_cast %get3A_2125 : i32 to index
      %get3A_2127 = arith.constant 0 : index
      %get3A_2128 = tpu.vector_load %arg9[%get3A_2126, %get3A_2127] {strides = array<i32>} : memref<8x256xf32, #tpu.memory_space<vmem>>, vector<16xf32>,
      %get3A_2129 = arith.constant 0 : index
      %get3A_2130 = tpu.vector_load %arg12[%get3A_2129] {strides = array<i32>} : memref<256xf32, #tpu.memory_space<vmem>>, vector<16xf32>,
      %mul3A_2131 = arith.mulf %get3A_2128, %get3A_2130 : vector<16xf32>
      %add3A_2132 = arith.addf %broadcast_in_dim3A_2124, %mul3A_2131 : vector<16xf32>
      %get3A_2133 = arith.constant 5 : i32
      %get3A_2134 = arith.index_cast %get3A_2133 : i32 to index
      %get3A_2135 = arith.constant 16 : index
      %get3A_2136 = tpu.vector_load %arg9[%get3A_2134, %get3A_2135] {strides = array<i32>} : memref<8x256xf32, #tpu.memory_space<vmem>>, vector<16xf32>,
      %get3A_2137 = arith.constant 16 : index
      %get3A_2138 = tpu.vector_load %arg12[%get3A_2137] {strides = array<i32>} : memref<256xf32, #tpu.memory_space<vmem>>, vector<16xf32>,
      %mul3A_2139 = arith.mulf %get3A_2136, %get3A_2138 : vector<16xf32>
      %add3A_2140 = arith.addf %add3A_2132, %mul3A_2139 : vector<16xf32>
      %get3A_2141 = arith.constant 5 : i32
      %get3A_2142 = arith.index_cast %get3A_2141 : i32 to index
      %get3A_2143 = arith.constant 32 : index
      %get3A_2144 = tpu.vector_load %arg9[%get3A_2142, %get3A_2143] {strides = array<i32>} : memref<8x256xf32, #tpu.memory_space<vmem>>, vector<16xf32>,
      %get3A_2145 = arith.constant 32 : index
      %get3A_2146 = tpu.vector_load %arg12[%get3A_2145] {strides = array<i32>} : memref<256xf32, #tpu.memory_space<vmem>>, vector<16xf32>,
      %mul3A_2147 = arith.mulf %get3A_2144, %get3A_2146 : vector<16xf32>
      %add3A_2148 = arith.addf %add3A_2140, %mul3A_2147 : vector<16xf32>
      %get3A_2149 = arith.constant 5 : i32
      %get3A_2150 = arith.index_cast %get3A_2149 : i32 to index
      %get3A_2151 = arith.constant 48 : index
      %get3A_2152 = tpu.vector_load %arg9[%get3A_2150, %get3A_2151] {strides = array<i32>} : memref<8x256xf32, #tpu.memory_space<vmem>>, vector<16xf32>,
      %get3A_2153 = arith.constant 48 : index
      %get3A_2154 = tpu.vector_load %arg12[%get3A_2153] {strides = array<i32>} : memref<256xf32, #tpu.memory_space<vmem>>, vector<16xf32>,
      %mul3A_2155 = arith.mulf %get3A_2152, %get3A_2154 : vector<16xf32>
      %add3A_2156 = arith.addf %add3A_2148, %mul3A_2155 : vector<16xf32>
      %get3A_2157 = arith.constant 5 : i32
      %get3A_2158 = arith.index_cast %get3A_2157 : i32 to index
      %get3A_2159 = arith.constant 64 : index
      %get3A_2160 = tpu.vector_load %arg9[%get3A_2158, %get3A_2159] {strides = array<i32>} : memref<8x256xf32, #tpu.memory_space<vmem>>, vector<16xf32>,
      %get3A_2161 = arith.constant 64 : index
      %get3A_2162 = tpu.vector_load %arg12[%get3A_2161] {strides = array<i32>} : memref<256xf32, #tpu.memory_space<vmem>>, vector<16xf32>,
      %mul3A_2163 = arith.mulf %get3A_2160, %get3A_2162 : vector<16xf32>
      %add3A_2164 = arith.addf %add3A_2156, %mul3A_2163 : vector<16xf32>
      %get3A_2165 = arith.constant 5 : i32
      %get3A_2166 = arith.index_cast %get3A_2165 : i32 to index
      %get3A_2167 = arith.constant 80 : index
      %get3A_2168 = tpu.vector_load %arg9[%get3A_2166, %get3A_2167] {strides = array<i32>} : memref<8x256xf32, #tpu.memory_space<vmem>>, vector<16xf32>,
      %get3A_2169 = arith.constant 80 : index
      %get3A_2170 = tpu.vector_load %arg12[%get3A_2169] {strides = array<i32>} : memref<256xf32, #tpu.memory_space<vmem>>, vector<16xf32>,
      %mul3A_2171 = arith.mulf %get3A_2168, %get3A_2170 : vector<16xf32>
      %add3A_2172 = arith.addf %add3A_2164, %mul3A_2171 : vector<16xf32>
      %get3A_2173 = arith.constant 5 : i32
      %get3A_2174 = arith.index_cast %get3A_2173 : i32 to index
      %get3A_2175 = arith.constant 96 : index
      %get3A_2176 = tpu.vector_load %arg9[%get3A_2174, %get3A_2175] {strides = array<i32>} : memref<8x256xf32, #tpu.memory_space<vmem>>, vector<16xf32>,
      %get3A_2177 = arith.constant 96 : index
      %get3A_2178 = tpu.vector_load %arg12[%get3A_2177] {strides = array<i32>} : memref<256xf32, #tpu.memory_space<vmem>>, vector<16xf32>,
      %mul3A_2179 = arith.mulf %get3A_2176, %get3A_2178 : vector<16xf32>
      %add3A_2180 = arith.addf %add3A_2172, %mul3A_2179 : vector<16xf32>
      %get3A_2181 = arith.constant 5 : i32
      %get3A_2182 = arith.index_cast %get3A_2181 : i32 to index
      %get3A_2183 = arith.constant 112 : index
      %get3A_2184 = tpu.vector_load %arg9[%get3A_2182, %get3A_2183] {strides = array<i32>} : memref<8x256xf32, #tpu.memory_space<vmem>>, vector<16xf32>,
      %get3A_2185 = arith.constant 112 : index
      %get3A_2186 = tpu.vector_load %arg12[%get3A_2185] {strides = array<i32>} : memref<256xf32, #tpu.memory_space<vmem>>, vector<16xf32>,
      %mul3A_2187 = arith.mulf %get3A_2184, %get3A_2186 : vector<16xf32>
      %add3A_2188 = arith.addf %add3A_2180, %mul3A_2187 : vector<16xf32>
      %get3A_2189 = arith.constant 5 : i32
      %get3A_2190 = arith.index_cast %get3A_2189 : i32 to index
      %get3A_2191 = arith.constant 128 : index
      %get3A_2192 = tpu.vector_load %arg9[%get3A_2190, %get3A_2191] {strides = array<i32>} : memref<8x256xf32, #tpu.memory_space<vmem>>, vector<16xf32>,
      %get3A_2193 = arith.constant 128 : index
      %get3A_2194 = tpu.vector_load %arg12[%get3A_2193] {strides = array<i32>} : memref<256xf32, #tpu.memory_space<vmem>>, vector<16xf32>,
      %mul3A_2195 = arith.mulf %get3A_2192, %get3A_2194 : vector<16xf32>
      %add3A_2196 = arith.addf %add3A_2188, %mul3A_2195 : vector<16xf32>
      %get3A_2197 = arith.constant 5 : i32
      %get3A_2198 = arith.index_cast %get3A_2197 : i32 to index
      %get3A_2199 = arith.constant 144 : index
      %get3A_2200 = tpu.vector_load %arg9[%get3A_2198, %get3A_2199] {strides = array<i32>} : memref<8x256xf32, #tpu.memory_space<vmem>>, vector<16xf32>,
      %get3A_2201 = arith.constant 144 : index
      %get3A_2202 = tpu.vector_load %arg12[%get3A_2201] {strides = array<i32>} : memref<256xf32, #tpu.memory_space<vmem>>, vector<16xf32>,
      %mul3A_2203 = arith.mulf %get3A_2200, %get3A_2202 : vector<16xf32>
      %add3A_2204 = arith.addf %add3A_2196, %mul3A_2203 : vector<16xf32>
      %get3A_2205 = arith.constant 5 : i32
      %get3A_2206 = arith.index_cast %get3A_2205 : i32 to index
      %get3A_2207 = arith.constant 160 : index
      %get3A_2208 = tpu.vector_load %arg9[%get3A_2206, %get3A_2207] {strides = array<i32>} : memref<8x256xf32, #tpu.memory_space<vmem>>, vector<16xf32>,
      %get3A_2209 = arith.constant 160 : index
      %get3A_2210 = tpu.vector_load %arg12[%get3A_2209] {strides = array<i32>} : memref<256xf32, #tpu.memory_space<vmem>>, vector<16xf32>,
      %mul3A_2211 = arith.mulf %get3A_2208, %get3A_2210 : vector<16xf32>
      %add3A_2212 = arith.addf %add3A_2204, %mul3A_2211 : vector<16xf32>
      %get3A_2213 = arith.constant 5 : i32
      %get3A_2214 = arith.index_cast %get3A_2213 : i32 to index
      %get3A_2215 = arith.constant 176 : index
      %get3A_2216 = tpu.vector_load %arg9[%get3A_2214, %get3A_2215] {strides = array<i32>} : memref<8x256xf32, #tpu.memory_space<vmem>>, vector<16xf32>,
      %get3A_2217 = arith.constant 176 : index
      %get3A_2218 = tpu.vector_load %arg12[%get3A_2217] {strides = array<i32>} : memref<256xf32, #tpu.memory_space<vmem>>, vector<16xf32>,
      %mul3A_2219 = arith.mulf %get3A_2216, %get3A_2218 : vector<16xf32>
      %add3A_2220 = arith.addf %add3A_2212, %mul3A_2219 : vector<16xf32>
      %get3A_2221 = arith.constant 5 : i32
      %get3A_2222 = arith.index_cast %get3A_2221 : i32 to index
      %get3A_2223 = arith.constant 192 : index
      %get3A_2224 = tpu.vector_load %arg9[%get3A_2222, %get3A_2223] {strides = array<i32>} : memref<8x256xf32, #tpu.memory_space<vmem>>, vector<16xf32>,
      %get3A_2225 = arith.constant 192 : index
      %get3A_2226 = tpu.vector_load %arg12[%get3A_2225] {strides = array<i32>} : memref<256xf32, #tpu.memory_space<vmem>>, vector<16xf32>,
      %mul3A_2227 = arith.mulf %get3A_2224, %get3A_2226 : vector<16xf32>
      %add3A_2228 = arith.addf %add3A_2220, %mul3A_2227 : vector<16xf32>
      %get3A_2229 = arith.constant 5 : i32
      %get3A_2230 = arith.index_cast %get3A_2229 : i32 to index
      %get3A_2231 = arith.constant 208 : index
      %get3A_2232 = tpu.vector_load %arg9[%get3A_2230, %get3A_2231] {strides = array<i32>} : memref<8x256xf32, #tpu.memory_space<vmem>>, vector<16xf32>,
      %get3A_2233 = arith.constant 208 : index
      %get3A_2234 = tpu.vector_load %arg12[%get3A_2233] {strides = array<i32>} : memref<256xf32, #tpu.memory_space<vmem>>, vector<16xf32>,
      %mul3A_2235 = arith.mulf %get3A_2232, %get3A_2234 : vector<16xf32>
      %add3A_2236 = arith.addf %add3A_2228, %mul3A_2235 : vector<16xf32>
      %get3A_2237 = arith.constant 5 : i32
      %get3A_2238 = arith.index_cast %get3A_2237 : i32 to index
      %get3A_2239 = arith.constant 224 : index
      %get3A_2240 = tpu.vector_load %arg9[%get3A_2238, %get3A_2239] {strides = array<i32>} : memref<8x256xf32, #tpu.memory_space<vmem>>, vector<16xf32>,
      %get3A_2241 = arith.constant 224 : index
      %get3A_2242 = tpu.vector_load %arg12[%get3A_2241] {strides = array<i32>} : memref<256xf32, #tpu.memory_space<vmem>>, vector<16xf32>,
      %mul3A_2243 = arith.mulf %get3A_2240, %get3A_2242 : vector<16xf32>
      %add3A_2244 = arith.addf %add3A_2236, %mul3A_2243 : vector<16xf32>
      %get3A_2245 = arith.constant 5 : i32
      %get3A_2246 = arith.index_cast %get3A_2245 : i32 to index
      %get3A_2247 = arith.constant 240 : index
      %get3A_2248 = tpu.vector_load %arg9[%get3A_2246, %get3A_2247] {strides = array<i32>} : memref<8x256xf32, #tpu.memory_space<vmem>>, vector<16xf32>,
      %get3A_2249 = arith.constant 240 : index
      %get3A_2250 = tpu.vector_load %arg12[%get3A_2249] {strides = array<i32>} : memref<256xf32, #tpu.memory_space<vmem>>, vector<16xf32>,
      %mul3A_2251 = arith.mulf %get3A_2248, %get3A_2250 : vector<16xf32>
      %add3A_2252 = arith.addf %add3A_2244, %mul3A_2251 : vector<16xf32>
      %broadcast_in_dim3A_2253 = arith.constant true
      %broadcast_in_dim3A_2254 = vector.broadcast %broadcast_in_dim3A_2253 : i1 to vector<16xi1>
      %masked_cumsum3A_2255 = tpu.scan <sum>, %add3A_2252 masked %broadcast_in_dim3A_2254 : vector<16xf32>, vector<16xi1> -> vector<16xf32>
      %broadcast_in_dim3A_2256 = arith.constant 15 : i32
      %broadcast_in_dim3A_2257 = vector.broadcast %broadcast_in_dim3A_2256 : i32 to vector<16x1xi32>
      %gather3A_2258 = vector.shape_cast %broadcast_in_dim3A_2257 : vector<16x1xi32> to vector<16xi32>
      %gather3A_2259 = tpu.dynamic_gather %masked_cumsum3A_2255[%gather3A_2258] in [0] : vector<16xf32>, vector<16xi32> -> vector<16xf32>
      %add3A_2260 = arith.addf %gather3A_2259, %gather3A_107 : vector<16xf32>
      %neg3A_2261 = arith.constant 0.000000e+00 : f32
      %neg3A_2262 = vector.broadcast %neg3A_2261 : f32 to vector<16xf32>
      %neg3A_2263 = arith.subf %neg3A_2262, %add3A_2260 : vector<16xf32>
      %exp3A_2264 = math.exp %neg3A_2263 : vector<16xf32>
      %add3A_2265 = arith.constant 1.000000e+00 : f32
      %add3A_2266 = vector.broadcast %add3A_2265 : f32 to vector<16xf32>
      %add3A_2267 = arith.addf %add3A_2266, %exp3A_2264 : vector<16xf32>
      %div3A_2268 = arith.constant 1.000000e+00 : f32
      %div3A_2269 = vector.broadcast %div3A_2268 : f32 to vector<16xf32>
      %div3A_2270 = arith.divf %div3A_2269, %add3A_2267 : vector<16xf32>
      %get3A_2271 = arith.constant 5 : i32
      %get3A_2272 = arith.index_cast %get3A_2271 : i32 to index
      %get3A_2273 = arith.constant 0 : index
      %get3A_2274 = tpu.vector_load %arg9[%get3A_2272, %get3A_2273] {strides = array<i32>} : memref<8x256xf32, #tpu.memory_space<vmem>>, vector<16xf32>,
      %sub3A_2275 = arith.constant 1.000000e+00 : f32
      %sub3A_2276 = vector.broadcast %sub3A_2275 : f32 to vector<16xf32>
      %sub3A_2277 = arith.subf %sub3A_2276, %div3A_2270 : vector<16xf32>
      %mul3A_2278 = arith.mulf %get3A_2274, %sub3A_2277 : vector<16xf32>
      %get3A_2279 = arith.constant 0 : index
      %get3A_2280 = tpu.vector_load %arg10[%get3A_2279] {strides = array<i32>} : memref<256xf32, #tpu.memory_space<vmem>>, vector<16xf32>,
      %mul3A_2281 = arith.mulf %get3A_2280, %div3A_2270 : vector<16xf32>
      %add3A_2282 = arith.addf %mul3A_2278, %mul3A_2281 : vector<16xf32>
      %swap3A_2283 = arith.constant 5 : i32
      %swap3A_2284 = arith.index_cast %swap3A_2283 : i32 to index
      %swap3A_2285 = arith.constant 0 : index
      %swap3A_2286 = tpu.vector_load %arg13[%swap3A_2284, %swap3A_2285] {strides = array<i32>} : memref<8x256xf32, #tpu.memory_space<vmem>>, vector<16xf32>,
      tpu.vector_store %arg13[%swap3A_2284, %swap3A_2285], %add3A_2282 {strides = array<i32>} : memref<8x256xf32, #tpu.memory_space<vmem>>, vector<16xf32>,
      %get3A_2287 = arith.constant 5 : i32
      %get3A_2288 = arith.index_cast %get3A_2287 : i32 to index
      %get3A_2289 = arith.constant 16 : index
      %get3A_2290 = tpu.vector_load %arg9[%get3A_2288, %get3A_2289] {strides = array<i32>} : memref<8x256xf32, #tpu.memory_space<vmem>>, vector<16xf32>,
      %sub3A_2291 = arith.constant 1.000000e+00 : f32
      %sub3A_2292 = vector.broadcast %sub3A_2291 : f32 to vector<16xf32>
      %sub3A_2293 = arith.subf %sub3A_2292, %div3A_2270 : vector<16xf32>
      %mul3A_2294 = arith.mulf %get3A_2290, %sub3A_2293 : vector<16xf32>
      %get3A_2295 = arith.constant 16 : index
      %get3A_2296 = tpu.vector_load %arg10[%get3A_2295] {strides = array<i32>} : memref<256xf32, #tpu.memory_space<vmem>>, vector<16xf32>,
      %mul3A_2297 = arith.mulf %get3A_2296, %div3A_2270 : vector<16xf32>
      %add3A_2298 = arith.addf %mul3A_2294, %mul3A_2297 : vector<16xf32>
      %swap3A_2299 = arith.constant 5 : i32
      %swap3A_2300 = arith.index_cast %swap3A_2299 : i32 to index
      %swap3A_2301 = arith.constant 16 : index
      %swap3A_2302 = tpu.vector_load %arg13[%swap3A_2300, %swap3A_2301] {strides = array<i32>} : memref<8x256xf32, #tpu.memory_space<vmem>>, vector<16xf32>,
      tpu.vector_store %arg13[%swap3A_2300, %swap3A_2301], %add3A_2298 {strides = array<i32>} : memref<8x256xf32, #tpu.memory_space<vmem>>, vector<16xf32>,
      %get3A_2303 = arith.constant 5 : i32
      %get3A_2304 = arith.index_cast %get3A_2303 : i32 to index
      %get3A_2305 = arith.constant 32 : index
      %get3A_2306 = tpu.vector_load %arg9[%get3A_2304, %get3A_2305] {strides = array<i32>} : memref<8x256xf32, #tpu.memory_space<vmem>>, vector<16xf32>,
      %sub3A_2307 = arith.constant 1.000000e+00 : f32
      %sub3A_2308 = vector.broadcast %sub3A_2307 : f32 to vector<16xf32>
      %sub3A_2309 = arith.subf %sub3A_2308, %div3A_2270 : vector<16xf32>
      %mul3A_2310 = arith.mulf %get3A_2306, %sub3A_2309 : vector<16xf32>
      %get3A_2311 = arith.constant 32 : index
      %get3A_2312 = tpu.vector_load %arg10[%get3A_2311] {strides = array<i32>} : memref<256xf32, #tpu.memory_space<vmem>>, vector<16xf32>,
      %mul3A_2313 = arith.mulf %get3A_2312, %div3A_2270 : vector<16xf32>
      %add3A_2314 = arith.addf %mul3A_2310, %mul3A_2313 : vector<16xf32>
      %swap3A_2315 = arith.constant 5 : i32
      %swap3A_2316 = arith.index_cast %swap3A_2315 : i32 to index
      %swap3A_2317 = arith.constant 32 : index
      %swap3A_2318 = tpu.vector_load %arg13[%swap3A_2316, %swap3A_2317] {strides = array<i32>} : memref<8x256xf32, #tpu.memory_space<vmem>>, vector<16xf32>,
      tpu.vector_store %arg13[%swap3A_2316, %swap3A_2317], %add3A_2314 {strides = array<i32>} : memref<8x256xf32, #tpu.memory_space<vmem>>, vector<16xf32>,
      %get3A_2319 = arith.constant 5 : i32
      %get3A_2320 = arith.index_cast %get3A_2319 : i32 to index
      %get3A_2321 = arith.constant 48 : index
      %get3A_2322 = tpu.vector_load %arg9[%get3A_2320, %get3A_2321] {strides = array<i32>} : memref<8x256xf32, #tpu.memory_space<vmem>>, vector<16xf32>,
      %sub3A_2323 = arith.constant 1.000000e+00 : f32
      %sub3A_2324 = vector.broadcast %sub3A_2323 : f32 to vector<16xf32>
      %sub3A_2325 = arith.subf %sub3A_2324, %div3A_2270 : vector<16xf32>
      %mul3A_2326 = arith.mulf %get3A_2322, %sub3A_2325 : vector<16xf32>
      %get3A_2327 = arith.constant 48 : index
      %get3A_2328 = tpu.vector_load %arg10[%get3A_2327] {strides = array<i32>} : memref<256xf32, #tpu.memory_space<vmem>>, vector<16xf32>,
      %mul3A_2329 = arith.mulf %get3A_2328, %div3A_2270 : vector<16xf32>
      %add3A_2330 = arith.addf %mul3A_2326, %mul3A_2329 : vector<16xf32>
      %swap3A_2331 = arith.constant 5 : i32
      %swap3A_2332 = arith.index_cast %swap3A_2331 : i32 to index
      %swap3A_2333 = arith.constant 48 : index
      %swap3A_2334 = tpu.vector_load %arg13[%swap3A_2332, %swap3A_2333] {strides = array<i32>} : memref<8x256xf32, #tpu.memory_space<vmem>>, vector<16xf32>,
      tpu.vector_store %arg13[%swap3A_2332, %swap3A_2333], %add3A_2330 {strides = array<i32>} : memref<8x256xf32, #tpu.memory_space<vmem>>, vector<16xf32>,
      %get3A_2335 = arith.constant 5 : i32
      %get3A_2336 = arith.index_cast %get3A_2335 : i32 to index
      %get3A_2337 = arith.constant 64 : index
      %get3A_2338 = tpu.vector_load %arg9[%get3A_2336, %get3A_2337] {strides = array<i32>} : memref<8x256xf32, #tpu.memory_space<vmem>>, vector<16xf32>,
      %sub3A_2339 = arith.constant 1.000000e+00 : f32
      %sub3A_2340 = vector.broadcast %sub3A_2339 : f32 to vector<16xf32>
      %sub3A_2341 = arith.subf %sub3A_2340, %div3A_2270 : vector<16xf32>
      %mul3A_2342 = arith.mulf %get3A_2338, %sub3A_2341 : vector<16xf32>
      %get3A_2343 = arith.constant 64 : index
      %get3A_2344 = tpu.vector_load %arg10[%get3A_2343] {strides = array<i32>} : memref<256xf32, #tpu.memory_space<vmem>>, vector<16xf32>,
      %mul3A_2345 = arith.mulf %get3A_2344, %div3A_2270 : vector<16xf32>
      %add3A_2346 = arith.addf %mul3A_2342, %mul3A_2345 : vector<16xf32>
      %swap3A_2347 = arith.constant 5 : i32
      %swap3A_2348 = arith.index_cast %swap3A_2347 : i32 to index
      %swap3A_2349 = arith.constant 64 : index
      %swap3A_2350 = tpu.vector_load %arg13[%swap3A_2348, %swap3A_2349] {strides = array<i32>} : memref<8x256xf32, #tpu.memory_space<vmem>>, vector<16xf32>,
      tpu.vector_store %arg13[%swap3A_2348, %swap3A_2349], %add3A_2346 {strides = array<i32>} : memref<8x256xf32, #tpu.memory_space<vmem>>, vector<16xf32>,
      %get3A_2351 = arith.constant 5 : i32
      %get3A_2352 = arith.index_cast %get3A_2351 : i32 to index
      %get3A_2353 = arith.constant 80 : index
      %get3A_2354 = tpu.vector_load %arg9[%get3A_2352, %get3A_2353] {strides = array<i32>} : memref<8x256xf32, #tpu.memory_space<vmem>>, vector<16xf32>,
      %sub3A_2355 = arith.constant 1.000000e+00 : f32
      %sub3A_2356 = vector.broadcast %sub3A_2355 : f32 to vector<16xf32>
      %sub3A_2357 = arith.subf %sub3A_2356, %div3A_2270 : vector<16xf32>
      %mul3A_2358 = arith.mulf %get3A_2354, %sub3A_2357 : vector<16xf32>
      %get3A_2359 = arith.constant 80 : index
      %get3A_2360 = tpu.vector_load %arg10[%get3A_2359] {strides = array<i32>} : memref<256xf32, #tpu.memory_space<vmem>>, vector<16xf32>,
      %mul3A_2361 = arith.mulf %get3A_2360, %div3A_2270 : vector<16xf32>
      %add3A_2362 = arith.addf %mul3A_2358, %mul3A_2361 : vector<16xf32>
      %swap3A_2363 = arith.constant 5 : i32
      %swap3A_2364 = arith.index_cast %swap3A_2363 : i32 to index
      %swap3A_2365 = arith.constant 80 : index
      %swap3A_2366 = tpu.vector_load %arg13[%swap3A_2364, %swap3A_2365] {strides = array<i32>} : memref<8x256xf32, #tpu.memory_space<vmem>>, vector<16xf32>,
      tpu.vector_store %arg13[%swap3A_2364, %swap3A_2365], %add3A_2362 {strides = array<i32>} : memref<8x256xf32, #tpu.memory_space<vmem>>, vector<16xf32>,
      %get3A_2367 = arith.constant 5 : i32
      %get3A_2368 = arith.index_cast %get3A_2367 : i32 to index
      %get3A_2369 = arith.constant 96 : index
      %get3A_2370 = tpu.vector_load %arg9[%get3A_2368, %get3A_2369] {strides = array<i32>} : memref<8x256xf32, #tpu.memory_space<vmem>>, vector<16xf32>,
      %sub3A_2371 = arith.constant 1.000000e+00 : f32
      %sub3A_2372 = vector.broadcast %sub3A_2371 : f32 to vector<16xf32>
      %sub3A_2373 = arith.subf %sub3A_2372, %div3A_2270 : vector<16xf32>
      %mul3A_2374 = arith.mulf %get3A_2370, %sub3A_2373 : vector<16xf32>
      %get3A_2375 = arith.constant 96 : index
      %get3A_2376 = tpu.vector_load %arg10[%get3A_2375] {strides = array<i32>} : memref<256xf32, #tpu.memory_space<vmem>>, vector<16xf32>,
      %mul3A_2377 = arith.mulf %get3A_2376, %div3A_2270 : vector<16xf32>
      %add3A_2378 = arith.addf %mul3A_2374, %mul3A_2377 : vector<16xf32>
      %swap3A_2379 = arith.constant 5 : i32
      %swap3A_2380 = arith.index_cast %swap3A_2379 : i32 to index
      %swap3A_2381 = arith.constant 96 : index
      %swap3A_2382 = tpu.vector_load %arg13[%swap3A_2380, %swap3A_2381] {strides = array<i32>} : memref<8x256xf32, #tpu.memory_space<vmem>>, vector<16xf32>,
      tpu.vector_store %arg13[%swap3A_2380, %swap3A_2381], %add3A_2378 {strides = array<i32>} : memref<8x256xf32, #tpu.memory_space<vmem>>, vector<16xf32>,
      %get3A_2383 = arith.constant 5 : i32
      %get3A_2384 = arith.index_cast %get3A_2383 : i32 to index
      %get3A_2385 = arith.constant 112 : index
      %get3A_2386 = tpu.vector_load %arg9[%get3A_2384, %get3A_2385] {strides = array<i32>} : memref<8x256xf32, #tpu.memory_space<vmem>>, vector<16xf32>,
      %sub3A_2387 = arith.constant 1.000000e+00 : f32
      %sub3A_2388 = vector.broadcast %sub3A_2387 : f32 to vector<16xf32>
      %sub3A_2389 = arith.subf %sub3A_2388, %div3A_2270 : vector<16xf32>
      %mul3A_2390 = arith.mulf %get3A_2386, %sub3A_2389 : vector<16xf32>
      %get3A_2391 = arith.constant 112 : index
      %get3A_2392 = tpu.vector_load %arg10[%get3A_2391] {strides = array<i32>} : memref<256xf32, #tpu.memory_space<vmem>>, vector<16xf32>,
      %mul3A_2393 = arith.mulf %get3A_2392, %div3A_2270 : vector<16xf32>
      %add3A_2394 = arith.addf %mul3A_2390, %mul3A_2393 : vector<16xf32>
      %swap3A_2395 = arith.constant 5 : i32
      %swap3A_2396 = arith.index_cast %swap3A_2395 : i32 to index
      %swap3A_2397 = arith.constant 112 : index
      %swap3A_2398 = tpu.vector_load %arg13[%swap3A_2396, %swap3A_2397] {strides = array<i32>} : memref<8x256xf32, #tpu.memory_space<vmem>>, vector<16xf32>,
      tpu.vector_store %arg13[%swap3A_2396, %swap3A_2397], %add3A_2394 {strides = array<i32>} : memref<8x256xf32, #tpu.memory_space<vmem>>, vector<16xf32>,
      %get3A_2399 = arith.constant 5 : i32
      %get3A_2400 = arith.index_cast %get3A_2399 : i32 to index
      %get3A_2401 = arith.constant 128 : index
      %get3A_2402 = tpu.vector_load %arg9[%get3A_2400, %get3A_2401] {strides = array<i32>} : memref<8x256xf32, #tpu.memory_space<vmem>>, vector<16xf32>,
      %sub3A_2403 = arith.constant 1.000000e+00 : f32
      %sub3A_2404 = vector.broadcast %sub3A_2403 : f32 to vector<16xf32>
      %sub3A_2405 = arith.subf %sub3A_2404, %div3A_2270 : vector<16xf32>
      %mul3A_2406 = arith.mulf %get3A_2402, %sub3A_2405 : vector<16xf32>
      %get3A_2407 = arith.constant 128 : index
      %get3A_2408 = tpu.vector_load %arg10[%get3A_2407] {strides = array<i32>} : memref<256xf32, #tpu.memory_space<vmem>>, vector<16xf32>,
      %mul3A_2409 = arith.mulf %get3A_2408, %div3A_2270 : vector<16xf32>
      %add3A_2410 = arith.addf %mul3A_2406, %mul3A_2409 : vector<16xf32>
      %swap3A_2411 = arith.constant 5 : i32
      %swap3A_2412 = arith.index_cast %swap3A_2411 : i32 to index
      %swap3A_2413 = arith.constant 128 : index
      %swap3A_2414 = tpu.vector_load %arg13[%swap3A_2412, %swap3A_2413] {strides = array<i32>} : memref<8x256xf32, #tpu.memory_space<vmem>>, vector<16xf32>,
      tpu.vector_store %arg13[%swap3A_2412, %swap3A_2413], %add3A_2410 {strides = array<i32>} : memref<8x256xf32, #tpu.memory_space<vmem>>, vector<16xf32>,
      %get3A_2415 = arith.constant 5 : i32
      %get3A_2416 = arith.index_cast %get3A_2415 : i32 to index
      %get3A_2417 = arith.constant 144 : index
      %get3A_2418 = tpu.vector_load %arg9[%get3A_2416, %get3A_2417] {strides = array<i32>} : memref<8x256xf32, #tpu.memory_space<vmem>>, vector<16xf32>,
      %sub3A_2419 = arith.constant 1.000000e+00 : f32
      %sub3A_2420 = vector.broadcast %sub3A_2419 : f32 to vector<16xf32>
      %sub3A_2421 = arith.subf %sub3A_2420, %div3A_2270 : vector<16xf32>
      %mul3A_2422 = arith.mulf %get3A_2418, %sub3A_2421 : vector<16xf32>
      %get3A_2423 = arith.constant 144 : index
      %get3A_2424 = tpu.vector_load %arg10[%get3A_2423] {strides = array<i32>} : memref<256xf32, #tpu.memory_space<vmem>>, vector<16xf32>,
      %mul3A_2425 = arith.mulf %get3A_2424, %div3A_2270 : vector<16xf32>
      %add3A_2426 = arith.addf %mul3A_2422, %mul3A_2425 : vector<16xf32>
      %swap3A_2427 = arith.constant 5 : i32
      %swap3A_2428 = arith.index_cast %swap3A_2427 : i32 to index
      %swap3A_2429 = arith.constant 144 : index
      %swap3A_2430 = tpu.vector_load %arg13[%swap3A_2428, %swap3A_2429] {strides = array<i32>} : memref<8x256xf32, #tpu.memory_space<vmem>>, vector<16xf32>,
      tpu.vector_store %arg13[%swap3A_2428, %swap3A_2429], %add3A_2426 {strides = array<i32>} : memref<8x256xf32, #tpu.memory_space<vmem>>, vector<16xf32>,
      %get3A_2431 = arith.constant 5 : i32
      %get3A_2432 = arith.index_cast %get3A_2431 : i32 to index
      %get3A_2433 = arith.constant 160 : index
      %get3A_2434 = tpu.vector_load %arg9[%get3A_2432, %get3A_2433] {strides = array<i32>} : memref<8x256xf32, #tpu.memory_space<vmem>>, vector<16xf32>,
      %sub3A_2435 = arith.constant 1.000000e+00 : f32
      %sub3A_2436 = vector.broadcast %sub3A_2435 : f32 to vector<16xf32>
      %sub3A_2437 = arith.subf %sub3A_2436, %div3A_2270 : vector<16xf32>
      %mul3A_2438 = arith.mulf %get3A_2434, %sub3A_2437 : vector<16xf32>
      %get3A_2439 = arith.constant 160 : index
      %get3A_2440 = tpu.vector_load %arg10[%get3A_2439] {strides = array<i32>} : memref<256xf32, #tpu.memory_space<vmem>>, vector<16xf32>,
      %mul3A_2441 = arith.mulf %get3A_2440, %div3A_2270 : vector<16xf32>
      %add3A_2442 = arith.addf %mul3A_2438, %mul3A_2441 : vector<16xf32>
      %swap3A_2443 = arith.constant 5 : i32
      %swap3A_2444 = arith.index_cast %swap3A_2443 : i32 to index
      %swap3A_2445 = arith.constant 160 : index
      %swap3A_2446 = tpu.vector_load %arg13[%swap3A_2444, %swap3A_2445] {strides = array<i32>} : memref<8x256xf32, #tpu.memory_space<vmem>>, vector<16xf32>,
      tpu.vector_store %arg13[%swap3A_2444, %swap3A_2445], %add3A_2442 {strides = array<i32>} : memref<8x256xf32, #tpu.memory_space<vmem>>, vector<16xf32>,
      %get3A_2447 = arith.constant 5 : i32
      %get3A_2448 = arith.index_cast %get3A_2447 : i32 to index
      %get3A_2449 = arith.constant 176 : index
      %get3A_2450 = tpu.vector_load %arg9[%get3A_2448, %get3A_2449] {strides = array<i32>} : memref<8x256xf32, #tpu.memory_space<vmem>>, vector<16xf32>,
      %sub3A_2451 = arith.constant 1.000000e+00 : f32
      %sub3A_2452 = vector.broadcast %sub3A_2451 : f32 to vector<16xf32>
      %sub3A_2453 = arith.subf %sub3A_2452, %div3A_2270 : vector<16xf32>
      %mul3A_2454 = arith.mulf %get3A_2450, %sub3A_2453 : vector<16xf32>
      %get3A_2455 = arith.constant 176 : index
      %get3A_2456 = tpu.vector_load %arg10[%get3A_2455] {strides = array<i32>} : memref<256xf32, #tpu.memory_space<vmem>>, vector<16xf32>,
      %mul3A_2457 = arith.mulf %get3A_2456, %div3A_2270 : vector<16xf32>
      %add3A_2458 = arith.addf %mul3A_2454, %mul3A_2457 : vector<16xf32>
      %swap3A_2459 = arith.constant 5 : i32
      %swap3A_2460 = arith.index_cast %swap3A_2459 : i32 to index
      %swap3A_2461 = arith.constant 176 : index
      %swap3A_2462 = tpu.vector_load %arg13[%swap3A_2460, %swap3A_2461] {strides = array<i32>} : memref<8x256xf32, #tpu.memory_space<vmem>>, vector<16xf32>,
      tpu.vector_store %arg13[%swap3A_2460, %swap3A_2461], %add3A_2458 {strides = array<i32>} : memref<8x256xf32, #tpu.memory_space<vmem>>, vector<16xf32>,
      %get3A_2463 = arith.constant 5 : i32
      %get3A_2464 = arith.index_cast %get3A_2463 : i32 to index
      %get3A_2465 = arith.constant 192 : index
      %get3A_2466 = tpu.vector_load %arg9[%get3A_2464, %get3A_2465] {strides = array<i32>} : memref<8x256xf32, #tpu.memory_space<vmem>>, vector<16xf32>,
      %sub3A_2467 = arith.constant 1.000000e+00 : f32
      %sub3A_2468 = vector.broadcast %sub3A_2467 : f32 to vector<16xf32>
      %sub3A_2469 = arith.subf %sub3A_2468, %div3A_2270 : vector<16xf32>
      %mul3A_2470 = arith.mulf %get3A_2466, %sub3A_2469 : vector<16xf32>
      %get3A_2471 = arith.constant 192 : index
      %get3A_2472 = tpu.vector_load %arg10[%get3A_2471] {strides = array<i32>} : memref<256xf32, #tpu.memory_space<vmem>>, vector<16xf32>,
      %mul3A_2473 = arith.mulf %get3A_2472, %div3A_2270 : vector<16xf32>
      %add3A_2474 = arith.addf %mul3A_2470, %mul3A_2473 : vector<16xf32>
      %swap3A_2475 = arith.constant 5 : i32
      %swap3A_2476 = arith.index_cast %swap3A_2475 : i32 to index
      %swap3A_2477 = arith.constant 192 : index
      %swap3A_2478 = tpu.vector_load %arg13[%swap3A_2476, %swap3A_2477] {strides = array<i32>} : memref<8x256xf32, #tpu.memory_space<vmem>>, vector<16xf32>,
      tpu.vector_store %arg13[%swap3A_2476, %swap3A_2477], %add3A_2474 {strides = array<i32>} : memref<8x256xf32, #tpu.memory_space<vmem>>, vector<16xf32>,
      %get3A_2479 = arith.constant 5 : i32
      %get3A_2480 = arith.index_cast %get3A_2479 : i32 to index
      %get3A_2481 = arith.constant 208 : index
      %get3A_2482 = tpu.vector_load %arg9[%get3A_2480, %get3A_2481] {strides = array<i32>} : memref<8x256xf32, #tpu.memory_space<vmem>>, vector<16xf32>,
      %sub3A_2483 = arith.constant 1.000000e+00 : f32
      %sub3A_2484 = vector.broadcast %sub3A_2483 : f32 to vector<16xf32>
      %sub3A_2485 = arith.subf %sub3A_2484, %div3A_2270 : vector<16xf32>
      %mul3A_2486 = arith.mulf %get3A_2482, %sub3A_2485 : vector<16xf32>
      %get3A_2487 = arith.constant 208 : index
      %get3A_2488 = tpu.vector_load %arg10[%get3A_2487] {strides = array<i32>} : memref<256xf32, #tpu.memory_space<vmem>>, vector<16xf32>,
      %mul3A_2489 = arith.mulf %get3A_2488, %div3A_2270 : vector<16xf32>
      %add3A_2490 = arith.addf %mul3A_2486, %mul3A_2489 : vector<16xf32>
      %swap3A_2491 = arith.constant 5 : i32
      %swap3A_2492 = arith.index_cast %swap3A_2491 : i32 to index
      %swap3A_2493 = arith.constant 208 : index
      %swap3A_2494 = tpu.vector_load %arg13[%swap3A_2492, %swap3A_2493] {strides = array<i32>} : memref<8x256xf32, #tpu.memory_space<vmem>>, vector<16xf32>,
      tpu.vector_store %arg13[%swap3A_2492, %swap3A_2493], %add3A_2490 {strides = array<i32>} : memref<8x256xf32, #tpu.memory_space<vmem>>, vector<16xf32>,
      %get3A_2495 = arith.constant 5 : i32
      %get3A_2496 = arith.index_cast %get3A_2495 : i32 to index
      %get3A_2497 = arith.constant 224 : index
      %get3A_2498 = tpu.vector_load %arg9[%get3A_2496, %get3A_2497] {strides = array<i32>} : memref<8x256xf32, #tpu.memory_space<vmem>>, vector<16xf32>,
      %sub3A_2499 = arith.constant 1.000000e+00 : f32
      %sub3A_2500 = vector.broadcast %sub3A_2499 : f32 to vector<16xf32>
      %sub3A_2501 = arith.subf %sub3A_2500, %div3A_2270 : vector<16xf32>
      %mul3A_2502 = arith.mulf %get3A_2498, %sub3A_2501 : vector<16xf32>
      %get3A_2503 = arith.constant 224 : index
      %get3A_2504 = tpu.vector_load %arg10[%get3A_2503] {strides = array<i32>} : memref<256xf32, #tpu.memory_space<vmem>>, vector<16xf32>,
      %mul3A_2505 = arith.mulf %get3A_2504, %div3A_2270 : vector<16xf32>
      %add3A_2506 = arith.addf %mul3A_2502, %mul3A_2505 : vector<16xf32>
      %swap3A_2507 = arith.constant 5 : i32
      %swap3A_2508 = arith.index_cast %swap3A_2507 : i32 to index
      %swap3A_2509 = arith.constant 224 : index
      %swap3A_2510 = tpu.vector_load %arg13[%swap3A_2508, %swap3A_2509] {strides = array<i32>} : memref<8x256xf32, #tpu.memory_space<vmem>>, vector<16xf32>,
      tpu.vector_store %arg13[%swap3A_2508, %swap3A_2509], %add3A_2506 {strides = array<i32>} : memref<8x256xf32, #tpu.memory_space<vmem>>, vector<16xf32>,
      %get3A_2511 = arith.constant 5 : i32
      %get3A_2512 = arith.index_cast %get3A_2511 : i32 to index
      %get3A_2513 = arith.constant 240 : index
      %get3A_2514 = tpu.vector_load %arg9[%get3A_2512, %get3A_2513] {strides = array<i32>} : memref<8x256xf32, #tpu.memory_space<vmem>>, vector<16xf32>,
      %sub3A_2515 = arith.constant 1.000000e+00 : f32
      %sub3A_2516 = vector.broadcast %sub3A_2515 : f32 to vector<16xf32>
      %sub3A_2517 = arith.subf %sub3A_2516, %div3A_2270 : vector<16xf32>
      %mul3A_2518 = arith.mulf %get3A_2514, %sub3A_2517 : vector<16xf32>
      %get3A_2519 = arith.constant 240 : index
      %get3A_2520 = tpu.vector_load %arg10[%get3A_2519] {strides = array<i32>} : memref<256xf32, #tpu.memory_space<vmem>>, vector<16xf32>,
      %mul3A_2521 = arith.mulf %get3A_2520, %div3A_2270 : vector<16xf32>
      %add3A_2522 = arith.addf %mul3A_2518, %mul3A_2521 : vector<16xf32>
      %swap3A_2523 = arith.constant 5 : i32
      %swap3A_2524 = arith.index_cast %swap3A_2523 : i32 to index
      %swap3A_2525 = arith.constant 240 : index
      %swap3A_2526 = tpu.vector_load %arg13[%swap3A_2524, %swap3A_2525] {strides = array<i32>} : memref<8x256xf32, #tpu.memory_space<vmem>>, vector<16xf32>,
      tpu.vector_store %arg13[%swap3A_2524, %swap3A_2525], %add3A_2522 {strides = array<i32>} : memref<8x256xf32, #tpu.memory_space<vmem>>, vector<16xf32>,
      %broadcast_in_dim3A_2527 = arith.constant 0.000000e+00 : f32
      %broadcast_in_dim3A_2528 = vector.broadcast %broadcast_in_dim3A_2527 : f32 to vector<16xf32>
      %get3A_2529 = arith.constant 6 : i32
      %get3A_2530 = arith.index_cast %get3A_2529 : i32 to index
      %get3A_2531 = arith.constant 0 : index
      %get3A_2532 = tpu.vector_load %arg9[%get3A_2530, %get3A_2531] {strides = array<i32>} : memref<8x256xf32, #tpu.memory_space<vmem>>, vector<16xf32>,
      %get3A_2533 = arith.constant 0 : index
      %get3A_2534 = tpu.vector_load %arg12[%get3A_2533] {strides = array<i32>} : memref<256xf32, #tpu.memory_space<vmem>>, vector<16xf32>,
      %mul3A_2535 = arith.mulf %get3A_2532, %get3A_2534 : vector<16xf32>
      %add3A_2536 = arith.addf %broadcast_in_dim3A_2528, %mul3A_2535 : vector<16xf32>
      %get3A_2537 = arith.constant 6 : i32
      %get3A_2538 = arith.index_cast %get3A_2537 : i32 to index
      %get3A_2539 = arith.constant 16 : index
      %get3A_2540 = tpu.vector_load %arg9[%get3A_2538, %get3A_2539] {strides = array<i32>} : memref<8x256xf32, #tpu.memory_space<vmem>>, vector<16xf32>,
      %get3A_2541 = arith.constant 16 : index
      %get3A_2542 = tpu.vector_load %arg12[%get3A_2541] {strides = array<i32>} : memref<256xf32, #tpu.memory_space<vmem>>, vector<16xf32>,
      %mul3A_2543 = arith.mulf %get3A_2540, %get3A_2542 : vector<16xf32>
      %add3A_2544 = arith.addf %add3A_2536, %mul3A_2543 : vector<16xf32>
      %get3A_2545 = arith.constant 6 : i32
      %get3A_2546 = arith.index_cast %get3A_2545 : i32 to index
      %get3A_2547 = arith.constant 32 : index
      %get3A_2548 = tpu.vector_load %arg9[%get3A_2546, %get3A_2547] {strides = array<i32>} : memref<8x256xf32, #tpu.memory_space<vmem>>, vector<16xf32>,
      %get3A_2549 = arith.constant 32 : index
      %get3A_2550 = tpu.vector_load %arg12[%get3A_2549] {strides = array<i32>} : memref<256xf32, #tpu.memory_space<vmem>>, vector<16xf32>,
      %mul3A_2551 = arith.mulf %get3A_2548, %get3A_2550 : vector<16xf32>
      %add3A_2552 = arith.addf %add3A_2544, %mul3A_2551 : vector<16xf32>
      %get3A_2553 = arith.constant 6 : i32
      %get3A_2554 = arith.index_cast %get3A_2553 : i32 to index
      %get3A_2555 = arith.constant 48 : index
      %get3A_2556 = tpu.vector_load %arg9[%get3A_2554, %get3A_2555] {strides = array<i32>} : memref<8x256xf32, #tpu.memory_space<vmem>>, vector<16xf32>,
      %get3A_2557 = arith.constant 48 : index
      %get3A_2558 = tpu.vector_load %arg12[%get3A_2557] {strides = array<i32>} : memref<256xf32, #tpu.memory_space<vmem>>, vector<16xf32>,
      %mul3A_2559 = arith.mulf %get3A_2556, %get3A_2558 : vector<16xf32>
      %add3A_2560 = arith.addf %add3A_2552, %mul3A_2559 : vector<16xf32>
      %get3A_2561 = arith.constant 6 : i32
      %get3A_2562 = arith.index_cast %get3A_2561 : i32 to index
      %get3A_2563 = arith.constant 64 : index
      %get3A_2564 = tpu.vector_load %arg9[%get3A_2562, %get3A_2563] {strides = array<i32>} : memref<8x256xf32, #tpu.memory_space<vmem>>, vector<16xf32>,
      %get3A_2565 = arith.constant 64 : index
      %get3A_2566 = tpu.vector_load %arg12[%get3A_2565] {strides = array<i32>} : memref<256xf32, #tpu.memory_space<vmem>>, vector<16xf32>,
      %mul3A_2567 = arith.mulf %get3A_2564, %get3A_2566 : vector<16xf32>
      %add3A_2568 = arith.addf %add3A_2560, %mul3A_2567 : vector<16xf32>
      %get3A_2569 = arith.constant 6 : i32
      %get3A_2570 = arith.index_cast %get3A_2569 : i32 to index
      %get3A_2571 = arith.constant 80 : index
      %get3A_2572 = tpu.vector_load %arg9[%get3A_2570, %get3A_2571] {strides = array<i32>} : memref<8x256xf32, #tpu.memory_space<vmem>>, vector<16xf32>,
      %get3A_2573 = arith.constant 80 : index
      %get3A_2574 = tpu.vector_load %arg12[%get3A_2573] {strides = array<i32>} : memref<256xf32, #tpu.memory_space<vmem>>, vector<16xf32>,
      %mul3A_2575 = arith.mulf %get3A_2572, %get3A_2574 : vector<16xf32>
      %add3A_2576 = arith.addf %add3A_2568, %mul3A_2575 : vector<16xf32>
      %get3A_2577 = arith.constant 6 : i32
      %get3A_2578 = arith.index_cast %get3A_2577 : i32 to index
      %get3A_2579 = arith.constant 96 : index
      %get3A_2580 = tpu.vector_load %arg9[%get3A_2578, %get3A_2579] {strides = array<i32>} : memref<8x256xf32, #tpu.memory_space<vmem>>, vector<16xf32>,
      %get3A_2581 = arith.constant 96 : index
      %get3A_2582 = tpu.vector_load %arg12[%get3A_2581] {strides = array<i32>} : memref<256xf32, #tpu.memory_space<vmem>>, vector<16xf32>,
      %mul3A_2583 = arith.mulf %get3A_2580, %get3A_2582 : vector<16xf32>
      %add3A_2584 = arith.addf %add3A_2576, %mul3A_2583 : vector<16xf32>
      %get3A_2585 = arith.constant 6 : i32
      %get3A_2586 = arith.index_cast %get3A_2585 : i32 to index
      %get3A_2587 = arith.constant 112 : index
      %get3A_2588 = tpu.vector_load %arg9[%get3A_2586, %get3A_2587] {strides = array<i32>} : memref<8x256xf32, #tpu.memory_space<vmem>>, vector<16xf32>,
      %get3A_2589 = arith.constant 112 : index
      %get3A_2590 = tpu.vector_load %arg12[%get3A_2589] {strides = array<i32>} : memref<256xf32, #tpu.memory_space<vmem>>, vector<16xf32>,
      %mul3A_2591 = arith.mulf %get3A_2588, %get3A_2590 : vector<16xf32>
      %add3A_2592 = arith.addf %add3A_2584, %mul3A_2591 : vector<16xf32>
      %get3A_2593 = arith.constant 6 : i32
      %get3A_2594 = arith.index_cast %get3A_2593 : i32 to index
      %get3A_2595 = arith.constant 128 : index
      %get3A_2596 = tpu.vector_load %arg9[%get3A_2594, %get3A_2595] {strides = array<i32>} : memref<8x256xf32, #tpu.memory_space<vmem>>, vector<16xf32>,
      %get3A_2597 = arith.constant 128 : index
      %get3A_2598 = tpu.vector_load %arg12[%get3A_2597] {strides = array<i32>} : memref<256xf32, #tpu.memory_space<vmem>>, vector<16xf32>,
      %mul3A_2599 = arith.mulf %get3A_2596, %get3A_2598 : vector<16xf32>
      %add3A_2600 = arith.addf %add3A_2592, %mul3A_2599 : vector<16xf32>
      %get3A_2601 = arith.constant 6 : i32
      %get3A_2602 = arith.index_cast %get3A_2601 : i32 to index
      %get3A_2603 = arith.constant 144 : index
      %get3A_2604 = tpu.vector_load %arg9[%get3A_2602, %get3A_2603] {strides = array<i32>} : memref<8x256xf32, #tpu.memory_space<vmem>>, vector<16xf32>,
      %get3A_2605 = arith.constant 144 : index
      %get3A_2606 = tpu.vector_load %arg12[%get3A_2605] {strides = array<i32>} : memref<256xf32, #tpu.memory_space<vmem>>, vector<16xf32>,
      %mul3A_2607 = arith.mulf %get3A_2604, %get3A_2606 : vector<16xf32>
      %add3A_2608 = arith.addf %add3A_2600, %mul3A_2607 : vector<16xf32>
      %get3A_2609 = arith.constant 6 : i32
      %get3A_2610 = arith.index_cast %get3A_2609 : i32 to index
      %get3A_2611 = arith.constant 160 : index
      %get3A_2612 = tpu.vector_load %arg9[%get3A_2610, %get3A_2611] {strides = array<i32>} : memref<8x256xf32, #tpu.memory_space<vmem>>, vector<16xf32>,
      %get3A_2613 = arith.constant 160 : index
      %get3A_2614 = tpu.vector_load %arg12[%get3A_2613] {strides = array<i32>} : memref<256xf32, #tpu.memory_space<vmem>>, vector<16xf32>,
      %mul3A_2615 = arith.mulf %get3A_2612, %get3A_2614 : vector<16xf32>
      %add3A_2616 = arith.addf %add3A_2608, %mul3A_2615 : vector<16xf32>
      %get3A_2617 = arith.constant 6 : i32
      %get3A_2618 = arith.index_cast %get3A_2617 : i32 to index
      %get3A_2619 = arith.constant 176 : index
      %get3A_2620 = tpu.vector_load %arg9[%get3A_2618, %get3A_2619] {strides = array<i32>} : memref<8x256xf32, #tpu.memory_space<vmem>>, vector<16xf32>,
      %get3A_2621 = arith.constant 176 : index
      %get3A_2622 = tpu.vector_load %arg12[%get3A_2621] {strides = array<i32>} : memref<256xf32, #tpu.memory_space<vmem>>, vector<16xf32>,
      %mul3A_2623 = arith.mulf %get3A_2620, %get3A_2622 : vector<16xf32>
      %add3A_2624 = arith.addf %add3A_2616, %mul3A_2623 : vector<16xf32>
      %get3A_2625 = arith.constant 6 : i32
      %get3A_2626 = arith.index_cast %get3A_2625 : i32 to index
      %get3A_2627 = arith.constant 192 : index
      %get3A_2628 = tpu.vector_load %arg9[%get3A_2626, %get3A_2627] {strides = array<i32>} : memref<8x256xf32, #tpu.memory_space<vmem>>, vector<16xf32>,
      %get3A_2629 = arith.constant 192 : index
      %get3A_2630 = tpu.vector_load %arg12[%get3A_2629] {strides = array<i32>} : memref<256xf32, #tpu.memory_space<vmem>>, vector<16xf32>,
      %mul3A_2631 = arith.mulf %get3A_2628, %get3A_2630 : vector<16xf32>
      %add3A_2632 = arith.addf %add3A_2624, %mul3A_2631 : vector<16xf32>
      %get3A_2633 = arith.constant 6 : i32
      %get3A_2634 = arith.index_cast %get3A_2633 : i32 to index
      %get3A_2635 = arith.constant 208 : index
      %get3A_2636 = tpu.vector_load %arg9[%get3A_2634, %get3A_2635] {strides = array<i32>} : memref<8x256xf32, #tpu.memory_space<vmem>>, vector<16xf32>,
      %get3A_2637 = arith.constant 208 : index
      %get3A_2638 = tpu.vector_load %arg12[%get3A_2637] {strides = array<i32>} : memref<256xf32, #tpu.memory_space<vmem>>, vector<16xf32>,
      %mul3A_2639 = arith.mulf %get3A_2636, %get3A_2638 : vector<16xf32>
      %add3A_2640 = arith.addf %add3A_2632, %mul3A_2639 : vector<16xf32>
      %get3A_2641 = arith.constant 6 : i32
      %get3A_2642 = arith.index_cast %get3A_2641 : i32 to index
      %get3A_2643 = arith.constant 224 : index
      %get3A_2644 = tpu.vector_load %arg9[%get3A_2642, %get3A_2643] {strides = array<i32>} : memref<8x256xf32, #tpu.memory_space<vmem>>, vector<16xf32>,
      %get3A_2645 = arith.constant 224 : index
      %get3A_2646 = tpu.vector_load %arg12[%get3A_2645] {strides = array<i32>} : memref<256xf32, #tpu.memory_space<vmem>>, vector<16xf32>,
      %mul3A_2647 = arith.mulf %get3A_2644, %get3A_2646 : vector<16xf32>
      %add3A_2648 = arith.addf %add3A_2640, %mul3A_2647 : vector<16xf32>
      %get3A_2649 = arith.constant 6 : i32
      %get3A_2650 = arith.index_cast %get3A_2649 : i32 to index
      %get3A_2651 = arith.constant 240 : index
      %get3A_2652 = tpu.vector_load %arg9[%get3A_2650, %get3A_2651] {strides = array<i32>} : memref<8x256xf32, #tpu.memory_space<vmem>>, vector<16xf32>,
      %get3A_2653 = arith.constant 240 : index
      %get3A_2654 = tpu.vector_load %arg12[%get3A_2653] {strides = array<i32>} : memref<256xf32, #tpu.memory_space<vmem>>, vector<16xf32>,
      %mul3A_2655 = arith.mulf %get3A_2652, %get3A_2654 : vector<16xf32>
      %add3A_2656 = arith.addf %add3A_2648, %mul3A_2655 : vector<16xf32>
      %broadcast_in_dim3A_2657 = arith.constant true
      %broadcast_in_dim3A_2658 = vector.broadcast %broadcast_in_dim3A_2657 : i1 to vector<16xi1>
      %masked_cumsum3A_2659 = tpu.scan <sum>, %add3A_2656 masked %broadcast_in_dim3A_2658 : vector<16xf32>, vector<16xi1> -> vector<16xf32>
      %broadcast_in_dim3A_2660 = arith.constant 15 : i32
      %broadcast_in_dim3A_2661 = vector.broadcast %broadcast_in_dim3A_2660 : i32 to vector<16x1xi32>
      %gather3A_2662 = vector.shape_cast %broadcast_in_dim3A_2661 : vector<16x1xi32> to vector<16xi32>
      %gather3A_2663 = tpu.dynamic_gather %masked_cumsum3A_2659[%gather3A_2662] in [0] : vector<16xf32>, vector<16xi32> -> vector<16xf32>
      %add3A_2664 = arith.addf %gather3A_2663, %gather3A_107 : vector<16xf32>
      %neg3A_2665 = arith.constant 0.000000e+00 : f32
      %neg3A_2666 = vector.broadcast %neg3A_2665 : f32 to vector<16xf32>
      %neg3A_2667 = arith.subf %neg3A_2666, %add3A_2664 : vector<16xf32>
      %exp3A_2668 = math.exp %neg3A_2667 : vector<16xf32>
      %add3A_2669 = arith.constant 1.000000e+00 : f32
      %add3A_2670 = vector.broadcast %add3A_2669 : f32 to vector<16xf32>
      %add3A_2671 = arith.addf %add3A_2670, %exp3A_2668 : vector<16xf32>
      %div3A_2672 = arith.constant 1.000000e+00 : f32
      %div3A_2673 = vector.broadcast %div3A_2672 : f32 to vector<16xf32>
      %div3A_2674 = arith.divf %div3A_2673, %add3A_2671 : vector<16xf32>
      %get3A_2675 = arith.constant 6 : i32
      %get3A_2676 = arith.index_cast %get3A_2675 : i32 to index
      %get3A_2677 = arith.constant 0 : index
      %get3A_2678 = tpu.vector_load %arg9[%get3A_2676, %get3A_2677] {strides = array<i32>} : memref<8x256xf32, #tpu.memory_space<vmem>>, vector<16xf32>,
      %sub3A_2679 = arith.constant 1.000000e+00 : f32
      %sub3A_2680 = vector.broadcast %sub3A_2679 : f32 to vector<16xf32>
      %sub3A_2681 = arith.subf %sub3A_2680, %div3A_2674 : vector<16xf32>
      %mul3A_2682 = arith.mulf %get3A_2678, %sub3A_2681 : vector<16xf32>
      %get3A_2683 = arith.constant 0 : index
      %get3A_2684 = tpu.vector_load %arg10[%get3A_2683] {strides = array<i32>} : memref<256xf32, #tpu.memory_space<vmem>>, vector<16xf32>,
      %mul3A_2685 = arith.mulf %get3A_2684, %div3A_2674 : vector<16xf32>
      %add3A_2686 = arith.addf %mul3A_2682, %mul3A_2685 : vector<16xf32>
      %swap3A_2687 = arith.constant 6 : i32
      %swap3A_2688 = arith.index_cast %swap3A_2687 : i32 to index
      %swap3A_2689 = arith.constant 0 : index
      %swap3A_2690 = tpu.vector_load %arg13[%swap3A_2688, %swap3A_2689] {strides = array<i32>} : memref<8x256xf32, #tpu.memory_space<vmem>>, vector<16xf32>,
      tpu.vector_store %arg13[%swap3A_2688, %swap3A_2689], %add3A_2686 {strides = array<i32>} : memref<8x256xf32, #tpu.memory_space<vmem>>, vector<16xf32>,
      %get3A_2691 = arith.constant 6 : i32
      %get3A_2692 = arith.index_cast %get3A_2691 : i32 to index
      %get3A_2693 = arith.constant 16 : index
      %get3A_2694 = tpu.vector_load %arg9[%get3A_2692, %get3A_2693] {strides = array<i32>} : memref<8x256xf32, #tpu.memory_space<vmem>>, vector<16xf32>,
      %sub3A_2695 = arith.constant 1.000000e+00 : f32
      %sub3A_2696 = vector.broadcast %sub3A_2695 : f32 to vector<16xf32>
      %sub3A_2697 = arith.subf %sub3A_2696, %div3A_2674 : vector<16xf32>
      %mul3A_2698 = arith.mulf %get3A_2694, %sub3A_2697 : vector<16xf32>
      %get3A_2699 = arith.constant 16 : index
      %get3A_2700 = tpu.vector_load %arg10[%get3A_2699] {strides = array<i32>} : memref<256xf32, #tpu.memory_space<vmem>>, vector<16xf32>,
      %mul3A_2701 = arith.mulf %get3A_2700, %div3A_2674 : vector<16xf32>
      %add3A_2702 = arith.addf %mul3A_2698, %mul3A_2701 : vector<16xf32>
      %swap3A_2703 = arith.constant 6 : i32
      %swap3A_2704 = arith.index_cast %swap3A_2703 : i32 to index
      %swap3A_2705 = arith.constant 16 : index
      %swap3A_2706 = tpu.vector_load %arg13[%swap3A_2704, %swap3A_2705] {strides = array<i32>} : memref<8x256xf32, #tpu.memory_space<vmem>>, vector<16xf32>,
      tpu.vector_store %arg13[%swap3A_2704, %swap3A_2705], %add3A_2702 {strides = array<i32>} : memref<8x256xf32, #tpu.memory_space<vmem>>, vector<16xf32>,
      %get3A_2707 = arith.constant 6 : i32
      %get3A_2708 = arith.index_cast %get3A_2707 : i32 to index
      %get3A_2709 = arith.constant 32 : index
      %get3A_2710 = tpu.vector_load %arg9[%get3A_2708, %get3A_2709] {strides = array<i32>} : memref<8x256xf32, #tpu.memory_space<vmem>>, vector<16xf32>,
      %sub3A_2711 = arith.constant 1.000000e+00 : f32
      %sub3A_2712 = vector.broadcast %sub3A_2711 : f32 to vector<16xf32>
      %sub3A_2713 = arith.subf %sub3A_2712, %div3A_2674 : vector<16xf32>
      %mul3A_2714 = arith.mulf %get3A_2710, %sub3A_2713 : vector<16xf32>
      %get3A_2715 = arith.constant 32 : index
      %get3A_2716 = tpu.vector_load %arg10[%get3A_2715] {strides = array<i32>} : memref<256xf32, #tpu.memory_space<vmem>>, vector<16xf32>,
      %mul3A_2717 = arith.mulf %get3A_2716, %div3A_2674 : vector<16xf32>
      %add3A_2718 = arith.addf %mul3A_2714, %mul3A_2717 : vector<16xf32>
      %swap3A_2719 = arith.constant 6 : i32
      %swap3A_2720 = arith.index_cast %swap3A_2719 : i32 to index
      %swap3A_2721 = arith.constant 32 : index
      %swap3A_2722 = tpu.vector_load %arg13[%swap3A_2720, %swap3A_2721] {strides = array<i32>} : memref<8x256xf32, #tpu.memory_space<vmem>>, vector<16xf32>,
      tpu.vector_store %arg13[%swap3A_2720, %swap3A_2721], %add3A_2718 {strides = array<i32>} : memref<8x256xf32, #tpu.memory_space<vmem>>, vector<16xf32>,
      %get3A_2723 = arith.constant 6 : i32
      %get3A_2724 = arith.index_cast %get3A_2723 : i32 to index
      %get3A_2725 = arith.constant 48 : index
      %get3A_2726 = tpu.vector_load %arg9[%get3A_2724, %get3A_2725] {strides = array<i32>} : memref<8x256xf32, #tpu.memory_space<vmem>>, vector<16xf32>,
      %sub3A_2727 = arith.constant 1.000000e+00 : f32
      %sub3A_2728 = vector.broadcast %sub3A_2727 : f32 to vector<16xf32>
      %sub3A_2729 = arith.subf %sub3A_2728, %div3A_2674 : vector<16xf32>
      %mul3A_2730 = arith.mulf %get3A_2726, %sub3A_2729 : vector<16xf32>
      %get3A_2731 = arith.constant 48 : index
      %get3A_2732 = tpu.vector_load %arg10[%get3A_2731] {strides = array<i32>} : memref<256xf32, #tpu.memory_space<vmem>>, vector<16xf32>,
      %mul3A_2733 = arith.mulf %get3A_2732, %div3A_2674 : vector<16xf32>
      %add3A_2734 = arith.addf %mul3A_2730, %mul3A_2733 : vector<16xf32>
      %swap3A_2735 = arith.constant 6 : i32
      %swap3A_2736 = arith.index_cast %swap3A_2735 : i32 to index
      %swap3A_2737 = arith.constant 48 : index
      %swap3A_2738 = tpu.vector_load %arg13[%swap3A_2736, %swap3A_2737] {strides = array<i32>} : memref<8x256xf32, #tpu.memory_space<vmem>>, vector<16xf32>,
      tpu.vector_store %arg13[%swap3A_2736, %swap3A_2737], %add3A_2734 {strides = array<i32>} : memref<8x256xf32, #tpu.memory_space<vmem>>, vector<16xf32>,
      %get3A_2739 = arith.constant 6 : i32
      %get3A_2740 = arith.index_cast %get3A_2739 : i32 to index
      %get3A_2741 = arith.constant 64 : index
      %get3A_2742 = tpu.vector_load %arg9[%get3A_2740, %get3A_2741] {strides = array<i32>} : memref<8x256xf32, #tpu.memory_space<vmem>>, vector<16xf32>,
      %sub3A_2743 = arith.constant 1.000000e+00 : f32
      %sub3A_2744 = vector.broadcast %sub3A_2743 : f32 to vector<16xf32>
      %sub3A_2745 = arith.subf %sub3A_2744, %div3A_2674 : vector<16xf32>
      %mul3A_2746 = arith.mulf %get3A_2742, %sub3A_2745 : vector<16xf32>
      %get3A_2747 = arith.constant 64 : index
      %get3A_2748 = tpu.vector_load %arg10[%get3A_2747] {strides = array<i32>} : memref<256xf32, #tpu.memory_space<vmem>>, vector<16xf32>,
      %mul3A_2749 = arith.mulf %get3A_2748, %div3A_2674 : vector<16xf32>
      %add3A_2750 = arith.addf %mul3A_2746, %mul3A_2749 : vector<16xf32>
      %swap3A_2751 = arith.constant 6 : i32
      %swap3A_2752 = arith.index_cast %swap3A_2751 : i32 to index
      %swap3A_2753 = arith.constant 64 : index
      %swap3A_2754 = tpu.vector_load %arg13[%swap3A_2752, %swap3A_2753] {strides = array<i32>} : memref<8x256xf32, #tpu.memory_space<vmem>>, vector<16xf32>,
      tpu.vector_store %arg13[%swap3A_2752, %swap3A_2753], %add3A_2750 {strides = array<i32>} : memref<8x256xf32, #tpu.memory_space<vmem>>, vector<16xf32>,
      %get3A_2755 = arith.constant 6 : i32
      %get3A_2756 = arith.index_cast %get3A_2755 : i32 to index
      %get3A_2757 = arith.constant 80 : index
      %get3A_2758 = tpu.vector_load %arg9[%get3A_2756, %get3A_2757] {strides = array<i32>} : memref<8x256xf32, #tpu.memory_space<vmem>>, vector<16xf32>,
      %sub3A_2759 = arith.constant 1.000000e+00 : f32
      %sub3A_2760 = vector.broadcast %sub3A_2759 : f32 to vector<16xf32>
      %sub3A_2761 = arith.subf %sub3A_2760, %div3A_2674 : vector<16xf32>
      %mul3A_2762 = arith.mulf %get3A_2758, %sub3A_2761 : vector<16xf32>
      %get3A_2763 = arith.constant 80 : index
      %get3A_2764 = tpu.vector_load %arg10[%get3A_2763] {strides = array<i32>} : memref<256xf32, #tpu.memory_space<vmem>>, vector<16xf32>,
      %mul3A_2765 = arith.mulf %get3A_2764, %div3A_2674 : vector<16xf32>
      %add3A_2766 = arith.addf %mul3A_2762, %mul3A_2765 : vector<16xf32>
      %swap3A_2767 = arith.constant 6 : i32
      %swap3A_2768 = arith.index_cast %swap3A_2767 : i32 to index
      %swap3A_2769 = arith.constant 80 : index
      %swap3A_2770 = tpu.vector_load %arg13[%swap3A_2768, %swap3A_2769] {strides = array<i32>} : memref<8x256xf32, #tpu.memory_space<vmem>>, vector<16xf32>,
      tpu.vector_store %arg13[%swap3A_2768, %swap3A_2769], %add3A_2766 {strides = array<i32>} : memref<8x256xf32, #tpu.memory_space<vmem>>, vector<16xf32>,
      %get3A_2771 = arith.constant 6 : i32
      %get3A_2772 = arith.index_cast %get3A_2771 : i32 to index
      %get3A_2773 = arith.constant 96 : index
      %get3A_2774 = tpu.vector_load %arg9[%get3A_2772, %get3A_2773] {strides = array<i32>} : memref<8x256xf32, #tpu.memory_space<vmem>>, vector<16xf32>,
      %sub3A_2775 = arith.constant 1.000000e+00 : f32
      %sub3A_2776 = vector.broadcast %sub3A_2775 : f32 to vector<16xf32>
      %sub3A_2777 = arith.subf %sub3A_2776, %div3A_2674 : vector<16xf32>
      %mul3A_2778 = arith.mulf %get3A_2774, %sub3A_2777 : vector<16xf32>
      %get3A_2779 = arith.constant 96 : index
      %get3A_2780 = tpu.vector_load %arg10[%get3A_2779] {strides = array<i32>} : memref<256xf32, #tpu.memory_space<vmem>>, vector<16xf32>,
      %mul3A_2781 = arith.mulf %get3A_2780, %div3A_2674 : vector<16xf32>
      %add3A_2782 = arith.addf %mul3A_2778, %mul3A_2781 : vector<16xf32>
      %swap3A_2783 = arith.constant 6 : i32
      %swap3A_2784 = arith.index_cast %swap3A_2783 : i32 to index
      %swap3A_2785 = arith.constant 96 : index
      %swap3A_2786 = tpu.vector_load %arg13[%swap3A_2784, %swap3A_2785] {strides = array<i32>} : memref<8x256xf32, #tpu.memory_space<vmem>>, vector<16xf32>,
      tpu.vector_store %arg13[%swap3A_2784, %swap3A_2785], %add3A_2782 {strides = array<i32>} : memref<8x256xf32, #tpu.memory_space<vmem>>, vector<16xf32>,
      %get3A_2787 = arith.constant 6 : i32
      %get3A_2788 = arith.index_cast %get3A_2787 : i32 to index
      %get3A_2789 = arith.constant 112 : index
      %get3A_2790 = tpu.vector_load %arg9[%get3A_2788, %get3A_2789] {strides = array<i32>} : memref<8x256xf32, #tpu.memory_space<vmem>>, vector<16xf32>,
      %sub3A_2791 = arith.constant 1.000000e+00 : f32
      %sub3A_2792 = vector.broadcast %sub3A_2791 : f32 to vector<16xf32>
      %sub3A_2793 = arith.subf %sub3A_2792, %div3A_2674 : vector<16xf32>
      %mul3A_2794 = arith.mulf %get3A_2790, %sub3A_2793 : vector<16xf32>
      %get3A_2795 = arith.constant 112 : index
      %get3A_2796 = tpu.vector_load %arg10[%get3A_2795] {strides = array<i32>} : memref<256xf32, #tpu.memory_space<vmem>>, vector<16xf32>,
      %mul3A_2797 = arith.mulf %get3A_2796, %div3A_2674 : vector<16xf32>
      %add3A_2798 = arith.addf %mul3A_2794, %mul3A_2797 : vector<16xf32>
      %swap3A_2799 = arith.constant 6 : i32
      %swap3A_2800 = arith.index_cast %swap3A_2799 : i32 to index
      %swap3A_2801 = arith.constant 112 : index
      %swap3A_2802 = tpu.vector_load %arg13[%swap3A_2800, %swap3A_2801] {strides = array<i32>} : memref<8x256xf32, #tpu.memory_space<vmem>>, vector<16xf32>,
      tpu.vector_store %arg13[%swap3A_2800, %swap3A_2801], %add3A_2798 {strides = array<i32>} : memref<8x256xf32, #tpu.memory_space<vmem>>, vector<16xf32>,
      %get3A_2803 = arith.constant 6 : i32
      %get3A_2804 = arith.index_cast %get3A_2803 : i32 to index
      %get3A_2805 = arith.constant 128 : index
      %get3A_2806 = tpu.vector_load %arg9[%get3A_2804, %get3A_2805] {strides = array<i32>} : memref<8x256xf32, #tpu.memory_space<vmem>>, vector<16xf32>,
      %sub3A_2807 = arith.constant 1.000000e+00 : f32
      %sub3A_2808 = vector.broadcast %sub3A_2807 : f32 to vector<16xf32>
      %sub3A_2809 = arith.subf %sub3A_2808, %div3A_2674 : vector<16xf32>
      %mul3A_2810 = arith.mulf %get3A_2806, %sub3A_2809 : vector<16xf32>
      %get3A_2811 = arith.constant 128 : index
      %get3A_2812 = tpu.vector_load %arg10[%get3A_2811] {strides = array<i32>} : memref<256xf32, #tpu.memory_space<vmem>>, vector<16xf32>,
      %mul3A_2813 = arith.mulf %get3A_2812, %div3A_2674 : vector<16xf32>
      %add3A_2814 = arith.addf %mul3A_2810, %mul3A_2813 : vector<16xf32>
      %swap3A_2815 = arith.constant 6 : i32
      %swap3A_2816 = arith.index_cast %swap3A_2815 : i32 to index
      %swap3A_2817 = arith.constant 128 : index
      %swap3A_2818 = tpu.vector_load %arg13[%swap3A_2816, %swap3A_2817] {strides = array<i32>} : memref<8x256xf32, #tpu.memory_space<vmem>>, vector<16xf32>,
      tpu.vector_store %arg13[%swap3A_2816, %swap3A_2817], %add3A_2814 {strides = array<i32>} : memref<8x256xf32, #tpu.memory_space<vmem>>, vector<16xf32>,
      %get3A_2819 = arith.constant 6 : i32
      %get3A_2820 = arith.index_cast %get3A_2819 : i32 to index
      %get3A_2821 = arith.constant 144 : index
      %get3A_2822 = tpu.vector_load %arg9[%get3A_2820, %get3A_2821] {strides = array<i32>} : memref<8x256xf32, #tpu.memory_space<vmem>>, vector<16xf32>,
      %sub3A_2823 = arith.constant 1.000000e+00 : f32
      %sub3A_2824 = vector.broadcast %sub3A_2823 : f32 to vector<16xf32>
      %sub3A_2825 = arith.subf %sub3A_2824, %div3A_2674 : vector<16xf32>
      %mul3A_2826 = arith.mulf %get3A_2822, %sub3A_2825 : vector<16xf32>
      %get3A_2827 = arith.constant 144 : index
      %get3A_2828 = tpu.vector_load %arg10[%get3A_2827] {strides = array<i32>} : memref<256xf32, #tpu.memory_space<vmem>>, vector<16xf32>,
      %mul3A_2829 = arith.mulf %get3A_2828, %div3A_2674 : vector<16xf32>
      %add3A_2830 = arith.addf %mul3A_2826, %mul3A_2829 : vector<16xf32>
      %swap3A_2831 = arith.constant 6 : i32
      %swap3A_2832 = arith.index_cast %swap3A_2831 : i32 to index
      %swap3A_2833 = arith.constant 144 : index
      %swap3A_2834 = tpu.vector_load %arg13[%swap3A_2832, %swap3A_2833] {strides = array<i32>} : memref<8x256xf32, #tpu.memory_space<vmem>>, vector<16xf32>,
      tpu.vector_store %arg13[%swap3A_2832, %swap3A_2833], %add3A_2830 {strides = array<i32>} : memref<8x256xf32, #tpu.memory_space<vmem>>, vector<16xf32>,
      %get3A_2835 = arith.constant 6 : i32
      %get3A_2836 = arith.index_cast %get3A_2835 : i32 to index
      %get3A_2837 = arith.constant 160 : index
      %get3A_2838 = tpu.vector_load %arg9[%get3A_2836, %get3A_2837] {strides = array<i32>} : memref<8x256xf32, #tpu.memory_space<vmem>>, vector<16xf32>,
      %sub3A_2839 = arith.constant 1.000000e+00 : f32
      %sub3A_2840 = vector.broadcast %sub3A_2839 : f32 to vector<16xf32>
      %sub3A_2841 = arith.subf %sub3A_2840, %div3A_2674 : vector<16xf32>
      %mul3A_2842 = arith.mulf %get3A_2838, %sub3A_2841 : vector<16xf32>
      %get3A_2843 = arith.constant 160 : index
      %get3A_2844 = tpu.vector_load %arg10[%get3A_2843] {strides = array<i32>} : memref<256xf32, #tpu.memory_space<vmem>>, vector<16xf32>,
      %mul3A_2845 = arith.mulf %get3A_2844, %div3A_2674 : vector<16xf32>
      %add3A_2846 = arith.addf %mul3A_2842, %mul3A_2845 : vector<16xf32>
      %swap3A_2847 = arith.constant 6 : i32
      %swap3A_2848 = arith.index_cast %swap3A_2847 : i32 to index
      %swap3A_2849 = arith.constant 160 : index
      %swap3A_2850 = tpu.vector_load %arg13[%swap3A_2848, %swap3A_2849] {strides = array<i32>} : memref<8x256xf32, #tpu.memory_space<vmem>>, vector<16xf32>,
      tpu.vector_store %arg13[%swap3A_2848, %swap3A_2849], %add3A_2846 {strides = array<i32>} : memref<8x256xf32, #tpu.memory_space<vmem>>, vector<16xf32>,
      %get3A_2851 = arith.constant 6 : i32
      %get3A_2852 = arith.index_cast %get3A_2851 : i32 to index
      %get3A_2853 = arith.constant 176 : index
      %get3A_2854 = tpu.vector_load %arg9[%get3A_2852, %get3A_2853] {strides = array<i32>} : memref<8x256xf32, #tpu.memory_space<vmem>>, vector<16xf32>,
      %sub3A_2855 = arith.constant 1.000000e+00 : f32
      %sub3A_2856 = vector.broadcast %sub3A_2855 : f32 to vector<16xf32>
      %sub3A_2857 = arith.subf %sub3A_2856, %div3A_2674 : vector<16xf32>
      %mul3A_2858 = arith.mulf %get3A_2854, %sub3A_2857 : vector<16xf32>
      %get3A_2859 = arith.constant 176 : index
      %get3A_2860 = tpu.vector_load %arg10[%get3A_2859] {strides = array<i32>} : memref<256xf32, #tpu.memory_space<vmem>>, vector<16xf32>,
      %mul3A_2861 = arith.mulf %get3A_2860, %div3A_2674 : vector<16xf32>
      %add3A_2862 = arith.addf %mul3A_2858, %mul3A_2861 : vector<16xf32>
      %swap3A_2863 = arith.constant 6 : i32
      %swap3A_2864 = arith.index_cast %swap3A_2863 : i32 to index
      %swap3A_2865 = arith.constant 176 : index
      %swap3A_2866 = tpu.vector_load %arg13[%swap3A_2864, %swap3A_2865] {strides = array<i32>} : memref<8x256xf32, #tpu.memory_space<vmem>>, vector<16xf32>,
      tpu.vector_store %arg13[%swap3A_2864, %swap3A_2865], %add3A_2862 {strides = array<i32>} : memref<8x256xf32, #tpu.memory_space<vmem>>, vector<16xf32>,
      %get3A_2867 = arith.constant 6 : i32
      %get3A_2868 = arith.index_cast %get3A_2867 : i32 to index
      %get3A_2869 = arith.constant 192 : index
      %get3A_2870 = tpu.vector_load %arg9[%get3A_2868, %get3A_2869] {strides = array<i32>} : memref<8x256xf32, #tpu.memory_space<vmem>>, vector<16xf32>,
      %sub3A_2871 = arith.constant 1.000000e+00 : f32
      %sub3A_2872 = vector.broadcast %sub3A_2871 : f32 to vector<16xf32>
      %sub3A_2873 = arith.subf %sub3A_2872, %div3A_2674 : vector<16xf32>
      %mul3A_2874 = arith.mulf %get3A_2870, %sub3A_2873 : vector<16xf32>
      %get3A_2875 = arith.constant 192 : index
      %get3A_2876 = tpu.vector_load %arg10[%get3A_2875] {strides = array<i32>} : memref<256xf32, #tpu.memory_space<vmem>>, vector<16xf32>,
      %mul3A_2877 = arith.mulf %get3A_2876, %div3A_2674 : vector<16xf32>
      %add3A_2878 = arith.addf %mul3A_2874, %mul3A_2877 : vector<16xf32>
      %swap3A_2879 = arith.constant 6 : i32
      %swap3A_2880 = arith.index_cast %swap3A_2879 : i32 to index
      %swap3A_2881 = arith.constant 192 : index
      %swap3A_2882 = tpu.vector_load %arg13[%swap3A_2880, %swap3A_2881] {strides = array<i32>} : memref<8x256xf32, #tpu.memory_space<vmem>>, vector<16xf32>,
      tpu.vector_store %arg13[%swap3A_2880, %swap3A_2881], %add3A_2878 {strides = array<i32>} : memref<8x256xf32, #tpu.memory_space<vmem>>, vector<16xf32>,
      %get3A_2883 = arith.constant 6 : i32
      %get3A_2884 = arith.index_cast %get3A_2883 : i32 to index
      %get3A_2885 = arith.constant 208 : index
      %get3A_2886 = tpu.vector_load %arg9[%get3A_2884, %get3A_2885] {strides = array<i32>} : memref<8x256xf32, #tpu.memory_space<vmem>>, vector<16xf32>,
      %sub3A_2887 = arith.constant 1.000000e+00 : f32
      %sub3A_2888 = vector.broadcast %sub3A_2887 : f32 to vector<16xf32>
      %sub3A_2889 = arith.subf %sub3A_2888, %div3A_2674 : vector<16xf32>
      %mul3A_2890 = arith.mulf %get3A_2886, %sub3A_2889 : vector<16xf32>
      %get3A_2891 = arith.constant 208 : index
      %get3A_2892 = tpu.vector_load %arg10[%get3A_2891] {strides = array<i32>} : memref<256xf32, #tpu.memory_space<vmem>>, vector<16xf32>,
      %mul3A_2893 = arith.mulf %get3A_2892, %div3A_2674 : vector<16xf32>
      %add3A_2894 = arith.addf %mul3A_2890, %mul3A_2893 : vector<16xf32>
      %swap3A_2895 = arith.constant 6 : i32
      %swap3A_2896 = arith.index_cast %swap3A_2895 : i32 to index
      %swap3A_2897 = arith.constant 208 : index
      %swap3A_2898 = tpu.vector_load %arg13[%swap3A_2896, %swap3A_2897] {strides = array<i32>} : memref<8x256xf32, #tpu.memory_space<vmem>>, vector<16xf32>,
      tpu.vector_store %arg13[%swap3A_2896, %swap3A_2897], %add3A_2894 {strides = array<i32>} : memref<8x256xf32, #tpu.memory_space<vmem>>, vector<16xf32>,
      %get3A_2899 = arith.constant 6 : i32
      %get3A_2900 = arith.index_cast %get3A_2899 : i32 to index
      %get3A_2901 = arith.constant 224 : index
      %get3A_2902 = tpu.vector_load %arg9[%get3A_2900, %get3A_2901] {strides = array<i32>} : memref<8x256xf32, #tpu.memory_space<vmem>>, vector<16xf32>,
      %sub3A_2903 = arith.constant 1.000000e+00 : f32
      %sub3A_2904 = vector.broadcast %sub3A_2903 : f32 to vector<16xf32>
      %sub3A_2905 = arith.subf %sub3A_2904, %div3A_2674 : vector<16xf32>
      %mul3A_2906 = arith.mulf %get3A_2902, %sub3A_2905 : vector<16xf32>
      %get3A_2907 = arith.constant 224 : index
      %get3A_2908 = tpu.vector_load %arg10[%get3A_2907] {strides = array<i32>} : memref<256xf32, #tpu.memory_space<vmem>>, vector<16xf32>,
      %mul3A_2909 = arith.mulf %get3A_2908, %div3A_2674 : vector<16xf32>
      %add3A_2910 = arith.addf %mul3A_2906, %mul3A_2909 : vector<16xf32>
      %swap3A_2911 = arith.constant 6 : i32
      %swap3A_2912 = arith.index_cast %swap3A_2911 : i32 to index
      %swap3A_2913 = arith.constant 224 : index
      %swap3A_2914 = tpu.vector_load %arg13[%swap3A_2912, %swap3A_2913] {strides = array<i32>} : memref<8x256xf32, #tpu.memory_space<vmem>>, vector<16xf32>,
      tpu.vector_store %arg13[%swap3A_2912, %swap3A_2913], %add3A_2910 {strides = array<i32>} : memref<8x256xf32, #tpu.memory_space<vmem>>, vector<16xf32>,
      %get3A_2915 = arith.constant 6 : i32
      %get3A_2916 = arith.index_cast %get3A_2915 : i32 to index
      %get3A_2917 = arith.constant 240 : index
      %get3A_2918 = tpu.vector_load %arg9[%get3A_2916, %get3A_2917] {strides = array<i32>} : memref<8x256xf32, #tpu.memory_space<vmem>>, vector<16xf32>,
      %sub3A_2919 = arith.constant 1.000000e+00 : f32
      %sub3A_2920 = vector.broadcast %sub3A_2919 : f32 to vector<16xf32>
      %sub3A_2921 = arith.subf %sub3A_2920, %div3A_2674 : vector<16xf32>
      %mul3A_2922 = arith.mulf %get3A_2918, %sub3A_2921 : vector<16xf32>
      %get3A_2923 = arith.constant 240 : index
      %get3A_2924 = tpu.vector_load %arg10[%get3A_2923] {strides = array<i32>} : memref<256xf32, #tpu.memory_space<vmem>>, vector<16xf32>,
      %mul3A_2925 = arith.mulf %get3A_2924, %div3A_2674 : vector<16xf32>
      %add3A_2926 = arith.addf %mul3A_2922, %mul3A_2925 : vector<16xf32>
      %swap3A_2927 = arith.constant 6 : i32
      %swap3A_2928 = arith.index_cast %swap3A_2927 : i32 to index
      %swap3A_2929 = arith.constant 240 : index
      %swap3A_2930 = tpu.vector_load %arg13[%swap3A_2928, %swap3A_2929] {strides = array<i32>} : memref<8x256xf32, #tpu.memory_space<vmem>>, vector<16xf32>,
      tpu.vector_store %arg13[%swap3A_2928, %swap3A_2929], %add3A_2926 {strides = array<i32>} : memref<8x256xf32, #tpu.memory_space<vmem>>, vector<16xf32>,
      %broadcast_in_dim3A_2931 = arith.constant 0.000000e+00 : f32
      %broadcast_in_dim3A_2932 = vector.broadcast %broadcast_in_dim3A_2931 : f32 to vector<16xf32>
      %get3A_2933 = arith.constant 7 : i32
      %get3A_2934 = arith.index_cast %get3A_2933 : i32 to index
      %get3A_2935 = arith.constant 0 : index
      %get3A_2936 = tpu.vector_load %arg9[%get3A_2934, %get3A_2935] {strides = array<i32>} : memref<8x256xf32, #tpu.memory_space<vmem>>, vector<16xf32>,
      %get3A_2937 = arith.constant 0 : index
      %get3A_2938 = tpu.vector_load %arg12[%get3A_2937] {strides = array<i32>} : memref<256xf32, #tpu.memory_space<vmem>>, vector<16xf32>,
      %mul3A_2939 = arith.mulf %get3A_2936, %get3A_2938 : vector<16xf32>
      %add3A_2940 = arith.addf %broadcast_in_dim3A_2932, %mul3A_2939 : vector<16xf32>
      %get3A_2941 = arith.constant 7 : i32
      %get3A_2942 = arith.index_cast %get3A_2941 : i32 to index
      %get3A_2943 = arith.constant 16 : index
      %get3A_2944 = tpu.vector_load %arg9[%get3A_2942, %get3A_2943] {strides = array<i32>} : memref<8x256xf32, #tpu.memory_space<vmem>>, vector<16xf32>,
      %get3A_2945 = arith.constant 16 : index
      %get3A_2946 = tpu.vector_load %arg12[%get3A_2945] {strides = array<i32>} : memref<256xf32, #tpu.memory_space<vmem>>, vector<16xf32>,
      %mul3A_2947 = arith.mulf %get3A_2944, %get3A_2946 : vector<16xf32>
      %add3A_2948 = arith.addf %add3A_2940, %mul3A_2947 : vector<16xf32>
      %get3A_2949 = arith.constant 7 : i32
      %get3A_2950 = arith.index_cast %get3A_2949 : i32 to index
      %get3A_2951 = arith.constant 32 : index
      %get3A_2952 = tpu.vector_load %arg9[%get3A_2950, %get3A_2951] {strides = array<i32>} : memref<8x256xf32, #tpu.memory_space<vmem>>, vector<16xf32>,
      %get3A_2953 = arith.constant 32 : index
      %get3A_2954 = tpu.vector_load %arg12[%get3A_2953] {strides = array<i32>} : memref<256xf32, #tpu.memory_space<vmem>>, vector<16xf32>,
      %mul3A_2955 = arith.mulf %get3A_2952, %get3A_2954 : vector<16xf32>
      %add3A_2956 = arith.addf %add3A_2948, %mul3A_2955 : vector<16xf32>
      %get3A_2957 = arith.constant 7 : i32
      %get3A_2958 = arith.index_cast %get3A_2957 : i32 to index
      %get3A_2959 = arith.constant 48 : index
      %get3A_2960 = tpu.vector_load %arg9[%get3A_2958, %get3A_2959] {strides = array<i32>} : memref<8x256xf32, #tpu.memory_space<vmem>>, vector<16xf32>,
      %get3A_2961 = arith.constant 48 : index
      %get3A_2962 = tpu.vector_load %arg12[%get3A_2961] {strides = array<i32>} : memref<256xf32, #tpu.memory_space<vmem>>, vector<16xf32>,
      %mul3A_2963 = arith.mulf %get3A_2960, %get3A_2962 : vector<16xf32>
      %add3A_2964 = arith.addf %add3A_2956, %mul3A_2963 : vector<16xf32>
      %get3A_2965 = arith.constant 7 : i32
      %get3A_2966 = arith.index_cast %get3A_2965 : i32 to index
      %get3A_2967 = arith.constant 64 : index
      %get3A_2968 = tpu.vector_load %arg9[%get3A_2966, %get3A_2967] {strides = array<i32>} : memref<8x256xf32, #tpu.memory_space<vmem>>, vector<16xf32>,
      %get3A_2969 = arith.constant 64 : index
      %get3A_2970 = tpu.vector_load %arg12[%get3A_2969] {strides = array<i32>} : memref<256xf32, #tpu.memory_space<vmem>>, vector<16xf32>,
      %mul3A_2971 = arith.mulf %get3A_2968, %get3A_2970 : vector<16xf32>
      %add3A_2972 = arith.addf %add3A_2964, %mul3A_2971 : vector<16xf32>
      %get3A_2973 = arith.constant 7 : i32
      %get3A_2974 = arith.index_cast %get3A_2973 : i32 to index
      %get3A_2975 = arith.constant 80 : index
      %get3A_2976 = tpu.vector_load %arg9[%get3A_2974, %get3A_2975] {strides = array<i32>} : memref<8x256xf32, #tpu.memory_space<vmem>>, vector<16xf32>,
      %get3A_2977 = arith.constant 80 : index
      %get3A_2978 = tpu.vector_load %arg12[%get3A_2977] {strides = array<i32>} : memref<256xf32, #tpu.memory_space<vmem>>, vector<16xf32>,
      %mul3A_2979 = arith.mulf %get3A_2976, %get3A_2978 : vector<16xf32>
      %add3A_2980 = arith.addf %add3A_2972, %mul3A_2979 : vector<16xf32>
      %get3A_2981 = arith.constant 7 : i32
      %get3A_2982 = arith.index_cast %get3A_2981 : i32 to index
      %get3A_2983 = arith.constant 96 : index
      %get3A_2984 = tpu.vector_load %arg9[%get3A_2982, %get3A_2983] {strides = array<i32>} : memref<8x256xf32, #tpu.memory_space<vmem>>, vector<16xf32>,
      %get3A_2985 = arith.constant 96 : index
      %get3A_2986 = tpu.vector_load %arg12[%get3A_2985] {strides = array<i32>} : memref<256xf32, #tpu.memory_space<vmem>>, vector<16xf32>,
      %mul3A_2987 = arith.mulf %get3A_2984, %get3A_2986 : vector<16xf32>
      %add3A_2988 = arith.addf %add3A_2980, %mul3A_2987 : vector<16xf32>
      %get3A_2989 = arith.constant 7 : i32
      %get3A_2990 = arith.index_cast %get3A_2989 : i32 to index
      %get3A_2991 = arith.constant 112 : index
      %get3A_2992 = tpu.vector_load %arg9[%get3A_2990, %get3A_2991] {strides = array<i32>} : memref<8x256xf32, #tpu.memory_space<vmem>>, vector<16xf32>,
      %get3A_2993 = arith.constant 112 : index
      %get3A_2994 = tpu.vector_load %arg12[%get3A_2993] {strides = array<i32>} : memref<256xf32, #tpu.memory_space<vmem>>, vector<16xf32>,
      %mul3A_2995 = arith.mulf %get3A_2992, %get3A_2994 : vector<16xf32>
      %add3A_2996 = arith.addf %add3A_2988, %mul3A_2995 : vector<16xf32>
      %get3A_2997 = arith.constant 7 : i32
      %get3A_2998 = arith.index_cast %get3A_2997 : i32 to index
      %get3A_2999 = arith.constant 128 : index
      %get3A_3000 = tpu.vector_load %arg9[%get3A_2998, %get3A_2999] {strides = array<i32>} : memref<8x256xf32, #tpu.memory_space<vmem>>, vector<16xf32>,
      %get3A_3001 = arith.constant 128 : index
      %get3A_3002 = tpu.vector_load %arg12[%get3A_3001] {strides = array<i32>} : memref<256xf32, #tpu.memory_space<vmem>>, vector<16xf32>,
      %mul3A_3003 = arith.mulf %get3A_3000, %get3A_3002 : vector<16xf32>
      %add3A_3004 = arith.addf %add3A_2996, %mul3A_3003 : vector<16xf32>
      %get3A_3005 = arith.constant 7 : i32
      %get3A_3006 = arith.index_cast %get3A_3005 : i32 to index
      %get3A_3007 = arith.constant 144 : index
      %get3A_3008 = tpu.vector_load %arg9[%get3A_3006, %get3A_3007] {strides = array<i32>} : memref<8x256xf32, #tpu.memory_space<vmem>>, vector<16xf32>,
      %get3A_3009 = arith.constant 144 : index
      %get3A_3010 = tpu.vector_load %arg12[%get3A_3009] {strides = array<i32>} : memref<256xf32, #tpu.memory_space<vmem>>, vector<16xf32>,
      %mul3A_3011 = arith.mulf %get3A_3008, %get3A_3010 : vector<16xf32>
      %add3A_3012 = arith.addf %add3A_3004, %mul3A_3011 : vector<16xf32>
      %get3A_3013 = arith.constant 7 : i32
      %get3A_3014 = arith.index_cast %get3A_3013 : i32 to index
      %get3A_3015 = arith.constant 160 : index
      %get3A_3016 = tpu.vector_load %arg9[%get3A_3014, %get3A_3015] {strides = array<i32>} : memref<8x256xf32, #tpu.memory_space<vmem>>, vector<16xf32>,
      %get3A_3017 = arith.constant 160 : index
      %get3A_3018 = tpu.vector_load %arg12[%get3A_3017] {strides = array<i32>} : memref<256xf32, #tpu.memory_space<vmem>>, vector<16xf32>,
      %mul3A_3019 = arith.mulf %get3A_3016, %get3A_3018 : vector<16xf32>
      %add3A_3020 = arith.addf %add3A_3012, %mul3A_3019 : vector<16xf32>
      %get3A_3021 = arith.constant 7 : i32
      %get3A_3022 = arith.index_cast %get3A_3021 : i32 to index
      %get3A_3023 = arith.constant 176 : index
      %get3A_3024 = tpu.vector_load %arg9[%get3A_3022, %get3A_3023] {strides = array<i32>} : memref<8x256xf32, #tpu.memory_space<vmem>>, vector<16xf32>,
      %get3A_3025 = arith.constant 176 : index
      %get3A_3026 = tpu.vector_load %arg12[%get3A_3025] {strides = array<i32>} : memref<256xf32, #tpu.memory_space<vmem>>, vector<16xf32>,
      %mul3A_3027 = arith.mulf %get3A_3024, %get3A_3026 : vector<16xf32>
      %add3A_3028 = arith.addf %add3A_3020, %mul3A_3027 : vector<16xf32>
      %get3A_3029 = arith.constant 7 : i32
      %get3A_3030 = arith.index_cast %get3A_3029 : i32 to index
      %get3A_3031 = arith.constant 192 : index
      %get3A_3032 = tpu.vector_load %arg9[%get3A_3030, %get3A_3031] {strides = array<i32>} : memref<8x256xf32, #tpu.memory_space<vmem>>, vector<16xf32>,
      %get3A_3033 = arith.constant 192 : index
      %get3A_3034 = tpu.vector_load %arg12[%get3A_3033] {strides = array<i32>} : memref<256xf32, #tpu.memory_space<vmem>>, vector<16xf32>,
      %mul3A_3035 = arith.mulf %get3A_3032, %get3A_3034 : vector<16xf32>
      %add3A_3036 = arith.addf %add3A_3028, %mul3A_3035 : vector<16xf32>
      %get3A_3037 = arith.constant 7 : i32
      %get3A_3038 = arith.index_cast %get3A_3037 : i32 to index
      %get3A_3039 = arith.constant 208 : index
      %get3A_3040 = tpu.vector_load %arg9[%get3A_3038, %get3A_3039] {strides = array<i32>} : memref<8x256xf32, #tpu.memory_space<vmem>>, vector<16xf32>,
      %get3A_3041 = arith.constant 208 : index
      %get3A_3042 = tpu.vector_load %arg12[%get3A_3041] {strides = array<i32>} : memref<256xf32, #tpu.memory_space<vmem>>, vector<16xf32>,
      %mul3A_3043 = arith.mulf %get3A_3040, %get3A_3042 : vector<16xf32>
      %add3A_3044 = arith.addf %add3A_3036, %mul3A_3043 : vector<16xf32>
      %get3A_3045 = arith.constant 7 : i32
      %get3A_3046 = arith.index_cast %get3A_3045 : i32 to index
      %get3A_3047 = arith.constant 224 : index
      %get3A_3048 = tpu.vector_load %arg9[%get3A_3046, %get3A_3047] {strides = array<i32>} : memref<8x256xf32, #tpu.memory_space<vmem>>, vector<16xf32>,
      %get3A_3049 = arith.constant 224 : index
      %get3A_3050 = tpu.vector_load %arg12[%get3A_3049] {strides = array<i32>} : memref<256xf32, #tpu.memory_space<vmem>>, vector<16xf32>,
      %mul3A_3051 = arith.mulf %get3A_3048, %get3A_3050 : vector<16xf32>
      %add3A_3052 = arith.addf %add3A_3044, %mul3A_3051 : vector<16xf32>
      %get3A_3053 = arith.constant 7 : i32
      %get3A_3054 = arith.index_cast %get3A_3053 : i32 to index
      %get3A_3055 = arith.constant 240 : index
      %get3A_3056 = tpu.vector_load %arg9[%get3A_3054, %get3A_3055] {strides = array<i32>} : memref<8x256xf32, #tpu.memory_space<vmem>>, vector<16xf32>,
      %get3A_3057 = arith.constant 240 : index
      %get3A_3058 = tpu.vector_load %arg12[%get3A_3057] {strides = array<i32>} : memref<256xf32, #tpu.memory_space<vmem>>, vector<16xf32>,
      %mul3A_3059 = arith.mulf %get3A_3056, %get3A_3058 : vector<16xf32>
      %add3A_3060 = arith.addf %add3A_3052, %mul3A_3059 : vector<16xf32>
      %broadcast_in_dim3A_3061 = arith.constant true
      %broadcast_in_dim3A_3062 = vector.broadcast %broadcast_in_dim3A_3061 : i1 to vector<16xi1>
      %masked_cumsum3A_3063 = tpu.scan <sum>, %add3A_3060 masked %broadcast_in_dim3A_3062 : vector<16xf32>, vector<16xi1> -> vector<16xf32>
      %broadcast_in_dim3A_3064 = arith.constant 15 : i32
      %broadcast_in_dim3A_3065 = vector.broadcast %broadcast_in_dim3A_3064 : i32 to vector<16x1xi32>
      %gather3A_3066 = vector.shape_cast %broadcast_in_dim3A_3065 : vector<16x1xi32> to vector<16xi32>
      %gather3A_3067 = tpu.dynamic_gather %masked_cumsum3A_3063[%gather3A_3066] in [0] : vector<16xf32>, vector<16xi32> -> vector<16xf32>
      %add3A_3068 = arith.addf %gather3A_3067, %gather3A_107 : vector<16xf32>
      %neg3A_3069 = arith.constant 0.000000e+00 : f32
      %neg3A_3070 = vector.broadcast %neg3A_3069 : f32 to vector<16xf32>
      %neg3A_3071 = arith.subf %neg3A_3070, %add3A_3068 : vector<16xf32>
      %exp3A_3072 = math.exp %neg3A_3071 : vector<16xf32>
      %add3A_3073 = arith.constant 1.000000e+00 : f32
      %add3A_3074 = vector.broadcast %add3A_3073 : f32 to vector<16xf32>
      %add3A_3075 = arith.addf %add3A_3074, %exp3A_3072 : vector<16xf32>
      %div3A_3076 = arith.constant 1.000000e+00 : f32
      %div3A_3077 = vector.broadcast %div3A_3076 : f32 to vector<16xf32>
      %div3A_3078 = arith.divf %div3A_3077, %add3A_3075 : vector<16xf32>
      %get3A_3079 = arith.constant 7 : i32
      %get3A_3080 = arith.index_cast %get3A_3079 : i32 to index
      %get3A_3081 = arith.constant 0 : index
      %get3A_3082 = tpu.vector_load %arg9[%get3A_3080, %get3A_3081] {strides = array<i32>} : memref<8x256xf32, #tpu.memory_space<vmem>>, vector<16xf32>,
      %sub3A_3083 = arith.constant 1.000000e+00 : f32
      %sub3A_3084 = vector.broadcast %sub3A_3083 : f32 to vector<16xf32>
      %sub3A_3085 = arith.subf %sub3A_3084, %div3A_3078 : vector<16xf32>
      %mul3A_3086 = arith.mulf %get3A_3082, %sub3A_3085 : vector<16xf32>
      %get3A_3087 = arith.constant 0 : index
      %get3A_3088 = tpu.vector_load %arg10[%get3A_3087] {strides = array<i32>} : memref<256xf32, #tpu.memory_space<vmem>>, vector<16xf32>,
      %mul3A_3089 = arith.mulf %get3A_3088, %div3A_3078 : vector<16xf32>
      %add3A_3090 = arith.addf %mul3A_3086, %mul3A_3089 : vector<16xf32>
      %swap3A_3091 = arith.constant 7 : i32
      %swap3A_3092 = arith.index_cast %swap3A_3091 : i32 to index
      %swap3A_3093 = arith.constant 0 : index
      %swap3A_3094 = tpu.vector_load %arg13[%swap3A_3092, %swap3A_3093] {strides = array<i32>} : memref<8x256xf32, #tpu.memory_space<vmem>>, vector<16xf32>,
      tpu.vector_store %arg13[%swap3A_3092, %swap3A_3093], %add3A_3090 {strides = array<i32>} : memref<8x256xf32, #tpu.memory_space<vmem>>, vector<16xf32>,
      %get3A_3095 = arith.constant 7 : i32
      %get3A_3096 = arith.index_cast %get3A_3095 : i32 to index
      %get3A_3097 = arith.constant 16 : index
      %get3A_3098 = tpu.vector_load %arg9[%get3A_3096, %get3A_3097] {strides = array<i32>} : memref<8x256xf32, #tpu.memory_space<vmem>>, vector<16xf32>,
      %sub3A_3099 = arith.constant 1.000000e+00 : f32
      %sub3A_3100 = vector.broadcast %sub3A_3099 : f32 to vector<16xf32>
      %sub3A_3101 = arith.subf %sub3A_3100, %div3A_3078 : vector<16xf32>
      %mul3A_3102 = arith.mulf %get3A_3098, %sub3A_3101 : vector<16xf32>
      %get3A_3103 = arith.constant 16 : index
      %get3A_3104 = tpu.vector_load %arg10[%get3A_3103] {strides = array<i32>} : memref<256xf32, #tpu.memory_space<vmem>>, vector<16xf32>,
      %mul3A_3105 = arith.mulf %get3A_3104, %div3A_3078 : vector<16xf32>
      %add3A_3106 = arith.addf %mul3A_3102, %mul3A_3105 : vector<16xf32>
      %swap3A_3107 = arith.constant 7 : i32
      %swap3A_3108 = arith.index_cast %swap3A_3107 : i32 to index
      %swap3A_3109 = arith.constant 16 : index
      %swap3A_3110 = tpu.vector_load %arg13[%swap3A_3108, %swap3A_3109] {strides = array<i32>} : memref<8x256xf32, #tpu.memory_space<vmem>>, vector<16xf32>,
      tpu.vector_store %arg13[%swap3A_3108, %swap3A_3109], %add3A_3106 {strides = array<i32>} : memref<8x256xf32, #tpu.memory_space<vmem>>, vector<16xf32>,
      %get3A_3111 = arith.constant 7 : i32
      %get3A_3112 = arith.index_cast %get3A_3111 : i32 to index
      %get3A_3113 = arith.constant 32 : index
      %get3A_3114 = tpu.vector_load %arg9[%get3A_3112, %get3A_3113] {strides = array<i32>} : memref<8x256xf32, #tpu.memory_space<vmem>>, vector<16xf32>,
      %sub3A_3115 = arith.constant 1.000000e+00 : f32
      %sub3A_3116 = vector.broadcast %sub3A_3115 : f32 to vector<16xf32>
      %sub3A_3117 = arith.subf %sub3A_3116, %div3A_3078 : vector<16xf32>
      %mul3A_3118 = arith.mulf %get3A_3114, %sub3A_3117 : vector<16xf32>
      %get3A_3119 = arith.constant 32 : index
      %get3A_3120 = tpu.vector_load %arg10[%get3A_3119] {strides = array<i32>} : memref<256xf32, #tpu.memory_space<vmem>>, vector<16xf32>,
      %mul3A_3121 = arith.mulf %get3A_3120, %div3A_3078 : vector<16xf32>
      %add3A_3122 = arith.addf %mul3A_3118, %mul3A_3121 : vector<16xf32>
      %swap3A_3123 = arith.constant 7 : i32
      %swap3A_3124 = arith.index_cast %swap3A_3123 : i32 to index
      %swap3A_3125 = arith.constant 32 : index
      %swap3A_3126 = tpu.vector_load %arg13[%swap3A_3124, %swap3A_3125] {strides = array<i32>} : memref<8x256xf32, #tpu.memory_space<vmem>>, vector<16xf32>,
      tpu.vector_store %arg13[%swap3A_3124, %swap3A_3125], %add3A_3122 {strides = array<i32>} : memref<8x256xf32, #tpu.memory_space<vmem>>, vector<16xf32>,
      %get3A_3127 = arith.constant 7 : i32
      %get3A_3128 = arith.index_cast %get3A_3127 : i32 to index
      %get3A_3129 = arith.constant 48 : index
      %get3A_3130 = tpu.vector_load %arg9[%get3A_3128, %get3A_3129] {strides = array<i32>} : memref<8x256xf32, #tpu.memory_space<vmem>>, vector<16xf32>,
      %sub3A_3131 = arith.constant 1.000000e+00 : f32
      %sub3A_3132 = vector.broadcast %sub3A_3131 : f32 to vector<16xf32>
      %sub3A_3133 = arith.subf %sub3A_3132, %div3A_3078 : vector<16xf32>
      %mul3A_3134 = arith.mulf %get3A_3130, %sub3A_3133 : vector<16xf32>
      %get3A_3135 = arith.constant 48 : index
      %get3A_3136 = tpu.vector_load %arg10[%get3A_3135] {strides = array<i32>} : memref<256xf32, #tpu.memory_space<vmem>>, vector<16xf32>,
      %mul3A_3137 = arith.mulf %get3A_3136, %div3A_3078 : vector<16xf32>
      %add3A_3138 = arith.addf %mul3A_3134, %mul3A_3137 : vector<16xf32>
      %swap3A_3139 = arith.constant 7 : i32
      %swap3A_3140 = arith.index_cast %swap3A_3139 : i32 to index
      %swap3A_3141 = arith.constant 48 : index
      %swap3A_3142 = tpu.vector_load %arg13[%swap3A_3140, %swap3A_3141] {strides = array<i32>} : memref<8x256xf32, #tpu.memory_space<vmem>>, vector<16xf32>,
      tpu.vector_store %arg13[%swap3A_3140, %swap3A_3141], %add3A_3138 {strides = array<i32>} : memref<8x256xf32, #tpu.memory_space<vmem>>, vector<16xf32>,
      %get3A_3143 = arith.constant 7 : i32
      %get3A_3144 = arith.index_cast %get3A_3143 : i32 to index
      %get3A_3145 = arith.constant 64 : index
      %get3A_3146 = tpu.vector_load %arg9[%get3A_3144, %get3A_3145] {strides = array<i32>} : memref<8x256xf32, #tpu.memory_space<vmem>>, vector<16xf32>,
      %sub3A_3147 = arith.constant 1.000000e+00 : f32
      %sub3A_3148 = vector.broadcast %sub3A_3147 : f32 to vector<16xf32>
      %sub3A_3149 = arith.subf %sub3A_3148, %div3A_3078 : vector<16xf32>
      %mul3A_3150 = arith.mulf %get3A_3146, %sub3A_3149 : vector<16xf32>
      %get3A_3151 = arith.constant 64 : index
      %get3A_3152 = tpu.vector_load %arg10[%get3A_3151] {strides = array<i32>} : memref<256xf32, #tpu.memory_space<vmem>>, vector<16xf32>,
      %mul3A_3153 = arith.mulf %get3A_3152, %div3A_3078 : vector<16xf32>
      %add3A_3154 = arith.addf %mul3A_3150, %mul3A_3153 : vector<16xf32>
      %swap3A_3155 = arith.constant 7 : i32
      %swap3A_3156 = arith.index_cast %swap3A_3155 : i32 to index
      %swap3A_3157 = arith.constant 64 : index
      %swap3A_3158 = tpu.vector_load %arg13[%swap3A_3156, %swap3A_3157] {strides = array<i32>} : memref<8x256xf32, #tpu.memory_space<vmem>>, vector<16xf32>,
      tpu.vector_store %arg13[%swap3A_3156, %swap3A_3157], %add3A_3154 {strides = array<i32>} : memref<8x256xf32, #tpu.memory_space<vmem>>, vector<16xf32>,
      %get3A_3159 = arith.constant 7 : i32
      %get3A_3160 = arith.index_cast %get3A_3159 : i32 to index
      %get3A_3161 = arith.constant 80 : index
      %get3A_3162 = tpu.vector_load %arg9[%get3A_3160, %get3A_3161] {strides = array<i32>} : memref<8x256xf32, #tpu.memory_space<vmem>>, vector<16xf32>,
      %sub3A_3163 = arith.constant 1.000000e+00 : f32
      %sub3A_3164 = vector.broadcast %sub3A_3163 : f32 to vector<16xf32>
      %sub3A_3165 = arith.subf %sub3A_3164, %div3A_3078 : vector<16xf32>
      %mul3A_3166 = arith.mulf %get3A_3162, %sub3A_3165 : vector<16xf32>
      %get3A_3167 = arith.constant 80 : index
      %get3A_3168 = tpu.vector_load %arg10[%get3A_3167] {strides = array<i32>} : memref<256xf32, #tpu.memory_space<vmem>>, vector<16xf32>,
      %mul3A_3169 = arith.mulf %get3A_3168, %div3A_3078 : vector<16xf32>
      %add3A_3170 = arith.addf %mul3A_3166, %mul3A_3169 : vector<16xf32>
      %swap3A_3171 = arith.constant 7 : i32
      %swap3A_3172 = arith.index_cast %swap3A_3171 : i32 to index
      %swap3A_3173 = arith.constant 80 : index
      %swap3A_3174 = tpu.vector_load %arg13[%swap3A_3172, %swap3A_3173] {strides = array<i32>} : memref<8x256xf32, #tpu.memory_space<vmem>>, vector<16xf32>,
      tpu.vector_store %arg13[%swap3A_3172, %swap3A_3173], %add3A_3170 {strides = array<i32>} : memref<8x256xf32, #tpu.memory_space<vmem>>, vector<16xf32>,
      %get3A_3175 = arith.constant 7 : i32
      %get3A_3176 = arith.index_cast %get3A_3175 : i32 to index
      %get3A_3177 = arith.constant 96 : index
      %get3A_3178 = tpu.vector_load %arg9[%get3A_3176, %get3A_3177] {strides = array<i32>} : memref<8x256xf32, #tpu.memory_space<vmem>>, vector<16xf32>,
      %sub3A_3179 = arith.constant 1.000000e+00 : f32
      %sub3A_3180 = vector.broadcast %sub3A_3179 : f32 to vector<16xf32>
      %sub3A_3181 = arith.subf %sub3A_3180, %div3A_3078 : vector<16xf32>
      %mul3A_3182 = arith.mulf %get3A_3178, %sub3A_3181 : vector<16xf32>
      %get3A_3183 = arith.constant 96 : index
      %get3A_3184 = tpu.vector_load %arg10[%get3A_3183] {strides = array<i32>} : memref<256xf32, #tpu.memory_space<vmem>>, vector<16xf32>,
      %mul3A_3185 = arith.mulf %get3A_3184, %div3A_3078 : vector<16xf32>
      %add3A_3186 = arith.addf %mul3A_3182, %mul3A_3185 : vector<16xf32>
      %swap3A_3187 = arith.constant 7 : i32
      %swap3A_3188 = arith.index_cast %swap3A_3187 : i32 to index
      %swap3A_3189 = arith.constant 96 : index
      %swap3A_3190 = tpu.vector_load %arg13[%swap3A_3188, %swap3A_3189] {strides = array<i32>} : memref<8x256xf32, #tpu.memory_space<vmem>>, vector<16xf32>,
      tpu.vector_store %arg13[%swap3A_3188, %swap3A_3189], %add3A_3186 {strides = array<i32>} : memref<8x256xf32, #tpu.memory_space<vmem>>, vector<16xf32>,
      %get3A_3191 = arith.constant 7 : i32
      %get3A_3192 = arith.index_cast %get3A_3191 : i32 to index
      %get3A_3193 = arith.constant 112 : index
      %get3A_3194 = tpu.vector_load %arg9[%get3A_3192, %get3A_3193] {strides = array<i32>} : memref<8x256xf32, #tpu.memory_space<vmem>>, vector<16xf32>,
      %sub3A_3195 = arith.constant 1.000000e+00 : f32
      %sub3A_3196 = vector.broadcast %sub3A_3195 : f32 to vector<16xf32>
      %sub3A_3197 = arith.subf %sub3A_3196, %div3A_3078 : vector<16xf32>
      %mul3A_3198 = arith.mulf %get3A_3194, %sub3A_3197 : vector<16xf32>
      %get3A_3199 = arith.constant 112 : index
      %get3A_3200 = tpu.vector_load %arg10[%get3A_3199] {strides = array<i32>} : memref<256xf32, #tpu.memory_space<vmem>>, vector<16xf32>,
      %mul3A_3201 = arith.mulf %get3A_3200, %div3A_3078 : vector<16xf32>
      %add3A_3202 = arith.addf %mul3A_3198, %mul3A_3201 : vector<16xf32>
      %swap3A_3203 = arith.constant 7 : i32
      %swap3A_3204 = arith.index_cast %swap3A_3203 : i32 to index
      %swap3A_3205 = arith.constant 112 : index
      %swap3A_3206 = tpu.vector_load %arg13[%swap3A_3204, %swap3A_3205] {strides = array<i32>} : memref<8x256xf32, #tpu.memory_space<vmem>>, vector<16xf32>,
      tpu.vector_store %arg13[%swap3A_3204, %swap3A_3205], %add3A_3202 {strides = array<i32>} : memref<8x256xf32, #tpu.memory_space<vmem>>, vector<16xf32>,
      %get3A_3207 = arith.constant 7 : i32
      %get3A_3208 = arith.index_cast %get3A_3207 : i32 to index
      %get3A_3209 = arith.constant 128 : index
      %get3A_3210 = tpu.vector_load %arg9[%get3A_3208, %get3A_3209] {strides = array<i32>} : memref<8x256xf32, #tpu.memory_space<vmem>>, vector<16xf32>,
      %sub3A_3211 = arith.constant 1.000000e+00 : f32
      %sub3A_3212 = vector.broadcast %sub3A_3211 : f32 to vector<16xf32>
      %sub3A_3213 = arith.subf %sub3A_3212, %div3A_3078 : vector<16xf32>
      %mul3A_3214 = arith.mulf %get3A_3210, %sub3A_3213 : vector<16xf32>
      %get3A_3215 = arith.constant 128 : index
      %get3A_3216 = tpu.vector_load %arg10[%get3A_3215] {strides = array<i32>} : memref<256xf32, #tpu.memory_space<vmem>>, vector<16xf32>,
      %mul3A_3217 = arith.mulf %get3A_3216, %div3A_3078 : vector<16xf32>
      %add3A_3218 = arith.addf %mul3A_3214, %mul3A_3217 : vector<16xf32>
      %swap3A_3219 = arith.constant 7 : i32
      %swap3A_3220 = arith.index_cast %swap3A_3219 : i32 to index
      %swap3A_3221 = arith.constant 128 : index
      %swap3A_3222 = tpu.vector_load %arg13[%swap3A_3220, %swap3A_3221] {strides = array<i32>} : memref<8x256xf32, #tpu.memory_space<vmem>>, vector<16xf32>,
      tpu.vector_store %arg13[%swap3A_3220, %swap3A_3221], %add3A_3218 {strides = array<i32>} : memref<8x256xf32, #tpu.memory_space<vmem>>, vector<16xf32>,
      %get3A_3223 = arith.constant 7 : i32
      %get3A_3224 = arith.index_cast %get3A_3223 : i32 to index
      %get3A_3225 = arith.constant 144 : index
      %get3A_3226 = tpu.vector_load %arg9[%get3A_3224, %get3A_3225] {strides = array<i32>} : memref<8x256xf32, #tpu.memory_space<vmem>>, vector<16xf32>,
      %sub3A_3227 = arith.constant 1.000000e+00 : f32
      %sub3A_3228 = vector.broadcast %sub3A_3227 : f32 to vector<16xf32>
      %sub3A_3229 = arith.subf %sub3A_3228, %div3A_3078 : vector<16xf32>
      %mul3A_3230 = arith.mulf %get3A_3226, %sub3A_3229 : vector<16xf32>
      %get3A_3231 = arith.constant 144 : index
      %get3A_3232 = tpu.vector_load %arg10[%get3A_3231] {strides = array<i32>} : memref<256xf32, #tpu.memory_space<vmem>>, vector<16xf32>,
      %mul3A_3233 = arith.mulf %get3A_3232, %div3A_3078 : vector<16xf32>
      %add3A_3234 = arith.addf %mul3A_3230, %mul3A_3233 : vector<16xf32>
      %swap3A_3235 = arith.constant 7 : i32
      %swap3A_3236 = arith.index_cast %swap3A_3235 : i32 to index
      %swap3A_3237 = arith.constant 144 : index
      %swap3A_3238 = tpu.vector_load %arg13[%swap3A_3236, %swap3A_3237] {strides = array<i32>} : memref<8x256xf32, #tpu.memory_space<vmem>>, vector<16xf32>,
      tpu.vector_store %arg13[%swap3A_3236, %swap3A_3237], %add3A_3234 {strides = array<i32>} : memref<8x256xf32, #tpu.memory_space<vmem>>, vector<16xf32>,
      %get3A_3239 = arith.constant 7 : i32
      %get3A_3240 = arith.index_cast %get3A_3239 : i32 to index
      %get3A_3241 = arith.constant 160 : index
      %get3A_3242 = tpu.vector_load %arg9[%get3A_3240, %get3A_3241] {strides = array<i32>} : memref<8x256xf32, #tpu.memory_space<vmem>>, vector<16xf32>,
      %sub3A_3243 = arith.constant 1.000000e+00 : f32
      %sub3A_3244 = vector.broadcast %sub3A_3243 : f32 to vector<16xf32>
      %sub3A_3245 = arith.subf %sub3A_3244, %div3A_3078 : vector<16xf32>
      %mul3A_3246 = arith.mulf %get3A_3242, %sub3A_3245 : vector<16xf32>
      %get3A_3247 = arith.constant 160 : index
      %get3A_3248 = tpu.vector_load %arg10[%get3A_3247] {strides = array<i32>} : memref<256xf32, #tpu.memory_space<vmem>>, vector<16xf32>,
      %mul3A_3249 = arith.mulf %get3A_3248, %div3A_3078 : vector<16xf32>
      %add3A_3250 = arith.addf %mul3A_3246, %mul3A_3249 : vector<16xf32>
      %swap3A_3251 = arith.constant 7 : i32
      %swap3A_3252 = arith.index_cast %swap3A_3251 : i32 to index
      %swap3A_3253 = arith.constant 160 : index
      %swap3A_3254 = tpu.vector_load %arg13[%swap3A_3252, %swap3A_3253] {strides = array<i32>} : memref<8x256xf32, #tpu.memory_space<vmem>>, vector<16xf32>,
      tpu.vector_store %arg13[%swap3A_3252, %swap3A_3253], %add3A_3250 {strides = array<i32>} : memref<8x256xf32, #tpu.memory_space<vmem>>, vector<16xf32>,
      %get3A_3255 = arith.constant 7 : i32
      %get3A_3256 = arith.index_cast %get3A_3255 : i32 to index
      %get3A_3257 = arith.constant 176 : index
      %get3A_3258 = tpu.vector_load %arg9[%get3A_3256, %get3A_3257] {strides = array<i32>} : memref<8x256xf32, #tpu.memory_space<vmem>>, vector<16xf32>,
      %sub3A_3259 = arith.constant 1.000000e+00 : f32
      %sub3A_3260 = vector.broadcast %sub3A_3259 : f32 to vector<16xf32>
      %sub3A_3261 = arith.subf %sub3A_3260, %div3A_3078 : vector<16xf32>
      %mul3A_3262 = arith.mulf %get3A_3258, %sub3A_3261 : vector<16xf32>
      %get3A_3263 = arith.constant 176 : index
      %get3A_3264 = tpu.vector_load %arg10[%get3A_3263] {strides = array<i32>} : memref<256xf32, #tpu.memory_space<vmem>>, vector<16xf32>,
      %mul3A_3265 = arith.mulf %get3A_3264, %div3A_3078 : vector<16xf32>
      %add3A_3266 = arith.addf %mul3A_3262, %mul3A_3265 : vector<16xf32>
      %swap3A_3267 = arith.constant 7 : i32
      %swap3A_3268 = arith.index_cast %swap3A_3267 : i32 to index
      %swap3A_3269 = arith.constant 176 : index
      %swap3A_3270 = tpu.vector_load %arg13[%swap3A_3268, %swap3A_3269] {strides = array<i32>} : memref<8x256xf32, #tpu.memory_space<vmem>>, vector<16xf32>,
      tpu.vector_store %arg13[%swap3A_3268, %swap3A_3269], %add3A_3266 {strides = array<i32>} : memref<8x256xf32, #tpu.memory_space<vmem>>, vector<16xf32>,
      %get3A_3271 = arith.constant 7 : i32
      %get3A_3272 = arith.index_cast %get3A_3271 : i32 to index
      %get3A_3273 = arith.constant 192 : index
      %get3A_3274 = tpu.vector_load %arg9[%get3A_3272, %get3A_3273] {strides = array<i32>} : memref<8x256xf32, #tpu.memory_space<vmem>>, vector<16xf32>,
      %sub3A_3275 = arith.constant 1.000000e+00 : f32
      %sub3A_3276 = vector.broadcast %sub3A_3275 : f32 to vector<16xf32>
      %sub3A_3277 = arith.subf %sub3A_3276, %div3A_3078 : vector<16xf32>
      %mul3A_3278 = arith.mulf %get3A_3274, %sub3A_3277 : vector<16xf32>
      %get3A_3279 = arith.constant 192 : index
      %get3A_3280 = tpu.vector_load %arg10[%get3A_3279] {strides = array<i32>} : memref<256xf32, #tpu.memory_space<vmem>>, vector<16xf32>,
      %mul3A_3281 = arith.mulf %get3A_3280, %div3A_3078 : vector<16xf32>
      %add3A_3282 = arith.addf %mul3A_3278, %mul3A_3281 : vector<16xf32>
      %swap3A_3283 = arith.constant 7 : i32
      %swap3A_3284 = arith.index_cast %swap3A_3283 : i32 to index
      %swap3A_3285 = arith.constant 192 : index
      %swap3A_3286 = tpu.vector_load %arg13[%swap3A_3284, %swap3A_3285] {strides = array<i32>} : memref<8x256xf32, #tpu.memory_space<vmem>>, vector<16xf32>,
      tpu.vector_store %arg13[%swap3A_3284, %swap3A_3285], %add3A_3282 {strides = array<i32>} : memref<8x256xf32, #tpu.memory_space<vmem>>, vector<16xf32>,
      %get3A_3287 = arith.constant 7 : i32
      %get3A_3288 = arith.index_cast %get3A_3287 : i32 to index
      %get3A_3289 = arith.constant 208 : index
      %get3A_3290 = tpu.vector_load %arg9[%get3A_3288, %get3A_3289] {strides = array<i32>} : memref<8x256xf32, #tpu.memory_space<vmem>>, vector<16xf32>,
      %sub3A_3291 = arith.constant 1.000000e+00 : f32
      %sub3A_3292 = vector.broadcast %sub3A_3291 : f32 to vector<16xf32>
      %sub3A_3293 = arith.subf %sub3A_3292, %div3A_3078 : vector<16xf32>
      %mul3A_3294 = arith.mulf %get3A_3290, %sub3A_3293 : vector<16xf32>
      %get3A_3295 = arith.constant 208 : index
      %get3A_3296 = tpu.vector_load %arg10[%get3A_3295] {strides = array<i32>} : memref<256xf32, #tpu.memory_space<vmem>>, vector<16xf32>,
      %mul3A_3297 = arith.mulf %get3A_3296, %div3A_3078 : vector<16xf32>
      %add3A_3298 = arith.addf %mul3A_3294, %mul3A_3297 : vector<16xf32>
      %swap3A_3299 = arith.constant 7 : i32
      %swap3A_3300 = arith.index_cast %swap3A_3299 : i32 to index
      %swap3A_3301 = arith.constant 208 : index
      %swap3A_3302 = tpu.vector_load %arg13[%swap3A_3300, %swap3A_3301] {strides = array<i32>} : memref<8x256xf32, #tpu.memory_space<vmem>>, vector<16xf32>,
      tpu.vector_store %arg13[%swap3A_3300, %swap3A_3301], %add3A_3298 {strides = array<i32>} : memref<8x256xf32, #tpu.memory_space<vmem>>, vector<16xf32>,
      %get3A_3303 = arith.constant 7 : i32
      %get3A_3304 = arith.index_cast %get3A_3303 : i32 to index
      %get3A_3305 = arith.constant 224 : index
      %get3A_3306 = tpu.vector_load %arg9[%get3A_3304, %get3A_3305] {strides = array<i32>} : memref<8x256xf32, #tpu.memory_space<vmem>>, vector<16xf32>,
      %sub3A_3307 = arith.constant 1.000000e+00 : f32
      %sub3A_3308 = vector.broadcast %sub3A_3307 : f32 to vector<16xf32>
      %sub3A_3309 = arith.subf %sub3A_3308, %div3A_3078 : vector<16xf32>
      %mul3A_3310 = arith.mulf %get3A_3306, %sub3A_3309 : vector<16xf32>
      %get3A_3311 = arith.constant 224 : index
      %get3A_3312 = tpu.vector_load %arg10[%get3A_3311] {strides = array<i32>} : memref<256xf32, #tpu.memory_space<vmem>>, vector<16xf32>,
      %mul3A_3313 = arith.mulf %get3A_3312, %div3A_3078 : vector<16xf32>
      %add3A_3314 = arith.addf %mul3A_3310, %mul3A_3313 : vector<16xf32>
      %swap3A_3315 = arith.constant 7 : i32
      %swap3A_3316 = arith.index_cast %swap3A_3315 : i32 to index
      %swap3A_3317 = arith.constant 224 : index
      %swap3A_3318 = tpu.vector_load %arg13[%swap3A_3316, %swap3A_3317] {strides = array<i32>} : memref<8x256xf32, #tpu.memory_space<vmem>>, vector<16xf32>,
      tpu.vector_store %arg13[%swap3A_3316, %swap3A_3317], %add3A_3314 {strides = array<i32>} : memref<8x256xf32, #tpu.memory_space<vmem>>, vector<16xf32>,
      %get3A_3319 = arith.constant 7 : i32
      %get3A_3320 = arith.index_cast %get3A_3319 : i32 to index
      %get3A_3321 = arith.constant 240 : index
      %get3A_3322 = tpu.vector_load %arg9[%get3A_3320, %get3A_3321] {strides = array<i32>} : memref<8x256xf32, #tpu.memory_space<vmem>>, vector<16xf32>,
      %sub3A_3323 = arith.constant 1.000000e+00 : f32
      %sub3A_3324 = vector.broadcast %sub3A_3323 : f32 to vector<16xf32>
      %sub3A_3325 = arith.subf %sub3A_3324, %div3A_3078 : vector<16xf32>
      %mul3A_3326 = arith.mulf %get3A_3322, %sub3A_3325 : vector<16xf32>
      %get3A_3327 = arith.constant 240 : index
      %get3A_3328 = tpu.vector_load %arg10[%get3A_3327] {strides = array<i32>} : memref<256xf32, #tpu.memory_space<vmem>>, vector<16xf32>,
      %mul3A_3329 = arith.mulf %get3A_3328, %div3A_3078 : vector<16xf32>
      %add3A_3330 = arith.addf %mul3A_3326, %mul3A_3329 : vector<16xf32>
      %swap3A_3331 = arith.constant 7 : i32
      %swap3A_3332 = arith.index_cast %swap3A_3331 : i32 to index
      %swap3A_3333 = arith.constant 240 : index
      %swap3A_3334 = tpu.vector_load %arg13[%swap3A_3332, %swap3A_3333] {strides = array<i32>} : memref<8x256xf32, #tpu.memory_space<vmem>>, vector<16xf32>,
      tpu.vector_store %arg13[%swap3A_3332, %swap3A_3333], %add3A_3330 {strides = array<i32>} : memref<8x256xf32, #tpu.memory_space<vmem>>, vector<16xf32>,
      "tpu.region"() ({
        %run_scoped3A = tpu.sem_alloc : memref<!tpu.dma_semaphore, #tpu.memory_space<semaphore_mem>>
        tpu.enqueue_dma source(%arg13 : memref<8x256xf32, #tpu.memory_space<vmem>>) target(%arg7 : memref<8x256xf32, #tpu.memory_space<hbm>>) target_semaphore(%run_scoped3A : memref<!tpu.dma_semaphore, #tpu.memory_space<semaphore_mem>>)
        tpu.wait_dma2 semaphore(%run_scoped3A : memref<!tpu.dma_semaphore, #tpu.memory_space<semaphore_mem>>) src(%arg13 : memref<8x256xf32, #tpu.memory_space<vmem>>) dst(%arg7 : memref<8x256xf32, #tpu.memory_space<hbm>>)
        tpu.yield
      }) : () -> ()
    } else {
    }
    return
  }
}

module attributes {stable_mosaic.version = 14 : i64} {
  func.func @_tc_copy_body(%arg0: memref<80000x256xf32, #tpu.memory_space<hbm>>, %arg1: memref<80000x256xf32, #tpu.memory_space<hbm>>, %arg2: memref<8x4000x256xf32, #tpu.memory_space<vmem>>, %arg3: memref<8x!tpu.dma_semaphore, #tpu.memory_space<semaphore_mem>>, %arg4: memref<8x!tpu.dma_semaphore, #tpu.memory_space<semaphore_mem>>) attributes {dimension_semantics = [], scalar_prefetch = 0 : i64, scratch_operands = 3 : i64, tpu.core_type = #tpu.core_type<tc>} {
    %dma_start3A = arith.constant 0 : i32
    %dma_start3A_0 = arith.constant 0 : i32
    %dma_start3A_1 = tpu.memref_slice %arg3[%dma_start3A_0] : memref<8x!tpu.dma_semaphore, #tpu.memory_space<semaphore_mem>> -> memref<1x!tpu.dma_semaphore, #tpu.memory_space<semaphore_mem>>
    %dma_start3A_2 = tpu.memref_squeeze %dma_start3A_1 : memref<1x!tpu.dma_semaphore, #tpu.memory_space<semaphore_mem>> -> memref<!tpu.dma_semaphore, #tpu.memory_space<semaphore_mem>>
    %dma_start3A_3 = arith.constant 0 : i32
    %dma_start3A_4 = arith.constant 0 : i32
    %dma_start3A_5 = tpu.memref_slice %arg2[%dma_start3A, %dma_start3A_3, %dma_start3A_4] : memref<8x4000x256xf32, #tpu.memory_space<vmem>> -> memref<1x4000x256xf32, #tpu.memory_space<vmem>>
    %dma_start3A_6 = tpu.memref_squeeze %dma_start3A_5 : memref<1x4000x256xf32, #tpu.memory_space<vmem>> -> memref<4000x256xf32, #tpu.memory_space<vmem>>
    %dma_start3A_7 = arith.constant 0 : i32
    %dma_start3A_8 = arith.constant 0 : i32
    %dma_start3A_9 = tpu.memref_slice %arg0[%dma_start3A_7, %dma_start3A_8] : memref<80000x256xf32, #tpu.memory_space<hbm>> -> memref<4000x256xf32, #tpu.memory_space<hbm>>
    tpu.enqueue_dma source(%dma_start3A_9 : memref<4000x256xf32, #tpu.memory_space<hbm>>) target(%dma_start3A_6 : memref<4000x256xf32, #tpu.memory_space<vmem>>) target_semaphore(%dma_start3A_2 : memref<!tpu.dma_semaphore, #tpu.memory_space<semaphore_mem>>)
    %dma_start3A_10 = arith.constant 1 : i32
    %dma_start3A_11 = arith.constant 1 : i32
    %dma_start3A_12 = tpu.memref_slice %arg3[%dma_start3A_11] : memref<8x!tpu.dma_semaphore, #tpu.memory_space<semaphore_mem>> -> memref<1x!tpu.dma_semaphore, #tpu.memory_space<semaphore_mem>>
    %dma_start3A_13 = tpu.memref_squeeze %dma_start3A_12 : memref<1x!tpu.dma_semaphore, #tpu.memory_space<semaphore_mem>> -> memref<!tpu.dma_semaphore, #tpu.memory_space<semaphore_mem>>
    %dma_start3A_14 = arith.constant 0 : i32
    %dma_start3A_15 = arith.constant 0 : i32
    %dma_start3A_16 = tpu.memref_slice %arg2[%dma_start3A_10, %dma_start3A_14, %dma_start3A_15] : memref<8x4000x256xf32, #tpu.memory_space<vmem>> -> memref<1x4000x256xf32, #tpu.memory_space<vmem>>
    %dma_start3A_17 = tpu.memref_squeeze %dma_start3A_16 : memref<1x4000x256xf32, #tpu.memory_space<vmem>> -> memref<4000x256xf32, #tpu.memory_space<vmem>>
    %dma_start3A_18 = arith.constant 4000 : i32
    %dma_start3A_19 = arith.constant 0 : i32
    %dma_start3A_20 = tpu.memref_slice %arg0[%dma_start3A_18, %dma_start3A_19] : memref<80000x256xf32, #tpu.memory_space<hbm>> -> memref<4000x256xf32, #tpu.memory_space<hbm>>
    tpu.enqueue_dma source(%dma_start3A_20 : memref<4000x256xf32, #tpu.memory_space<hbm>>) target(%dma_start3A_17 : memref<4000x256xf32, #tpu.memory_space<vmem>>) target_semaphore(%dma_start3A_13 : memref<!tpu.dma_semaphore, #tpu.memory_space<semaphore_mem>>)
    %dma_start3A_21 = arith.constant 2 : i32
    %dma_start3A_22 = arith.constant 2 : i32
    %dma_start3A_23 = tpu.memref_slice %arg3[%dma_start3A_22] : memref<8x!tpu.dma_semaphore, #tpu.memory_space<semaphore_mem>> -> memref<1x!tpu.dma_semaphore, #tpu.memory_space<semaphore_mem>>
    %dma_start3A_24 = tpu.memref_squeeze %dma_start3A_23 : memref<1x!tpu.dma_semaphore, #tpu.memory_space<semaphore_mem>> -> memref<!tpu.dma_semaphore, #tpu.memory_space<semaphore_mem>>
    %dma_start3A_25 = arith.constant 0 : i32
    %dma_start3A_26 = arith.constant 0 : i32
    %dma_start3A_27 = tpu.memref_slice %arg2[%dma_start3A_21, %dma_start3A_25, %dma_start3A_26] : memref<8x4000x256xf32, #tpu.memory_space<vmem>> -> memref<1x4000x256xf32, #tpu.memory_space<vmem>>
    %dma_start3A_28 = tpu.memref_squeeze %dma_start3A_27 : memref<1x4000x256xf32, #tpu.memory_space<vmem>> -> memref<4000x256xf32, #tpu.memory_space<vmem>>
    %dma_start3A_29 = arith.constant 8000 : i32
    %dma_start3A_30 = arith.constant 0 : i32
    %dma_start3A_31 = tpu.memref_slice %arg0[%dma_start3A_29, %dma_start3A_30] : memref<80000x256xf32, #tpu.memory_space<hbm>> -> memref<4000x256xf32, #tpu.memory_space<hbm>>
    tpu.enqueue_dma source(%dma_start3A_31 : memref<4000x256xf32, #tpu.memory_space<hbm>>) target(%dma_start3A_28 : memref<4000x256xf32, #tpu.memory_space<vmem>>) target_semaphore(%dma_start3A_24 : memref<!tpu.dma_semaphore, #tpu.memory_space<semaphore_mem>>)
    %dma_start3A_32 = arith.constant 3 : i32
    %dma_start3A_33 = arith.constant 3 : i32
    %dma_start3A_34 = tpu.memref_slice %arg3[%dma_start3A_33] : memref<8x!tpu.dma_semaphore, #tpu.memory_space<semaphore_mem>> -> memref<1x!tpu.dma_semaphore, #tpu.memory_space<semaphore_mem>>
    %dma_start3A_35 = tpu.memref_squeeze %dma_start3A_34 : memref<1x!tpu.dma_semaphore, #tpu.memory_space<semaphore_mem>> -> memref<!tpu.dma_semaphore, #tpu.memory_space<semaphore_mem>>
    %dma_start3A_36 = arith.constant 0 : i32
    %dma_start3A_37 = arith.constant 0 : i32
    %dma_start3A_38 = tpu.memref_slice %arg2[%dma_start3A_32, %dma_start3A_36, %dma_start3A_37] : memref<8x4000x256xf32, #tpu.memory_space<vmem>> -> memref<1x4000x256xf32, #tpu.memory_space<vmem>>
    %dma_start3A_39 = tpu.memref_squeeze %dma_start3A_38 : memref<1x4000x256xf32, #tpu.memory_space<vmem>> -> memref<4000x256xf32, #tpu.memory_space<vmem>>
    %dma_start3A_40 = arith.constant 12000 : i32
    %dma_start3A_41 = arith.constant 0 : i32
    %dma_start3A_42 = tpu.memref_slice %arg0[%dma_start3A_40, %dma_start3A_41] : memref<80000x256xf32, #tpu.memory_space<hbm>> -> memref<4000x256xf32, #tpu.memory_space<hbm>>
    tpu.enqueue_dma source(%dma_start3A_42 : memref<4000x256xf32, #tpu.memory_space<hbm>>) target(%dma_start3A_39 : memref<4000x256xf32, #tpu.memory_space<vmem>>) target_semaphore(%dma_start3A_35 : memref<!tpu.dma_semaphore, #tpu.memory_space<semaphore_mem>>)
    %dma_start3A_43 = arith.constant 4 : i32
    %dma_start3A_44 = arith.constant 4 : i32
    %dma_start3A_45 = tpu.memref_slice %arg3[%dma_start3A_44] : memref<8x!tpu.dma_semaphore, #tpu.memory_space<semaphore_mem>> -> memref<1x!tpu.dma_semaphore, #tpu.memory_space<semaphore_mem>>
    %dma_start3A_46 = tpu.memref_squeeze %dma_start3A_45 : memref<1x!tpu.dma_semaphore, #tpu.memory_space<semaphore_mem>> -> memref<!tpu.dma_semaphore, #tpu.memory_space<semaphore_mem>>
    %dma_start3A_47 = arith.constant 0 : i32
    %dma_start3A_48 = arith.constant 0 : i32
    %dma_start3A_49 = tpu.memref_slice %arg2[%dma_start3A_43, %dma_start3A_47, %dma_start3A_48] : memref<8x4000x256xf32, #tpu.memory_space<vmem>> -> memref<1x4000x256xf32, #tpu.memory_space<vmem>>
    %dma_start3A_50 = tpu.memref_squeeze %dma_start3A_49 : memref<1x4000x256xf32, #tpu.memory_space<vmem>> -> memref<4000x256xf32, #tpu.memory_space<vmem>>
    %dma_start3A_51 = arith.constant 16000 : i32
    %dma_start3A_52 = arith.constant 0 : i32
    %dma_start3A_53 = tpu.memref_slice %arg0[%dma_start3A_51, %dma_start3A_52] : memref<80000x256xf32, #tpu.memory_space<hbm>> -> memref<4000x256xf32, #tpu.memory_space<hbm>>
    tpu.enqueue_dma source(%dma_start3A_53 : memref<4000x256xf32, #tpu.memory_space<hbm>>) target(%dma_start3A_50 : memref<4000x256xf32, #tpu.memory_space<vmem>>) target_semaphore(%dma_start3A_46 : memref<!tpu.dma_semaphore, #tpu.memory_space<semaphore_mem>>)
    %dma_start3A_54 = arith.constant 5 : i32
    %dma_start3A_55 = arith.constant 5 : i32
    %dma_start3A_56 = tpu.memref_slice %arg3[%dma_start3A_55] : memref<8x!tpu.dma_semaphore, #tpu.memory_space<semaphore_mem>> -> memref<1x!tpu.dma_semaphore, #tpu.memory_space<semaphore_mem>>
    %dma_start3A_57 = tpu.memref_squeeze %dma_start3A_56 : memref<1x!tpu.dma_semaphore, #tpu.memory_space<semaphore_mem>> -> memref<!tpu.dma_semaphore, #tpu.memory_space<semaphore_mem>>
    %dma_start3A_58 = arith.constant 0 : i32
    %dma_start3A_59 = arith.constant 0 : i32
    %dma_start3A_60 = tpu.memref_slice %arg2[%dma_start3A_54, %dma_start3A_58, %dma_start3A_59] : memref<8x4000x256xf32, #tpu.memory_space<vmem>> -> memref<1x4000x256xf32, #tpu.memory_space<vmem>>
    %dma_start3A_61 = tpu.memref_squeeze %dma_start3A_60 : memref<1x4000x256xf32, #tpu.memory_space<vmem>> -> memref<4000x256xf32, #tpu.memory_space<vmem>>
    %dma_start3A_62 = arith.constant 20000 : i32
    %dma_start3A_63 = arith.constant 0 : i32
    %dma_start3A_64 = tpu.memref_slice %arg0[%dma_start3A_62, %dma_start3A_63] : memref<80000x256xf32, #tpu.memory_space<hbm>> -> memref<4000x256xf32, #tpu.memory_space<hbm>>
    tpu.enqueue_dma source(%dma_start3A_64 : memref<4000x256xf32, #tpu.memory_space<hbm>>) target(%dma_start3A_61 : memref<4000x256xf32, #tpu.memory_space<vmem>>) target_semaphore(%dma_start3A_57 : memref<!tpu.dma_semaphore, #tpu.memory_space<semaphore_mem>>)
    %dma_start3A_65 = arith.constant 6 : i32
    %dma_start3A_66 = arith.constant 6 : i32
    %dma_start3A_67 = tpu.memref_slice %arg3[%dma_start3A_66] : memref<8x!tpu.dma_semaphore, #tpu.memory_space<semaphore_mem>> -> memref<1x!tpu.dma_semaphore, #tpu.memory_space<semaphore_mem>>
    %dma_start3A_68 = tpu.memref_squeeze %dma_start3A_67 : memref<1x!tpu.dma_semaphore, #tpu.memory_space<semaphore_mem>> -> memref<!tpu.dma_semaphore, #tpu.memory_space<semaphore_mem>>
    %dma_start3A_69 = arith.constant 0 : i32
    %dma_start3A_70 = arith.constant 0 : i32
    %dma_start3A_71 = tpu.memref_slice %arg2[%dma_start3A_65, %dma_start3A_69, %dma_start3A_70] : memref<8x4000x256xf32, #tpu.memory_space<vmem>> -> memref<1x4000x256xf32, #tpu.memory_space<vmem>>
    %dma_start3A_72 = tpu.memref_squeeze %dma_start3A_71 : memref<1x4000x256xf32, #tpu.memory_space<vmem>> -> memref<4000x256xf32, #tpu.memory_space<vmem>>
    %dma_start3A_73 = arith.constant 24000 : i32
    %dma_start3A_74 = arith.constant 0 : i32
    %dma_start3A_75 = tpu.memref_slice %arg0[%dma_start3A_73, %dma_start3A_74] : memref<80000x256xf32, #tpu.memory_space<hbm>> -> memref<4000x256xf32, #tpu.memory_space<hbm>>
    tpu.enqueue_dma source(%dma_start3A_75 : memref<4000x256xf32, #tpu.memory_space<hbm>>) target(%dma_start3A_72 : memref<4000x256xf32, #tpu.memory_space<vmem>>) target_semaphore(%dma_start3A_68 : memref<!tpu.dma_semaphore, #tpu.memory_space<semaphore_mem>>)
    %dma_start3A_76 = arith.constant 7 : i32
    %dma_start3A_77 = arith.constant 7 : i32
    %dma_start3A_78 = tpu.memref_slice %arg3[%dma_start3A_77] : memref<8x!tpu.dma_semaphore, #tpu.memory_space<semaphore_mem>> -> memref<1x!tpu.dma_semaphore, #tpu.memory_space<semaphore_mem>>
    %dma_start3A_79 = tpu.memref_squeeze %dma_start3A_78 : memref<1x!tpu.dma_semaphore, #tpu.memory_space<semaphore_mem>> -> memref<!tpu.dma_semaphore, #tpu.memory_space<semaphore_mem>>
    %dma_start3A_80 = arith.constant 0 : i32
    %dma_start3A_81 = arith.constant 0 : i32
    %dma_start3A_82 = tpu.memref_slice %arg2[%dma_start3A_76, %dma_start3A_80, %dma_start3A_81] : memref<8x4000x256xf32, #tpu.memory_space<vmem>> -> memref<1x4000x256xf32, #tpu.memory_space<vmem>>
    %dma_start3A_83 = tpu.memref_squeeze %dma_start3A_82 : memref<1x4000x256xf32, #tpu.memory_space<vmem>> -> memref<4000x256xf32, #tpu.memory_space<vmem>>
    %dma_start3A_84 = arith.constant 28000 : i32
    %dma_start3A_85 = arith.constant 0 : i32
    %dma_start3A_86 = tpu.memref_slice %arg0[%dma_start3A_84, %dma_start3A_85] : memref<80000x256xf32, #tpu.memory_space<hbm>> -> memref<4000x256xf32, #tpu.memory_space<hbm>>
    tpu.enqueue_dma source(%dma_start3A_86 : memref<4000x256xf32, #tpu.memory_space<hbm>>) target(%dma_start3A_83 : memref<4000x256xf32, #tpu.memory_space<vmem>>) target_semaphore(%dma_start3A_79 : memref<!tpu.dma_semaphore, #tpu.memory_space<semaphore_mem>>)
    %dma_wait3A = arith.constant 0 : i32
    %dma_wait3A_87 = arith.constant 0 : i32
    %dma_wait3A_88 = tpu.memref_slice %arg3[%dma_wait3A_87] : memref<8x!tpu.dma_semaphore, #tpu.memory_space<semaphore_mem>> -> memref<1x!tpu.dma_semaphore, #tpu.memory_space<semaphore_mem>>
    %dma_wait3A_89 = tpu.memref_squeeze %dma_wait3A_88 : memref<1x!tpu.dma_semaphore, #tpu.memory_space<semaphore_mem>> -> memref<!tpu.dma_semaphore, #tpu.memory_space<semaphore_mem>>
    %dma_wait3A_90 = arith.constant 0 : i32
    %dma_wait3A_91 = arith.constant 0 : i32
    %dma_wait3A_92 = tpu.memref_slice %arg2[%dma_wait3A, %dma_wait3A_90, %dma_wait3A_91] : memref<8x4000x256xf32, #tpu.memory_space<vmem>> -> memref<1x4000x256xf32, #tpu.memory_space<vmem>>
    %dma_wait3A_93 = tpu.memref_squeeze %dma_wait3A_92 : memref<1x4000x256xf32, #tpu.memory_space<vmem>> -> memref<4000x256xf32, #tpu.memory_space<vmem>>
    %dma_wait3A_94 = arith.constant 0 : i32
    %dma_wait3A_95 = arith.constant 0 : i32
    %dma_wait3A_96 = tpu.memref_slice %arg0[%dma_wait3A_94, %dma_wait3A_95] : memref<80000x256xf32, #tpu.memory_space<hbm>> -> memref<4000x256xf32, #tpu.memory_space<hbm>>
    tpu.wait_dma2 semaphore(%dma_wait3A_89 : memref<!tpu.dma_semaphore, #tpu.memory_space<semaphore_mem>>) src(%dma_wait3A_96 : memref<4000x256xf32, #tpu.memory_space<hbm>>) dst(%dma_wait3A_93 : memref<4000x256xf32, #tpu.memory_space<vmem>>)
    %dma_start3A_97 = arith.constant 0 : i32
    %dma_start3A_98 = arith.constant 0 : i32
    %dma_start3A_99 = tpu.memref_slice %arg4[%dma_start3A_98] : memref<8x!tpu.dma_semaphore, #tpu.memory_space<semaphore_mem>> -> memref<1x!tpu.dma_semaphore, #tpu.memory_space<semaphore_mem>>
    %dma_start3A_100 = tpu.memref_squeeze %dma_start3A_99 : memref<1x!tpu.dma_semaphore, #tpu.memory_space<semaphore_mem>> -> memref<!tpu.dma_semaphore, #tpu.memory_space<semaphore_mem>>
    %dma_start3A_101 = arith.constant 0 : i32
    %dma_start3A_102 = arith.constant 0 : i32
    %dma_start3A_103 = tpu.memref_slice %arg1[%dma_start3A_101, %dma_start3A_102] : memref<80000x256xf32, #tpu.memory_space<hbm>> -> memref<4000x256xf32, #tpu.memory_space<hbm>>
    %dma_start3A_104 = arith.constant 0 : i32
    %dma_start3A_105 = arith.constant 0 : i32
    %dma_start3A_106 = tpu.memref_slice %arg2[%dma_start3A_97, %dma_start3A_104, %dma_start3A_105] : memref<8x4000x256xf32, #tpu.memory_space<vmem>> -> memref<1x4000x256xf32, #tpu.memory_space<vmem>>
    %dma_start3A_107 = tpu.memref_squeeze %dma_start3A_106 : memref<1x4000x256xf32, #tpu.memory_space<vmem>> -> memref<4000x256xf32, #tpu.memory_space<vmem>>
    tpu.enqueue_dma source(%dma_start3A_107 : memref<4000x256xf32, #tpu.memory_space<vmem>>) target(%dma_start3A_103 : memref<4000x256xf32, #tpu.memory_space<hbm>>) target_semaphore(%dma_start3A_100 : memref<!tpu.dma_semaphore, #tpu.memory_space<semaphore_mem>>)
    %dma_wait3A_108 = arith.constant 1 : i32
    %dma_wait3A_109 = arith.constant 1 : i32
    %dma_wait3A_110 = tpu.memref_slice %arg3[%dma_wait3A_109] : memref<8x!tpu.dma_semaphore, #tpu.memory_space<semaphore_mem>> -> memref<1x!tpu.dma_semaphore, #tpu.memory_space<semaphore_mem>>
    %dma_wait3A_111 = tpu.memref_squeeze %dma_wait3A_110 : memref<1x!tpu.dma_semaphore, #tpu.memory_space<semaphore_mem>> -> memref<!tpu.dma_semaphore, #tpu.memory_space<semaphore_mem>>
    %dma_wait3A_112 = arith.constant 0 : i32
    %dma_wait3A_113 = arith.constant 0 : i32
    %dma_wait3A_114 = tpu.memref_slice %arg2[%dma_wait3A_108, %dma_wait3A_112, %dma_wait3A_113] : memref<8x4000x256xf32, #tpu.memory_space<vmem>> -> memref<1x4000x256xf32, #tpu.memory_space<vmem>>
    %dma_wait3A_115 = tpu.memref_squeeze %dma_wait3A_114 : memref<1x4000x256xf32, #tpu.memory_space<vmem>> -> memref<4000x256xf32, #tpu.memory_space<vmem>>
    %dma_wait3A_116 = arith.constant 4000 : i32
    %dma_wait3A_117 = arith.constant 0 : i32
    %dma_wait3A_118 = tpu.memref_slice %arg0[%dma_wait3A_116, %dma_wait3A_117] : memref<80000x256xf32, #tpu.memory_space<hbm>> -> memref<4000x256xf32, #tpu.memory_space<hbm>>
    tpu.wait_dma2 semaphore(%dma_wait3A_111 : memref<!tpu.dma_semaphore, #tpu.memory_space<semaphore_mem>>) src(%dma_wait3A_118 : memref<4000x256xf32, #tpu.memory_space<hbm>>) dst(%dma_wait3A_115 : memref<4000x256xf32, #tpu.memory_space<vmem>>)
    %dma_start3A_119 = arith.constant 1 : i32
    %dma_start3A_120 = arith.constant 1 : i32
    %dma_start3A_121 = tpu.memref_slice %arg4[%dma_start3A_120] : memref<8x!tpu.dma_semaphore, #tpu.memory_space<semaphore_mem>> -> memref<1x!tpu.dma_semaphore, #tpu.memory_space<semaphore_mem>>
    %dma_start3A_122 = tpu.memref_squeeze %dma_start3A_121 : memref<1x!tpu.dma_semaphore, #tpu.memory_space<semaphore_mem>> -> memref<!tpu.dma_semaphore, #tpu.memory_space<semaphore_mem>>
    %dma_start3A_123 = arith.constant 4000 : i32
    %dma_start3A_124 = arith.constant 0 : i32
    %dma_start3A_125 = tpu.memref_slice %arg1[%dma_start3A_123, %dma_start3A_124] : memref<80000x256xf32, #tpu.memory_space<hbm>> -> memref<4000x256xf32, #tpu.memory_space<hbm>>
    %dma_start3A_126 = arith.constant 0 : i32
    %dma_start3A_127 = arith.constant 0 : i32
    %dma_start3A_128 = tpu.memref_slice %arg2[%dma_start3A_119, %dma_start3A_126, %dma_start3A_127] : memref<8x4000x256xf32, #tpu.memory_space<vmem>> -> memref<1x4000x256xf32, #tpu.memory_space<vmem>>
    %dma_start3A_129 = tpu.memref_squeeze %dma_start3A_128 : memref<1x4000x256xf32, #tpu.memory_space<vmem>> -> memref<4000x256xf32, #tpu.memory_space<vmem>>
    tpu.enqueue_dma source(%dma_start3A_129 : memref<4000x256xf32, #tpu.memory_space<vmem>>) target(%dma_start3A_125 : memref<4000x256xf32, #tpu.memory_space<hbm>>) target_semaphore(%dma_start3A_122 : memref<!tpu.dma_semaphore, #tpu.memory_space<semaphore_mem>>)
    %dma_wait3A_130 = arith.constant 2 : i32
    %dma_wait3A_131 = arith.constant 2 : i32
    %dma_wait3A_132 = tpu.memref_slice %arg3[%dma_wait3A_131] : memref<8x!tpu.dma_semaphore, #tpu.memory_space<semaphore_mem>> -> memref<1x!tpu.dma_semaphore, #tpu.memory_space<semaphore_mem>>
    %dma_wait3A_133 = tpu.memref_squeeze %dma_wait3A_132 : memref<1x!tpu.dma_semaphore, #tpu.memory_space<semaphore_mem>> -> memref<!tpu.dma_semaphore, #tpu.memory_space<semaphore_mem>>
    %dma_wait3A_134 = arith.constant 0 : i32
    %dma_wait3A_135 = arith.constant 0 : i32
    %dma_wait3A_136 = tpu.memref_slice %arg2[%dma_wait3A_130, %dma_wait3A_134, %dma_wait3A_135] : memref<8x4000x256xf32, #tpu.memory_space<vmem>> -> memref<1x4000x256xf32, #tpu.memory_space<vmem>>
    %dma_wait3A_137 = tpu.memref_squeeze %dma_wait3A_136 : memref<1x4000x256xf32, #tpu.memory_space<vmem>> -> memref<4000x256xf32, #tpu.memory_space<vmem>>
    %dma_wait3A_138 = arith.constant 8000 : i32
    %dma_wait3A_139 = arith.constant 0 : i32
    %dma_wait3A_140 = tpu.memref_slice %arg0[%dma_wait3A_138, %dma_wait3A_139] : memref<80000x256xf32, #tpu.memory_space<hbm>> -> memref<4000x256xf32, #tpu.memory_space<hbm>>
    tpu.wait_dma2 semaphore(%dma_wait3A_133 : memref<!tpu.dma_semaphore, #tpu.memory_space<semaphore_mem>>) src(%dma_wait3A_140 : memref<4000x256xf32, #tpu.memory_space<hbm>>) dst(%dma_wait3A_137 : memref<4000x256xf32, #tpu.memory_space<vmem>>)
    %dma_start3A_141 = arith.constant 2 : i32
    %dma_start3A_142 = arith.constant 2 : i32
    %dma_start3A_143 = tpu.memref_slice %arg4[%dma_start3A_142] : memref<8x!tpu.dma_semaphore, #tpu.memory_space<semaphore_mem>> -> memref<1x!tpu.dma_semaphore, #tpu.memory_space<semaphore_mem>>
    %dma_start3A_144 = tpu.memref_squeeze %dma_start3A_143 : memref<1x!tpu.dma_semaphore, #tpu.memory_space<semaphore_mem>> -> memref<!tpu.dma_semaphore, #tpu.memory_space<semaphore_mem>>
    %dma_start3A_145 = arith.constant 8000 : i32
    %dma_start3A_146 = arith.constant 0 : i32
    %dma_start3A_147 = tpu.memref_slice %arg1[%dma_start3A_145, %dma_start3A_146] : memref<80000x256xf32, #tpu.memory_space<hbm>> -> memref<4000x256xf32, #tpu.memory_space<hbm>>
    %dma_start3A_148 = arith.constant 0 : i32
    %dma_start3A_149 = arith.constant 0 : i32
    %dma_start3A_150 = tpu.memref_slice %arg2[%dma_start3A_141, %dma_start3A_148, %dma_start3A_149] : memref<8x4000x256xf32, #tpu.memory_space<vmem>> -> memref<1x4000x256xf32, #tpu.memory_space<vmem>>
    %dma_start3A_151 = tpu.memref_squeeze %dma_start3A_150 : memref<1x4000x256xf32, #tpu.memory_space<vmem>> -> memref<4000x256xf32, #tpu.memory_space<vmem>>
    tpu.enqueue_dma source(%dma_start3A_151 : memref<4000x256xf32, #tpu.memory_space<vmem>>) target(%dma_start3A_147 : memref<4000x256xf32, #tpu.memory_space<hbm>>) target_semaphore(%dma_start3A_144 : memref<!tpu.dma_semaphore, #tpu.memory_space<semaphore_mem>>)
    %dma_wait3A_152 = arith.constant 3 : i32
    %dma_wait3A_153 = arith.constant 3 : i32
    %dma_wait3A_154 = tpu.memref_slice %arg3[%dma_wait3A_153] : memref<8x!tpu.dma_semaphore, #tpu.memory_space<semaphore_mem>> -> memref<1x!tpu.dma_semaphore, #tpu.memory_space<semaphore_mem>>
    %dma_wait3A_155 = tpu.memref_squeeze %dma_wait3A_154 : memref<1x!tpu.dma_semaphore, #tpu.memory_space<semaphore_mem>> -> memref<!tpu.dma_semaphore, #tpu.memory_space<semaphore_mem>>
    %dma_wait3A_156 = arith.constant 0 : i32
    %dma_wait3A_157 = arith.constant 0 : i32
    %dma_wait3A_158 = tpu.memref_slice %arg2[%dma_wait3A_152, %dma_wait3A_156, %dma_wait3A_157] : memref<8x4000x256xf32, #tpu.memory_space<vmem>> -> memref<1x4000x256xf32, #tpu.memory_space<vmem>>
    %dma_wait3A_159 = tpu.memref_squeeze %dma_wait3A_158 : memref<1x4000x256xf32, #tpu.memory_space<vmem>> -> memref<4000x256xf32, #tpu.memory_space<vmem>>
    %dma_wait3A_160 = arith.constant 12000 : i32
    %dma_wait3A_161 = arith.constant 0 : i32
    %dma_wait3A_162 = tpu.memref_slice %arg0[%dma_wait3A_160, %dma_wait3A_161] : memref<80000x256xf32, #tpu.memory_space<hbm>> -> memref<4000x256xf32, #tpu.memory_space<hbm>>
    tpu.wait_dma2 semaphore(%dma_wait3A_155 : memref<!tpu.dma_semaphore, #tpu.memory_space<semaphore_mem>>) src(%dma_wait3A_162 : memref<4000x256xf32, #tpu.memory_space<hbm>>) dst(%dma_wait3A_159 : memref<4000x256xf32, #tpu.memory_space<vmem>>)
    %dma_start3A_163 = arith.constant 3 : i32
    %dma_start3A_164 = arith.constant 3 : i32
    %dma_start3A_165 = tpu.memref_slice %arg4[%dma_start3A_164] : memref<8x!tpu.dma_semaphore, #tpu.memory_space<semaphore_mem>> -> memref<1x!tpu.dma_semaphore, #tpu.memory_space<semaphore_mem>>
    %dma_start3A_166 = tpu.memref_squeeze %dma_start3A_165 : memref<1x!tpu.dma_semaphore, #tpu.memory_space<semaphore_mem>> -> memref<!tpu.dma_semaphore, #tpu.memory_space<semaphore_mem>>
    %dma_start3A_167 = arith.constant 12000 : i32
    %dma_start3A_168 = arith.constant 0 : i32
    %dma_start3A_169 = tpu.memref_slice %arg1[%dma_start3A_167, %dma_start3A_168] : memref<80000x256xf32, #tpu.memory_space<hbm>> -> memref<4000x256xf32, #tpu.memory_space<hbm>>
    %dma_start3A_170 = arith.constant 0 : i32
    %dma_start3A_171 = arith.constant 0 : i32
    %dma_start3A_172 = tpu.memref_slice %arg2[%dma_start3A_163, %dma_start3A_170, %dma_start3A_171] : memref<8x4000x256xf32, #tpu.memory_space<vmem>> -> memref<1x4000x256xf32, #tpu.memory_space<vmem>>
    %dma_start3A_173 = tpu.memref_squeeze %dma_start3A_172 : memref<1x4000x256xf32, #tpu.memory_space<vmem>> -> memref<4000x256xf32, #tpu.memory_space<vmem>>
    tpu.enqueue_dma source(%dma_start3A_173 : memref<4000x256xf32, #tpu.memory_space<vmem>>) target(%dma_start3A_169 : memref<4000x256xf32, #tpu.memory_space<hbm>>) target_semaphore(%dma_start3A_166 : memref<!tpu.dma_semaphore, #tpu.memory_space<semaphore_mem>>)
    %dma_wait3A_174 = arith.constant 4 : i32
    %dma_wait3A_175 = arith.constant 4 : i32
    %dma_wait3A_176 = tpu.memref_slice %arg3[%dma_wait3A_175] : memref<8x!tpu.dma_semaphore, #tpu.memory_space<semaphore_mem>> -> memref<1x!tpu.dma_semaphore, #tpu.memory_space<semaphore_mem>>
    %dma_wait3A_177 = tpu.memref_squeeze %dma_wait3A_176 : memref<1x!tpu.dma_semaphore, #tpu.memory_space<semaphore_mem>> -> memref<!tpu.dma_semaphore, #tpu.memory_space<semaphore_mem>>
    %dma_wait3A_178 = arith.constant 0 : i32
    %dma_wait3A_179 = arith.constant 0 : i32
    %dma_wait3A_180 = tpu.memref_slice %arg2[%dma_wait3A_174, %dma_wait3A_178, %dma_wait3A_179] : memref<8x4000x256xf32, #tpu.memory_space<vmem>> -> memref<1x4000x256xf32, #tpu.memory_space<vmem>>
    %dma_wait3A_181 = tpu.memref_squeeze %dma_wait3A_180 : memref<1x4000x256xf32, #tpu.memory_space<vmem>> -> memref<4000x256xf32, #tpu.memory_space<vmem>>
    %dma_wait3A_182 = arith.constant 16000 : i32
    %dma_wait3A_183 = arith.constant 0 : i32
    %dma_wait3A_184 = tpu.memref_slice %arg0[%dma_wait3A_182, %dma_wait3A_183] : memref<80000x256xf32, #tpu.memory_space<hbm>> -> memref<4000x256xf32, #tpu.memory_space<hbm>>
    tpu.wait_dma2 semaphore(%dma_wait3A_177 : memref<!tpu.dma_semaphore, #tpu.memory_space<semaphore_mem>>) src(%dma_wait3A_184 : memref<4000x256xf32, #tpu.memory_space<hbm>>) dst(%dma_wait3A_181 : memref<4000x256xf32, #tpu.memory_space<vmem>>)
    %dma_start3A_185 = arith.constant 4 : i32
    %dma_start3A_186 = arith.constant 4 : i32
    %dma_start3A_187 = tpu.memref_slice %arg4[%dma_start3A_186] : memref<8x!tpu.dma_semaphore, #tpu.memory_space<semaphore_mem>> -> memref<1x!tpu.dma_semaphore, #tpu.memory_space<semaphore_mem>>
    %dma_start3A_188 = tpu.memref_squeeze %dma_start3A_187 : memref<1x!tpu.dma_semaphore, #tpu.memory_space<semaphore_mem>> -> memref<!tpu.dma_semaphore, #tpu.memory_space<semaphore_mem>>
    %dma_start3A_189 = arith.constant 16000 : i32
    %dma_start3A_190 = arith.constant 0 : i32
    %dma_start3A_191 = tpu.memref_slice %arg1[%dma_start3A_189, %dma_start3A_190] : memref<80000x256xf32, #tpu.memory_space<hbm>> -> memref<4000x256xf32, #tpu.memory_space<hbm>>
    %dma_start3A_192 = arith.constant 0 : i32
    %dma_start3A_193 = arith.constant 0 : i32
    %dma_start3A_194 = tpu.memref_slice %arg2[%dma_start3A_185, %dma_start3A_192, %dma_start3A_193] : memref<8x4000x256xf32, #tpu.memory_space<vmem>> -> memref<1x4000x256xf32, #tpu.memory_space<vmem>>
    %dma_start3A_195 = tpu.memref_squeeze %dma_start3A_194 : memref<1x4000x256xf32, #tpu.memory_space<vmem>> -> memref<4000x256xf32, #tpu.memory_space<vmem>>
    tpu.enqueue_dma source(%dma_start3A_195 : memref<4000x256xf32, #tpu.memory_space<vmem>>) target(%dma_start3A_191 : memref<4000x256xf32, #tpu.memory_space<hbm>>) target_semaphore(%dma_start3A_188 : memref<!tpu.dma_semaphore, #tpu.memory_space<semaphore_mem>>)
    %dma_wait3A_196 = arith.constant 0 : i32
    %dma_wait3A_197 = arith.constant 0 : i32
    %dma_wait3A_198 = tpu.memref_slice %arg4[%dma_wait3A_197] : memref<8x!tpu.dma_semaphore, #tpu.memory_space<semaphore_mem>> -> memref<1x!tpu.dma_semaphore, #tpu.memory_space<semaphore_mem>>
    %dma_wait3A_199 = tpu.memref_squeeze %dma_wait3A_198 : memref<1x!tpu.dma_semaphore, #tpu.memory_space<semaphore_mem>> -> memref<!tpu.dma_semaphore, #tpu.memory_space<semaphore_mem>>
    %dma_wait3A_200 = arith.constant 0 : i32
    %dma_wait3A_201 = arith.constant 0 : i32
    %dma_wait3A_202 = tpu.memref_slice %arg1[%dma_wait3A_200, %dma_wait3A_201] : memref<80000x256xf32, #tpu.memory_space<hbm>> -> memref<4000x256xf32, #tpu.memory_space<hbm>>
    %dma_wait3A_203 = arith.constant 0 : i32
    %dma_wait3A_204 = arith.constant 0 : i32
    %dma_wait3A_205 = tpu.memref_slice %arg2[%dma_wait3A_196, %dma_wait3A_203, %dma_wait3A_204] : memref<8x4000x256xf32, #tpu.memory_space<vmem>> -> memref<1x4000x256xf32, #tpu.memory_space<vmem>>
    %dma_wait3A_206 = tpu.memref_squeeze %dma_wait3A_205 : memref<1x4000x256xf32, #tpu.memory_space<vmem>> -> memref<4000x256xf32, #tpu.memory_space<vmem>>
    tpu.wait_dma2 semaphore(%dma_wait3A_199 : memref<!tpu.dma_semaphore, #tpu.memory_space<semaphore_mem>>) src(%dma_wait3A_206 : memref<4000x256xf32, #tpu.memory_space<vmem>>) dst(%dma_wait3A_202 : memref<4000x256xf32, #tpu.memory_space<hbm>>)
    %dma_start3A_207 = arith.constant 0 : i32
    %dma_start3A_208 = arith.constant 0 : i32
    %dma_start3A_209 = tpu.memref_slice %arg3[%dma_start3A_208] : memref<8x!tpu.dma_semaphore, #tpu.memory_space<semaphore_mem>> -> memref<1x!tpu.dma_semaphore, #tpu.memory_space<semaphore_mem>>
    %dma_start3A_210 = tpu.memref_squeeze %dma_start3A_209 : memref<1x!tpu.dma_semaphore, #tpu.memory_space<semaphore_mem>> -> memref<!tpu.dma_semaphore, #tpu.memory_space<semaphore_mem>>
    %dma_start3A_211 = arith.constant 0 : i32
    %dma_start3A_212 = arith.constant 0 : i32
    %dma_start3A_213 = tpu.memref_slice %arg2[%dma_start3A_207, %dma_start3A_211, %dma_start3A_212] : memref<8x4000x256xf32, #tpu.memory_space<vmem>> -> memref<1x4000x256xf32, #tpu.memory_space<vmem>>
    %dma_start3A_214 = tpu.memref_squeeze %dma_start3A_213 : memref<1x4000x256xf32, #tpu.memory_space<vmem>> -> memref<4000x256xf32, #tpu.memory_space<vmem>>
    %dma_start3A_215 = arith.constant 32000 : i32
    %dma_start3A_216 = arith.constant 0 : i32
    %dma_start3A_217 = tpu.memref_slice %arg0[%dma_start3A_215, %dma_start3A_216] : memref<80000x256xf32, #tpu.memory_space<hbm>> -> memref<4000x256xf32, #tpu.memory_space<hbm>>
    tpu.enqueue_dma source(%dma_start3A_217 : memref<4000x256xf32, #tpu.memory_space<hbm>>) target(%dma_start3A_214 : memref<4000x256xf32, #tpu.memory_space<vmem>>) target_semaphore(%dma_start3A_210 : memref<!tpu.dma_semaphore, #tpu.memory_space<semaphore_mem>>)
    %dma_wait3A_218 = arith.constant 5 : i32
    %dma_wait3A_219 = arith.constant 5 : i32
    %dma_wait3A_220 = tpu.memref_slice %arg3[%dma_wait3A_219] : memref<8x!tpu.dma_semaphore, #tpu.memory_space<semaphore_mem>> -> memref<1x!tpu.dma_semaphore, #tpu.memory_space<semaphore_mem>>
    %dma_wait3A_221 = tpu.memref_squeeze %dma_wait3A_220 : memref<1x!tpu.dma_semaphore, #tpu.memory_space<semaphore_mem>> -> memref<!tpu.dma_semaphore, #tpu.memory_space<semaphore_mem>>
    %dma_wait3A_222 = arith.constant 0 : i32
    %dma_wait3A_223 = arith.constant 0 : i32
    %dma_wait3A_224 = tpu.memref_slice %arg2[%dma_wait3A_218, %dma_wait3A_222, %dma_wait3A_223] : memref<8x4000x256xf32, #tpu.memory_space<vmem>> -> memref<1x4000x256xf32, #tpu.memory_space<vmem>>
    %dma_wait3A_225 = tpu.memref_squeeze %dma_wait3A_224 : memref<1x4000x256xf32, #tpu.memory_space<vmem>> -> memref<4000x256xf32, #tpu.memory_space<vmem>>
    %dma_wait3A_226 = arith.constant 20000 : i32
    %dma_wait3A_227 = arith.constant 0 : i32
    %dma_wait3A_228 = tpu.memref_slice %arg0[%dma_wait3A_226, %dma_wait3A_227] : memref<80000x256xf32, #tpu.memory_space<hbm>> -> memref<4000x256xf32, #tpu.memory_space<hbm>>
    tpu.wait_dma2 semaphore(%dma_wait3A_221 : memref<!tpu.dma_semaphore, #tpu.memory_space<semaphore_mem>>) src(%dma_wait3A_228 : memref<4000x256xf32, #tpu.memory_space<hbm>>) dst(%dma_wait3A_225 : memref<4000x256xf32, #tpu.memory_space<vmem>>)
    %dma_start3A_229 = arith.constant 5 : i32
    %dma_start3A_230 = arith.constant 5 : i32
    %dma_start3A_231 = tpu.memref_slice %arg4[%dma_start3A_230] : memref<8x!tpu.dma_semaphore, #tpu.memory_space<semaphore_mem>> -> memref<1x!tpu.dma_semaphore, #tpu.memory_space<semaphore_mem>>
    %dma_start3A_232 = tpu.memref_squeeze %dma_start3A_231 : memref<1x!tpu.dma_semaphore, #tpu.memory_space<semaphore_mem>> -> memref<!tpu.dma_semaphore, #tpu.memory_space<semaphore_mem>>
    %dma_start3A_233 = arith.constant 20000 : i32
    %dma_start3A_234 = arith.constant 0 : i32
    %dma_start3A_235 = tpu.memref_slice %arg1[%dma_start3A_233, %dma_start3A_234] : memref<80000x256xf32, #tpu.memory_space<hbm>> -> memref<4000x256xf32, #tpu.memory_space<hbm>>
    %dma_start3A_236 = arith.constant 0 : i32
    %dma_start3A_237 = arith.constant 0 : i32
    %dma_start3A_238 = tpu.memref_slice %arg2[%dma_start3A_229, %dma_start3A_236, %dma_start3A_237] : memref<8x4000x256xf32, #tpu.memory_space<vmem>> -> memref<1x4000x256xf32, #tpu.memory_space<vmem>>
    %dma_start3A_239 = tpu.memref_squeeze %dma_start3A_238 : memref<1x4000x256xf32, #tpu.memory_space<vmem>> -> memref<4000x256xf32, #tpu.memory_space<vmem>>
    tpu.enqueue_dma source(%dma_start3A_239 : memref<4000x256xf32, #tpu.memory_space<vmem>>) target(%dma_start3A_235 : memref<4000x256xf32, #tpu.memory_space<hbm>>) target_semaphore(%dma_start3A_232 : memref<!tpu.dma_semaphore, #tpu.memory_space<semaphore_mem>>)
    %dma_wait3A_240 = arith.constant 1 : i32
    %dma_wait3A_241 = arith.constant 1 : i32
    %dma_wait3A_242 = tpu.memref_slice %arg4[%dma_wait3A_241] : memref<8x!tpu.dma_semaphore, #tpu.memory_space<semaphore_mem>> -> memref<1x!tpu.dma_semaphore, #tpu.memory_space<semaphore_mem>>
    %dma_wait3A_243 = tpu.memref_squeeze %dma_wait3A_242 : memref<1x!tpu.dma_semaphore, #tpu.memory_space<semaphore_mem>> -> memref<!tpu.dma_semaphore, #tpu.memory_space<semaphore_mem>>
    %dma_wait3A_244 = arith.constant 4000 : i32
    %dma_wait3A_245 = arith.constant 0 : i32
    %dma_wait3A_246 = tpu.memref_slice %arg1[%dma_wait3A_244, %dma_wait3A_245] : memref<80000x256xf32, #tpu.memory_space<hbm>> -> memref<4000x256xf32, #tpu.memory_space<hbm>>
    %dma_wait3A_247 = arith.constant 0 : i32
    %dma_wait3A_248 = arith.constant 0 : i32
    %dma_wait3A_249 = tpu.memref_slice %arg2[%dma_wait3A_240, %dma_wait3A_247, %dma_wait3A_248] : memref<8x4000x256xf32, #tpu.memory_space<vmem>> -> memref<1x4000x256xf32, #tpu.memory_space<vmem>>
    %dma_wait3A_250 = tpu.memref_squeeze %dma_wait3A_249 : memref<1x4000x256xf32, #tpu.memory_space<vmem>> -> memref<4000x256xf32, #tpu.memory_space<vmem>>
    tpu.wait_dma2 semaphore(%dma_wait3A_243 : memref<!tpu.dma_semaphore, #tpu.memory_space<semaphore_mem>>) src(%dma_wait3A_250 : memref<4000x256xf32, #tpu.memory_space<vmem>>) dst(%dma_wait3A_246 : memref<4000x256xf32, #tpu.memory_space<hbm>>)
    %dma_start3A_251 = arith.constant 1 : i32
    %dma_start3A_252 = arith.constant 1 : i32
    %dma_start3A_253 = tpu.memref_slice %arg3[%dma_start3A_252] : memref<8x!tpu.dma_semaphore, #tpu.memory_space<semaphore_mem>> -> memref<1x!tpu.dma_semaphore, #tpu.memory_space<semaphore_mem>>
    %dma_start3A_254 = tpu.memref_squeeze %dma_start3A_253 : memref<1x!tpu.dma_semaphore, #tpu.memory_space<semaphore_mem>> -> memref<!tpu.dma_semaphore, #tpu.memory_space<semaphore_mem>>
    %dma_start3A_255 = arith.constant 0 : i32
    %dma_start3A_256 = arith.constant 0 : i32
    %dma_start3A_257 = tpu.memref_slice %arg2[%dma_start3A_251, %dma_start3A_255, %dma_start3A_256] : memref<8x4000x256xf32, #tpu.memory_space<vmem>> -> memref<1x4000x256xf32, #tpu.memory_space<vmem>>
    %dma_start3A_258 = tpu.memref_squeeze %dma_start3A_257 : memref<1x4000x256xf32, #tpu.memory_space<vmem>> -> memref<4000x256xf32, #tpu.memory_space<vmem>>
    %dma_start3A_259 = arith.constant 36000 : i32
    %dma_start3A_260 = arith.constant 0 : i32
    %dma_start3A_261 = tpu.memref_slice %arg0[%dma_start3A_259, %dma_start3A_260] : memref<80000x256xf32, #tpu.memory_space<hbm>> -> memref<4000x256xf32, #tpu.memory_space<hbm>>
    tpu.enqueue_dma source(%dma_start3A_261 : memref<4000x256xf32, #tpu.memory_space<hbm>>) target(%dma_start3A_258 : memref<4000x256xf32, #tpu.memory_space<vmem>>) target_semaphore(%dma_start3A_254 : memref<!tpu.dma_semaphore, #tpu.memory_space<semaphore_mem>>)
    %dma_wait3A_262 = arith.constant 6 : i32
    %dma_wait3A_263 = arith.constant 6 : i32
    %dma_wait3A_264 = tpu.memref_slice %arg3[%dma_wait3A_263] : memref<8x!tpu.dma_semaphore, #tpu.memory_space<semaphore_mem>> -> memref<1x!tpu.dma_semaphore, #tpu.memory_space<semaphore_mem>>
    %dma_wait3A_265 = tpu.memref_squeeze %dma_wait3A_264 : memref<1x!tpu.dma_semaphore, #tpu.memory_space<semaphore_mem>> -> memref<!tpu.dma_semaphore, #tpu.memory_space<semaphore_mem>>
    %dma_wait3A_266 = arith.constant 0 : i32
    %dma_wait3A_267 = arith.constant 0 : i32
    %dma_wait3A_268 = tpu.memref_slice %arg2[%dma_wait3A_262, %dma_wait3A_266, %dma_wait3A_267] : memref<8x4000x256xf32, #tpu.memory_space<vmem>> -> memref<1x4000x256xf32, #tpu.memory_space<vmem>>
    %dma_wait3A_269 = tpu.memref_squeeze %dma_wait3A_268 : memref<1x4000x256xf32, #tpu.memory_space<vmem>> -> memref<4000x256xf32, #tpu.memory_space<vmem>>
    %dma_wait3A_270 = arith.constant 24000 : i32
    %dma_wait3A_271 = arith.constant 0 : i32
    %dma_wait3A_272 = tpu.memref_slice %arg0[%dma_wait3A_270, %dma_wait3A_271] : memref<80000x256xf32, #tpu.memory_space<hbm>> -> memref<4000x256xf32, #tpu.memory_space<hbm>>
    tpu.wait_dma2 semaphore(%dma_wait3A_265 : memref<!tpu.dma_semaphore, #tpu.memory_space<semaphore_mem>>) src(%dma_wait3A_272 : memref<4000x256xf32, #tpu.memory_space<hbm>>) dst(%dma_wait3A_269 : memref<4000x256xf32, #tpu.memory_space<vmem>>)
    %dma_start3A_273 = arith.constant 6 : i32
    %dma_start3A_274 = arith.constant 6 : i32
    %dma_start3A_275 = tpu.memref_slice %arg4[%dma_start3A_274] : memref<8x!tpu.dma_semaphore, #tpu.memory_space<semaphore_mem>> -> memref<1x!tpu.dma_semaphore, #tpu.memory_space<semaphore_mem>>
    %dma_start3A_276 = tpu.memref_squeeze %dma_start3A_275 : memref<1x!tpu.dma_semaphore, #tpu.memory_space<semaphore_mem>> -> memref<!tpu.dma_semaphore, #tpu.memory_space<semaphore_mem>>
    %dma_start3A_277 = arith.constant 24000 : i32
    %dma_start3A_278 = arith.constant 0 : i32
    %dma_start3A_279 = tpu.memref_slice %arg1[%dma_start3A_277, %dma_start3A_278] : memref<80000x256xf32, #tpu.memory_space<hbm>> -> memref<4000x256xf32, #tpu.memory_space<hbm>>
    %dma_start3A_280 = arith.constant 0 : i32
    %dma_start3A_281 = arith.constant 0 : i32
    %dma_start3A_282 = tpu.memref_slice %arg2[%dma_start3A_273, %dma_start3A_280, %dma_start3A_281] : memref<8x4000x256xf32, #tpu.memory_space<vmem>> -> memref<1x4000x256xf32, #tpu.memory_space<vmem>>
    %dma_start3A_283 = tpu.memref_squeeze %dma_start3A_282 : memref<1x4000x256xf32, #tpu.memory_space<vmem>> -> memref<4000x256xf32, #tpu.memory_space<vmem>>
    tpu.enqueue_dma source(%dma_start3A_283 : memref<4000x256xf32, #tpu.memory_space<vmem>>) target(%dma_start3A_279 : memref<4000x256xf32, #tpu.memory_space<hbm>>) target_semaphore(%dma_start3A_276 : memref<!tpu.dma_semaphore, #tpu.memory_space<semaphore_mem>>)
    %dma_wait3A_284 = arith.constant 2 : i32
    %dma_wait3A_285 = arith.constant 2 : i32
    %dma_wait3A_286 = tpu.memref_slice %arg4[%dma_wait3A_285] : memref<8x!tpu.dma_semaphore, #tpu.memory_space<semaphore_mem>> -> memref<1x!tpu.dma_semaphore, #tpu.memory_space<semaphore_mem>>
    %dma_wait3A_287 = tpu.memref_squeeze %dma_wait3A_286 : memref<1x!tpu.dma_semaphore, #tpu.memory_space<semaphore_mem>> -> memref<!tpu.dma_semaphore, #tpu.memory_space<semaphore_mem>>
    %dma_wait3A_288 = arith.constant 8000 : i32
    %dma_wait3A_289 = arith.constant 0 : i32
    %dma_wait3A_290 = tpu.memref_slice %arg1[%dma_wait3A_288, %dma_wait3A_289] : memref<80000x256xf32, #tpu.memory_space<hbm>> -> memref<4000x256xf32, #tpu.memory_space<hbm>>
    %dma_wait3A_291 = arith.constant 0 : i32
    %dma_wait3A_292 = arith.constant 0 : i32
    %dma_wait3A_293 = tpu.memref_slice %arg2[%dma_wait3A_284, %dma_wait3A_291, %dma_wait3A_292] : memref<8x4000x256xf32, #tpu.memory_space<vmem>> -> memref<1x4000x256xf32, #tpu.memory_space<vmem>>
    %dma_wait3A_294 = tpu.memref_squeeze %dma_wait3A_293 : memref<1x4000x256xf32, #tpu.memory_space<vmem>> -> memref<4000x256xf32, #tpu.memory_space<vmem>>
    tpu.wait_dma2 semaphore(%dma_wait3A_287 : memref<!tpu.dma_semaphore, #tpu.memory_space<semaphore_mem>>) src(%dma_wait3A_294 : memref<4000x256xf32, #tpu.memory_space<vmem>>) dst(%dma_wait3A_290 : memref<4000x256xf32, #tpu.memory_space<hbm>>)
    %dma_start3A_295 = arith.constant 2 : i32
    %dma_start3A_296 = arith.constant 2 : i32
    %dma_start3A_297 = tpu.memref_slice %arg3[%dma_start3A_296] : memref<8x!tpu.dma_semaphore, #tpu.memory_space<semaphore_mem>> -> memref<1x!tpu.dma_semaphore, #tpu.memory_space<semaphore_mem>>
    %dma_start3A_298 = tpu.memref_squeeze %dma_start3A_297 : memref<1x!tpu.dma_semaphore, #tpu.memory_space<semaphore_mem>> -> memref<!tpu.dma_semaphore, #tpu.memory_space<semaphore_mem>>
    %dma_start3A_299 = arith.constant 0 : i32
    %dma_start3A_300 = arith.constant 0 : i32
    %dma_start3A_301 = tpu.memref_slice %arg2[%dma_start3A_295, %dma_start3A_299, %dma_start3A_300] : memref<8x4000x256xf32, #tpu.memory_space<vmem>> -> memref<1x4000x256xf32, #tpu.memory_space<vmem>>
    %dma_start3A_302 = tpu.memref_squeeze %dma_start3A_301 : memref<1x4000x256xf32, #tpu.memory_space<vmem>> -> memref<4000x256xf32, #tpu.memory_space<vmem>>
    %dma_start3A_303 = arith.constant 40000 : i32
    %dma_start3A_304 = arith.constant 0 : i32
    %dma_start3A_305 = tpu.memref_slice %arg0[%dma_start3A_303, %dma_start3A_304] : memref<80000x256xf32, #tpu.memory_space<hbm>> -> memref<4000x256xf32, #tpu.memory_space<hbm>>
    tpu.enqueue_dma source(%dma_start3A_305 : memref<4000x256xf32, #tpu.memory_space<hbm>>) target(%dma_start3A_302 : memref<4000x256xf32, #tpu.memory_space<vmem>>) target_semaphore(%dma_start3A_298 : memref<!tpu.dma_semaphore, #tpu.memory_space<semaphore_mem>>)
    %dma_wait3A_306 = arith.constant 7 : i32
    %dma_wait3A_307 = arith.constant 7 : i32
    %dma_wait3A_308 = tpu.memref_slice %arg3[%dma_wait3A_307] : memref<8x!tpu.dma_semaphore, #tpu.memory_space<semaphore_mem>> -> memref<1x!tpu.dma_semaphore, #tpu.memory_space<semaphore_mem>>
    %dma_wait3A_309 = tpu.memref_squeeze %dma_wait3A_308 : memref<1x!tpu.dma_semaphore, #tpu.memory_space<semaphore_mem>> -> memref<!tpu.dma_semaphore, #tpu.memory_space<semaphore_mem>>
    %dma_wait3A_310 = arith.constant 0 : i32
    %dma_wait3A_311 = arith.constant 0 : i32
    %dma_wait3A_312 = tpu.memref_slice %arg2[%dma_wait3A_306, %dma_wait3A_310, %dma_wait3A_311] : memref<8x4000x256xf32, #tpu.memory_space<vmem>> -> memref<1x4000x256xf32, #tpu.memory_space<vmem>>
    %dma_wait3A_313 = tpu.memref_squeeze %dma_wait3A_312 : memref<1x4000x256xf32, #tpu.memory_space<vmem>> -> memref<4000x256xf32, #tpu.memory_space<vmem>>
    %dma_wait3A_314 = arith.constant 28000 : i32
    %dma_wait3A_315 = arith.constant 0 : i32
    %dma_wait3A_316 = tpu.memref_slice %arg0[%dma_wait3A_314, %dma_wait3A_315] : memref<80000x256xf32, #tpu.memory_space<hbm>> -> memref<4000x256xf32, #tpu.memory_space<hbm>>
    tpu.wait_dma2 semaphore(%dma_wait3A_309 : memref<!tpu.dma_semaphore, #tpu.memory_space<semaphore_mem>>) src(%dma_wait3A_316 : memref<4000x256xf32, #tpu.memory_space<hbm>>) dst(%dma_wait3A_313 : memref<4000x256xf32, #tpu.memory_space<vmem>>)
    %dma_start3A_317 = arith.constant 7 : i32
    %dma_start3A_318 = arith.constant 7 : i32
    %dma_start3A_319 = tpu.memref_slice %arg4[%dma_start3A_318] : memref<8x!tpu.dma_semaphore, #tpu.memory_space<semaphore_mem>> -> memref<1x!tpu.dma_semaphore, #tpu.memory_space<semaphore_mem>>
    %dma_start3A_320 = tpu.memref_squeeze %dma_start3A_319 : memref<1x!tpu.dma_semaphore, #tpu.memory_space<semaphore_mem>> -> memref<!tpu.dma_semaphore, #tpu.memory_space<semaphore_mem>>
    %dma_start3A_321 = arith.constant 28000 : i32
    %dma_start3A_322 = arith.constant 0 : i32
    %dma_start3A_323 = tpu.memref_slice %arg1[%dma_start3A_321, %dma_start3A_322] : memref<80000x256xf32, #tpu.memory_space<hbm>> -> memref<4000x256xf32, #tpu.memory_space<hbm>>
    %dma_start3A_324 = arith.constant 0 : i32
    %dma_start3A_325 = arith.constant 0 : i32
    %dma_start3A_326 = tpu.memref_slice %arg2[%dma_start3A_317, %dma_start3A_324, %dma_start3A_325] : memref<8x4000x256xf32, #tpu.memory_space<vmem>> -> memref<1x4000x256xf32, #tpu.memory_space<vmem>>
    %dma_start3A_327 = tpu.memref_squeeze %dma_start3A_326 : memref<1x4000x256xf32, #tpu.memory_space<vmem>> -> memref<4000x256xf32, #tpu.memory_space<vmem>>
    tpu.enqueue_dma source(%dma_start3A_327 : memref<4000x256xf32, #tpu.memory_space<vmem>>) target(%dma_start3A_323 : memref<4000x256xf32, #tpu.memory_space<hbm>>) target_semaphore(%dma_start3A_320 : memref<!tpu.dma_semaphore, #tpu.memory_space<semaphore_mem>>)
    %dma_wait3A_328 = arith.constant 3 : i32
    %dma_wait3A_329 = arith.constant 3 : i32
    %dma_wait3A_330 = tpu.memref_slice %arg4[%dma_wait3A_329] : memref<8x!tpu.dma_semaphore, #tpu.memory_space<semaphore_mem>> -> memref<1x!tpu.dma_semaphore, #tpu.memory_space<semaphore_mem>>
    %dma_wait3A_331 = tpu.memref_squeeze %dma_wait3A_330 : memref<1x!tpu.dma_semaphore, #tpu.memory_space<semaphore_mem>> -> memref<!tpu.dma_semaphore, #tpu.memory_space<semaphore_mem>>
    %dma_wait3A_332 = arith.constant 12000 : i32
    %dma_wait3A_333 = arith.constant 0 : i32
    %dma_wait3A_334 = tpu.memref_slice %arg1[%dma_wait3A_332, %dma_wait3A_333] : memref<80000x256xf32, #tpu.memory_space<hbm>> -> memref<4000x256xf32, #tpu.memory_space<hbm>>
    %dma_wait3A_335 = arith.constant 0 : i32
    %dma_wait3A_336 = arith.constant 0 : i32
    %dma_wait3A_337 = tpu.memref_slice %arg2[%dma_wait3A_328, %dma_wait3A_335, %dma_wait3A_336] : memref<8x4000x256xf32, #tpu.memory_space<vmem>> -> memref<1x4000x256xf32, #tpu.memory_space<vmem>>
    %dma_wait3A_338 = tpu.memref_squeeze %dma_wait3A_337 : memref<1x4000x256xf32, #tpu.memory_space<vmem>> -> memref<4000x256xf32, #tpu.memory_space<vmem>>
    tpu.wait_dma2 semaphore(%dma_wait3A_331 : memref<!tpu.dma_semaphore, #tpu.memory_space<semaphore_mem>>) src(%dma_wait3A_338 : memref<4000x256xf32, #tpu.memory_space<vmem>>) dst(%dma_wait3A_334 : memref<4000x256xf32, #tpu.memory_space<hbm>>)
    %dma_start3A_339 = arith.constant 3 : i32
    %dma_start3A_340 = arith.constant 3 : i32
    %dma_start3A_341 = tpu.memref_slice %arg3[%dma_start3A_340] : memref<8x!tpu.dma_semaphore, #tpu.memory_space<semaphore_mem>> -> memref<1x!tpu.dma_semaphore, #tpu.memory_space<semaphore_mem>>
    %dma_start3A_342 = tpu.memref_squeeze %dma_start3A_341 : memref<1x!tpu.dma_semaphore, #tpu.memory_space<semaphore_mem>> -> memref<!tpu.dma_semaphore, #tpu.memory_space<semaphore_mem>>
    %dma_start3A_343 = arith.constant 0 : i32
    %dma_start3A_344 = arith.constant 0 : i32
    %dma_start3A_345 = tpu.memref_slice %arg2[%dma_start3A_339, %dma_start3A_343, %dma_start3A_344] : memref<8x4000x256xf32, #tpu.memory_space<vmem>> -> memref<1x4000x256xf32, #tpu.memory_space<vmem>>
    %dma_start3A_346 = tpu.memref_squeeze %dma_start3A_345 : memref<1x4000x256xf32, #tpu.memory_space<vmem>> -> memref<4000x256xf32, #tpu.memory_space<vmem>>
    %dma_start3A_347 = arith.constant 44000 : i32
    %dma_start3A_348 = arith.constant 0 : i32
    %dma_start3A_349 = tpu.memref_slice %arg0[%dma_start3A_347, %dma_start3A_348] : memref<80000x256xf32, #tpu.memory_space<hbm>> -> memref<4000x256xf32, #tpu.memory_space<hbm>>
    tpu.enqueue_dma source(%dma_start3A_349 : memref<4000x256xf32, #tpu.memory_space<hbm>>) target(%dma_start3A_346 : memref<4000x256xf32, #tpu.memory_space<vmem>>) target_semaphore(%dma_start3A_342 : memref<!tpu.dma_semaphore, #tpu.memory_space<semaphore_mem>>)
    %dma_wait3A_350 = arith.constant 0 : i32
    %dma_wait3A_351 = arith.constant 0 : i32
    %dma_wait3A_352 = tpu.memref_slice %arg3[%dma_wait3A_351] : memref<8x!tpu.dma_semaphore, #tpu.memory_space<semaphore_mem>> -> memref<1x!tpu.dma_semaphore, #tpu.memory_space<semaphore_mem>>
    %dma_wait3A_353 = tpu.memref_squeeze %dma_wait3A_352 : memref<1x!tpu.dma_semaphore, #tpu.memory_space<semaphore_mem>> -> memref<!tpu.dma_semaphore, #tpu.memory_space<semaphore_mem>>
    %dma_wait3A_354 = arith.constant 0 : i32
    %dma_wait3A_355 = arith.constant 0 : i32
    %dma_wait3A_356 = tpu.memref_slice %arg2[%dma_wait3A_350, %dma_wait3A_354, %dma_wait3A_355] : memref<8x4000x256xf32, #tpu.memory_space<vmem>> -> memref<1x4000x256xf32, #tpu.memory_space<vmem>>
    %dma_wait3A_357 = tpu.memref_squeeze %dma_wait3A_356 : memref<1x4000x256xf32, #tpu.memory_space<vmem>> -> memref<4000x256xf32, #tpu.memory_space<vmem>>
    %dma_wait3A_358 = arith.constant 32000 : i32
    %dma_wait3A_359 = arith.constant 0 : i32
    %dma_wait3A_360 = tpu.memref_slice %arg0[%dma_wait3A_358, %dma_wait3A_359] : memref<80000x256xf32, #tpu.memory_space<hbm>> -> memref<4000x256xf32, #tpu.memory_space<hbm>>
    tpu.wait_dma2 semaphore(%dma_wait3A_353 : memref<!tpu.dma_semaphore, #tpu.memory_space<semaphore_mem>>) src(%dma_wait3A_360 : memref<4000x256xf32, #tpu.memory_space<hbm>>) dst(%dma_wait3A_357 : memref<4000x256xf32, #tpu.memory_space<vmem>>)
    %dma_start3A_361 = arith.constant 0 : i32
    %dma_start3A_362 = arith.constant 0 : i32
    %dma_start3A_363 = tpu.memref_slice %arg4[%dma_start3A_362] : memref<8x!tpu.dma_semaphore, #tpu.memory_space<semaphore_mem>> -> memref<1x!tpu.dma_semaphore, #tpu.memory_space<semaphore_mem>>
    %dma_start3A_364 = tpu.memref_squeeze %dma_start3A_363 : memref<1x!tpu.dma_semaphore, #tpu.memory_space<semaphore_mem>> -> memref<!tpu.dma_semaphore, #tpu.memory_space<semaphore_mem>>
    %dma_start3A_365 = arith.constant 32000 : i32
    %dma_start3A_366 = arith.constant 0 : i32
    %dma_start3A_367 = tpu.memref_slice %arg1[%dma_start3A_365, %dma_start3A_366] : memref<80000x256xf32, #tpu.memory_space<hbm>> -> memref<4000x256xf32, #tpu.memory_space<hbm>>
    %dma_start3A_368 = arith.constant 0 : i32
    %dma_start3A_369 = arith.constant 0 : i32
    %dma_start3A_370 = tpu.memref_slice %arg2[%dma_start3A_361, %dma_start3A_368, %dma_start3A_369] : memref<8x4000x256xf32, #tpu.memory_space<vmem>> -> memref<1x4000x256xf32, #tpu.memory_space<vmem>>
    %dma_start3A_371 = tpu.memref_squeeze %dma_start3A_370 : memref<1x4000x256xf32, #tpu.memory_space<vmem>> -> memref<4000x256xf32, #tpu.memory_space<vmem>>
    tpu.enqueue_dma source(%dma_start3A_371 : memref<4000x256xf32, #tpu.memory_space<vmem>>) target(%dma_start3A_367 : memref<4000x256xf32, #tpu.memory_space<hbm>>) target_semaphore(%dma_start3A_364 : memref<!tpu.dma_semaphore, #tpu.memory_space<semaphore_mem>>)
    %dma_wait3A_372 = arith.constant 4 : i32
    %dma_wait3A_373 = arith.constant 4 : i32
    %dma_wait3A_374 = tpu.memref_slice %arg4[%dma_wait3A_373] : memref<8x!tpu.dma_semaphore, #tpu.memory_space<semaphore_mem>> -> memref<1x!tpu.dma_semaphore, #tpu.memory_space<semaphore_mem>>
    %dma_wait3A_375 = tpu.memref_squeeze %dma_wait3A_374 : memref<1x!tpu.dma_semaphore, #tpu.memory_space<semaphore_mem>> -> memref<!tpu.dma_semaphore, #tpu.memory_space<semaphore_mem>>
    %dma_wait3A_376 = arith.constant 16000 : i32
    %dma_wait3A_377 = arith.constant 0 : i32
    %dma_wait3A_378 = tpu.memref_slice %arg1[%dma_wait3A_376, %dma_wait3A_377] : memref<80000x256xf32, #tpu.memory_space<hbm>> -> memref<4000x256xf32, #tpu.memory_space<hbm>>
    %dma_wait3A_379 = arith.constant 0 : i32
    %dma_wait3A_380 = arith.constant 0 : i32
    %dma_wait3A_381 = tpu.memref_slice %arg2[%dma_wait3A_372, %dma_wait3A_379, %dma_wait3A_380] : memref<8x4000x256xf32, #tpu.memory_space<vmem>> -> memref<1x4000x256xf32, #tpu.memory_space<vmem>>
    %dma_wait3A_382 = tpu.memref_squeeze %dma_wait3A_381 : memref<1x4000x256xf32, #tpu.memory_space<vmem>> -> memref<4000x256xf32, #tpu.memory_space<vmem>>
    tpu.wait_dma2 semaphore(%dma_wait3A_375 : memref<!tpu.dma_semaphore, #tpu.memory_space<semaphore_mem>>) src(%dma_wait3A_382 : memref<4000x256xf32, #tpu.memory_space<vmem>>) dst(%dma_wait3A_378 : memref<4000x256xf32, #tpu.memory_space<hbm>>)
    %dma_start3A_383 = arith.constant 4 : i32
    %dma_start3A_384 = arith.constant 4 : i32
    %dma_start3A_385 = tpu.memref_slice %arg3[%dma_start3A_384] : memref<8x!tpu.dma_semaphore, #tpu.memory_space<semaphore_mem>> -> memref<1x!tpu.dma_semaphore, #tpu.memory_space<semaphore_mem>>
    %dma_start3A_386 = tpu.memref_squeeze %dma_start3A_385 : memref<1x!tpu.dma_semaphore, #tpu.memory_space<semaphore_mem>> -> memref<!tpu.dma_semaphore, #tpu.memory_space<semaphore_mem>>
    %dma_start3A_387 = arith.constant 0 : i32
    %dma_start3A_388 = arith.constant 0 : i32
    %dma_start3A_389 = tpu.memref_slice %arg2[%dma_start3A_383, %dma_start3A_387, %dma_start3A_388] : memref<8x4000x256xf32, #tpu.memory_space<vmem>> -> memref<1x4000x256xf32, #tpu.memory_space<vmem>>
    %dma_start3A_390 = tpu.memref_squeeze %dma_start3A_389 : memref<1x4000x256xf32, #tpu.memory_space<vmem>> -> memref<4000x256xf32, #tpu.memory_space<vmem>>
    %dma_start3A_391 = arith.constant 48000 : i32
    %dma_start3A_392 = arith.constant 0 : i32
    %dma_start3A_393 = tpu.memref_slice %arg0[%dma_start3A_391, %dma_start3A_392] : memref<80000x256xf32, #tpu.memory_space<hbm>> -> memref<4000x256xf32, #tpu.memory_space<hbm>>
    tpu.enqueue_dma source(%dma_start3A_393 : memref<4000x256xf32, #tpu.memory_space<hbm>>) target(%dma_start3A_390 : memref<4000x256xf32, #tpu.memory_space<vmem>>) target_semaphore(%dma_start3A_386 : memref<!tpu.dma_semaphore, #tpu.memory_space<semaphore_mem>>)
    %dma_wait3A_394 = arith.constant 1 : i32
    %dma_wait3A_395 = arith.constant 1 : i32
    %dma_wait3A_396 = tpu.memref_slice %arg3[%dma_wait3A_395] : memref<8x!tpu.dma_semaphore, #tpu.memory_space<semaphore_mem>> -> memref<1x!tpu.dma_semaphore, #tpu.memory_space<semaphore_mem>>
    %dma_wait3A_397 = tpu.memref_squeeze %dma_wait3A_396 : memref<1x!tpu.dma_semaphore, #tpu.memory_space<semaphore_mem>> -> memref<!tpu.dma_semaphore, #tpu.memory_space<semaphore_mem>>
    %dma_wait3A_398 = arith.constant 0 : i32
    %dma_wait3A_399 = arith.constant 0 : i32
    %dma_wait3A_400 = tpu.memref_slice %arg2[%dma_wait3A_394, %dma_wait3A_398, %dma_wait3A_399] : memref<8x4000x256xf32, #tpu.memory_space<vmem>> -> memref<1x4000x256xf32, #tpu.memory_space<vmem>>
    %dma_wait3A_401 = tpu.memref_squeeze %dma_wait3A_400 : memref<1x4000x256xf32, #tpu.memory_space<vmem>> -> memref<4000x256xf32, #tpu.memory_space<vmem>>
    %dma_wait3A_402 = arith.constant 36000 : i32
    %dma_wait3A_403 = arith.constant 0 : i32
    %dma_wait3A_404 = tpu.memref_slice %arg0[%dma_wait3A_402, %dma_wait3A_403] : memref<80000x256xf32, #tpu.memory_space<hbm>> -> memref<4000x256xf32, #tpu.memory_space<hbm>>
    tpu.wait_dma2 semaphore(%dma_wait3A_397 : memref<!tpu.dma_semaphore, #tpu.memory_space<semaphore_mem>>) src(%dma_wait3A_404 : memref<4000x256xf32, #tpu.memory_space<hbm>>) dst(%dma_wait3A_401 : memref<4000x256xf32, #tpu.memory_space<vmem>>)
    %dma_start3A_405 = arith.constant 1 : i32
    %dma_start3A_406 = arith.constant 1 : i32
    %dma_start3A_407 = tpu.memref_slice %arg4[%dma_start3A_406] : memref<8x!tpu.dma_semaphore, #tpu.memory_space<semaphore_mem>> -> memref<1x!tpu.dma_semaphore, #tpu.memory_space<semaphore_mem>>
    %dma_start3A_408 = tpu.memref_squeeze %dma_start3A_407 : memref<1x!tpu.dma_semaphore, #tpu.memory_space<semaphore_mem>> -> memref<!tpu.dma_semaphore, #tpu.memory_space<semaphore_mem>>
    %dma_start3A_409 = arith.constant 36000 : i32
    %dma_start3A_410 = arith.constant 0 : i32
    %dma_start3A_411 = tpu.memref_slice %arg1[%dma_start3A_409, %dma_start3A_410] : memref<80000x256xf32, #tpu.memory_space<hbm>> -> memref<4000x256xf32, #tpu.memory_space<hbm>>
    %dma_start3A_412 = arith.constant 0 : i32
    %dma_start3A_413 = arith.constant 0 : i32
    %dma_start3A_414 = tpu.memref_slice %arg2[%dma_start3A_405, %dma_start3A_412, %dma_start3A_413] : memref<8x4000x256xf32, #tpu.memory_space<vmem>> -> memref<1x4000x256xf32, #tpu.memory_space<vmem>>
    %dma_start3A_415 = tpu.memref_squeeze %dma_start3A_414 : memref<1x4000x256xf32, #tpu.memory_space<vmem>> -> memref<4000x256xf32, #tpu.memory_space<vmem>>
    tpu.enqueue_dma source(%dma_start3A_415 : memref<4000x256xf32, #tpu.memory_space<vmem>>) target(%dma_start3A_411 : memref<4000x256xf32, #tpu.memory_space<hbm>>) target_semaphore(%dma_start3A_408 : memref<!tpu.dma_semaphore, #tpu.memory_space<semaphore_mem>>)
    %dma_wait3A_416 = arith.constant 5 : i32
    %dma_wait3A_417 = arith.constant 5 : i32
    %dma_wait3A_418 = tpu.memref_slice %arg4[%dma_wait3A_417] : memref<8x!tpu.dma_semaphore, #tpu.memory_space<semaphore_mem>> -> memref<1x!tpu.dma_semaphore, #tpu.memory_space<semaphore_mem>>
    %dma_wait3A_419 = tpu.memref_squeeze %dma_wait3A_418 : memref<1x!tpu.dma_semaphore, #tpu.memory_space<semaphore_mem>> -> memref<!tpu.dma_semaphore, #tpu.memory_space<semaphore_mem>>
    %dma_wait3A_420 = arith.constant 20000 : i32
    %dma_wait3A_421 = arith.constant 0 : i32
    %dma_wait3A_422 = tpu.memref_slice %arg1[%dma_wait3A_420, %dma_wait3A_421] : memref<80000x256xf32, #tpu.memory_space<hbm>> -> memref<4000x256xf32, #tpu.memory_space<hbm>>
    %dma_wait3A_423 = arith.constant 0 : i32
    %dma_wait3A_424 = arith.constant 0 : i32
    %dma_wait3A_425 = tpu.memref_slice %arg2[%dma_wait3A_416, %dma_wait3A_423, %dma_wait3A_424] : memref<8x4000x256xf32, #tpu.memory_space<vmem>> -> memref<1x4000x256xf32, #tpu.memory_space<vmem>>
    %dma_wait3A_426 = tpu.memref_squeeze %dma_wait3A_425 : memref<1x4000x256xf32, #tpu.memory_space<vmem>> -> memref<4000x256xf32, #tpu.memory_space<vmem>>
    tpu.wait_dma2 semaphore(%dma_wait3A_419 : memref<!tpu.dma_semaphore, #tpu.memory_space<semaphore_mem>>) src(%dma_wait3A_426 : memref<4000x256xf32, #tpu.memory_space<vmem>>) dst(%dma_wait3A_422 : memref<4000x256xf32, #tpu.memory_space<hbm>>)
    %dma_start3A_427 = arith.constant 5 : i32
    %dma_start3A_428 = arith.constant 5 : i32
    %dma_start3A_429 = tpu.memref_slice %arg3[%dma_start3A_428] : memref<8x!tpu.dma_semaphore, #tpu.memory_space<semaphore_mem>> -> memref<1x!tpu.dma_semaphore, #tpu.memory_space<semaphore_mem>>
    %dma_start3A_430 = tpu.memref_squeeze %dma_start3A_429 : memref<1x!tpu.dma_semaphore, #tpu.memory_space<semaphore_mem>> -> memref<!tpu.dma_semaphore, #tpu.memory_space<semaphore_mem>>
    %dma_start3A_431 = arith.constant 0 : i32
    %dma_start3A_432 = arith.constant 0 : i32
    %dma_start3A_433 = tpu.memref_slice %arg2[%dma_start3A_427, %dma_start3A_431, %dma_start3A_432] : memref<8x4000x256xf32, #tpu.memory_space<vmem>> -> memref<1x4000x256xf32, #tpu.memory_space<vmem>>
    %dma_start3A_434 = tpu.memref_squeeze %dma_start3A_433 : memref<1x4000x256xf32, #tpu.memory_space<vmem>> -> memref<4000x256xf32, #tpu.memory_space<vmem>>
    %dma_start3A_435 = arith.constant 52000 : i32
    %dma_start3A_436 = arith.constant 0 : i32
    %dma_start3A_437 = tpu.memref_slice %arg0[%dma_start3A_435, %dma_start3A_436] : memref<80000x256xf32, #tpu.memory_space<hbm>> -> memref<4000x256xf32, #tpu.memory_space<hbm>>
    tpu.enqueue_dma source(%dma_start3A_437 : memref<4000x256xf32, #tpu.memory_space<hbm>>) target(%dma_start3A_434 : memref<4000x256xf32, #tpu.memory_space<vmem>>) target_semaphore(%dma_start3A_430 : memref<!tpu.dma_semaphore, #tpu.memory_space<semaphore_mem>>)
    %dma_wait3A_438 = arith.constant 2 : i32
    %dma_wait3A_439 = arith.constant 2 : i32
    %dma_wait3A_440 = tpu.memref_slice %arg3[%dma_wait3A_439] : memref<8x!tpu.dma_semaphore, #tpu.memory_space<semaphore_mem>> -> memref<1x!tpu.dma_semaphore, #tpu.memory_space<semaphore_mem>>
    %dma_wait3A_441 = tpu.memref_squeeze %dma_wait3A_440 : memref<1x!tpu.dma_semaphore, #tpu.memory_space<semaphore_mem>> -> memref<!tpu.dma_semaphore, #tpu.memory_space<semaphore_mem>>
    %dma_wait3A_442 = arith.constant 0 : i32
    %dma_wait3A_443 = arith.constant 0 : i32
    %dma_wait3A_444 = tpu.memref_slice %arg2[%dma_wait3A_438, %dma_wait3A_442, %dma_wait3A_443] : memref<8x4000x256xf32, #tpu.memory_space<vmem>> -> memref<1x4000x256xf32, #tpu.memory_space<vmem>>
    %dma_wait3A_445 = tpu.memref_squeeze %dma_wait3A_444 : memref<1x4000x256xf32, #tpu.memory_space<vmem>> -> memref<4000x256xf32, #tpu.memory_space<vmem>>
    %dma_wait3A_446 = arith.constant 40000 : i32
    %dma_wait3A_447 = arith.constant 0 : i32
    %dma_wait3A_448 = tpu.memref_slice %arg0[%dma_wait3A_446, %dma_wait3A_447] : memref<80000x256xf32, #tpu.memory_space<hbm>> -> memref<4000x256xf32, #tpu.memory_space<hbm>>
    tpu.wait_dma2 semaphore(%dma_wait3A_441 : memref<!tpu.dma_semaphore, #tpu.memory_space<semaphore_mem>>) src(%dma_wait3A_448 : memref<4000x256xf32, #tpu.memory_space<hbm>>) dst(%dma_wait3A_445 : memref<4000x256xf32, #tpu.memory_space<vmem>>)
    %dma_start3A_449 = arith.constant 2 : i32
    %dma_start3A_450 = arith.constant 2 : i32
    %dma_start3A_451 = tpu.memref_slice %arg4[%dma_start3A_450] : memref<8x!tpu.dma_semaphore, #tpu.memory_space<semaphore_mem>> -> memref<1x!tpu.dma_semaphore, #tpu.memory_space<semaphore_mem>>
    %dma_start3A_452 = tpu.memref_squeeze %dma_start3A_451 : memref<1x!tpu.dma_semaphore, #tpu.memory_space<semaphore_mem>> -> memref<!tpu.dma_semaphore, #tpu.memory_space<semaphore_mem>>
    %dma_start3A_453 = arith.constant 40000 : i32
    %dma_start3A_454 = arith.constant 0 : i32
    %dma_start3A_455 = tpu.memref_slice %arg1[%dma_start3A_453, %dma_start3A_454] : memref<80000x256xf32, #tpu.memory_space<hbm>> -> memref<4000x256xf32, #tpu.memory_space<hbm>>
    %dma_start3A_456 = arith.constant 0 : i32
    %dma_start3A_457 = arith.constant 0 : i32
    %dma_start3A_458 = tpu.memref_slice %arg2[%dma_start3A_449, %dma_start3A_456, %dma_start3A_457] : memref<8x4000x256xf32, #tpu.memory_space<vmem>> -> memref<1x4000x256xf32, #tpu.memory_space<vmem>>
    %dma_start3A_459 = tpu.memref_squeeze %dma_start3A_458 : memref<1x4000x256xf32, #tpu.memory_space<vmem>> -> memref<4000x256xf32, #tpu.memory_space<vmem>>
    tpu.enqueue_dma source(%dma_start3A_459 : memref<4000x256xf32, #tpu.memory_space<vmem>>) target(%dma_start3A_455 : memref<4000x256xf32, #tpu.memory_space<hbm>>) target_semaphore(%dma_start3A_452 : memref<!tpu.dma_semaphore, #tpu.memory_space<semaphore_mem>>)
    %dma_wait3A_460 = arith.constant 6 : i32
    %dma_wait3A_461 = arith.constant 6 : i32
    %dma_wait3A_462 = tpu.memref_slice %arg4[%dma_wait3A_461] : memref<8x!tpu.dma_semaphore, #tpu.memory_space<semaphore_mem>> -> memref<1x!tpu.dma_semaphore, #tpu.memory_space<semaphore_mem>>
    %dma_wait3A_463 = tpu.memref_squeeze %dma_wait3A_462 : memref<1x!tpu.dma_semaphore, #tpu.memory_space<semaphore_mem>> -> memref<!tpu.dma_semaphore, #tpu.memory_space<semaphore_mem>>
    %dma_wait3A_464 = arith.constant 24000 : i32
    %dma_wait3A_465 = arith.constant 0 : i32
    %dma_wait3A_466 = tpu.memref_slice %arg1[%dma_wait3A_464, %dma_wait3A_465] : memref<80000x256xf32, #tpu.memory_space<hbm>> -> memref<4000x256xf32, #tpu.memory_space<hbm>>
    %dma_wait3A_467 = arith.constant 0 : i32
    %dma_wait3A_468 = arith.constant 0 : i32
    %dma_wait3A_469 = tpu.memref_slice %arg2[%dma_wait3A_460, %dma_wait3A_467, %dma_wait3A_468] : memref<8x4000x256xf32, #tpu.memory_space<vmem>> -> memref<1x4000x256xf32, #tpu.memory_space<vmem>>
    %dma_wait3A_470 = tpu.memref_squeeze %dma_wait3A_469 : memref<1x4000x256xf32, #tpu.memory_space<vmem>> -> memref<4000x256xf32, #tpu.memory_space<vmem>>
    tpu.wait_dma2 semaphore(%dma_wait3A_463 : memref<!tpu.dma_semaphore, #tpu.memory_space<semaphore_mem>>) src(%dma_wait3A_470 : memref<4000x256xf32, #tpu.memory_space<vmem>>) dst(%dma_wait3A_466 : memref<4000x256xf32, #tpu.memory_space<hbm>>)
    %dma_start3A_471 = arith.constant 6 : i32
    %dma_start3A_472 = arith.constant 6 : i32
    %dma_start3A_473 = tpu.memref_slice %arg3[%dma_start3A_472] : memref<8x!tpu.dma_semaphore, #tpu.memory_space<semaphore_mem>> -> memref<1x!tpu.dma_semaphore, #tpu.memory_space<semaphore_mem>>
    %dma_start3A_474 = tpu.memref_squeeze %dma_start3A_473 : memref<1x!tpu.dma_semaphore, #tpu.memory_space<semaphore_mem>> -> memref<!tpu.dma_semaphore, #tpu.memory_space<semaphore_mem>>
    %dma_start3A_475 = arith.constant 0 : i32
    %dma_start3A_476 = arith.constant 0 : i32
    %dma_start3A_477 = tpu.memref_slice %arg2[%dma_start3A_471, %dma_start3A_475, %dma_start3A_476] : memref<8x4000x256xf32, #tpu.memory_space<vmem>> -> memref<1x4000x256xf32, #tpu.memory_space<vmem>>
    %dma_start3A_478 = tpu.memref_squeeze %dma_start3A_477 : memref<1x4000x256xf32, #tpu.memory_space<vmem>> -> memref<4000x256xf32, #tpu.memory_space<vmem>>
    %dma_start3A_479 = arith.constant 56000 : i32
    %dma_start3A_480 = arith.constant 0 : i32
    %dma_start3A_481 = tpu.memref_slice %arg0[%dma_start3A_479, %dma_start3A_480] : memref<80000x256xf32, #tpu.memory_space<hbm>> -> memref<4000x256xf32, #tpu.memory_space<hbm>>
    tpu.enqueue_dma source(%dma_start3A_481 : memref<4000x256xf32, #tpu.memory_space<hbm>>) target(%dma_start3A_478 : memref<4000x256xf32, #tpu.memory_space<vmem>>) target_semaphore(%dma_start3A_474 : memref<!tpu.dma_semaphore, #tpu.memory_space<semaphore_mem>>)
    %dma_wait3A_482 = arith.constant 3 : i32
    %dma_wait3A_483 = arith.constant 3 : i32
    %dma_wait3A_484 = tpu.memref_slice %arg3[%dma_wait3A_483] : memref<8x!tpu.dma_semaphore, #tpu.memory_space<semaphore_mem>> -> memref<1x!tpu.dma_semaphore, #tpu.memory_space<semaphore_mem>>
    %dma_wait3A_485 = tpu.memref_squeeze %dma_wait3A_484 : memref<1x!tpu.dma_semaphore, #tpu.memory_space<semaphore_mem>> -> memref<!tpu.dma_semaphore, #tpu.memory_space<semaphore_mem>>
    %dma_wait3A_486 = arith.constant 0 : i32
    %dma_wait3A_487 = arith.constant 0 : i32
    %dma_wait3A_488 = tpu.memref_slice %arg2[%dma_wait3A_482, %dma_wait3A_486, %dma_wait3A_487] : memref<8x4000x256xf32, #tpu.memory_space<vmem>> -> memref<1x4000x256xf32, #tpu.memory_space<vmem>>
    %dma_wait3A_489 = tpu.memref_squeeze %dma_wait3A_488 : memref<1x4000x256xf32, #tpu.memory_space<vmem>> -> memref<4000x256xf32, #tpu.memory_space<vmem>>
    %dma_wait3A_490 = arith.constant 44000 : i32
    %dma_wait3A_491 = arith.constant 0 : i32
    %dma_wait3A_492 = tpu.memref_slice %arg0[%dma_wait3A_490, %dma_wait3A_491] : memref<80000x256xf32, #tpu.memory_space<hbm>> -> memref<4000x256xf32, #tpu.memory_space<hbm>>
    tpu.wait_dma2 semaphore(%dma_wait3A_485 : memref<!tpu.dma_semaphore, #tpu.memory_space<semaphore_mem>>) src(%dma_wait3A_492 : memref<4000x256xf32, #tpu.memory_space<hbm>>) dst(%dma_wait3A_489 : memref<4000x256xf32, #tpu.memory_space<vmem>>)
    %dma_start3A_493 = arith.constant 3 : i32
    %dma_start3A_494 = arith.constant 3 : i32
    %dma_start3A_495 = tpu.memref_slice %arg4[%dma_start3A_494] : memref<8x!tpu.dma_semaphore, #tpu.memory_space<semaphore_mem>> -> memref<1x!tpu.dma_semaphore, #tpu.memory_space<semaphore_mem>>
    %dma_start3A_496 = tpu.memref_squeeze %dma_start3A_495 : memref<1x!tpu.dma_semaphore, #tpu.memory_space<semaphore_mem>> -> memref<!tpu.dma_semaphore, #tpu.memory_space<semaphore_mem>>
    %dma_start3A_497 = arith.constant 44000 : i32
    %dma_start3A_498 = arith.constant 0 : i32
    %dma_start3A_499 = tpu.memref_slice %arg1[%dma_start3A_497, %dma_start3A_498] : memref<80000x256xf32, #tpu.memory_space<hbm>> -> memref<4000x256xf32, #tpu.memory_space<hbm>>
    %dma_start3A_500 = arith.constant 0 : i32
    %dma_start3A_501 = arith.constant 0 : i32
    %dma_start3A_502 = tpu.memref_slice %arg2[%dma_start3A_493, %dma_start3A_500, %dma_start3A_501] : memref<8x4000x256xf32, #tpu.memory_space<vmem>> -> memref<1x4000x256xf32, #tpu.memory_space<vmem>>
    %dma_start3A_503 = tpu.memref_squeeze %dma_start3A_502 : memref<1x4000x256xf32, #tpu.memory_space<vmem>> -> memref<4000x256xf32, #tpu.memory_space<vmem>>
    tpu.enqueue_dma source(%dma_start3A_503 : memref<4000x256xf32, #tpu.memory_space<vmem>>) target(%dma_start3A_499 : memref<4000x256xf32, #tpu.memory_space<hbm>>) target_semaphore(%dma_start3A_496 : memref<!tpu.dma_semaphore, #tpu.memory_space<semaphore_mem>>)
    %dma_wait3A_504 = arith.constant 7 : i32
    %dma_wait3A_505 = arith.constant 7 : i32
    %dma_wait3A_506 = tpu.memref_slice %arg4[%dma_wait3A_505] : memref<8x!tpu.dma_semaphore, #tpu.memory_space<semaphore_mem>> -> memref<1x!tpu.dma_semaphore, #tpu.memory_space<semaphore_mem>>
    %dma_wait3A_507 = tpu.memref_squeeze %dma_wait3A_506 : memref<1x!tpu.dma_semaphore, #tpu.memory_space<semaphore_mem>> -> memref<!tpu.dma_semaphore, #tpu.memory_space<semaphore_mem>>
    %dma_wait3A_508 = arith.constant 28000 : i32
    %dma_wait3A_509 = arith.constant 0 : i32
    %dma_wait3A_510 = tpu.memref_slice %arg1[%dma_wait3A_508, %dma_wait3A_509] : memref<80000x256xf32, #tpu.memory_space<hbm>> -> memref<4000x256xf32, #tpu.memory_space<hbm>>
    %dma_wait3A_511 = arith.constant 0 : i32
    %dma_wait3A_512 = arith.constant 0 : i32
    %dma_wait3A_513 = tpu.memref_slice %arg2[%dma_wait3A_504, %dma_wait3A_511, %dma_wait3A_512] : memref<8x4000x256xf32, #tpu.memory_space<vmem>> -> memref<1x4000x256xf32, #tpu.memory_space<vmem>>
    %dma_wait3A_514 = tpu.memref_squeeze %dma_wait3A_513 : memref<1x4000x256xf32, #tpu.memory_space<vmem>> -> memref<4000x256xf32, #tpu.memory_space<vmem>>
    tpu.wait_dma2 semaphore(%dma_wait3A_507 : memref<!tpu.dma_semaphore, #tpu.memory_space<semaphore_mem>>) src(%dma_wait3A_514 : memref<4000x256xf32, #tpu.memory_space<vmem>>) dst(%dma_wait3A_510 : memref<4000x256xf32, #tpu.memory_space<hbm>>)
    %dma_start3A_515 = arith.constant 7 : i32
    %dma_start3A_516 = arith.constant 7 : i32
    %dma_start3A_517 = tpu.memref_slice %arg3[%dma_start3A_516] : memref<8x!tpu.dma_semaphore, #tpu.memory_space<semaphore_mem>> -> memref<1x!tpu.dma_semaphore, #tpu.memory_space<semaphore_mem>>
    %dma_start3A_518 = tpu.memref_squeeze %dma_start3A_517 : memref<1x!tpu.dma_semaphore, #tpu.memory_space<semaphore_mem>> -> memref<!tpu.dma_semaphore, #tpu.memory_space<semaphore_mem>>
    %dma_start3A_519 = arith.constant 0 : i32
    %dma_start3A_520 = arith.constant 0 : i32
    %dma_start3A_521 = tpu.memref_slice %arg2[%dma_start3A_515, %dma_start3A_519, %dma_start3A_520] : memref<8x4000x256xf32, #tpu.memory_space<vmem>> -> memref<1x4000x256xf32, #tpu.memory_space<vmem>>
    %dma_start3A_522 = tpu.memref_squeeze %dma_start3A_521 : memref<1x4000x256xf32, #tpu.memory_space<vmem>> -> memref<4000x256xf32, #tpu.memory_space<vmem>>
    %dma_start3A_523 = arith.constant 60000 : i32
    %dma_start3A_524 = arith.constant 0 : i32
    %dma_start3A_525 = tpu.memref_slice %arg0[%dma_start3A_523, %dma_start3A_524] : memref<80000x256xf32, #tpu.memory_space<hbm>> -> memref<4000x256xf32, #tpu.memory_space<hbm>>
    tpu.enqueue_dma source(%dma_start3A_525 : memref<4000x256xf32, #tpu.memory_space<hbm>>) target(%dma_start3A_522 : memref<4000x256xf32, #tpu.memory_space<vmem>>) target_semaphore(%dma_start3A_518 : memref<!tpu.dma_semaphore, #tpu.memory_space<semaphore_mem>>)
    %dma_wait3A_526 = arith.constant 4 : i32
    %dma_wait3A_527 = arith.constant 4 : i32
    %dma_wait3A_528 = tpu.memref_slice %arg3[%dma_wait3A_527] : memref<8x!tpu.dma_semaphore, #tpu.memory_space<semaphore_mem>> -> memref<1x!tpu.dma_semaphore, #tpu.memory_space<semaphore_mem>>
    %dma_wait3A_529 = tpu.memref_squeeze %dma_wait3A_528 : memref<1x!tpu.dma_semaphore, #tpu.memory_space<semaphore_mem>> -> memref<!tpu.dma_semaphore, #tpu.memory_space<semaphore_mem>>
    %dma_wait3A_530 = arith.constant 0 : i32
    %dma_wait3A_531 = arith.constant 0 : i32
    %dma_wait3A_532 = tpu.memref_slice %arg2[%dma_wait3A_526, %dma_wait3A_530, %dma_wait3A_531] : memref<8x4000x256xf32, #tpu.memory_space<vmem>> -> memref<1x4000x256xf32, #tpu.memory_space<vmem>>
    %dma_wait3A_533 = tpu.memref_squeeze %dma_wait3A_532 : memref<1x4000x256xf32, #tpu.memory_space<vmem>> -> memref<4000x256xf32, #tpu.memory_space<vmem>>
    %dma_wait3A_534 = arith.constant 48000 : i32
    %dma_wait3A_535 = arith.constant 0 : i32
    %dma_wait3A_536 = tpu.memref_slice %arg0[%dma_wait3A_534, %dma_wait3A_535] : memref<80000x256xf32, #tpu.memory_space<hbm>> -> memref<4000x256xf32, #tpu.memory_space<hbm>>
    tpu.wait_dma2 semaphore(%dma_wait3A_529 : memref<!tpu.dma_semaphore, #tpu.memory_space<semaphore_mem>>) src(%dma_wait3A_536 : memref<4000x256xf32, #tpu.memory_space<hbm>>) dst(%dma_wait3A_533 : memref<4000x256xf32, #tpu.memory_space<vmem>>)
    %dma_start3A_537 = arith.constant 4 : i32
    %dma_start3A_538 = arith.constant 4 : i32
    %dma_start3A_539 = tpu.memref_slice %arg4[%dma_start3A_538] : memref<8x!tpu.dma_semaphore, #tpu.memory_space<semaphore_mem>> -> memref<1x!tpu.dma_semaphore, #tpu.memory_space<semaphore_mem>>
    %dma_start3A_540 = tpu.memref_squeeze %dma_start3A_539 : memref<1x!tpu.dma_semaphore, #tpu.memory_space<semaphore_mem>> -> memref<!tpu.dma_semaphore, #tpu.memory_space<semaphore_mem>>
    %dma_start3A_541 = arith.constant 48000 : i32
    %dma_start3A_542 = arith.constant 0 : i32
    %dma_start3A_543 = tpu.memref_slice %arg1[%dma_start3A_541, %dma_start3A_542] : memref<80000x256xf32, #tpu.memory_space<hbm>> -> memref<4000x256xf32, #tpu.memory_space<hbm>>
    %dma_start3A_544 = arith.constant 0 : i32
    %dma_start3A_545 = arith.constant 0 : i32
    %dma_start3A_546 = tpu.memref_slice %arg2[%dma_start3A_537, %dma_start3A_544, %dma_start3A_545] : memref<8x4000x256xf32, #tpu.memory_space<vmem>> -> memref<1x4000x256xf32, #tpu.memory_space<vmem>>
    %dma_start3A_547 = tpu.memref_squeeze %dma_start3A_546 : memref<1x4000x256xf32, #tpu.memory_space<vmem>> -> memref<4000x256xf32, #tpu.memory_space<vmem>>
    tpu.enqueue_dma source(%dma_start3A_547 : memref<4000x256xf32, #tpu.memory_space<vmem>>) target(%dma_start3A_543 : memref<4000x256xf32, #tpu.memory_space<hbm>>) target_semaphore(%dma_start3A_540 : memref<!tpu.dma_semaphore, #tpu.memory_space<semaphore_mem>>)
    %dma_wait3A_548 = arith.constant 0 : i32
    %dma_wait3A_549 = arith.constant 0 : i32
    %dma_wait3A_550 = tpu.memref_slice %arg4[%dma_wait3A_549] : memref<8x!tpu.dma_semaphore, #tpu.memory_space<semaphore_mem>> -> memref<1x!tpu.dma_semaphore, #tpu.memory_space<semaphore_mem>>
    %dma_wait3A_551 = tpu.memref_squeeze %dma_wait3A_550 : memref<1x!tpu.dma_semaphore, #tpu.memory_space<semaphore_mem>> -> memref<!tpu.dma_semaphore, #tpu.memory_space<semaphore_mem>>
    %dma_wait3A_552 = arith.constant 32000 : i32
    %dma_wait3A_553 = arith.constant 0 : i32
    %dma_wait3A_554 = tpu.memref_slice %arg1[%dma_wait3A_552, %dma_wait3A_553] : memref<80000x256xf32, #tpu.memory_space<hbm>> -> memref<4000x256xf32, #tpu.memory_space<hbm>>
    %dma_wait3A_555 = arith.constant 0 : i32
    %dma_wait3A_556 = arith.constant 0 : i32
    %dma_wait3A_557 = tpu.memref_slice %arg2[%dma_wait3A_548, %dma_wait3A_555, %dma_wait3A_556] : memref<8x4000x256xf32, #tpu.memory_space<vmem>> -> memref<1x4000x256xf32, #tpu.memory_space<vmem>>
    %dma_wait3A_558 = tpu.memref_squeeze %dma_wait3A_557 : memref<1x4000x256xf32, #tpu.memory_space<vmem>> -> memref<4000x256xf32, #tpu.memory_space<vmem>>
    tpu.wait_dma2 semaphore(%dma_wait3A_551 : memref<!tpu.dma_semaphore, #tpu.memory_space<semaphore_mem>>) src(%dma_wait3A_558 : memref<4000x256xf32, #tpu.memory_space<vmem>>) dst(%dma_wait3A_554 : memref<4000x256xf32, #tpu.memory_space<hbm>>)
    %dma_start3A_559 = arith.constant 0 : i32
    %dma_start3A_560 = arith.constant 0 : i32
    %dma_start3A_561 = tpu.memref_slice %arg3[%dma_start3A_560] : memref<8x!tpu.dma_semaphore, #tpu.memory_space<semaphore_mem>> -> memref<1x!tpu.dma_semaphore, #tpu.memory_space<semaphore_mem>>
    %dma_start3A_562 = tpu.memref_squeeze %dma_start3A_561 : memref<1x!tpu.dma_semaphore, #tpu.memory_space<semaphore_mem>> -> memref<!tpu.dma_semaphore, #tpu.memory_space<semaphore_mem>>
    %dma_start3A_563 = arith.constant 0 : i32
    %dma_start3A_564 = arith.constant 0 : i32
    %dma_start3A_565 = tpu.memref_slice %arg2[%dma_start3A_559, %dma_start3A_563, %dma_start3A_564] : memref<8x4000x256xf32, #tpu.memory_space<vmem>> -> memref<1x4000x256xf32, #tpu.memory_space<vmem>>
    %dma_start3A_566 = tpu.memref_squeeze %dma_start3A_565 : memref<1x4000x256xf32, #tpu.memory_space<vmem>> -> memref<4000x256xf32, #tpu.memory_space<vmem>>
    %dma_start3A_567 = arith.constant 64000 : i32
    %dma_start3A_568 = arith.constant 0 : i32
    %dma_start3A_569 = tpu.memref_slice %arg0[%dma_start3A_567, %dma_start3A_568] : memref<80000x256xf32, #tpu.memory_space<hbm>> -> memref<4000x256xf32, #tpu.memory_space<hbm>>
    tpu.enqueue_dma source(%dma_start3A_569 : memref<4000x256xf32, #tpu.memory_space<hbm>>) target(%dma_start3A_566 : memref<4000x256xf32, #tpu.memory_space<vmem>>) target_semaphore(%dma_start3A_562 : memref<!tpu.dma_semaphore, #tpu.memory_space<semaphore_mem>>)
    %dma_wait3A_570 = arith.constant 5 : i32
    %dma_wait3A_571 = arith.constant 5 : i32
    %dma_wait3A_572 = tpu.memref_slice %arg3[%dma_wait3A_571] : memref<8x!tpu.dma_semaphore, #tpu.memory_space<semaphore_mem>> -> memref<1x!tpu.dma_semaphore, #tpu.memory_space<semaphore_mem>>
    %dma_wait3A_573 = tpu.memref_squeeze %dma_wait3A_572 : memref<1x!tpu.dma_semaphore, #tpu.memory_space<semaphore_mem>> -> memref<!tpu.dma_semaphore, #tpu.memory_space<semaphore_mem>>
    %dma_wait3A_574 = arith.constant 0 : i32
    %dma_wait3A_575 = arith.constant 0 : i32
    %dma_wait3A_576 = tpu.memref_slice %arg2[%dma_wait3A_570, %dma_wait3A_574, %dma_wait3A_575] : memref<8x4000x256xf32, #tpu.memory_space<vmem>> -> memref<1x4000x256xf32, #tpu.memory_space<vmem>>
    %dma_wait3A_577 = tpu.memref_squeeze %dma_wait3A_576 : memref<1x4000x256xf32, #tpu.memory_space<vmem>> -> memref<4000x256xf32, #tpu.memory_space<vmem>>
    %dma_wait3A_578 = arith.constant 52000 : i32
    %dma_wait3A_579 = arith.constant 0 : i32
    %dma_wait3A_580 = tpu.memref_slice %arg0[%dma_wait3A_578, %dma_wait3A_579] : memref<80000x256xf32, #tpu.memory_space<hbm>> -> memref<4000x256xf32, #tpu.memory_space<hbm>>
    tpu.wait_dma2 semaphore(%dma_wait3A_573 : memref<!tpu.dma_semaphore, #tpu.memory_space<semaphore_mem>>) src(%dma_wait3A_580 : memref<4000x256xf32, #tpu.memory_space<hbm>>) dst(%dma_wait3A_577 : memref<4000x256xf32, #tpu.memory_space<vmem>>)
    %dma_start3A_581 = arith.constant 5 : i32
    %dma_start3A_582 = arith.constant 5 : i32
    %dma_start3A_583 = tpu.memref_slice %arg4[%dma_start3A_582] : memref<8x!tpu.dma_semaphore, #tpu.memory_space<semaphore_mem>> -> memref<1x!tpu.dma_semaphore, #tpu.memory_space<semaphore_mem>>
    %dma_start3A_584 = tpu.memref_squeeze %dma_start3A_583 : memref<1x!tpu.dma_semaphore, #tpu.memory_space<semaphore_mem>> -> memref<!tpu.dma_semaphore, #tpu.memory_space<semaphore_mem>>
    %dma_start3A_585 = arith.constant 52000 : i32
    %dma_start3A_586 = arith.constant 0 : i32
    %dma_start3A_587 = tpu.memref_slice %arg1[%dma_start3A_585, %dma_start3A_586] : memref<80000x256xf32, #tpu.memory_space<hbm>> -> memref<4000x256xf32, #tpu.memory_space<hbm>>
    %dma_start3A_588 = arith.constant 0 : i32
    %dma_start3A_589 = arith.constant 0 : i32
    %dma_start3A_590 = tpu.memref_slice %arg2[%dma_start3A_581, %dma_start3A_588, %dma_start3A_589] : memref<8x4000x256xf32, #tpu.memory_space<vmem>> -> memref<1x4000x256xf32, #tpu.memory_space<vmem>>
    %dma_start3A_591 = tpu.memref_squeeze %dma_start3A_590 : memref<1x4000x256xf32, #tpu.memory_space<vmem>> -> memref<4000x256xf32, #tpu.memory_space<vmem>>
    tpu.enqueue_dma source(%dma_start3A_591 : memref<4000x256xf32, #tpu.memory_space<vmem>>) target(%dma_start3A_587 : memref<4000x256xf32, #tpu.memory_space<hbm>>) target_semaphore(%dma_start3A_584 : memref<!tpu.dma_semaphore, #tpu.memory_space<semaphore_mem>>)
    %dma_wait3A_592 = arith.constant 1 : i32
    %dma_wait3A_593 = arith.constant 1 : i32
    %dma_wait3A_594 = tpu.memref_slice %arg4[%dma_wait3A_593] : memref<8x!tpu.dma_semaphore, #tpu.memory_space<semaphore_mem>> -> memref<1x!tpu.dma_semaphore, #tpu.memory_space<semaphore_mem>>
    %dma_wait3A_595 = tpu.memref_squeeze %dma_wait3A_594 : memref<1x!tpu.dma_semaphore, #tpu.memory_space<semaphore_mem>> -> memref<!tpu.dma_semaphore, #tpu.memory_space<semaphore_mem>>
    %dma_wait3A_596 = arith.constant 36000 : i32
    %dma_wait3A_597 = arith.constant 0 : i32
    %dma_wait3A_598 = tpu.memref_slice %arg1[%dma_wait3A_596, %dma_wait3A_597] : memref<80000x256xf32, #tpu.memory_space<hbm>> -> memref<4000x256xf32, #tpu.memory_space<hbm>>
    %dma_wait3A_599 = arith.constant 0 : i32
    %dma_wait3A_600 = arith.constant 0 : i32
    %dma_wait3A_601 = tpu.memref_slice %arg2[%dma_wait3A_592, %dma_wait3A_599, %dma_wait3A_600] : memref<8x4000x256xf32, #tpu.memory_space<vmem>> -> memref<1x4000x256xf32, #tpu.memory_space<vmem>>
    %dma_wait3A_602 = tpu.memref_squeeze %dma_wait3A_601 : memref<1x4000x256xf32, #tpu.memory_space<vmem>> -> memref<4000x256xf32, #tpu.memory_space<vmem>>
    tpu.wait_dma2 semaphore(%dma_wait3A_595 : memref<!tpu.dma_semaphore, #tpu.memory_space<semaphore_mem>>) src(%dma_wait3A_602 : memref<4000x256xf32, #tpu.memory_space<vmem>>) dst(%dma_wait3A_598 : memref<4000x256xf32, #tpu.memory_space<hbm>>)
    %dma_start3A_603 = arith.constant 1 : i32
    %dma_start3A_604 = arith.constant 1 : i32
    %dma_start3A_605 = tpu.memref_slice %arg3[%dma_start3A_604] : memref<8x!tpu.dma_semaphore, #tpu.memory_space<semaphore_mem>> -> memref<1x!tpu.dma_semaphore, #tpu.memory_space<semaphore_mem>>
    %dma_start3A_606 = tpu.memref_squeeze %dma_start3A_605 : memref<1x!tpu.dma_semaphore, #tpu.memory_space<semaphore_mem>> -> memref<!tpu.dma_semaphore, #tpu.memory_space<semaphore_mem>>
    %dma_start3A_607 = arith.constant 0 : i32
    %dma_start3A_608 = arith.constant 0 : i32
    %dma_start3A_609 = tpu.memref_slice %arg2[%dma_start3A_603, %dma_start3A_607, %dma_start3A_608] : memref<8x4000x256xf32, #tpu.memory_space<vmem>> -> memref<1x4000x256xf32, #tpu.memory_space<vmem>>
    %dma_start3A_610 = tpu.memref_squeeze %dma_start3A_609 : memref<1x4000x256xf32, #tpu.memory_space<vmem>> -> memref<4000x256xf32, #tpu.memory_space<vmem>>
    %dma_start3A_611 = arith.constant 68000 : i32
    %dma_start3A_612 = arith.constant 0 : i32
    %dma_start3A_613 = tpu.memref_slice %arg0[%dma_start3A_611, %dma_start3A_612] : memref<80000x256xf32, #tpu.memory_space<hbm>> -> memref<4000x256xf32, #tpu.memory_space<hbm>>
    tpu.enqueue_dma source(%dma_start3A_613 : memref<4000x256xf32, #tpu.memory_space<hbm>>) target(%dma_start3A_610 : memref<4000x256xf32, #tpu.memory_space<vmem>>) target_semaphore(%dma_start3A_606 : memref<!tpu.dma_semaphore, #tpu.memory_space<semaphore_mem>>)
    %dma_wait3A_614 = arith.constant 6 : i32
    %dma_wait3A_615 = arith.constant 6 : i32
    %dma_wait3A_616 = tpu.memref_slice %arg3[%dma_wait3A_615] : memref<8x!tpu.dma_semaphore, #tpu.memory_space<semaphore_mem>> -> memref<1x!tpu.dma_semaphore, #tpu.memory_space<semaphore_mem>>
    %dma_wait3A_617 = tpu.memref_squeeze %dma_wait3A_616 : memref<1x!tpu.dma_semaphore, #tpu.memory_space<semaphore_mem>> -> memref<!tpu.dma_semaphore, #tpu.memory_space<semaphore_mem>>
    %dma_wait3A_618 = arith.constant 0 : i32
    %dma_wait3A_619 = arith.constant 0 : i32
    %dma_wait3A_620 = tpu.memref_slice %arg2[%dma_wait3A_614, %dma_wait3A_618, %dma_wait3A_619] : memref<8x4000x256xf32, #tpu.memory_space<vmem>> -> memref<1x4000x256xf32, #tpu.memory_space<vmem>>
    %dma_wait3A_621 = tpu.memref_squeeze %dma_wait3A_620 : memref<1x4000x256xf32, #tpu.memory_space<vmem>> -> memref<4000x256xf32, #tpu.memory_space<vmem>>
    %dma_wait3A_622 = arith.constant 56000 : i32
    %dma_wait3A_623 = arith.constant 0 : i32
    %dma_wait3A_624 = tpu.memref_slice %arg0[%dma_wait3A_622, %dma_wait3A_623] : memref<80000x256xf32, #tpu.memory_space<hbm>> -> memref<4000x256xf32, #tpu.memory_space<hbm>>
    tpu.wait_dma2 semaphore(%dma_wait3A_617 : memref<!tpu.dma_semaphore, #tpu.memory_space<semaphore_mem>>) src(%dma_wait3A_624 : memref<4000x256xf32, #tpu.memory_space<hbm>>) dst(%dma_wait3A_621 : memref<4000x256xf32, #tpu.memory_space<vmem>>)
    %dma_start3A_625 = arith.constant 6 : i32
    %dma_start3A_626 = arith.constant 6 : i32
    %dma_start3A_627 = tpu.memref_slice %arg4[%dma_start3A_626] : memref<8x!tpu.dma_semaphore, #tpu.memory_space<semaphore_mem>> -> memref<1x!tpu.dma_semaphore, #tpu.memory_space<semaphore_mem>>
    %dma_start3A_628 = tpu.memref_squeeze %dma_start3A_627 : memref<1x!tpu.dma_semaphore, #tpu.memory_space<semaphore_mem>> -> memref<!tpu.dma_semaphore, #tpu.memory_space<semaphore_mem>>
    %dma_start3A_629 = arith.constant 56000 : i32
    %dma_start3A_630 = arith.constant 0 : i32
    %dma_start3A_631 = tpu.memref_slice %arg1[%dma_start3A_629, %dma_start3A_630] : memref<80000x256xf32, #tpu.memory_space<hbm>> -> memref<4000x256xf32, #tpu.memory_space<hbm>>
    %dma_start3A_632 = arith.constant 0 : i32
    %dma_start3A_633 = arith.constant 0 : i32
    %dma_start3A_634 = tpu.memref_slice %arg2[%dma_start3A_625, %dma_start3A_632, %dma_start3A_633] : memref<8x4000x256xf32, #tpu.memory_space<vmem>> -> memref<1x4000x256xf32, #tpu.memory_space<vmem>>
    %dma_start3A_635 = tpu.memref_squeeze %dma_start3A_634 : memref<1x4000x256xf32, #tpu.memory_space<vmem>> -> memref<4000x256xf32, #tpu.memory_space<vmem>>
    tpu.enqueue_dma source(%dma_start3A_635 : memref<4000x256xf32, #tpu.memory_space<vmem>>) target(%dma_start3A_631 : memref<4000x256xf32, #tpu.memory_space<hbm>>) target_semaphore(%dma_start3A_628 : memref<!tpu.dma_semaphore, #tpu.memory_space<semaphore_mem>>)
    %dma_wait3A_636 = arith.constant 2 : i32
    %dma_wait3A_637 = arith.constant 2 : i32
    %dma_wait3A_638 = tpu.memref_slice %arg4[%dma_wait3A_637] : memref<8x!tpu.dma_semaphore, #tpu.memory_space<semaphore_mem>> -> memref<1x!tpu.dma_semaphore, #tpu.memory_space<semaphore_mem>>
    %dma_wait3A_639 = tpu.memref_squeeze %dma_wait3A_638 : memref<1x!tpu.dma_semaphore, #tpu.memory_space<semaphore_mem>> -> memref<!tpu.dma_semaphore, #tpu.memory_space<semaphore_mem>>
    %dma_wait3A_640 = arith.constant 40000 : i32
    %dma_wait3A_641 = arith.constant 0 : i32
    %dma_wait3A_642 = tpu.memref_slice %arg1[%dma_wait3A_640, %dma_wait3A_641] : memref<80000x256xf32, #tpu.memory_space<hbm>> -> memref<4000x256xf32, #tpu.memory_space<hbm>>
    %dma_wait3A_643 = arith.constant 0 : i32
    %dma_wait3A_644 = arith.constant 0 : i32
    %dma_wait3A_645 = tpu.memref_slice %arg2[%dma_wait3A_636, %dma_wait3A_643, %dma_wait3A_644] : memref<8x4000x256xf32, #tpu.memory_space<vmem>> -> memref<1x4000x256xf32, #tpu.memory_space<vmem>>
    %dma_wait3A_646 = tpu.memref_squeeze %dma_wait3A_645 : memref<1x4000x256xf32, #tpu.memory_space<vmem>> -> memref<4000x256xf32, #tpu.memory_space<vmem>>
    tpu.wait_dma2 semaphore(%dma_wait3A_639 : memref<!tpu.dma_semaphore, #tpu.memory_space<semaphore_mem>>) src(%dma_wait3A_646 : memref<4000x256xf32, #tpu.memory_space<vmem>>) dst(%dma_wait3A_642 : memref<4000x256xf32, #tpu.memory_space<hbm>>)
    %dma_start3A_647 = arith.constant 2 : i32
    %dma_start3A_648 = arith.constant 2 : i32
    %dma_start3A_649 = tpu.memref_slice %arg3[%dma_start3A_648] : memref<8x!tpu.dma_semaphore, #tpu.memory_space<semaphore_mem>> -> memref<1x!tpu.dma_semaphore, #tpu.memory_space<semaphore_mem>>
    %dma_start3A_650 = tpu.memref_squeeze %dma_start3A_649 : memref<1x!tpu.dma_semaphore, #tpu.memory_space<semaphore_mem>> -> memref<!tpu.dma_semaphore, #tpu.memory_space<semaphore_mem>>
    %dma_start3A_651 = arith.constant 0 : i32
    %dma_start3A_652 = arith.constant 0 : i32
    %dma_start3A_653 = tpu.memref_slice %arg2[%dma_start3A_647, %dma_start3A_651, %dma_start3A_652] : memref<8x4000x256xf32, #tpu.memory_space<vmem>> -> memref<1x4000x256xf32, #tpu.memory_space<vmem>>
    %dma_start3A_654 = tpu.memref_squeeze %dma_start3A_653 : memref<1x4000x256xf32, #tpu.memory_space<vmem>> -> memref<4000x256xf32, #tpu.memory_space<vmem>>
    %dma_start3A_655 = arith.constant 72000 : i32
    %dma_start3A_656 = arith.constant 0 : i32
    %dma_start3A_657 = tpu.memref_slice %arg0[%dma_start3A_655, %dma_start3A_656] : memref<80000x256xf32, #tpu.memory_space<hbm>> -> memref<4000x256xf32, #tpu.memory_space<hbm>>
    tpu.enqueue_dma source(%dma_start3A_657 : memref<4000x256xf32, #tpu.memory_space<hbm>>) target(%dma_start3A_654 : memref<4000x256xf32, #tpu.memory_space<vmem>>) target_semaphore(%dma_start3A_650 : memref<!tpu.dma_semaphore, #tpu.memory_space<semaphore_mem>>)
    %dma_wait3A_658 = arith.constant 7 : i32
    %dma_wait3A_659 = arith.constant 7 : i32
    %dma_wait3A_660 = tpu.memref_slice %arg3[%dma_wait3A_659] : memref<8x!tpu.dma_semaphore, #tpu.memory_space<semaphore_mem>> -> memref<1x!tpu.dma_semaphore, #tpu.memory_space<semaphore_mem>>
    %dma_wait3A_661 = tpu.memref_squeeze %dma_wait3A_660 : memref<1x!tpu.dma_semaphore, #tpu.memory_space<semaphore_mem>> -> memref<!tpu.dma_semaphore, #tpu.memory_space<semaphore_mem>>
    %dma_wait3A_662 = arith.constant 0 : i32
    %dma_wait3A_663 = arith.constant 0 : i32
    %dma_wait3A_664 = tpu.memref_slice %arg2[%dma_wait3A_658, %dma_wait3A_662, %dma_wait3A_663] : memref<8x4000x256xf32, #tpu.memory_space<vmem>> -> memref<1x4000x256xf32, #tpu.memory_space<vmem>>
    %dma_wait3A_665 = tpu.memref_squeeze %dma_wait3A_664 : memref<1x4000x256xf32, #tpu.memory_space<vmem>> -> memref<4000x256xf32, #tpu.memory_space<vmem>>
    %dma_wait3A_666 = arith.constant 60000 : i32
    %dma_wait3A_667 = arith.constant 0 : i32
    %dma_wait3A_668 = tpu.memref_slice %arg0[%dma_wait3A_666, %dma_wait3A_667] : memref<80000x256xf32, #tpu.memory_space<hbm>> -> memref<4000x256xf32, #tpu.memory_space<hbm>>
    tpu.wait_dma2 semaphore(%dma_wait3A_661 : memref<!tpu.dma_semaphore, #tpu.memory_space<semaphore_mem>>) src(%dma_wait3A_668 : memref<4000x256xf32, #tpu.memory_space<hbm>>) dst(%dma_wait3A_665 : memref<4000x256xf32, #tpu.memory_space<vmem>>)
    %dma_start3A_669 = arith.constant 7 : i32
    %dma_start3A_670 = arith.constant 7 : i32
    %dma_start3A_671 = tpu.memref_slice %arg4[%dma_start3A_670] : memref<8x!tpu.dma_semaphore, #tpu.memory_space<semaphore_mem>> -> memref<1x!tpu.dma_semaphore, #tpu.memory_space<semaphore_mem>>
    %dma_start3A_672 = tpu.memref_squeeze %dma_start3A_671 : memref<1x!tpu.dma_semaphore, #tpu.memory_space<semaphore_mem>> -> memref<!tpu.dma_semaphore, #tpu.memory_space<semaphore_mem>>
    %dma_start3A_673 = arith.constant 60000 : i32
    %dma_start3A_674 = arith.constant 0 : i32
    %dma_start3A_675 = tpu.memref_slice %arg1[%dma_start3A_673, %dma_start3A_674] : memref<80000x256xf32, #tpu.memory_space<hbm>> -> memref<4000x256xf32, #tpu.memory_space<hbm>>
    %dma_start3A_676 = arith.constant 0 : i32
    %dma_start3A_677 = arith.constant 0 : i32
    %dma_start3A_678 = tpu.memref_slice %arg2[%dma_start3A_669, %dma_start3A_676, %dma_start3A_677] : memref<8x4000x256xf32, #tpu.memory_space<vmem>> -> memref<1x4000x256xf32, #tpu.memory_space<vmem>>
    %dma_start3A_679 = tpu.memref_squeeze %dma_start3A_678 : memref<1x4000x256xf32, #tpu.memory_space<vmem>> -> memref<4000x256xf32, #tpu.memory_space<vmem>>
    tpu.enqueue_dma source(%dma_start3A_679 : memref<4000x256xf32, #tpu.memory_space<vmem>>) target(%dma_start3A_675 : memref<4000x256xf32, #tpu.memory_space<hbm>>) target_semaphore(%dma_start3A_672 : memref<!tpu.dma_semaphore, #tpu.memory_space<semaphore_mem>>)
    %dma_wait3A_680 = arith.constant 3 : i32
    %dma_wait3A_681 = arith.constant 3 : i32
    %dma_wait3A_682 = tpu.memref_slice %arg4[%dma_wait3A_681] : memref<8x!tpu.dma_semaphore, #tpu.memory_space<semaphore_mem>> -> memref<1x!tpu.dma_semaphore, #tpu.memory_space<semaphore_mem>>
    %dma_wait3A_683 = tpu.memref_squeeze %dma_wait3A_682 : memref<1x!tpu.dma_semaphore, #tpu.memory_space<semaphore_mem>> -> memref<!tpu.dma_semaphore, #tpu.memory_space<semaphore_mem>>
    %dma_wait3A_684 = arith.constant 44000 : i32
    %dma_wait3A_685 = arith.constant 0 : i32
    %dma_wait3A_686 = tpu.memref_slice %arg1[%dma_wait3A_684, %dma_wait3A_685] : memref<80000x256xf32, #tpu.memory_space<hbm>> -> memref<4000x256xf32, #tpu.memory_space<hbm>>
    %dma_wait3A_687 = arith.constant 0 : i32
    %dma_wait3A_688 = arith.constant 0 : i32
    %dma_wait3A_689 = tpu.memref_slice %arg2[%dma_wait3A_680, %dma_wait3A_687, %dma_wait3A_688] : memref<8x4000x256xf32, #tpu.memory_space<vmem>> -> memref<1x4000x256xf32, #tpu.memory_space<vmem>>
    %dma_wait3A_690 = tpu.memref_squeeze %dma_wait3A_689 : memref<1x4000x256xf32, #tpu.memory_space<vmem>> -> memref<4000x256xf32, #tpu.memory_space<vmem>>
    tpu.wait_dma2 semaphore(%dma_wait3A_683 : memref<!tpu.dma_semaphore, #tpu.memory_space<semaphore_mem>>) src(%dma_wait3A_690 : memref<4000x256xf32, #tpu.memory_space<vmem>>) dst(%dma_wait3A_686 : memref<4000x256xf32, #tpu.memory_space<hbm>>)
    %dma_start3A_691 = arith.constant 3 : i32
    %dma_start3A_692 = arith.constant 3 : i32
    %dma_start3A_693 = tpu.memref_slice %arg3[%dma_start3A_692] : memref<8x!tpu.dma_semaphore, #tpu.memory_space<semaphore_mem>> -> memref<1x!tpu.dma_semaphore, #tpu.memory_space<semaphore_mem>>
    %dma_start3A_694 = tpu.memref_squeeze %dma_start3A_693 : memref<1x!tpu.dma_semaphore, #tpu.memory_space<semaphore_mem>> -> memref<!tpu.dma_semaphore, #tpu.memory_space<semaphore_mem>>
    %dma_start3A_695 = arith.constant 0 : i32
    %dma_start3A_696 = arith.constant 0 : i32
    %dma_start3A_697 = tpu.memref_slice %arg2[%dma_start3A_691, %dma_start3A_695, %dma_start3A_696] : memref<8x4000x256xf32, #tpu.memory_space<vmem>> -> memref<1x4000x256xf32, #tpu.memory_space<vmem>>
    %dma_start3A_698 = tpu.memref_squeeze %dma_start3A_697 : memref<1x4000x256xf32, #tpu.memory_space<vmem>> -> memref<4000x256xf32, #tpu.memory_space<vmem>>
    %dma_start3A_699 = arith.constant 76000 : i32
    %dma_start3A_700 = arith.constant 0 : i32
    %dma_start3A_701 = tpu.memref_slice %arg0[%dma_start3A_699, %dma_start3A_700] : memref<80000x256xf32, #tpu.memory_space<hbm>> -> memref<4000x256xf32, #tpu.memory_space<hbm>>
    tpu.enqueue_dma source(%dma_start3A_701 : memref<4000x256xf32, #tpu.memory_space<hbm>>) target(%dma_start3A_698 : memref<4000x256xf32, #tpu.memory_space<vmem>>) target_semaphore(%dma_start3A_694 : memref<!tpu.dma_semaphore, #tpu.memory_space<semaphore_mem>>)
    %dma_wait3A_702 = arith.constant 0 : i32
    %dma_wait3A_703 = arith.constant 0 : i32
    %dma_wait3A_704 = tpu.memref_slice %arg3[%dma_wait3A_703] : memref<8x!tpu.dma_semaphore, #tpu.memory_space<semaphore_mem>> -> memref<1x!tpu.dma_semaphore, #tpu.memory_space<semaphore_mem>>
    %dma_wait3A_705 = tpu.memref_squeeze %dma_wait3A_704 : memref<1x!tpu.dma_semaphore, #tpu.memory_space<semaphore_mem>> -> memref<!tpu.dma_semaphore, #tpu.memory_space<semaphore_mem>>
    %dma_wait3A_706 = arith.constant 0 : i32
    %dma_wait3A_707 = arith.constant 0 : i32
    %dma_wait3A_708 = tpu.memref_slice %arg2[%dma_wait3A_702, %dma_wait3A_706, %dma_wait3A_707] : memref<8x4000x256xf32, #tpu.memory_space<vmem>> -> memref<1x4000x256xf32, #tpu.memory_space<vmem>>
    %dma_wait3A_709 = tpu.memref_squeeze %dma_wait3A_708 : memref<1x4000x256xf32, #tpu.memory_space<vmem>> -> memref<4000x256xf32, #tpu.memory_space<vmem>>
    %dma_wait3A_710 = arith.constant 64000 : i32
    %dma_wait3A_711 = arith.constant 0 : i32
    %dma_wait3A_712 = tpu.memref_slice %arg0[%dma_wait3A_710, %dma_wait3A_711] : memref<80000x256xf32, #tpu.memory_space<hbm>> -> memref<4000x256xf32, #tpu.memory_space<hbm>>
    tpu.wait_dma2 semaphore(%dma_wait3A_705 : memref<!tpu.dma_semaphore, #tpu.memory_space<semaphore_mem>>) src(%dma_wait3A_712 : memref<4000x256xf32, #tpu.memory_space<hbm>>) dst(%dma_wait3A_709 : memref<4000x256xf32, #tpu.memory_space<vmem>>)
    %dma_start3A_713 = arith.constant 0 : i32
    %dma_start3A_714 = arith.constant 0 : i32
    %dma_start3A_715 = tpu.memref_slice %arg4[%dma_start3A_714] : memref<8x!tpu.dma_semaphore, #tpu.memory_space<semaphore_mem>> -> memref<1x!tpu.dma_semaphore, #tpu.memory_space<semaphore_mem>>
    %dma_start3A_716 = tpu.memref_squeeze %dma_start3A_715 : memref<1x!tpu.dma_semaphore, #tpu.memory_space<semaphore_mem>> -> memref<!tpu.dma_semaphore, #tpu.memory_space<semaphore_mem>>
    %dma_start3A_717 = arith.constant 64000 : i32
    %dma_start3A_718 = arith.constant 0 : i32
    %dma_start3A_719 = tpu.memref_slice %arg1[%dma_start3A_717, %dma_start3A_718] : memref<80000x256xf32, #tpu.memory_space<hbm>> -> memref<4000x256xf32, #tpu.memory_space<hbm>>
    %dma_start3A_720 = arith.constant 0 : i32
    %dma_start3A_721 = arith.constant 0 : i32
    %dma_start3A_722 = tpu.memref_slice %arg2[%dma_start3A_713, %dma_start3A_720, %dma_start3A_721] : memref<8x4000x256xf32, #tpu.memory_space<vmem>> -> memref<1x4000x256xf32, #tpu.memory_space<vmem>>
    %dma_start3A_723 = tpu.memref_squeeze %dma_start3A_722 : memref<1x4000x256xf32, #tpu.memory_space<vmem>> -> memref<4000x256xf32, #tpu.memory_space<vmem>>
    tpu.enqueue_dma source(%dma_start3A_723 : memref<4000x256xf32, #tpu.memory_space<vmem>>) target(%dma_start3A_719 : memref<4000x256xf32, #tpu.memory_space<hbm>>) target_semaphore(%dma_start3A_716 : memref<!tpu.dma_semaphore, #tpu.memory_space<semaphore_mem>>)
    %dma_wait3A_724 = arith.constant 1 : i32
    %dma_wait3A_725 = arith.constant 1 : i32
    %dma_wait3A_726 = tpu.memref_slice %arg3[%dma_wait3A_725] : memref<8x!tpu.dma_semaphore, #tpu.memory_space<semaphore_mem>> -> memref<1x!tpu.dma_semaphore, #tpu.memory_space<semaphore_mem>>
    %dma_wait3A_727 = tpu.memref_squeeze %dma_wait3A_726 : memref<1x!tpu.dma_semaphore, #tpu.memory_space<semaphore_mem>> -> memref<!tpu.dma_semaphore, #tpu.memory_space<semaphore_mem>>
    %dma_wait3A_728 = arith.constant 0 : i32
    %dma_wait3A_729 = arith.constant 0 : i32
    %dma_wait3A_730 = tpu.memref_slice %arg2[%dma_wait3A_724, %dma_wait3A_728, %dma_wait3A_729] : memref<8x4000x256xf32, #tpu.memory_space<vmem>> -> memref<1x4000x256xf32, #tpu.memory_space<vmem>>
    %dma_wait3A_731 = tpu.memref_squeeze %dma_wait3A_730 : memref<1x4000x256xf32, #tpu.memory_space<vmem>> -> memref<4000x256xf32, #tpu.memory_space<vmem>>
    %dma_wait3A_732 = arith.constant 68000 : i32
    %dma_wait3A_733 = arith.constant 0 : i32
    %dma_wait3A_734 = tpu.memref_slice %arg0[%dma_wait3A_732, %dma_wait3A_733] : memref<80000x256xf32, #tpu.memory_space<hbm>> -> memref<4000x256xf32, #tpu.memory_space<hbm>>
    tpu.wait_dma2 semaphore(%dma_wait3A_727 : memref<!tpu.dma_semaphore, #tpu.memory_space<semaphore_mem>>) src(%dma_wait3A_734 : memref<4000x256xf32, #tpu.memory_space<hbm>>) dst(%dma_wait3A_731 : memref<4000x256xf32, #tpu.memory_space<vmem>>)
    %dma_start3A_735 = arith.constant 1 : i32
    %dma_start3A_736 = arith.constant 1 : i32
    %dma_start3A_737 = tpu.memref_slice %arg4[%dma_start3A_736] : memref<8x!tpu.dma_semaphore, #tpu.memory_space<semaphore_mem>> -> memref<1x!tpu.dma_semaphore, #tpu.memory_space<semaphore_mem>>
    %dma_start3A_738 = tpu.memref_squeeze %dma_start3A_737 : memref<1x!tpu.dma_semaphore, #tpu.memory_space<semaphore_mem>> -> memref<!tpu.dma_semaphore, #tpu.memory_space<semaphore_mem>>
    %dma_start3A_739 = arith.constant 68000 : i32
    %dma_start3A_740 = arith.constant 0 : i32
    %dma_start3A_741 = tpu.memref_slice %arg1[%dma_start3A_739, %dma_start3A_740] : memref<80000x256xf32, #tpu.memory_space<hbm>> -> memref<4000x256xf32, #tpu.memory_space<hbm>>
    %dma_start3A_742 = arith.constant 0 : i32
    %dma_start3A_743 = arith.constant 0 : i32
    %dma_start3A_744 = tpu.memref_slice %arg2[%dma_start3A_735, %dma_start3A_742, %dma_start3A_743] : memref<8x4000x256xf32, #tpu.memory_space<vmem>> -> memref<1x4000x256xf32, #tpu.memory_space<vmem>>
    %dma_start3A_745 = tpu.memref_squeeze %dma_start3A_744 : memref<1x4000x256xf32, #tpu.memory_space<vmem>> -> memref<4000x256xf32, #tpu.memory_space<vmem>>
    tpu.enqueue_dma source(%dma_start3A_745 : memref<4000x256xf32, #tpu.memory_space<vmem>>) target(%dma_start3A_741 : memref<4000x256xf32, #tpu.memory_space<hbm>>) target_semaphore(%dma_start3A_738 : memref<!tpu.dma_semaphore, #tpu.memory_space<semaphore_mem>>)
    %dma_wait3A_746 = arith.constant 2 : i32
    %dma_wait3A_747 = arith.constant 2 : i32
    %dma_wait3A_748 = tpu.memref_slice %arg3[%dma_wait3A_747] : memref<8x!tpu.dma_semaphore, #tpu.memory_space<semaphore_mem>> -> memref<1x!tpu.dma_semaphore, #tpu.memory_space<semaphore_mem>>
    %dma_wait3A_749 = tpu.memref_squeeze %dma_wait3A_748 : memref<1x!tpu.dma_semaphore, #tpu.memory_space<semaphore_mem>> -> memref<!tpu.dma_semaphore, #tpu.memory_space<semaphore_mem>>
    %dma_wait3A_750 = arith.constant 0 : i32
    %dma_wait3A_751 = arith.constant 0 : i32
    %dma_wait3A_752 = tpu.memref_slice %arg2[%dma_wait3A_746, %dma_wait3A_750, %dma_wait3A_751] : memref<8x4000x256xf32, #tpu.memory_space<vmem>> -> memref<1x4000x256xf32, #tpu.memory_space<vmem>>
    %dma_wait3A_753 = tpu.memref_squeeze %dma_wait3A_752 : memref<1x4000x256xf32, #tpu.memory_space<vmem>> -> memref<4000x256xf32, #tpu.memory_space<vmem>>
    %dma_wait3A_754 = arith.constant 72000 : i32
    %dma_wait3A_755 = arith.constant 0 : i32
    %dma_wait3A_756 = tpu.memref_slice %arg0[%dma_wait3A_754, %dma_wait3A_755] : memref<80000x256xf32, #tpu.memory_space<hbm>> -> memref<4000x256xf32, #tpu.memory_space<hbm>>
    tpu.wait_dma2 semaphore(%dma_wait3A_749 : memref<!tpu.dma_semaphore, #tpu.memory_space<semaphore_mem>>) src(%dma_wait3A_756 : memref<4000x256xf32, #tpu.memory_space<hbm>>) dst(%dma_wait3A_753 : memref<4000x256xf32, #tpu.memory_space<vmem>>)
    %dma_start3A_757 = arith.constant 2 : i32
    %dma_start3A_758 = arith.constant 2 : i32
    %dma_start3A_759 = tpu.memref_slice %arg4[%dma_start3A_758] : memref<8x!tpu.dma_semaphore, #tpu.memory_space<semaphore_mem>> -> memref<1x!tpu.dma_semaphore, #tpu.memory_space<semaphore_mem>>
    %dma_start3A_760 = tpu.memref_squeeze %dma_start3A_759 : memref<1x!tpu.dma_semaphore, #tpu.memory_space<semaphore_mem>> -> memref<!tpu.dma_semaphore, #tpu.memory_space<semaphore_mem>>
    %dma_start3A_761 = arith.constant 72000 : i32
    %dma_start3A_762 = arith.constant 0 : i32
    %dma_start3A_763 = tpu.memref_slice %arg1[%dma_start3A_761, %dma_start3A_762] : memref<80000x256xf32, #tpu.memory_space<hbm>> -> memref<4000x256xf32, #tpu.memory_space<hbm>>
    %dma_start3A_764 = arith.constant 0 : i32
    %dma_start3A_765 = arith.constant 0 : i32
    %dma_start3A_766 = tpu.memref_slice %arg2[%dma_start3A_757, %dma_start3A_764, %dma_start3A_765] : memref<8x4000x256xf32, #tpu.memory_space<vmem>> -> memref<1x4000x256xf32, #tpu.memory_space<vmem>>
    %dma_start3A_767 = tpu.memref_squeeze %dma_start3A_766 : memref<1x4000x256xf32, #tpu.memory_space<vmem>> -> memref<4000x256xf32, #tpu.memory_space<vmem>>
    tpu.enqueue_dma source(%dma_start3A_767 : memref<4000x256xf32, #tpu.memory_space<vmem>>) target(%dma_start3A_763 : memref<4000x256xf32, #tpu.memory_space<hbm>>) target_semaphore(%dma_start3A_760 : memref<!tpu.dma_semaphore, #tpu.memory_space<semaphore_mem>>)
    %dma_wait3A_768 = arith.constant 3 : i32
    %dma_wait3A_769 = arith.constant 3 : i32
    %dma_wait3A_770 = tpu.memref_slice %arg3[%dma_wait3A_769] : memref<8x!tpu.dma_semaphore, #tpu.memory_space<semaphore_mem>> -> memref<1x!tpu.dma_semaphore, #tpu.memory_space<semaphore_mem>>
    %dma_wait3A_771 = tpu.memref_squeeze %dma_wait3A_770 : memref<1x!tpu.dma_semaphore, #tpu.memory_space<semaphore_mem>> -> memref<!tpu.dma_semaphore, #tpu.memory_space<semaphore_mem>>
    %dma_wait3A_772 = arith.constant 0 : i32
    %dma_wait3A_773 = arith.constant 0 : i32
    %dma_wait3A_774 = tpu.memref_slice %arg2[%dma_wait3A_768, %dma_wait3A_772, %dma_wait3A_773] : memref<8x4000x256xf32, #tpu.memory_space<vmem>> -> memref<1x4000x256xf32, #tpu.memory_space<vmem>>
    %dma_wait3A_775 = tpu.memref_squeeze %dma_wait3A_774 : memref<1x4000x256xf32, #tpu.memory_space<vmem>> -> memref<4000x256xf32, #tpu.memory_space<vmem>>
    %dma_wait3A_776 = arith.constant 76000 : i32
    %dma_wait3A_777 = arith.constant 0 : i32
    %dma_wait3A_778 = tpu.memref_slice %arg0[%dma_wait3A_776, %dma_wait3A_777] : memref<80000x256xf32, #tpu.memory_space<hbm>> -> memref<4000x256xf32, #tpu.memory_space<hbm>>
    tpu.wait_dma2 semaphore(%dma_wait3A_771 : memref<!tpu.dma_semaphore, #tpu.memory_space<semaphore_mem>>) src(%dma_wait3A_778 : memref<4000x256xf32, #tpu.memory_space<hbm>>) dst(%dma_wait3A_775 : memref<4000x256xf32, #tpu.memory_space<vmem>>)
    %dma_start3A_779 = arith.constant 3 : i32
    %dma_start3A_780 = arith.constant 3 : i32
    %dma_start3A_781 = tpu.memref_slice %arg4[%dma_start3A_780] : memref<8x!tpu.dma_semaphore, #tpu.memory_space<semaphore_mem>> -> memref<1x!tpu.dma_semaphore, #tpu.memory_space<semaphore_mem>>
    %dma_start3A_782 = tpu.memref_squeeze %dma_start3A_781 : memref<1x!tpu.dma_semaphore, #tpu.memory_space<semaphore_mem>> -> memref<!tpu.dma_semaphore, #tpu.memory_space<semaphore_mem>>
    %dma_start3A_783 = arith.constant 76000 : i32
    %dma_start3A_784 = arith.constant 0 : i32
    %dma_start3A_785 = tpu.memref_slice %arg1[%dma_start3A_783, %dma_start3A_784] : memref<80000x256xf32, #tpu.memory_space<hbm>> -> memref<4000x256xf32, #tpu.memory_space<hbm>>
    %dma_start3A_786 = arith.constant 0 : i32
    %dma_start3A_787 = arith.constant 0 : i32
    %dma_start3A_788 = tpu.memref_slice %arg2[%dma_start3A_779, %dma_start3A_786, %dma_start3A_787] : memref<8x4000x256xf32, #tpu.memory_space<vmem>> -> memref<1x4000x256xf32, #tpu.memory_space<vmem>>
    %dma_start3A_789 = tpu.memref_squeeze %dma_start3A_788 : memref<1x4000x256xf32, #tpu.memory_space<vmem>> -> memref<4000x256xf32, #tpu.memory_space<vmem>>
    tpu.enqueue_dma source(%dma_start3A_789 : memref<4000x256xf32, #tpu.memory_space<vmem>>) target(%dma_start3A_785 : memref<4000x256xf32, #tpu.memory_space<hbm>>) target_semaphore(%dma_start3A_782 : memref<!tpu.dma_semaphore, #tpu.memory_space<semaphore_mem>>)
    %dma_wait3A_790 = arith.constant 4 : i32
    %dma_wait3A_791 = arith.constant 4 : i32
    %dma_wait3A_792 = tpu.memref_slice %arg4[%dma_wait3A_791] : memref<8x!tpu.dma_semaphore, #tpu.memory_space<semaphore_mem>> -> memref<1x!tpu.dma_semaphore, #tpu.memory_space<semaphore_mem>>
    %dma_wait3A_793 = tpu.memref_squeeze %dma_wait3A_792 : memref<1x!tpu.dma_semaphore, #tpu.memory_space<semaphore_mem>> -> memref<!tpu.dma_semaphore, #tpu.memory_space<semaphore_mem>>
    %dma_wait3A_794 = arith.constant 48000 : i32
    %dma_wait3A_795 = arith.constant 0 : i32
    %dma_wait3A_796 = tpu.memref_slice %arg1[%dma_wait3A_794, %dma_wait3A_795] : memref<80000x256xf32, #tpu.memory_space<hbm>> -> memref<4000x256xf32, #tpu.memory_space<hbm>>
    %dma_wait3A_797 = arith.constant 0 : i32
    %dma_wait3A_798 = arith.constant 0 : i32
    %dma_wait3A_799 = tpu.memref_slice %arg2[%dma_wait3A_790, %dma_wait3A_797, %dma_wait3A_798] : memref<8x4000x256xf32, #tpu.memory_space<vmem>> -> memref<1x4000x256xf32, #tpu.memory_space<vmem>>
    %dma_wait3A_800 = tpu.memref_squeeze %dma_wait3A_799 : memref<1x4000x256xf32, #tpu.memory_space<vmem>> -> memref<4000x256xf32, #tpu.memory_space<vmem>>
    tpu.wait_dma2 semaphore(%dma_wait3A_793 : memref<!tpu.dma_semaphore, #tpu.memory_space<semaphore_mem>>) src(%dma_wait3A_800 : memref<4000x256xf32, #tpu.memory_space<vmem>>) dst(%dma_wait3A_796 : memref<4000x256xf32, #tpu.memory_space<hbm>>)
    %dma_wait3A_801 = arith.constant 5 : i32
    %dma_wait3A_802 = arith.constant 5 : i32
    %dma_wait3A_803 = tpu.memref_slice %arg4[%dma_wait3A_802] : memref<8x!tpu.dma_semaphore, #tpu.memory_space<semaphore_mem>> -> memref<1x!tpu.dma_semaphore, #tpu.memory_space<semaphore_mem>>
    %dma_wait3A_804 = tpu.memref_squeeze %dma_wait3A_803 : memref<1x!tpu.dma_semaphore, #tpu.memory_space<semaphore_mem>> -> memref<!tpu.dma_semaphore, #tpu.memory_space<semaphore_mem>>
    %dma_wait3A_805 = arith.constant 52000 : i32
    %dma_wait3A_806 = arith.constant 0 : i32
    %dma_wait3A_807 = tpu.memref_slice %arg1[%dma_wait3A_805, %dma_wait3A_806] : memref<80000x256xf32, #tpu.memory_space<hbm>> -> memref<4000x256xf32, #tpu.memory_space<hbm>>
    %dma_wait3A_808 = arith.constant 0 : i32
    %dma_wait3A_809 = arith.constant 0 : i32
    %dma_wait3A_810 = tpu.memref_slice %arg2[%dma_wait3A_801, %dma_wait3A_808, %dma_wait3A_809] : memref<8x4000x256xf32, #tpu.memory_space<vmem>> -> memref<1x4000x256xf32, #tpu.memory_space<vmem>>
    %dma_wait3A_811 = tpu.memref_squeeze %dma_wait3A_810 : memref<1x4000x256xf32, #tpu.memory_space<vmem>> -> memref<4000x256xf32, #tpu.memory_space<vmem>>
    tpu.wait_dma2 semaphore(%dma_wait3A_804 : memref<!tpu.dma_semaphore, #tpu.memory_space<semaphore_mem>>) src(%dma_wait3A_811 : memref<4000x256xf32, #tpu.memory_space<vmem>>) dst(%dma_wait3A_807 : memref<4000x256xf32, #tpu.memory_space<hbm>>)
    %dma_wait3A_812 = arith.constant 6 : i32
    %dma_wait3A_813 = arith.constant 6 : i32
    %dma_wait3A_814 = tpu.memref_slice %arg4[%dma_wait3A_813] : memref<8x!tpu.dma_semaphore, #tpu.memory_space<semaphore_mem>> -> memref<1x!tpu.dma_semaphore, #tpu.memory_space<semaphore_mem>>
    %dma_wait3A_815 = tpu.memref_squeeze %dma_wait3A_814 : memref<1x!tpu.dma_semaphore, #tpu.memory_space<semaphore_mem>> -> memref<!tpu.dma_semaphore, #tpu.memory_space<semaphore_mem>>
    %dma_wait3A_816 = arith.constant 56000 : i32
    %dma_wait3A_817 = arith.constant 0 : i32
    %dma_wait3A_818 = tpu.memref_slice %arg1[%dma_wait3A_816, %dma_wait3A_817] : memref<80000x256xf32, #tpu.memory_space<hbm>> -> memref<4000x256xf32, #tpu.memory_space<hbm>>
    %dma_wait3A_819 = arith.constant 0 : i32
    %dma_wait3A_820 = arith.constant 0 : i32
    %dma_wait3A_821 = tpu.memref_slice %arg2[%dma_wait3A_812, %dma_wait3A_819, %dma_wait3A_820] : memref<8x4000x256xf32, #tpu.memory_space<vmem>> -> memref<1x4000x256xf32, #tpu.memory_space<vmem>>
    %dma_wait3A_822 = tpu.memref_squeeze %dma_wait3A_821 : memref<1x4000x256xf32, #tpu.memory_space<vmem>> -> memref<4000x256xf32, #tpu.memory_space<vmem>>
    tpu.wait_dma2 semaphore(%dma_wait3A_815 : memref<!tpu.dma_semaphore, #tpu.memory_space<semaphore_mem>>) src(%dma_wait3A_822 : memref<4000x256xf32, #tpu.memory_space<vmem>>) dst(%dma_wait3A_818 : memref<4000x256xf32, #tpu.memory_space<hbm>>)
    %dma_wait3A_823 = arith.constant 7 : i32
    %dma_wait3A_824 = arith.constant 7 : i32
    %dma_wait3A_825 = tpu.memref_slice %arg4[%dma_wait3A_824] : memref<8x!tpu.dma_semaphore, #tpu.memory_space<semaphore_mem>> -> memref<1x!tpu.dma_semaphore, #tpu.memory_space<semaphore_mem>>
    %dma_wait3A_826 = tpu.memref_squeeze %dma_wait3A_825 : memref<1x!tpu.dma_semaphore, #tpu.memory_space<semaphore_mem>> -> memref<!tpu.dma_semaphore, #tpu.memory_space<semaphore_mem>>
    %dma_wait3A_827 = arith.constant 60000 : i32
    %dma_wait3A_828 = arith.constant 0 : i32
    %dma_wait3A_829 = tpu.memref_slice %arg1[%dma_wait3A_827, %dma_wait3A_828] : memref<80000x256xf32, #tpu.memory_space<hbm>> -> memref<4000x256xf32, #tpu.memory_space<hbm>>
    %dma_wait3A_830 = arith.constant 0 : i32
    %dma_wait3A_831 = arith.constant 0 : i32
    %dma_wait3A_832 = tpu.memref_slice %arg2[%dma_wait3A_823, %dma_wait3A_830, %dma_wait3A_831] : memref<8x4000x256xf32, #tpu.memory_space<vmem>> -> memref<1x4000x256xf32, #tpu.memory_space<vmem>>
    %dma_wait3A_833 = tpu.memref_squeeze %dma_wait3A_832 : memref<1x4000x256xf32, #tpu.memory_space<vmem>> -> memref<4000x256xf32, #tpu.memory_space<vmem>>
    tpu.wait_dma2 semaphore(%dma_wait3A_826 : memref<!tpu.dma_semaphore, #tpu.memory_space<semaphore_mem>>) src(%dma_wait3A_833 : memref<4000x256xf32, #tpu.memory_space<vmem>>) dst(%dma_wait3A_829 : memref<4000x256xf32, #tpu.memory_space<hbm>>)
    %dma_wait3A_834 = arith.constant 0 : i32
    %dma_wait3A_835 = arith.constant 0 : i32
    %dma_wait3A_836 = tpu.memref_slice %arg4[%dma_wait3A_835] : memref<8x!tpu.dma_semaphore, #tpu.memory_space<semaphore_mem>> -> memref<1x!tpu.dma_semaphore, #tpu.memory_space<semaphore_mem>>
    %dma_wait3A_837 = tpu.memref_squeeze %dma_wait3A_836 : memref<1x!tpu.dma_semaphore, #tpu.memory_space<semaphore_mem>> -> memref<!tpu.dma_semaphore, #tpu.memory_space<semaphore_mem>>
    %dma_wait3A_838 = arith.constant 64000 : i32
    %dma_wait3A_839 = arith.constant 0 : i32
    %dma_wait3A_840 = tpu.memref_slice %arg1[%dma_wait3A_838, %dma_wait3A_839] : memref<80000x256xf32, #tpu.memory_space<hbm>> -> memref<4000x256xf32, #tpu.memory_space<hbm>>
    %dma_wait3A_841 = arith.constant 0 : i32
    %dma_wait3A_842 = arith.constant 0 : i32
    %dma_wait3A_843 = tpu.memref_slice %arg2[%dma_wait3A_834, %dma_wait3A_841, %dma_wait3A_842] : memref<8x4000x256xf32, #tpu.memory_space<vmem>> -> memref<1x4000x256xf32, #tpu.memory_space<vmem>>
    %dma_wait3A_844 = tpu.memref_squeeze %dma_wait3A_843 : memref<1x4000x256xf32, #tpu.memory_space<vmem>> -> memref<4000x256xf32, #tpu.memory_space<vmem>>
    tpu.wait_dma2 semaphore(%dma_wait3A_837 : memref<!tpu.dma_semaphore, #tpu.memory_space<semaphore_mem>>) src(%dma_wait3A_844 : memref<4000x256xf32, #tpu.memory_space<vmem>>) dst(%dma_wait3A_840 : memref<4000x256xf32, #tpu.memory_space<hbm>>)
    %dma_wait3A_845 = arith.constant 1 : i32
    %dma_wait3A_846 = arith.constant 1 : i32
    %dma_wait3A_847 = tpu.memref_slice %arg4[%dma_wait3A_846] : memref<8x!tpu.dma_semaphore, #tpu.memory_space<semaphore_mem>> -> memref<1x!tpu.dma_semaphore, #tpu.memory_space<semaphore_mem>>
    %dma_wait3A_848 = tpu.memref_squeeze %dma_wait3A_847 : memref<1x!tpu.dma_semaphore, #tpu.memory_space<semaphore_mem>> -> memref<!tpu.dma_semaphore, #tpu.memory_space<semaphore_mem>>
    %dma_wait3A_849 = arith.constant 68000 : i32
    %dma_wait3A_850 = arith.constant 0 : i32
    %dma_wait3A_851 = tpu.memref_slice %arg1[%dma_wait3A_849, %dma_wait3A_850] : memref<80000x256xf32, #tpu.memory_space<hbm>> -> memref<4000x256xf32, #tpu.memory_space<hbm>>
    %dma_wait3A_852 = arith.constant 0 : i32
    %dma_wait3A_853 = arith.constant 0 : i32
    %dma_wait3A_854 = tpu.memref_slice %arg2[%dma_wait3A_845, %dma_wait3A_852, %dma_wait3A_853] : memref<8x4000x256xf32, #tpu.memory_space<vmem>> -> memref<1x4000x256xf32, #tpu.memory_space<vmem>>
    %dma_wait3A_855 = tpu.memref_squeeze %dma_wait3A_854 : memref<1x4000x256xf32, #tpu.memory_space<vmem>> -> memref<4000x256xf32, #tpu.memory_space<vmem>>
    tpu.wait_dma2 semaphore(%dma_wait3A_848 : memref<!tpu.dma_semaphore, #tpu.memory_space<semaphore_mem>>) src(%dma_wait3A_855 : memref<4000x256xf32, #tpu.memory_space<vmem>>) dst(%dma_wait3A_851 : memref<4000x256xf32, #tpu.memory_space<hbm>>)
    %dma_wait3A_856 = arith.constant 2 : i32
    %dma_wait3A_857 = arith.constant 2 : i32
    %dma_wait3A_858 = tpu.memref_slice %arg4[%dma_wait3A_857] : memref<8x!tpu.dma_semaphore, #tpu.memory_space<semaphore_mem>> -> memref<1x!tpu.dma_semaphore, #tpu.memory_space<semaphore_mem>>
    %dma_wait3A_859 = tpu.memref_squeeze %dma_wait3A_858 : memref<1x!tpu.dma_semaphore, #tpu.memory_space<semaphore_mem>> -> memref<!tpu.dma_semaphore, #tpu.memory_space<semaphore_mem>>
    %dma_wait3A_860 = arith.constant 72000 : i32
    %dma_wait3A_861 = arith.constant 0 : i32
    %dma_wait3A_862 = tpu.memref_slice %arg1[%dma_wait3A_860, %dma_wait3A_861] : memref<80000x256xf32, #tpu.memory_space<hbm>> -> memref<4000x256xf32, #tpu.memory_space<hbm>>
    %dma_wait3A_863 = arith.constant 0 : i32
    %dma_wait3A_864 = arith.constant 0 : i32
    %dma_wait3A_865 = tpu.memref_slice %arg2[%dma_wait3A_856, %dma_wait3A_863, %dma_wait3A_864] : memref<8x4000x256xf32, #tpu.memory_space<vmem>> -> memref<1x4000x256xf32, #tpu.memory_space<vmem>>
    %dma_wait3A_866 = tpu.memref_squeeze %dma_wait3A_865 : memref<1x4000x256xf32, #tpu.memory_space<vmem>> -> memref<4000x256xf32, #tpu.memory_space<vmem>>
    tpu.wait_dma2 semaphore(%dma_wait3A_859 : memref<!tpu.dma_semaphore, #tpu.memory_space<semaphore_mem>>) src(%dma_wait3A_866 : memref<4000x256xf32, #tpu.memory_space<vmem>>) dst(%dma_wait3A_862 : memref<4000x256xf32, #tpu.memory_space<hbm>>)
    %dma_wait3A_867 = arith.constant 3 : i32
    %dma_wait3A_868 = arith.constant 3 : i32
    %dma_wait3A_869 = tpu.memref_slice %arg4[%dma_wait3A_868] : memref<8x!tpu.dma_semaphore, #tpu.memory_space<semaphore_mem>> -> memref<1x!tpu.dma_semaphore, #tpu.memory_space<semaphore_mem>>
    %dma_wait3A_870 = tpu.memref_squeeze %dma_wait3A_869 : memref<1x!tpu.dma_semaphore, #tpu.memory_space<semaphore_mem>> -> memref<!tpu.dma_semaphore, #tpu.memory_space<semaphore_mem>>
    %dma_wait3A_871 = arith.constant 76000 : i32
    %dma_wait3A_872 = arith.constant 0 : i32
    %dma_wait3A_873 = tpu.memref_slice %arg1[%dma_wait3A_871, %dma_wait3A_872] : memref<80000x256xf32, #tpu.memory_space<hbm>> -> memref<4000x256xf32, #tpu.memory_space<hbm>>
    %dma_wait3A_874 = arith.constant 0 : i32
    %dma_wait3A_875 = arith.constant 0 : i32
    %dma_wait3A_876 = tpu.memref_slice %arg2[%dma_wait3A_867, %dma_wait3A_874, %dma_wait3A_875] : memref<8x4000x256xf32, #tpu.memory_space<vmem>> -> memref<1x4000x256xf32, #tpu.memory_space<vmem>>
    %dma_wait3A_877 = tpu.memref_squeeze %dma_wait3A_876 : memref<1x4000x256xf32, #tpu.memory_space<vmem>> -> memref<4000x256xf32, #tpu.memory_space<vmem>>
    tpu.wait_dma2 semaphore(%dma_wait3A_870 : memref<!tpu.dma_semaphore, #tpu.memory_space<semaphore_mem>>) src(%dma_wait3A_877 : memref<4000x256xf32, #tpu.memory_space<vmem>>) dst(%dma_wait3A_873 : memref<4000x256xf32, #tpu.memory_space<hbm>>)
    return
  }
}

module attributes {stable_mosaic.version = 14 : i64} {
  func.func @_tc_scatter_body(%arg0: i32, %arg1: memref<1xi32, #tpu.memory_space<smem>>, %arg2: memref<8x256xf32, #tpu.memory_space<vmem>>, %arg3: memref<80000x256xf32, #tpu.memory_space<hbm>>, %arg4: memref<8x256xf32, #tpu.memory_space<vmem>>) attributes {dimension_semantics = [#tpu.dimension_semantics<arbitrary>], iteration_bounds = array<i64: 1>, scalar_prefetch = 1 : i64, scratch_operands = 0 : i64, tpu.core_type = #tpu.core_type<tc>, window_params = [{pipeline_mode = #tpu.pipeline_mode<synchronous>, transform_indices = @transform_0, window_bounds = array<i64: 8, 256>}, {}, {transform_indices = @transform_2, window_bounds = array<i64: 8, 256>}]} {
    %get3A = arith.constant 0 : index
    %get3A_0 = arith.constant 0 : index
    %get3A_1 = vector.load %arg2[%get3A, %get3A_0] : memref<8x256xf32, #tpu.memory_space<vmem>>, vector<8x256xf32>
    %swap3A = arith.constant 0 : index
    %swap3A_2 = arith.constant 0 : index
    %swap3A_3 = vector.load %arg4[%swap3A, %swap3A_2] : memref<8x256xf32, #tpu.memory_space<vmem>>, vector<8x256xf32>
    tpu.vector_store %arg4[%swap3A, %swap3A_2], %get3A_1 {strides = array<i32>} : memref<8x256xf32, #tpu.memory_space<vmem>>, vector<8x256xf32>,
    return
  }
  func.func @transform_0(%arg0: i32, %arg1: memref<1xi32, #tpu.memory_space<smem>>) -> (i32, i32) {
    %c0_i32 = arith.constant 0 : i32
    %c0_i32_0 = arith.constant 0 : i32
    %c0_i32_1 = arith.constant 0 : i32
    return %c0_i32, %c0_i32_0 : i32, i32
  }
  func.func @transform_2(%arg0: i32, %arg1: memref<1xi32, #tpu.memory_space<smem>>) -> (i32, i32) {
    %get3A = arith.constant 0 : index
    %get3A_0 = memref.load %arg1[%get3A] : memref<1xi32, #tpu.memory_space<smem>>
    %c0_i32 = arith.constant 0 : i32
    %c0_i32_1 = arith.constant 0 : i32
    return %get3A_0, %c0_i32 : i32, i32
  }
}

</mosaic_0001>

<sc_bundles>
// kernel: kernel.5.cloned.1.call-start
scs
__scs_entry_jumppad:
0x0: {  	(pc) =	sbr.rel $0x88, $3  }
0x1: {  	(tag) =	ssettag $0x0;
	lr =	simm.s32 $0x1  }
0x2: {  	[smem:$0x3F9D] =	sst lr;
	_ =	strace $0xD0000000  }
0x3: {  	_ = 	snop  }
0x4: {  	_ = 	snop  }
0x5: {  	_ = 	snop  }
0x6: {  	_ = 	snop  }
0x7: {  	_ = 	snop  }
__scs_overlays_trampoline_lowered:
0x8: {  	[smem:$0x3FAC] =	sst s0  }
0x9: {  	[smem:$0x3FAD] =	sst s1  }
0xa: {  	[smem:$0x3FAE] =	sst s2  }
0xb: {  	[smem:$0x3FAF] =	sst s3  }
0xc: {  	[smem:$0x3FB0] =	sst s4  }
0xd: {  	[smem:$0x3FB1] =	sst s5  }
0xe: {  	[smem:$0x3FB2] =	sst s6  }
0xf: {  	[smem:$0x3FB3] =	sst s7  }
0x10: {  	[smem:$0x3FB4] =	sst s8  }
0x11: {  	[smem:$0x3FB5] =	sst s9;
	s0 =	simm.s32 @!p0 $0x0  }
0x12: {  	s1 =	sld [smem:$0x3F9B];
	s0 =	simm.s32 @p0 $0x1  }
0x13: {  	[smem:$0x3FB6] =	sst s0;
	s0 =	simm.s32 @!p1 $0x0  }
0x14: {  	s2 =	sld [smem:$0x3F9A];
	s0 =	simm.s32 @p1 $0x1  }
0x15: {  	[smem:$0x3FB7] =	sst s0;
	s0 =	simm.s32 @!p2 $0x0  }
0x16: {  	s3 =	sld [smem:$0x3FDB];
	s0 =	simm.s32 @p2 $0x1  }
0x17: {  	s4 =	simm.s32 $0x1BF5;
	[smem:$0x3FB9] =	sst s0  }
0x18: {  	s0 =	sld [smem:$0x3F9C];
	_ =	swait.ge [sflag:s4], $0x0  }
0x19: {  	s7 =	sld [smem:$0x3F9D]  }
0x1a: {  	s8 =	sadd.s32 $0xFFFFE003, lr  }
0x1b: {  	s9 =	sadd.s32 $0xFFFFFEF7, lr;
	s5 =	simm.s32 $0xFFFFFFFF;
	p2 =	slt.u32 s8, $0xFFFFF086  }
0x1c: {  	p1 =	slt.u32 s9, $0xF7A;
	s5 =	simm.s32 @!p2 $0x0  }
0x1d: {  	s5 =	simm.s32 @p1 $0x1;
	p0 =	seq.s32 s7, s2  }
0x1e: {  	s7 =	smul.u32 @!p0 $0xF7A, s2;
	p2 =	seq.s32 @!p0 s5, $0x0  }
0x1f: {  	s9 =	smul.u32 $0xF7A, s1;
	s8 =	simm.s32 @!p0 $0x1BF5;
	p2 =	por !p2, p0  }
0x20: {  	[sflag:s8] =	ssyncset.s32 @!p0 $0xFFFFF086;
	s6 =	sadd.s32 @!p0 s3, s7;
	s7 =	simm.s32 @!p0 $0x108  }
0x21: {  	s3 =	sadd.s32 s3, s9;
	s6 =	sadd.s32 @!p0 $0x88, s6;
	s7 =	simm.s32 @p2 $0x1082  }
0x22: {  	[simem:s7], [sflag:s8] =	dma.local @!p0 [hbm:s6], $0xF7A  }
0x23: {  	s9 =	sor.u32 $0xD0000000, s2;
	s6 =	simm.s32 $0x108;
	_ =	swait.ge @!p0 [sflag:s8], $0x0  }
0x24: {  	s3 =	sadd.s32 $0x88, s3;
	s6 =	simm.s32 @!p1 $0x1082;
	[sflag:s4] =	ssyncset.s32 $0xFFFFF086  }
0x25: {  	[simem:s6], [sflag:s4] =	dma.local [hbm:s3], $0xF7A  }
0x26: {  	[smem:$0x3F9D] =	sst s1;
	(tag) =	ssettag s2;
	_ =	strace s9  }
0x27: {  	s1 =	sld [smem:$0x3FAD]  }
0x28: {  	s2 =	sld [smem:$0x3FAE]  }
0x29: {  	s4 =	sld [smem:$0x3FB0]  }
0x2a: {  	p0 =	seq.s32 s5, $0x0;
	s5 =	sld [smem:$0x3FB1]  }
0x2b: {  	s6 =	sld [smem:$0x3FB2]  }
0x2c: {  	s7 =	sld [smem:$0x3FB3]  }
0x2d: {  	s3 =	simm.s32 $0x108;
	s8 =	sld [smem:$0x3FB4]  }
0x2e: {  	s3 =	simm.s32 @!p0 $0x1082;
	s9 =	sld [smem:$0x3FB5]  }
0x2f: {  	lr =	sadd.s32 s0, s3;
	s0 =	sld [smem:$0x3FAC]  }
0x30: {  	s3 =	sld [smem:$0x3FAF]  }
0x31: {  	[smem:$0x3FB8] =	sst s10  }
0x32: {  	s10 =	sld [smem:$0x3FB6];
	_ =	sdelay $0x3  }
0x33: {  	p0 =	seq.s32 s10, $0x1;
	s10 =	sld [smem:$0x3FB8];
	_ =	sdelay $0x3  }
0x34: {  	[smem:$0x3FB8] =	sst s10  }
0x35: {  	s10 =	sld [smem:$0x3FB7];
	_ =	sdelay $0x3  }
0x36: {  	p1 =	seq.s32 s10, $0x1;
	s10 =	sld [smem:$0x3FB8];
	_ =	sdelay $0x3  }
0x37: {  	[smem:$0x3FB8] =	sst s10  }
0x38: {  	s10 =	sld [smem:$0x3FB9]  }
0x39: {  	_ = 	snop;
	(pc) =	sbr.ind lr, $3  }
0x3a: {  	_ = 	snop  }
0x3b: {  	_ = 	snop  }
0x3c: {  	p2 =	seq.s32 s10, $0x1;
	s10 =	sld [smem:$0x3FB8]  }
0x3d: {  	_ =	shalt  }
0x3e: {  	_ =	shalt  }
0x3f: {  	_ =	shalt  }
0x40: {  	_ =	shalt  }
0x41: {  	_ =	shalt  }
0x42: {  	_ =	shalt  }
0x43: {  	_ =	shalt  }
0x44: {  	_ =	shalt  }
0x45: {  	_ =	shalt  }
0x46: {  	_ =	shalt  }
0x47: {  	_ =	shalt  }
0x48: {  	_ =	shalt  }
0x49: {  	_ =	shalt  }
0x4a: {  	_ =	shalt  }
0x4b: {  	_ =	shalt  }
0x4c: {  	_ =	shalt  }
0x4d: {  	_ =	shalt  }
0x4e: {  	_ =	shalt  }
0x4f: {  	_ =	shalt  }
0x50: {  	_ =	shalt  }
0x51: {  	_ =	shalt  }
0x52: {  	_ =	shalt  }
0x53: {  	_ =	shalt  }
0x54: {  	_ =	shalt  }
0x55: {  	_ =	shalt  }
0x56: {  	_ =	shalt  }
0x57: {  	_ =	shalt  }
0x58: {  	_ =	shalt  }
0x59: {  	_ =	shalt  }
0x5a: {  	_ =	shalt  }
0x5b: {  	_ =	shalt  }
0x5c: {  	_ =	shalt  }
0x5d: {  	_ =	shalt  }
0x5e: {  	_ =	shalt  }
0x5f: {  	_ =	shalt  }
0x60: {  	_ =	shalt  }
0x61: {  	_ =	shalt  }
0x62: {  	_ =	shalt  }
0x63: {  	_ =	shalt  }
0x64: {  	_ =	shalt  }
0x65: {  	_ =	shalt  }
0x66: {  	_ =	shalt  }
0x67: {  	_ =	shalt  }
0x68: {  	_ =	shalt  }
0x69: {  	_ =	shalt  }
0x6a: {  	_ =	shalt  }
0x6b: {  	_ =	shalt  }
0x6c: {  	_ =	shalt  }
0x6d: {  	_ =	shalt  }
0x6e: {  	_ =	shalt  }
0x6f: {  	_ =	shalt  }
0x70: {  	_ =	shalt  }
0x71: {  	_ =	shalt  }
0x72: {  	_ =	shalt  }
0x73: {  	_ =	shalt  }
0x74: {  	_ =	shalt  }
0x75: {  	_ =	shalt  }
0x76: {  	_ =	shalt  }
0x77: {  	_ =	shalt  }
0x78: {  	_ =	shalt  }
0x79: {  	_ =	shalt  }
0x7a: {  	_ =	shalt  }
0x7b: {  	_ =	shalt  }
0x7c: {  	_ =	shalt  }
0x7d: {  	_ =	shalt  }
0x7e: {  	_ =	shalt  }
0x7f: {  	_ =	shalt  }
0x80: {  	_ =	shalt  }
0x81: {  	_ =	shalt  }
0x82: {  	_ =	shalt  }
0x83: {  	_ =	shalt  }
0x84: {  	_ =	shalt  }
0x85: {  	_ =	shalt  }
0x86: {  	_ =	shalt  }
0x87: {  	_ =	shalt  }
.Lfunc_end0:
.L_simem_size_0:
called_computation_lowered:
.L_overlay_start_0:
0x88: {  	s2 =	sld [smem:$0x3FD9]  }
0x89: {  	s3 =	sld [smem:$0x3FFE];
	_ =	sdelay $0x1  }
0x8a: {  	s1 =	srdreg.scid  }
0x8b: {  	s0 =	sand.u32 $0x1, s1  }
0x8c: {  	s17 =	sshll.u32 s0, $0xA;
	s2 =	sadd.s32 s3, s2  }
0x8d: {  	s2 =	sadd.s32 s2, s17  }
0x8e: {  	[smem:$0x3FC4] =	sst s2  }
0x8f: {  	_ = 	snop  }
0x90: {  	s2 =	sld [smem:$0x3FC9]  }
0x91: {  	s18 =	sld [smem:$0x3FC8];
	(tm) =	ssettm $0x1  }
0x92: {  	s4 =	sld [smem:$0x3FFB];
	_ =	sdelay $0x3  }
0x93: {  	_ =	strace s4  }
0x94: {  	s4 =	sld [smem:$0x3FFC];
	_ =	sdelay $0x3  }
0x95: {  	_ =	strace s4  }
0x96: {  	s4 =	sld [smem:$0x3FFD];
	_ =	sdelay $0x3  }
0x97: {  	_ =	strace s4  }
0x98: {  	_ =	strace $0x8FFFFFFF  }
0x99: {  	s19 =	sld [smem:$0x3FDB];
	_ =	sdelay $0x1  }
0x9a: {  	s5 =	simm.s32 $_scs_section_size  }
0x9b: {  	s6 =	simm.s32 $_size__tile_overlayer_lowered;
	s7 =	simm.s32 $_tile_overlayer_lowered  }
0x9c: {  	s22 =	simm.s32 $0x1BFF;
	s21 =	sshll.u32 s7, $0x1;
	s4 =	sadd.s32 s5, s19  }
0x9d: {  	s8 =	simm.s32 $0x0;
	s20 =	sshll.u32 s6, $0x1;
	s6 =	sadd.s32 s21, s4  }
0x9e: {  	[timem:s8], [sflag:s22] =	dma.local [hbm:s6], s20  }
0x9f: {  	_ =	swait.ge [sflag:s22], s20  }
0xa0: {  	s5 =	ssub.s32 $0x0, s20;
	[sflag:s22] =	ssyncset.done $0x0  }
0xa1: {  	[sflag:s22] =	ssyncadd.s32 s5;
	_ =	sdelay $0x1  }
0xa2: {  	s23 =	simm.s32 $0x1B8B  }
0xa3: {  	_ =	swait.ge [sflag:s23], $0x1  }
0xa4: {  	[sflag:s23] =	ssyncset.done $0x0  }
0xa5: {  	s25 =	simm.s32 $0x1B8E;
	s24 =	sld [smem:$0x3FFE];
	[sflag:s23] =	ssyncadd.s32 $0xFFFFFFFF  }
0xa6: {  	s26 =	simm.s32 $execute0_lowered;
	[smem:$0x3FD2] =	sst s25  }
0xa7: {  	s6 =	sshll.u32 s26, $0x1;
	_ =	strace $0x80000046;
	[dreg:$0x1] =	wrdreg $0xFFFFFFFF  }
0xa8: {  	s28 =	simm.s32 $_size_execute0_lowered;
	s4 =	sadd.s32 s4, s6;
	[dreg:$0x0] =	wrdreg $0x0  }
0xa9: {  	s6 =	sshll.u32 s28, $0x1;
	[dreg:$0x2] =	wrdreg s4  }
0xaa: {  	[dreg:$0x3] =	wrdreg s6  }
0xab: {  	[dreg:$0x4] =	wrdreg $0xC0  }
0xac: {  	_ =	task [dreg:s8], $0x5FFFF  }
0xad: {  	[dreg:$0x1] =	wrdreg $0xFFFFFFFF  }
0xae: {  	[dreg:$0x0] =	wrdreg $0x60  }
0xaf: {  	[dreg:$0x2] =	wrdreg s2  }
0xb0: {  	[dreg:$0x3] =	wrdreg s24  }
0xb1: {  	[dreg:$0x4] =	wrdreg s18  }
0xb2: {  	[dreg:$0x5] =	wrdreg $0x9  }
0xb3: {  	_ =	task.clear_ibuf [dreg:s8], $0x6FFFF;
	_ =	strace $0x90000046  }
0xb4: {  	s29 =	simm.s32 $0x9;
	_ =	strace $0x80000048  }
0xb5: {  	_ =	swait.ge [sflag:s29], $0x1  }
0xb6: {  	[sflag:s29] =	ssyncadd.s32 $0xFFFFFFFF  }
0xb7: {  	_ =	strace $0x90000048  }
0xb8: {  	_ =	sfence  }
0xb9: {  	s30 =	sld [smem:$0x0];
	_ =	sdelay $0x2  }
0xba: {  	s31 =	sshll.u32 s1, $0xD;
	s1 =	sshrl.u32 s1, $0x2  }
0xbb: {  	s3 =	sand.u32 $0x4000, s31;
	s1 =	sadd.s32 s1, s30  }
0xbc: {  	s0 =	sor.u32 s3, s0;
	s1 =	sshll.u32 s1, $0x11  }
0xbd: {  	s0 =	sor.u32 s1, s0  }
0xbe: {  	s0 =	sadd.s32 $0x8F2B, s0  }
0xbf: {  	[sflag:s0] =	ssyncadd.remote.s32 $0x1  }
0xc0: {  	_ =	sfence.sel $0xFFFF  }
0xc1: {  	[dreg:$0x0] =	wrdreg $0xFFFFFFFF;
	(pc) =	sbr.abs _section_cstart, $3  }
0xc2: {  	[dreg:$0x1] =	wrdreg $0xFFFFFFFF  }
0xc3: {  	_ =	task.clear_ibuf [dreg:s8], $0x2FFFF;
	_ =	strace $0x9FFFFFFF  }
0xc4: {  	(tm) =	ssettm $0x7FFFFFFF  }
0xc5: {  	_ =	shalt  }
tec
execute0_lowered:
.L_overlay_start_1:
0x0: {  	(tag) =	ssettag $0x1  }
0x1: {  	s0 =	srdreg.scid  }
0x2: {  	s4 =	sand.u32 $0x1, s0;
	s0 =	stileid.u32  }
0x3: {  	s5 =	sshll.u32 s0, $0x1;
	s6 =	ssub.s32 $0x0, s4  }
0x4: {  	p0 =	sne.s32 s5, s6  }
.Ltmp0:
0x5: {  	_ = 	snop;
	(pc) =	sbr.rel @p0 .LBB2_3-.Ltmp0, $4  }
0x6: {  	s1 =	rddreg [dreg:$0x0]  }
0x7: {  	s7 =	rddreg [dreg:$0x1]  }
0x8: {  	s3 =	rddreg [dreg:$0x2]  }
0x9: {  	s2 =	rddreg [dreg:$0x3];
	_ =	strace $0x80000047  }
0xa: {  	s8 =	ssub.s32 $0x2, s4  }
0xb: {  	s4 =	sadd.s32 $0xA00, s7;
	s5 =	sadd.s32 $0xE00, s7;
	s6 =	sadd.s32 $0xC00, s7;
	v0 =	vlaneseq.u32  }
0xc: {  	s7 =	sadd.s32 $0x1000, s7;
	s10 =	simm.s32 $0x2;
	s11 =	simm.s32 $0x80;
	v1 =	vand.u32 $0x7, v0;
	v0 =	vshrl.u32 v0, $0x3  }
0xd: {  	s12 =	simm.s32 $0x1;
	s13 =	simm.s32 $0x880;
	s9 =	sshrl.u32 s8, $0x1;
	v0 =	vmul.u32 $0x8, v0  }
0xe: {  	s14 =	simm.s32 $0x980;
	s15 =	simm.s32 $0xA80;
	s8 =	ssub.s32 s8, s9;
	[tilespmem:$0x1FFE0] =	vst v1  }
0xf: {  	vm0 =	vmmov $0xffff;
	s16 =	simm.s32 $0xB80;
	s9 =	simm.s32 $0x0;
	s8 =	smax.u32 s8, $0x1;
	[tilespmem:$0x1FFF0] =	vst v0  }
.LBB2_2:
0x10: {  	[tilespmem:s9], [sflag:$0x2] =	stream.linear.gather [hbm4b:s4+s9], $0x80, $0x38;
	[tilespmem:$0x1380] =	vst v63  }
0x11: {  	_ =	swait.ge [sflag:s10], $0x80  }
0x12: {  	[sflag:s10] =	ssyncset.done $0x0  }
0x13: {  	[sflag:s10] =	ssyncadd.s32 $0xFFFFFF80  }
0x14: {  	v0 =	vld.msk [tilespmem:$0x0], $0xff;
	_ =	sdelay $0x2  }
0x15: {  	v58 =	vld [tilespmem:$0x1FFE0];
	_ =	sdelay $0x1  }
0x16: {  	v59 =	vld [tilespmem:$0x1FFF0];
	v1 =	vshll.u32 v0, $0x1  }
0x17: {  	v0 =	vand.u32 $0x7, v0;
	v1 =	vand.u32 $0xFFFFFFF0, v1  }
0x18: {  	v0 =	vor.u32 v0, v1  }
0x19: {  	v0 =	vperm.xlane v0, v58;
	_ =	sdelay $0x1  }
0x1a: {  	v0 =	vadd.s32 v59, v0;
	_ =	sdelay $0x4  }
0x1b: {  	[tilespmem:s11], [sflag:$0x1] =	stream.indirect_vreg.gather [hbm4b:s1+s9], $0x80, v0, vm0, $0xb8;
	[tilespmem:$0x1380] =	vst v63  }
0x1c: {  	_ =	swait.ge [sflag:s12], $0x800  }
0x1d: {  	[sflag:s12] =	ssyncset.done $0x0  }
0x1e: {  	[sflag:s12] =	ssyncadd.s32 $0xFFFFF800  }
0x1f: {  	[tilespmem:s13], [sflag:$0x2] =	stream.linear.gather [hbm4b:s3+s9], $0x100, $0x38;
	[tilespmem:$0x1380] =	vst v63  }
0x20: {  	_ =	swait.ge [sflag:s10], $0x100  }
0x21: {  	[sflag:s10] =	ssyncset.done $0x0  }
0x22: {  	[sflag:s10] =	ssyncadd.s32 $0xFFFFFF00  }
0x23: {  	[tilespmem:s14], [sflag:$0x2] =	stream.linear.gather [hbm4b:s5+s9], $0x100, $0x38;
	[tilespmem:$0x1380] =	vst v63  }
0x24: {  	_ =	swait.ge [sflag:s10], $0x100  }
0x25: {  	[sflag:s10] =	ssyncset.done $0x0  }
0x26: {  	[sflag:s10] =	ssyncadd.s32 $0xFFFFFF00  }
0x27: {  	[tilespmem:s15], [sflag:$0x2] =	stream.linear.gather [hbm4b:s6+s9], $0x100, $0x38;
	[tilespmem:$0x1380] =	vst v63  }
0x28: {  	_ =	swait.ge [sflag:s10], $0x100  }
0x29: {  	[sflag:s10] =	ssyncset.done $0x0  }
0x2a: {  	[sflag:s10] =	ssyncadd.s32 $0xFFFFFF00  }
0x2b: {  	v0 =	vld [tilespmem:$0x880]  }
0x2c: {  	v60 =	vld [tilespmem:$0x980]  }
0x2d: {  	v3 =	vld [tilespmem:$0x890]  }
0x2e: {  	v4 =	vld [tilespmem:$0x990]  }
0x2f: {  	v5 =	vld [tilespmem:$0x8A0]  }
0x30: {  	v6 =	vld [tilespmem:$0x9A0]  }
0x31: {  	v7 =	vld [tilespmem:$0x8B0]  }
0x32: {  	v8 =	vld [tilespmem:$0x9B0]  }
0x33: {  	v9 =	vld [tilespmem:$0x8C0]  }
0x34: {  	v10 =	vld [tilespmem:$0x9C0]  }
0x35: {  	v11 =	vld [tilespmem:$0x8D0]  }
0x36: {  	v12 =	vld [tilespmem:$0x9D0]  }
0x37: {  	v13 =	vld [tilespmem:$0x8E0]  }
0x38: {  	v14 =	vld [tilespmem:$0x9E0]  }
0x39: {  	v15 =	vld [tilespmem:$0x8F0]  }
0x3a: {  	v16 =	vld [tilespmem:$0x9F0]  }
0x3b: {  	v17 =	vld [tilespmem:$0x900]  }
0x3c: {  	v18 =	vld [tilespmem:$0xA00]  }
0x3d: {  	v19 =	vld [tilespmem:$0x910]  }
0x3e: {  	v20 =	vld [tilespmem:$0xA10]  }
0x3f: {  	v21 =	vld [tilespmem:$0x920]  }
0x40: {  	v22 =	vld [tilespmem:$0xA20]  }
0x41: {  	v23 =	vld [tilespmem:$0x930]  }
0x42: {  	v24 =	vld [tilespmem:$0xA30]  }
0x43: {  	v25 =	vld [tilespmem:$0x940]  }
0x44: {  	v26 =	vld [tilespmem:$0xA40]  }
0x45: {  	v27 =	vld [tilespmem:$0x950]  }
0x46: {  	v28 =	vld [tilespmem:$0xA50]  }
0x47: {  	v29 =	vld [tilespmem:$0x960]  }
0x48: {  	v30 =	vld [tilespmem:$0xA60]  }
0x49: {  	v31 =	vld [tilespmem:$0x970]  }
0x4a: {  	v32 =	vld [tilespmem:$0xA70]  }
0x4b: {  	v2 =	vld [tilespmem:$0x80]  }
0x4c: {  	v33 =	vld [tilespmem:$0xA80]  }
0x4d: {  	v34 =	vld [tilespmem:$0x90]  }
0x4e: {  	v35 =	vld [tilespmem:$0xA90]  }
0x4f: {  	v36 =	vld [tilespmem:$0xA0]  }
0x50: {  	v37 =	vld [tilespmem:$0xAA0]  }
0x51: {  	v38 =	vld [tilespmem:$0xB0]  }
0x52: {  	v39 =	vld [tilespmem:$0xAB0]  }
0x53: {  	v40 =	vld [tilespmem:$0xC0]  }
0x54: {  	v41 =	vld [tilespmem:$0xAC0]  }
0x55: {  	v42 =	vld [tilespmem:$0xD0]  }
0x56: {  	v43 =	vld [tilespmem:$0xAD0]  }
0x57: {  	v44 =	vld [tilespmem:$0xE0]  }
0x58: {  	v45 =	vld [tilespmem:$0xAE0]  }
0x59: {  	v46 =	vld [tilespmem:$0xF0]  }
0x5a: {  	v47 =	vld [tilespmem:$0xAF0]  }
0x5b: {  	v48 =	vld [tilespmem:$0x480]  }
0x5c: {  	v49 =	vld [tilespmem:$0xB00]  }
0x5d: {  	v50 =	vld [tilespmem:$0x490]  }
0x5e: {  	v51 =	vld [tilespmem:$0xB10]  }
0x5f: {  	v52 =	vld [tilespmem:$0x4A0]  }
0x60: {  	v54 =	vld [tilespmem:$0xB40]  }
0x61: {  	v61 =	vmul.f32 v6, v5;
	v6 =	vld [tilespmem:$0xB20]  }
0x62: {  	v62 =	vmul.f32 v33, v2;
	v33 =	vld [tilespmem:$0x4B0]  }
0x63: {  	v63 =	vmul.f32 v8, v7;
	v7 =	vld [tilespmem:$0xB30]  }
0x64: {  	v8 =	vld [tilespmem:$0x4C0]  }
0x65: {  	v53 =	vmul.f32 v10, v9;
	v10 =	vld [tilespmem:$0x4D0]  }
0x66: {  	v56 =	vmul.f32 v12, v11;
	v11 =	vld [tilespmem:$0xB50]  }
0x67: {  	v12 =	vld [tilespmem:$0x4E0]  }
0x68: {  	v58 =	vmul.f32 v14, v13;
	v13 =	vld [tilespmem:$0xB60]  }
0x69: {  	v14 =	vld [tilespmem:$0x4F0]  }
0x6a: {  	v1 =	vmul.f32 v60, v0;
	v15 =	vmul.f32 v16, v15;
	v16 =	vld [tilespmem:$0xB70]  }
0x6b: {  	v55 =	vmul.f32 v37, v36;
	v37 =	vld [tilespmem:$0x110]  }
0x6c: {  	v3 =	vmul.f32 v4, v3;
	v57 =	vmul.f32 v39, v38;
	v39 =	vld [tilespmem:$0xA90];
	v1 =	vadd.f32 $0.0e+00, v1  }
0x6d: {  	v35 =	vmul.f32 v35, v34;
	v59 =	vmul.f32 v41, v40;
	v41 =	vld [tilespmem:$0x120];
	v4 =	vadd.f32 $0.0e+00, v62  }
0x6e: {  	v60 =	vmul.f32 v43, v42;
	v43 =	vld [tilespmem:$0xAA0];
	v1 =	vadd.f32 v3, v1  }
0x6f: {  	v34 =	vmul.f32 v47, v46;
	v46 =	vld [tilespmem:$0xAB0];
	v4 =	vadd.f32 v35, v4  }
0x70: {  	v47 =	vld [tilespmem:$0x140];
	v1 =	vadd.f32 v61, v1  }
0x71: {  	v38 =	vmul.f32 v49, v48;
	v48 =	vld [tilespmem:$0xAC0];
	v4 =	vadd.f32 v55, v4  }
0x72: {  	v42 =	vmul.f32 v51, v50;
	v51 =	vld [tilespmem:$0x150];
	v1 =	vadd.f32 v63, v1  }
0x73: {  	v40 =	vmul.f32 v24, v23;
	v23 =	vld [tilespmem:$0xB00];
	v4 =	vadd.f32 v57, v4  }
0x74: {  	v24 =	vld [tilespmem:$0x510];
	v1 =	vadd.f32 v53, v1  }
0x75: {  	v49 =	vmul.f32 v28, v27;
	v27 =	vld [tilespmem:$0x520];
	v5 =	vadd.f32 v59, v4  }
0x76: {  	v19 =	vmul.f32 v20, v19;
	v28 =	vld [tilespmem:$0xB20];
	v1 =	vadd.f32 v56, v1  }
0x77: {  	v20 =	vmul.f32 v32, v31;
	v31 =	vld [tilespmem:$0xB30];
	v63 =	vmul.f32 v45, v44;
	v62 =	vadd.f32 v60, v5  }
0x78: {  	v32 =	vld [tilespmem:$0x540];
	v1 =	vadd.f32 v58, v1  }
0x79: {  	v3 =	vld [tilespmem:$0x90];
	v61 =	vmul.f32 v18, v17;
	v17 =	vadd.f32 v63, v62  }
0x7a: {  	v35 =	vld [tilespmem:$0xA80];
	v1 =	vadd.f32 v15, v1  }
0x7b: {  	v7 =	vmul.f32 v7, v33;
	v33 =	vld [tilespmem:$0xB40];
	v17 =	vadd.f32 v34, v17  }
0x7c: {  	v15 =	vadd.f32 v61, v1;
	v1 =	vld [tilespmem:$0x100]  }
0x7d: {  	v36 =	vmul.f32 v22, v21;
	v21 =	vmul.f32 v39, v37;
	v37 =	vld [tilespmem:$0x560];
	v17 =	vadd.f32 v38, v17  }
0x7e: {  	v50 =	vmul.f32 v43, v41;
	v41 =	vld [tilespmem:$0x570];
	v15 =	vadd.f32 v19, v15  }
0x7f: {  	v6 =	vmul.f32 v6, v52;
	v22 =	vmul.f32 v16, v14;
	v14 =	vld [tilespmem:$0x900];
	v17 =	vadd.f32 v42, v17  }
0x80: {  	v16 =	vld [tilespmem:$0x910];
	v15 =	vadd.f32 v36, v15  }
0x81: {  	v45 =	vld [tilespmem:$0x130];
	v6 =	vadd.f32 v6, v17;
	v44 =	vmul.f32 v35, v1  }
0x82: {  	v25 =	vmul.f32 v26, v25;
	v57 =	vmul.f32 v30, v29;
	v30 =	vld [tilespmem:$0x530];
	v15 =	vadd.f32 v40, v15  }
0x83: {  	v52 =	vmul.f32 v54, v8;
	v4 =	vld [tilespmem:$0x890];
	v6 =	vadd.f32 v7, v6;
	v19 =	vadd.f32 $0.0e+00, v44  }
0x84: {  	v53 =	vld [tilespmem:$0xAD0];
	v15 =	vadd.f32 v25, v15  }
0x85: {  	v59 =	vld [tilespmem:$0xAE0];
	v58 =	vmul.f32 v11, v10;
	v6 =	vadd.f32 v52, v6;
	v19 =	vadd.f32 v21, v19  }
0x86: {  	v5 =	vld [tilespmem:$0xA0];
	v18 =	vmul.f32 v46, v45;
	v54 =	vadd.f32 v49, v15  }
0x87: {  	v56 =	vld [tilespmem:$0x160];
	v63 =	vmul.f32 v13, v12;
	v6 =	vadd.f32 v58, v6;
	v55 =	vadd.f32 v50, v19  }
0x88: {  	v45 =	vld [tilespmem:$0xB0];
	v9 =	vadd.f32 v57, v54  }
0x89: {  	v62 =	vld [tilespmem:$0x170];
	v61 =	vmul.f32 v48, v47;
	v6 =	vadd.f32 v63, v6;
	v60 =	vadd.f32 v18, v55  }
0x8a: {  	v18 =	vld [tilespmem:$0xAF0];
	v9 =	vadd.f32 v20, v9  }
0x8b: {  	v12 =	vld [tilespmem:$0xC0];
	v8 =	vmul.f32 v53, v51;
	v6 =	vadd.f32 v22, v6;
	v11 =	vadd.f32 v61, v60  }
0x8c: {  	v21 =	vld [tilespmem:$0x500];
	(xrf2) =	vadd.scan.msk.f32 $0xffff, v9  }
0x8d: {  	v13 =	vld [tilespmem:$0x8C0];
	v10 =	vmul.f32 v59, v56;
	v8 =	vadd.f32 v8, v11;
	(xrf2) =	vadd.scan.msk.f32 $0xffff, v6  }
0x8e: {  	v25 =	vld [tilespmem:$0xB10]  }
0x8f: {  	v51 =	vld [tilespmem:$0xE0];
	v26 =	vmul.f32 v18, v62;
	v8 =	vadd.f32 v10, v8  }
0x90: {  	v53 =	vld [tilespmem:$0xF0]  }
0x91: {  	v34 =	vld [tilespmem:$0x550];
	v29 =	vmul.f32 v23, v21;
	v8 =	vadd.f32 v26, v8  }
0x92: {  	v38 =	vld [tilespmem:$0xB60]  }
0x93: {  	v59 =	vld [tilespmem:$0x900];
	v7 =	vmul.f32 v25, v24;
	v8 =	vadd.f32 v29, v8  }
0x94: {  	v36 =	vmul.f32 v31, v30;
	v30 =	vld [tilespmem:$0x4E0]  }
0x95: {  	v31 =	vld [tilespmem:$0x960];
	v6 =	vmul.f32 v28, v27;
	v7 =	vadd.f32 v7, v8  }
0x96: {  	v35 =	vld [tilespmem:$0xB50];
	v39, _, _ =	vpop (xrf2)  }
0x97: {  	v42 =	vimm.s32 $0xF;
	v17 =	vld [tilespmem:$0x520];
	v47 =	vmul.f32 v38, v37;
	v6 =	vadd.f32 v6, v7;
	v60, _, _ =	vpop (xrf2)  }
0x98: {  	v37 =	vld [tilespmem:$0x120];
	v43 =	vperm.xlane v39, v42;
	v11 =	vperm.xlane v60, v42  }
0x99: {  	v40 =	vmul.f32 v33, v32;
	v32 =	vld [tilespmem:$0x4F0];
	v6 =	vadd.f32 v36, v6  }
0x9a: {  	v61 =	vld [tilespmem:$0xB70];
	v46 =	vadd.f32 v11, v43  }
0x9b: {  	v33 =	vld [tilespmem:$0x970];
	v44 =	vmul.f32 v35, v34;
	v6 =	vadd.f32 v40, v6  }
0x9c: {  	v52 =	vld [tilespmem:$0x8E0];
	v10 =	vsub.f32 $0.0e+00, v46  }
0x9d: {  	v49 =	vld [tilespmem:$0xD0];
	v6 =	vadd.f32 v44, v6  }
0x9e: {  	v58 =	vld [tilespmem:$0x940];
	v10 =	vmul.f32 $1.442695020e+00, v10  }
0x9f: {  	v34 =	vld [tilespmem:$0x110];
	v48 =	vmul.f32 v61, v41;
	v6 =	vadd.f32 v47, v6  }
0xa0: {  	v35 =	vld [tilespmem:$0x890];
	(erf) = vpow2.f32 v10  }
0xa1: {  	v50 =	vld [tilespmem:$0x8D0];
	v6 =	vadd.f32 v48, v6  }
0xa2: {  	v63 =	vld [tilespmem:$0x8A0]  }
0xa3: {  	v54 =	vld [tilespmem:$0x8F0];
	(xrf2) =	vadd.scan.msk.f32 $0xffff, v6  }
0xa4: {  	v55 =	vld [tilespmem:$0x480]  }
0xa5: {  	v24 =	vld [tilespmem:$0x4B0]  }
0xa6: {  	v25 =	vld [tilespmem:$0x930]  }
0xa7: {  	v21 =	vld [tilespmem:$0x4A0]  }
0xa8: {  	v22 =	vld [tilespmem:$0x920]  }
0xa9: {  	v27 =	vld [tilespmem:$0x4C0];
	v56 =	vpop (erf)  }
0xaa: {  	v18 =	vld [tilespmem:$0x940];
	v23 =	vadd.f32 $1.000000000e+00, v56  }
0xab: {  	v61 =	vld [tilespmem:$0x910]  }
0xac: {  	v41 =	vld [tilespmem:$0x8B0];
	(erf) = vrcp.f32 v23  }
0xad: {  	v62 =	vimm.s32 $0xF;
	v29 =	vld [tilespmem:$0x950];
	v57, _, _ =	vpop (xrf2)  }
0xae: {  	v39 =	vld [tilespmem:$0x8A0];
	v26 =	vperm.xlane v57, v62  }
0xaf: {  	v60 =	vld [tilespmem:$0x490]  }
0xb0: {  	v42 =	vld [tilespmem:$0x140];
	v26 =	vadd.f32 v26, v43  }
0xb1: {  	v11 =	vld [tilespmem:$0x8B0]  }
0xb2: {  	v40 =	vld [tilespmem:$0x130];
	v26 =	vsub.f32 $0.0e+00, v26  }
0xb3: {  	v44 =	vld [tilespmem:$0x150]  }
0xb4: {  	v10 =	vld [tilespmem:$0x170];
	v26 =	vmul.f32 $1.442695020e+00, v26  }
0xb5: {  	v6 =	vld [tilespmem:$0xAD0];
	v36 =	vpop (erf)  }
0xb6: {  	v23 =	vld [tilespmem:$0x4D0];
	(erf) = vpow2.f32 v26;
	v0 =	vmul.f32 v36, v0  }
0xb7: {  	v57 =	vld [tilespmem:$0x500];
	v38 =	vsub.f32 $1.000000000e+00, v36;
	v4 =	vmul.f32 v36, v4;
	v62 =	vmul.f32 v36, v63  }
0xb8: {  	[tilespmem:$0x1F720] =	vst v43;
	v43 =	vld [tilespmem:$0x8C0];
	v11 =	vmul.f32 v11, v36;
	v47 =	vmul.f32 v13, v36  }
0xb9: {  	v26 =	vld [tilespmem:$0x880];
	v54 =	vmul.f32 v54, v36;
	v2 =	vmul.f32 v38, v2  }
0xba: {  	v13 =	vld [tilespmem:$0x160];
	v3 =	vmul.f32 v38, v3;
	v5 =	vmul.f32 v38, v5  }
0xbb: {  	v8 =	vmul.f32 v45, v38;
	v45 =	vld [tilespmem:$0x8D0];
	v9 =	vmul.f32 v49, v38  }
0xbc: {  	v49 =	vmul.f32 v50, v36;
	v7 =	vmul.f32 v51, v38;
	v48 =	vadd.f32 v5, v62;
	v5 =	vld [tilespmem:$0x8E0]  }
0xbd: {  	v51 =	vmul.f32 v52, v36;
	v0 =	vadd.f32 v2, v0;
	v50 =	vadd.f32 v11, v8;
	v11 =	vld [tilespmem:$0x8F0]  }
0xbe: {  	v53 =	vmul.f32 v53, v38;
	v3 =	vadd.f32 v3, v4;
	v2 =	vadd.f32 v49, v9;
	v9 =	vld [tilespmem:$0x530]  }
0xbf: {  	v56 =	vmul.f32 v59, v36;
	v12 =	vmul.f32 v12, v38;
	v59 =	vadd.f32 v51, v7;
	v7 =	vld [tilespmem:$0xAE0]  }
0xc0: {  	v62 =	vadd.f32 v54, v53;
	v4 =	vld [tilespmem:$0x8E0];
	[tilespmem:$0xB90] =	vst v3  }
0xc1: {  	v61 =	vmul.f32 v61, v36;
	v60 =	vmul.f32 v60, v38;
	v52 =	vadd.f32 v47, v12;
	[tilespmem:$0xBA0] =	vst v48;
	v48 =	vld [tilespmem:$0x920]  }
0xc2: {  	v20 =	vmul.f32 v22, v36;
	[tilespmem:$0xBF0] =	vst v62;
	v62 =	vmul.f32 v31, v36;
	v31 =	vld [tilespmem:$0x550]  }
0xc3: {  	v22 =	vmul.f32 v24, v38;
	v24 =	vmul.f32 v25, v36;
	v25 =	vadd.f32 v61, v60;
	[tilespmem:$0xBC0] =	vst v52;
	v52 =	vld [tilespmem:$0x970]  }
0xc4: {  	[tilespmem:$0xBE0] =	vst v59;
	v59 =	vmul.f32 v23, v38;
	v23 =	vld [tilespmem:$0xB00]  }
0xc5: {  	v3 =	vadd.f32 v24, v22;
	[tilespmem:$0xF90] =	vst v25;
	v24 =	vmul.f32 v32, v38;
	v25 =	vmul.f32 v33, v36;
	v22 =	vld [tilespmem:$0x920]  }
0xc6: {  	v61 =	vmul.f32 v30, v38;
	[tilespmem:$0xBD0] =	vst v2;
	v2 =	vld [tilespmem:$0xA80]  }
0xc7: {  	v28 =	vadd.f32 v25, v24;
	v24 =	vld [tilespmem:$0x560]  }
0xc8: {  	[tilespmem:$0xB80] =	vst v0;
	v0 =	vadd.f32 v62, v61;
	v62 =	vld [tilespmem:$0x180]  }
0xc9: {  	v25 =	vld [tilespmem:$0x580];
	v63 =	vpop (erf)  }
0xca: {  	[tilespmem:$0xFB0] =	vst v3;
	v3 =	vld [tilespmem:$0xA90];
	v15 =	vadd.f32 $1.000000000e+00, v63  }
0xcb: {  	v60 =	vmul.f32 v29, v36;
	v63 =	vmul.f32 v21, v38;
	[tilespmem:$0xFE0] =	vst v0;
	v0 =	vld [tilespmem:$0x2F0]  }
0xcc: {  	[tilespmem:$0x1F9A0] =	vst v4;
	v4 =	vld [tilespmem:$0x210];
	(erf) = vrcp.f32 v15  }
0xcd: {  	[tilespmem:$0x1FA60] =	vst v22;
	v22 =	vld [tilespmem:$0x240];
	v47 =	vadd.f32 v20, v63;
	v63 =	vadd.f32 v60, v59  }
0xce: {  	v55 =	vmul.f32 v55, v38;
	v15 =	vld [tilespmem:$0x510]  }
0xcf: {  	[tilespmem:$0xFD0] =	vst v63;
	v63 =	vld [tilespmem:$0x190]  }
0xd0: {  	v21 =	vadd.f32 v56, v55;
	[tilespmem:$0x1F810] =	vst v0;
	v0 =	vld [tilespmem:$0xAF0]  }
0xd1: {  	v20 =	vld [tilespmem:$0x930]  }
0xd2: {  	[tilespmem:$0xF80] =	vst v21;
	v21 =	vld [tilespmem:$0x540]  }
0xd3: {  	[tilespmem:$0xFA0] =	vst v47;
	v47 =	vld [tilespmem:$0x570]  }
0xd4: {  	v46 =	vmul.f32 v58, v36;
	v27 =	vmul.f32 v27, v38;
	[tilespmem:$0x1F700] =	vst v63;
	v63 =	vld [tilespmem:$0xB70]  }
0xd5: {  	[tilespmem:$0x1F820] =	vst v0;
	v0 =	vld [tilespmem:$0x680];
	v8 =	vpop (erf)  }
0xd6: {  	v58 =	vadd.f32 v46, v27;
	v27 =	vmul.f32 v8, v26;
	v30 =	vmul.f32 v8, v35;
	v35 =	vld [tilespmem:$0x950]  }
0xd7: {  	v19 =	vsub.f32 $1.000000000e+00, v8;
	v46 =	vmul.f32 v45, v8;
	v51 =	vmul.f32 v5, v8;
	v26 =	vld [tilespmem:$0xB10]  }
0xd8: {  	v61 =	vmul.f32 v16, v8;
	v16 =	vmul.f32 v20, v8;
	v45 =	vld [tilespmem:$0xB50]  }
0xd9: {  	v5 =	vmul.f32 v52, v8;
	v52 =	vld [tilespmem:$0x8A0];
	v33 =	vmul.f32 v19, v37  }
0xda: {  	v37 =	vmul.f32 v40, v19;
	v40 =	vmul.f32 v42, v19;
	v42 =	vld [tilespmem:$0x960]  }
0xdb: {  	v29 =	vmul.f32 v19, v34;
	v54 =	vmul.f32 v10, v19;
	v10 =	vld [tilespmem:$0xA80]  }
0xdc: {  	[tilespmem:$0xBB0] =	vst v50;
	v50 =	vmul.f32 v13, v19;
	v13 =	vmul.f32 v48, v8;
	v48 =	vld [tilespmem:$0x1A0]  }
0xdd: {  	v60 =	vmul.f32 v15, v19;
	v15 =	vmul.f32 v9, v19;
	v9 =	vld [tilespmem:$0xAC0]  }
0xde: {  	v20 =	vmul.f32 v21, v19;
	v21 =	vmul.f32 v18, v8;
	v18 =	vld [tilespmem:$0x910]  }
0xdf: {  	[tilespmem:$0xFF0] =	vst v28;
	v34 =	vmul.f32 v39, v8;
	v28 =	vmul.f32 v31, v19;
	v31 =	vld [tilespmem:$0x940]  }
0xe0: {  	v1 =	vmul.f32 v19, v1;
	[tilespmem:$0x1F890] =	vst v0;
	v0 =	vld [tilespmem:$0xB00]  }
0xe1: {  	v12 =	vmul.f32 v17, v19;
	v39 =	vadd.f32 v34, v33;
	v33 =	vadd.f32 v21, v20;
	v21 =	vld [tilespmem:$0xAB0]  }
0xe2: {  	v32 =	vadd.f32 v1, v27;
	v27 =	vadd.f32 v16, v15;
	v16 =	vld [tilespmem:$0x1C0]  }
0xe3: {  	v38 =	vmul.f32 v41, v8;
	v41 =	vmul.f32 v43, v8;
	v17 =	vadd.f32 v13, v12;
	v12 =	vld [tilespmem:$0x1D0]  }
0xe4: {  	v44 =	vmul.f32 v44, v19;
	v57 =	vmul.f32 v57, v19;
	v13 =	vld [tilespmem:$0x1E0]  }
0xe5: {  	v43 =	vadd.f32 v38, v37;
	v34 =	vmul.f32 v24, v19;
	v38 =	vmul.f32 v47, v19;
	v19 =	vld [tilespmem:$0x1F0]  }
0xe6: {  	v36 =	vadd.f32 v29, v30;
	v30 =	vld [tilespmem:$0xB20]  }
0xe7: {  	v55 =	vmul.f32 v11, v8;
	v56 =	vadd.f32 v51, v50;
	v50 =	vld [tilespmem:$0x5D0]  }
0xe8: {  	[tilespmem:$0xFC0] =	vst v58;
	v58 =	vmul.f32 v14, v8;
	v14 =	vadd.f32 v61, v60;
	v60 =	vld [tilespmem:$0x5E0]  }
0xe9: {  	v59 =	vadd.f32 v55, v54;
	v54 =	vld [tilespmem:$0xB60]  }
0xea: {  	v49 =	vadd.f32 v41, v40;
	v41 =	vld [tilespmem:$0x5F0]  }
0xeb: {  	v53 =	vadd.f32 v46, v44;
	v44 =	vld [tilespmem:$0x880]  }
0xec: {  	v46 =	vld [tilespmem:$0x190]  }
0xed: {  	v47 =	vld [tilespmem:$0x890]  }
0xee: {  	v51 =	vld [tilespmem:$0x1A0]  }
0xef: {  	v55 =	vld [tilespmem:$0x8B0]  }
0xf0: {  	v11 =	vadd.f32 v58, v57;
	v57 =	vld [tilespmem:$0x8C0]  }
0xf1: {  	v58 =	vld [tilespmem:$0x1D0]  }
0xf2: {  	v61 =	vld [tilespmem:$0x1E0]  }
0xf3: {  	v15 =	vld [tilespmem:$0x590]  }
0xf4: {  	v20 =	vld [tilespmem:$0x5A0]  }
0xf5: {  	v24 =	vld [tilespmem:$0x5B0]  }
0xf6: {  	v1 =	vld [tilespmem:$0x200]  }
0xf7: {  	[tilespmem:$0x1F860] =	vst v52;
	v52 =	vld [tilespmem:$0xB20]  }
0xf8: {  	[tilespmem:$0xC40] =	vst v49;
	v49 =	vld [tilespmem:$0xA90]  }
0xf9: {  	[tilespmem:$0xC10] =	vst v36;
	v36 =	vld [tilespmem:$0xAA0]  }
0xfa: {  	[tilespmem:$0xC00] =	vst v32;
	v32 =	vld [tilespmem:$0x1B0]  }
0xfb: {  	[tilespmem:$0x1020] =	vst v17;
	v17 =	vld [tilespmem:$0xAF0]  }
0xfc: {  	[tilespmem:$0xC30] =	vst v43;
	v43 =	vld [tilespmem:$0x5C0]  }
0xfd: {  	[tilespmem:$0xC50] =	vst v53;
	v53 =	vld [tilespmem:$0x1B0]  }
0xfe: {  	[tilespmem:$0xC60] =	vst v56;
	v56 =	vld [tilespmem:$0x1C0]  }
0xff: {  	[tilespmem:$0xC70] =	vst v59;
	v59 =	vld [tilespmem:$0x8D0]  }
0x100: {  	v40 =	vadd.f32 v5, v38;
	v5 =	vld [tilespmem:$0x1F0]  }
0x101: {  	[tilespmem:$0x1000] =	vst v11;
	v11 =	vld [tilespmem:$0x580]  }
0x102: {  	[tilespmem:$0x1010] =	vst v14;
	v14 =	vld [tilespmem:$0x900]  }
0x103: {  	[tilespmem:$0x1030] =	vst v27;
	v27 =	vld [tilespmem:$0x930]  }
0x104: {  	v29 =	vmul.f32 v35, v8;
	[tilespmem:$0x1040] =	vst v33;
	v33 =	vld [tilespmem:$0x5D0]  }
0x105: {  	v38 =	vld [tilespmem:$0x5E0]  }
0x106: {  	v37 =	vadd.f32 v29, v28;
	v29 =	vld [tilespmem:$0x590]  }
0x107: {  	v35 =	vmul.f32 v42, v8;
	v42 =	vld [tilespmem:$0xB40]  }
0x108: {  	v8 =	vld [tilespmem:$0x8F0]  }
0x109: {  	v28 =	vld [tilespmem:$0x5C0]  }
0x10a: {  	[tilespmem:$0x1FA40] =	vst v18;
	v18 =	vld [tilespmem:$0xAC0]  }
0x10b: {  	[tilespmem:$0x1FAA0] =	vst v31;
	v31 =	vld [tilespmem:$0xB60]  }
0x10c: {  	[tilespmem:$0x1070] =	vst v40;
	v40 =	vld [tilespmem:$0x5B0]  }
0x10d: {  	[tilespmem:$0x1F8A0] =	vst v0;
	v0 =	vld [tilespmem:$0x690]  }
0x10e: {  	[tilespmem:$0xC20] =	vst v39;
	v39 =	vadd.f32 v35, v34;
	v34 =	vld [tilespmem:$0x5A0]  }
0x10f: {  	[tilespmem:$0x1050] =	vst v37;
	v37 =	vld [tilespmem:$0xB30]  }
0x110: {  	v35 =	vld [tilespmem:$0x950]  }
0x111: {  	[tilespmem:$0x1F710] =	vst v41;
	v41 =	vld [tilespmem:$0x5F0]  }
0x112: {  	[tilespmem:$0x1F800] =	vst v44;
	v44 =	vld [tilespmem:$0x970]  }
0x113: {  	[tilespmem:$0x1F850] =	vst v51;
	v51 =	vld [tilespmem:$0x270]  }
0x114: {  	[tilespmem:$0x1F900] =	vst v57;
	v57 =	vld [tilespmem:$0x600]  }
0x115: {  	[tilespmem:$0x1F830] =	vst v46;
	v46 =	vld [tilespmem:$0x610]  }
0x116: {  	[tilespmem:$0x1F990] =	vst v61;
	v61 =	vld [tilespmem:$0xB10]  }
0x117: {  	[tilespmem:$0x1F840] =	vst v47;
	v47 =	vld [tilespmem:$0x620]  }
0x118: {  	[tilespmem:$0x1F880] =	vst v55;
	v55 =	vld [tilespmem:$0x630]  }
0x119: {  	[tilespmem:$0x1F970] =	vst v58;
	v58 =	vld [tilespmem:$0x640]  }
0x11a: {  	[tilespmem:$0x1FA30] =	vst v15;
	v15 =	vld [tilespmem:$0x650]  }
0x11b: {  	[tilespmem:$0x1FA50] =	vst v20;
	v20 =	vld [tilespmem:$0xB50]  }
0x11c: {  	[tilespmem:$0x1FA70] =	vst v24;
	v24 =	vld [tilespmem:$0x660]  }
0x11d: {  	[tilespmem:$0x1F8B0] =	vst v0;
	v0 =	vld [tilespmem:$0xB10]  }
0x11e: {  	v6 =	vmul.f32 v6, v12;
	v12 =	vmul.f32 v7, v13;
	v13 =	vld [tilespmem:$0x2E0]  }
0x11f: {  	v9 =	vmul.f32 v9, v16;
	v16 =	vld [tilespmem:$0x8E0];
	[tilespmem:$0x1F750] =	vst v52  }
0x120: {  	v52 =	vld [tilespmem:$0x220];
	[tilespmem:$0x1060] =	vst v39  }
0x121: {  	[tilespmem:$0x1F870] =	vst v53;
	v39 =	vld [tilespmem:$0x960]  }
0x122: {  	[tilespmem:$0x1F8C0] =	vst v0;
	v0 =	vld [tilespmem:$0x6A0]  }
0x123: {  	[tilespmem:$0x1F9D0] =	vst v5;
	v5 =	vld [tilespmem:$0xAA0]  }
0x124: {  	[tilespmem:$0x1FA20] =	vst v14;
	v14 =	vld [tilespmem:$0x230]  }
0x125: {  	[tilespmem:$0x1FA10] =	vst v11;
	v11 =	vld [tilespmem:$0xAB0]  }
0x126: {  	[tilespmem:$0x1FA80] =	vst v27;
	v27 =	vld [tilespmem:$0xAD0]  }
0x127: {  	[tilespmem:$0x1F8D0] =	vst v0;
	v0 =	vld [tilespmem:$0xB20]  }
0x128: {  	[tilespmem:$0x1FAB0] =	vst v33;
	v33 =	vld [tilespmem:$0xAE0]  }
0x129: {  	[tilespmem:$0x1F8F0] =	vst v56;
	v53 =	vld [tilespmem:$0xB00]  }
0x12a: {  	[tilespmem:$0x1F980] =	vst v59;
	v56 =	vld [tilespmem:$0xB30]  }
0x12b: {  	[tilespmem:$0x1FAD0] =	vst v38;
	v59 =	vld [tilespmem:$0xB40]  }
0x12c: {  	[tilespmem:$0x1F8E0] =	vst v0;
	v0 =	vld [tilespmem:$0x6B0]  }
0x12d: {  	v38 =	vld [tilespmem:$0xB70];
	[tilespmem:$0x1F9E0] =	vst v8  }
0x12e: {  	v36 =	vmul.f32 v36, v48;
	v48 =	vld [tilespmem:$0x2A0];
	[tilespmem:$0x1FA90] =	vst v28  }
0x12f: {  	v21 =	vmul.f32 v21, v32;
	v32 =	vld [tilespmem:$0x2C0];
	[tilespmem:$0x1F7D0] =	vst v31  }
0x130: {  	v8 =	vld [tilespmem:$0x220];
	[tilespmem:$0x1FAC0] =	vst v35  }
0x131: {  	[tilespmem:$0x1F910] =	vst v0;
	v0 =	vld [tilespmem:$0xB30]  }
0x132: {  	v28 =	vld [tilespmem:$0x250];
	[tilespmem:$0x1FAF0] =	vst v41  }
0x133: {  	v31 =	vld [tilespmem:$0x260];
	[tilespmem:$0x1FB00] =	vst v44  }
0x134: {  	v44 =	vld [tilespmem:$0xAF0];
	[tilespmem:$0x1F730] =	vst v46  }
0x135: {  	[tilespmem:$0x1F740] =	vst v47;
	v35 =	vld [tilespmem:$0x670]  }
0x136: {  	[tilespmem:$0x1F920] =	vst v0;
	v0 =	vld [tilespmem:$0x6C0]  }
0x137: {  	[tilespmem:$0x1F760] =	vst v55;
	v41 =	vld [tilespmem:$0x880]  }
0x138: {  	[tilespmem:$0x1F780] =	vst v58;
	v46 =	vld [tilespmem:$0x210]  }
0x139: {  	[tilespmem:$0x1F7A0] =	vst v15;
	v47 =	vld [tilespmem:$0x890]  }
0x13a: {  	[tilespmem:$0x1F7B0] =	vst v20;
	v55 =	vld [tilespmem:$0x8A0]  }
0x13b: {  	[tilespmem:$0x1F930] =	vst v0;
	v0 =	vld [tilespmem:$0xB40]  }
0x13c: {  	[tilespmem:$0x1F7C0] =	vst v24;
	v58 =	vld [tilespmem:$0x8B0]  }
0x13d: {  	v15 =	vld [tilespmem:$0x8C0];
	[tilespmem:$0x1FDA0] =	vst v13  }
0x13e: {  	v20 =	vld [tilespmem:$0x250];
	[tilespmem:$0x1FDB0] =	vst v16  }
0x13f: {  	v24 =	vld [tilespmem:$0x8D0];
	[tilespmem:$0x1FB40] =	vst v52  }
0x140: {  	[tilespmem:$0x1F940] =	vst v0;
	v0 =	vld [tilespmem:$0x6D0]  }
0x141: {  	v13 =	vld [tilespmem:$0x690];
	[tilespmem:$0x1FAE0] =	vst v39  }
0x142: {  	v16 =	vld [tilespmem:$0x910];
	[tilespmem:$0x1F770] =	vst v56  }
0x143: {  	v52 =	vld [tilespmem:$0x610];
	[tilespmem:$0x1F790] =	vst v59  }
0x144: {  	v39 =	vld [tilespmem:$0x260];
	[tilespmem:$0x1F7F0] =	vst v38  }
0x145: {  	[tilespmem:$0x1F950] =	vst v0;
	v0 =	vld [tilespmem:$0xB50]  }
0x146: {  	v56 =	vld [tilespmem:$0x230];
	[tilespmem:$0x1FD20] =	vst v48  }
0x147: {  	v59 =	vld [tilespmem:$0x240];
	[tilespmem:$0x1FD60] =	vst v32  }
0x148: {  	v38 =	vld [tilespmem:$0x270];
	[tilespmem:$0x1FBC0] =	vst v31  }
0x149: {  	v48 =	vld [tilespmem:$0x8A0];
	[tilespmem:$0x1F7E0] =	vst v35  }
0x14a: {  	[tilespmem:$0x1F960] =	vst v0;
	v0 =	vld [tilespmem:$0x6E0]  }
0x14b: {  	v32 =	vld [tilespmem:$0x2F0];
	[tilespmem:$0x1FB10] =	vst v41  }
0x14c: {  	v31 =	vld [tilespmem:$0x650];
	[tilespmem:$0x1FB20] =	vst v46  }
0x14d: {  	[tilespmem:$0x1FB30] =	vst v47;
	v35 =	vld [tilespmem:$0x8E0]  }
0x14e: {  	[tilespmem:$0x1FB50] =	vst v55;
	v41 =	vld [tilespmem:$0x8F0]  }
0x14f: {  	[tilespmem:$0x1F9B0] =	vst v0;
	v0 =	vld [tilespmem:$0xB60]  }
0x150: {  	[tilespmem:$0x1FB70] =	vst v58;
	v46 =	vld [tilespmem:$0x600]  }
0x151: {  	[tilespmem:$0x1FB90] =	vst v15;
	v47 =	vld [tilespmem:$0x900]  }
0x152: {  	[tilespmem:$0x1FBA0] =	vst v20;
	v55 =	vld [tilespmem:$0x910]  }
0x153: {  	[tilespmem:$0x1FBB0] =	vst v24;
	v58 =	vld [tilespmem:$0x920]  }
0x154: {  	[tilespmem:$0x1F9C0] =	vst v0;
	v0 =	vld [tilespmem:$0x6F0]  }
0x155: {  	v15 =	vld [tilespmem:$0x930];
	[tilespmem:$0x1FE00] =	vst v13  }
0x156: {  	v20 =	vld [tilespmem:$0x640];
	[tilespmem:$0x1FE10] =	vst v16  }
0x157: {  	v24 =	vld [tilespmem:$0x940];
	[tilespmem:$0x1FC20] =	vst v52  }
0x158: {  	v52 =	vld [tilespmem:$0xAE0];
	[tilespmem:$0x1FB60] =	vst v56  }
0x159: {  	[tilespmem:$0x1F9F0] =	vst v0;
	v0 =	vmul.f32 v10, v62;
	v10 =	vmov v62;
	v62 =	vld [tilespmem:$0xB70]  }
0x15a: {  	[tilespmem:$0x1FB80] =	vst v59;
	v56 =	vld [tilespmem:$0x620]  }
0x15b: {  	[tilespmem:$0x1FBE0] =	vst v38;
	v59 =	vld [tilespmem:$0x630]  }
0x15c: {  	v38 =	vld [tilespmem:$0x660];
	[tilespmem:$0x1FD30] =	vst v48  }
0x15d: {  	v48 =	vld [tilespmem:$0x2B0];
	[tilespmem:$0x1FDC0] =	vst v32  }
0x15e: {  	[tilespmem:$0x1FA00] =	vst v62;
	v62 =	vld [tilespmem:$0x880]  }
0x15f: {  	[tilespmem:$0x1FCA0] =	vst v31;
	v31 =	vld [tilespmem:$0xAA0]  }
0x160: {  	[tilespmem:$0x1FBD0] =	vst v35;
	v35 =	vld [tilespmem:$0x950]  }
0x161: {  	[tilespmem:$0x1FBF0] =	vst v41;
	v41 =	vld [tilespmem:$0x960]  }
0x162: {  	[tilespmem:$0x1FC00] =	vst v46;
	v46 =	vld [tilespmem:$0x670]  }
0x163: {  	[tilespmem:$0x1FD00] =	vst v62;
	v62 =	vld [tilespmem:$0x1F700]  }
0x164: {  	[tilespmem:$0x1FC10] =	vst v47;
	v47 =	vld [tilespmem:$0x970]  }
0x165: {  	[tilespmem:$0x1FC50] =	vst v58;
	v58 =	vld [tilespmem:$0x280]  }
0x166: {  	[tilespmem:$0x1FC70] =	vst v15;
	v15 =	vld [tilespmem:$0xA80]  }
0x167: {  	[tilespmem:$0x1FC90] =	vst v24;
	v24 =	vld [tilespmem:$0x290]  }
0x168: {  	[tilespmem:$0x1FC80] =	vst v20;
	v20 =	vld [tilespmem:$0xA90];
	v0 =	vadd.f32 $0.0e+00, v0;
	v49 =	vmul.f32 v49, v62  }
0x169: {  	[tilespmem:$0x1FC30] =	vst v55;
	v55 =	vld [tilespmem:$0xAD0]  }
0x16a: {  	[tilespmem:$0x1FCC0] =	vst v38;
	v38 =	vld [tilespmem:$0xAB0];
	v0 =	vadd.f32 v49, v0  }
0x16b: {  	[tilespmem:$0x1FC40] =	vst v56;
	v49 =	vld [tilespmem:$0x8B0]  }
0x16c: {  	[tilespmem:$0x1FC60] =	vst v59;
	v59 =	vld [tilespmem:$0x2D0];
	v0 =	vadd.f32 v36, v0  }
0x16d: {  	v56 =	vld [tilespmem:$0x2E0];
	[tilespmem:$0x1FD40] =	vst v48  }
0x16e: {  	v48 =	vld [tilespmem:$0x2D0];
	[tilespmem:$0x1FCB0] =	vst v35;
	v0 =	vadd.f32 v21, v0  }
0x16f: {  	[tilespmem:$0x1FCD0] =	vst v41;
	v36 =	vld [tilespmem:$0x8C0]  }
0x170: {  	[tilespmem:$0x1FD50] =	vst v49;
	v49 =	vld [tilespmem:$0x8D0];
	v0 =	vadd.f32 v9, v0  }
0x171: {  	[tilespmem:$0x1FCE0] =	vst v46;
	v62 =	vld [tilespmem:$0x290]  }
0x172: {  	[tilespmem:$0x1FCF0] =	vst v47;
	v21 =	vmul.f32 v17, v19;
	v19 =	vld [tilespmem:$0x6A0];
	v0 =	vadd.f32 v6, v0  }
0x173: {  	[tilespmem:$0x1FD80] =	vst v48;
	v9 =	vld [tilespmem:$0x900]  }
0x174: {  	[tilespmem:$0x1FD70] =	vst v36;
	v36 =	vld [tilespmem:$0x8F0];
	v0 =	vadd.f32 v12, v0  }
0x175: {  	[tilespmem:$0x1FD90] =	vst v49;
	v49 =	vld [tilespmem:$0x680]  }
0x176: {  	[tilespmem:$0x1FD10] =	vst v62;
	v0 =	vadd.f32 v21, v0;
	v21 =	vld [tilespmem:$0x920]  }
0x177: {  	v48 =	vmul.f32 v23, v25;
	v25 =	vld [tilespmem:$0x6B0];
	[tilespmem:$0x1FE20] =	vst v19  }
0x178: {  	v35 =	vld [tilespmem:$0x2A0];
	[tilespmem:$0x1FDF0] =	vst v9  }
0x179: {  	v41 =	vld [tilespmem:$0x2B0];
	[tilespmem:$0x1FDD0] =	vst v36  }
0x17a: {  	v47 =	vld [tilespmem:$0x2C0];
	[tilespmem:$0x1FDE0] =	vst v49  }
0x17b: {  	v46 =	vld [tilespmem:$0xAC0];
	[tilespmem:$0x1FE30] =	vst v21  }
0x17c: {  	v62 =	vld [tilespmem:$0x890];
	[tilespmem:$0x1FE40] =	vst v25  }
0x17d: {  	v7 =	vld [tilespmem:$0x930]  }
0x17e: {  	v12 =	vmul.f32 v26, v29;
	v29 =	vld [tilespmem:$0x6C0]  }
0x17f: {  	v17 =	vmul.f32 v30, v34;
	v30 =	vld [tilespmem:$0x940]  }
0x180: {  	v34 =	vld [tilespmem:$0x6D0]  }
0x181: {  	v36 =	vld [tilespmem:$0x950]  }
0x182: {  	v23 =	vmul.f32 v37, v40;
	v40 =	vld [tilespmem:$0x6E0]  }
0x183: {  	v26 =	vmul.f32 v42, v43;
	v42 =	vld [tilespmem:$0x960]  }
0x184: {  	v43 =	vld [tilespmem:$0x1F710]  }
0x185: {  	v32 =	vmul.f32 v45, v50;
	v0 =	vadd.f32 v48, v0;
	v45 =	vld [tilespmem:$0x6F0]  }
0x186: {  	v48 =	vld [tilespmem:$0x970]  }
0x187: {  	v37 =	vmul.f32 v54, v60;
	v0 =	vadd.f32 v12, v0;
	v60 =	vld [tilespmem:$0x300]  }
0x188: {  	v13 =	vld [tilespmem:$0xA80]  }
0x189: {  	v0 =	vadd.f32 v17, v0;
	v17 =	vld [tilespmem:$0x310]  }
0x18a: {  	v54 =	vld [tilespmem:$0xA90]  }
0x18b: {  	v16 =	vld [tilespmem:$0x320]  }
0x18c: {  	v19 =	vld [tilespmem:$0xAA0]  }
0x18d: {  	v9 =	vld [tilespmem:$0xAB0]  }
0x18e: {  	v49 =	vmul.f32 v2, v1;
	v2 =	vld [tilespmem:$0x340]  }
0x18f: {  	v25 =	vld [tilespmem:$0x1F730]  }
0x190: {  	v21 =	vmul.f32 v44, v51;
	v44 =	vld [tilespmem:$0x1F770]  }
0x191: {  	v51 =	vld [tilespmem:$0x1F780];
	v0 =	vadd.f32 v23, v0  }
0x192: {  	v23 =	vld [tilespmem:$0x1F720]  }
0x193: {  	v0 =	vadd.f32 v26, v0;
	v26 =	vld [tilespmem:$0x1F740]  }
0x194: {  	[tilespmem:$0x1FE50] =	vst v7;
	v7 =	vld [tilespmem:$0x330]  }
0x195: {  	v6 =	vmul.f32 v63, v43;
	v63 =	vmul.f32 v5, v8;
	v8 =	vld [tilespmem:$0x350]  }
0x196: {  	[tilespmem:$0x1FED0] =	vst v48;
	v48 =	vld [tilespmem:$0x360]  }
0x197: {  	v43 =	vld [tilespmem:$0x370]  }
0x198: {  	[tilespmem:$0x1FEC0] =	vst v45;
	v45 =	vld [tilespmem:$0xAF0]  }
0x199: {  	[tilespmem:$0x1FEB0] =	vst v42;
	v42 =	vld [tilespmem:$0xB00]  }
0x19a: {  	v5 =	vmul.f32 v11, v14;
	v14 =	vmul.f32 v27, v28;
	v27 =	vld [tilespmem:$0x710]  }
0x19b: {  	[tilespmem:$0x1FEA0] =	vst v40;
	v40 =	vld [tilespmem:$0xB10]  }
0x19c: {  	[tilespmem:$0x1FE60] =	vst v29;
	v29 =	vld [tilespmem:$0x720];
	v0 =	vadd.f32 v32, v0  }
0x19d: {  	v11 =	vmul.f32 v18, v22;
	v18 =	vmul.f32 v33, v39;
	v33 =	vld [tilespmem:$0x730]  }
0x19e: {  	[tilespmem:$0x1FE70] =	vst v30;
	v30 =	vld [tilespmem:$0xB30];
	v0 =	vadd.f32 v37, v0  }
0x19f: {  	v28 =	vld [tilespmem:$0x1F750]  }
0x1a0: {  	[tilespmem:$0x1FE80] =	vst v34;
	v34 =	vld [tilespmem:$0x740];
	v0 =	vadd.f32 v6, v0  }
0x1a1: {  	v39 =	vld [tilespmem:$0xB40]  }
0x1a2: {  	v50 =	vmul.f32 v3, v4;
	v22 =	vmul.f32 v53, v57;
	v53 =	vld [tilespmem:$0x1F790];
	(xrf2) =	vadd.scan.msk.f32 $0xffff, v0;
	v0 =	vadd.f32 $0.0e+00, v49  }
0x1a3: {  	v57 =	vld [tilespmem:$0x1F7A0]  }
0x1a4: {  	[tilespmem:$0x1FE90] =	vst v36;
	v36 =	vmov v1;
	v1 =	vmul.f32 v61, v25;
	v61 =	vld [tilespmem:$0x1F7B0];
	v0 =	vadd.f32 v50, v0  }
0x1a5: {  	v25 =	vld [tilespmem:$0xB70]  }
0x1a6: {  	v54 =	vmul.f32 v54, v17;
	v17 =	vld [tilespmem:$0x930];
	v0 =	vadd.f32 v63, v0  }
0x1a7: {  	v16 =	vmul.f32 v19, v16;
	v19 =	vld [tilespmem:$0x940]  }
0x1a8: {  	v32 =	vld [tilespmem:$0x1F760];
	v0 =	vadd.f32 v5, v0  }
0x1a9: {  	v37 =	vld [tilespmem:$0xB20]  }
0x1aa: {  	v6 =	vld [tilespmem:$0xAC0];
	v0 =	vadd.f32 v11, v0  }
0x1ab: {  	v7 =	vmul.f32 v9, v7;
	v9 =	vld [tilespmem:$0x760]  }
0x1ac: {  	v27 =	vmul.f32 v40, v27;
	v40 =	vld [tilespmem:$0x3C0];
	v0 =	vadd.f32 v14, v0  }
0x1ad: {  	v49 =	vld [tilespmem:$0xAE0]  }
0x1ae: {  	v50 =	vld [tilespmem:$0xAD0];
	v0 =	vadd.f32 v18, v0  }
0x1af: {  	v63 =	vimm.s32 $0xF;
	v12, _, _ =	vpop (xrf2);
	v14 =	vld [tilespmem:$0x700]  }
0x1b0: {  	v3 =	vperm.xlane v12, v63;
	v12 =	vld [tilespmem:$0x760];
	v0 =	vadd.f32 v21, v0  }
0x1b1: {  	v18 =	vld [tilespmem:$0x750]  }
0x1b2: {  	v21 =	vld [tilespmem:$0x1F7C0];
	v0 =	vadd.f32 v22, v0  }
0x1b3: {  	v22 =	vld [tilespmem:$0x1F7D0]  }
0x1b4: {  	v0 =	vadd.f32 v1, v0;
	v1 =	vmul.f32 v28, v26;
	v26 =	vld [tilespmem:$0x880]  }
0x1b5: {  	v28 =	vld [tilespmem:$0x310]  }
0x1b6: {  	v0 =	vadd.f32 v1, v0;
	v1 =	vmul.f32 v44, v32;
	v44 =	vld [tilespmem:$0xB50]  }
0x1b7: {  	v3 =	vadd.f32 v3, v23;
	v32 =	vld [tilespmem:$0xB60]  }
0x1b8: {  	v0 =	vadd.f32 v1, v0;
	v1 =	vmul.f32 v53, v51;
	v53 =	vld [tilespmem:$0x770]  }
0x1b9: {  	v3 =	vsub.f32 $0.0e+00, v3;
	v51 =	vld [tilespmem:$0x1F7E0]  }
0x1ba: {  	[tilespmem:$0x1FEF0] =	vst v28;
	v28 =	vld [tilespmem:$0x8B0]  }
0x1bb: {  	v3 =	vmul.f32 $1.442695020e+00, v3;
	[tilespmem:$0x1FEE0] =	vst v26;
	v26 =	vmul.f32 v31, v35;
	v31 =	vld [tilespmem:$0x340]  }
0x1bc: {  	v35 =	vmul.f32 v38, v41;
	v38 =	vld [tilespmem:$0x8C0]  }
0x1bd: {  	(erf) = vpow2.f32 v3;
	v41 =	vmul.f32 v46, v47;
	v46 =	vld [tilespmem:$0x8D0]  }
0x1be: {  	v47 =	vld [tilespmem:$0x360]  }
0x1bf: {  	v0 =	vadd.f32 v1, v0;
	v1 =	vmul.f32 v61, v57;
	v57 =	vld [tilespmem:$0x1F7F0]  }
0x1c0: {  	v61 =	vmul.f32 v15, v58;
	v15 =	vld [tilespmem:$0x320]  }
0x1c1: {  	v12 =	vmul.f32 v32, v12;
	v32 =	vld [tilespmem:$0x790]  }
0x1c2: {  	v0 =	vadd.f32 v1, v0;
	v1 =	vmul.f32 v22, v21;
	v21 =	vld [tilespmem:$0x8A0]  }
0x1c3: {  	v22 =	vld [tilespmem:$0x330]  }
0x1c4: {  	[tilespmem:$0x1FF50] =	vst v31;
	v31 =	vld [tilespmem:$0x1F820]  }
0x1c5: {  	[tilespmem:$0x1FF60] =	vst v38;
	v38 =	vld [tilespmem:$0x8F0]  }
0x1c6: {  	v11 =	vpop (erf);
	[tilespmem:$0x1FF70] =	vst v46;
	v46 =	vld [tilespmem:$0x1F850]  }
0x1c7: {  	[tilespmem:$0x1FF80] =	vst v47;
	v47 =	vld [tilespmem:$0x1F860];
	v3 =	vadd.f32 $1.000000000e+00, v11  }
0x1c8: {  	v20 =	vmul.f32 v20, v24;
	v0 =	vadd.f32 v1, v0;
	v1 =	vmul.f32 v57, v51;
	v11 =	vld [tilespmem:$0x890]  }
0x1c9: {  	v51 =	vmul.f32 v55, v59;
	v59 =	vld [tilespmem:$0x700];
	(erf) = vrcp.f32 v3;
	v3 =	vadd.f32 $0.0e+00, v61  }
0x1ca: {  	v55 =	vmul.f32 v52, v56;
	v56 =	vld [tilespmem:$0x1F880]  }
0x1cb: {  	v0 =	vadd.f32 v1, v0;
	v61 =	vld [tilespmem:$0x350];
	v24 =	vadd.f32 v20, v3  }
0x1cc: {  	[tilespmem:$0x1FF30] =	vst v22;
	v22 =	vld [tilespmem:$0x1F800]  }
0x1cd: {  	(xrf2) =	vadd.scan.msk.f32 $0xffff, v0;
	v0 =	vadd.f32 v26, v24;
	v24 =	vld [tilespmem:$0x370]  }
0x1ce: {  	v26 =	vld [tilespmem:$0x1F810]  }
0x1cf: {  	v20 =	vld [tilespmem:$0x8E0];
	v0 =	vadd.f32 v35, v0  }
0x1d0: {  	v35 =	vld [tilespmem:$0x1F830]  }
0x1d1: {  	v0 =	vadd.f32 v41, v0;
	v41 =	vld [tilespmem:$0x1F840]  }
0x1d2: {  	[tilespmem:$0x1FFA0] =	vst v24;
	v24 =	vld [tilespmem:$0x710]  }
0x1d3: {  	v1 =	vmul.f32 v31, v26;
	v31 =	vld [tilespmem:$0x1F890]  }
0x1d4: {  	[tilespmem:$0x1FF40] =	vst v28;
	v28 =	vpop (erf);
	v0 =	vadd.f32 v51, v0;
	v51 =	vld [tilespmem:$0x1F870]  }
0x1d5: {  	v3 =	vsub.f32 $1.000000000e+00, v28;
	v4 =	vmul.f32 v47, v28;
	v47 =	vld [tilespmem:$0x1F8C0]  }
0x1d6: {  	[tilespmem:$0x1FF20] =	vst v21;
	v0 =	vadd.f32 v55, v0;
	v55 =	vld [tilespmem:$0x900]  }
0x1d7: {  	[tilespmem:$0x1FF00] =	vst v11;
	v21 =	vmul.f32 v3, v10;
	v11 =	vmul.f32 v3, v35;
	v52, _, _ =	vpop (xrf2);
	v35 =	vld [tilespmem:$0x1F8A0]  }
0x1d8: {  	v10 =	vmul.f32 v28, v22;
	v57 =	vperm.xlane v52, v63;
	v63 =	vld [tilespmem:$0x910]  }
0x1d9: {  	v5 =	vmul.f32 v28, v41;
	v41 =	vmul.f32 v13, v60;
	v13 =	vld [tilespmem:$0x720]  }
0x1da: {  	v52 =	vld [tilespmem:$0x1F8E0]  }
0x1db: {  	v26 =	vadd.f32 v21, v10;
	v10 =	vmul.f32 v3, v46;
	v46 =	vld [tilespmem:$0x1F8B0]  }
0x1dc: {  	[tilespmem:$0x1FF10] =	vst v15;
	v15 =	vmul.f32 v51, v3;
	v51 =	vld [tilespmem:$0x1F8D0]  }
0x1dd: {  	v21 =	vadd.f32 v11, v5;
	v5 =	vmul.f32 v56, v28;
	v56 =	vld [tilespmem:$0x1F8F0]  }
0x1de: {  	[tilespmem:$0x1FFB0] =	vst v38;
	v38 =	vadd.f32 v57, v23;
	v57 =	vld [tilespmem:$0x1F900]  }
0x1df: {  	v11 =	vadd.f32 $0.0e+00, v41;
	v41 =	vld [tilespmem:$0x1F940]  }
0x1e0: {  	[tilespmem:$0x1FFC0] =	vst v55;
	v55 =	vmov v23;
	v23 =	vld [tilespmem:$0x920]  }
0x1e1: {  	v22 =	vadd.f32 v54, v11;
	v11 =	vld [tilespmem:$0x740]  }
0x1e2: {  	v0 =	vadd.f32 v1, v0;
	v1 =	vmul.f32 v35, v31;
	v31 =	vld [tilespmem:$0x1F910]  }
0x1e3: {  	v35 =	vld [tilespmem:$0x1F920]  }
0x1e4: {  	v4 =	vadd.f32 v4, v10;
	v10 =	vsub.f32 $0.0e+00, v38;
	v38 =	vld [tilespmem:$0x1F930]  }
0x1e5: {  	v1 =	vadd.f32 v1, v0;
	v0 =	vld [tilespmem:$0x730]  }
0x1e6: {  	v22 =	vadd.f32 v16, v22;
	v16 =	vld [tilespmem:$0x750]  }
0x1e7: {  	v5 =	vadd.f32 v5, v15;
	v15 =	vmul.f32 v47, v46;
	v47 =	vld [tilespmem:$0x1F950]  }
0x1e8: {  	[tilespmem:$0x1FF90] =	vst v20;
	v10 =	vmul.f32 $1.442695020e+00, v10;
	v20 =	vmul.f32 v52, v51;
	v51 =	vld [tilespmem:$0x1F960]  }
0x1e9: {  	v52 =	vld [tilespmem:$0x1F970]  }
0x1ea: {  	(erf) = vpow2.f32 v10;
	v10 =	vld [tilespmem:$0x950]  }
0x1eb: {  	v15 =	vadd.f32 v15, v1;
	v1 =	vmul.f32 v56, v3;
	v56 =	vld [tilespmem:$0x1F980]  }
0x1ec: {  	[tilespmem:$0x1FFD0] =	vst v24;
	v24 =	vmul.f32 v57, v28;
	v7 =	vadd.f32 v7, v22;
	v22 =	vmul.f32 v50, v8;
	v8 =	vld [tilespmem:$0x960]  }
0x1ed: {  	v2 =	vmul.f32 v6, v2;
	v50 =	vld [tilespmem:$0x1F9A0]  }
0x1ee: {  	v46 =	vmul.f32 v41, v38;
	v38 =	vld [tilespmem:$0x390];
	v1 =	vadd.f32 v24, v1  }
0x1ef: {  	v15 =	vadd.f32 v20, v15;
	v20 =	vmul.f32 v35, v31;
	v24 =	vadd.f32 v2, v7;
	v2 =	vld [tilespmem:$0x380]  }
0x1f0: {  	v35 =	vld [tilespmem:$0x3D0]  }
0x1f1: {  	v15 =	vadd.f32 v20, v15;
	v31 =	vmul.f32 v51, v47;
	v57 =	vmul.f32 v56, v28;
	v56 =	vld [tilespmem:$0x1F9C0]  }
0x1f2: {  	v54 =	vmul.f32 v52, v3;
	v51 =	vmul.f32 v50, v28;
	v50 =	vld [tilespmem:$0x1F9F0]  }
0x1f3: {  	v6 =	vadd.f32 v46, v15;
	v46 =	vld [tilespmem:$0x1F990]  }
0x1f4: {  	v7 =	vadd.f32 v57, v54;
	v54 =	vld [tilespmem:$0x1F9B0]  }
0x1f5: {  	v22 =	vadd.f32 v22, v24;
	v57 =	vmul.f32 v49, v48;
	v48 =	vld [tilespmem:$0x1F9E0]  }
0x1f6: {  	v52 =	vadd.f32 v31, v6;
	v31 =	vld [tilespmem:$0xA80]  }
0x1f7: {  	v22 =	vadd.f32 v57, v22;
	v57 =	vld [tilespmem:$0x1FA20]  }
0x1f8: {  	v47 =	vmul.f32 v46, v3;
	v46 =	vld [tilespmem:$0xA90]  }
0x1f9: {  	v20 =	vmul.f32 v56, v54;
	v54 =	vld [tilespmem:$0x1FA10]  }
0x1fa: {  	v6 =	vadd.f32 v51, v47;
	v47 =	vld [tilespmem:$0x1F9D0]  }
0x1fb: {  	v51 =	vld [tilespmem:$0x1FA00]  }
0x1fc: {  	v49 =	vmul.f32 v48, v28;
	v48 =	vld [tilespmem:$0xAA0];
	v15 =	vadd.f32 v20, v52;
	v52 =	vmul.f32 v45, v43  }
0x1fd: {  	v43 =	vld [tilespmem:$0x3A0]  }
0x1fe: {  	v22 =	vadd.f32 v52, v22;
	v52 =	vmul.f32 v42, v14;
	v42 =	vld [tilespmem:$0x3B0]  }
0x1ff: {  	v24 =	vmul.f32 v57, v28;
	v56 =	vmul.f32 v54, v3;
	v54 =	vld [tilespmem:$0x1FA30]  }
0x200: {  	v20 =	vmul.f32 v47, v3;
	v47 =	vmul.f32 v51, v50;
	v51 =	vld [tilespmem:$0x1FA50]  }
0x201: {  	v22 =	vadd.f32 v52, v22;
	v52 =	vld [tilespmem:$0x1FA60]  }
0x202: {  	v14 =	vadd.f32 v24, v56;
	v56 =	vld [tilespmem:$0x1FA40]  }
0x203: {  	v24 =	vmul.f32 v39, v34;
	v34 =	vld [tilespmem:$0x3E0]  }
0x204: {  	v48 =	vmul.f32 v48, v43;
	v43 =	vld [tilespmem:$0xB00]  }
0x205: {  	v29 =	vmul.f32 v37, v29;
	v57 =	vpop (erf);
	v20 =	vadd.f32 v49, v20;
	v49 =	vld [tilespmem:$0xAB0];
	v22 =	vadd.f32 v27, v22  }
0x206: {  	v50 =	vadd.f32 $1.000000000e+00, v57;
	v15 =	vadd.f32 v47, v15;
	v47 =	vld [tilespmem:$0xAC0]  }
0x207: {  	v57 =	vmul.f32 v30, v33;
	v41 =	vmul.f32 v54, v3;
	v54 =	vld [tilespmem:$0x1FA70];
	v22 =	vadd.f32 v29, v22  }
0x208: {  	v45 =	vmul.f32 v56, v28;
	v56 =	vld [tilespmem:$0x1FA80]  }
0x209: {  	v22 =	vadd.f32 v57, v22;
	v57 =	vld [tilespmem:$0x1FAC0]  }
0x20a: {  	(xrf2) =	vadd.scan.msk.f32 $0xffff, v15;
	v15 =	vadd.f32 v45, v41;
	v45 =	vmul.f32 v52, v28;
	v52 =	vld [tilespmem:$0x1FA90]  }
0x20b: {  	v41 =	vmul.f32 v51, v3;
	v51 =	vld [tilespmem:$0xAF0]  }
0x20c: {  	v22 =	vadd.f32 v24, v22;
	v24 =	vmul.f32 v44, v18;
	v44 =	vld [tilespmem:$0x7A0]  }
0x20d: {  	v37 =	vmul.f32 v54, v3;
	v54 =	vld [tilespmem:$0x1FAA0]  }
0x20e: {  	(erf) = vrcp.f32 v50;
	v27 =	vadd.f32 v45, v41;
	v45 =	vld [tilespmem:$0xAD0]  }
0x20f: {  	v41 =	vmul.f32 v56, v28;
	v56 =	vld [tilespmem:$0x1FAB0];
	v50 =	vmul.f32 v57, v28  }
0x210: {  	v57 =	vmul.f32 v49, v42;
	v49 =	vmul.f32 v47, v40;
	v40 =	vld [tilespmem:$0xB20]  }
0x211: {  	v47 =	vld [tilespmem:$0x1FB10]  }
0x212: {  	[tilespmem:$0x10A0] =	vst v27;
	v27 =	vld [tilespmem:$0x810]  }
0x213: {  	v31 =	vmul.f32 v31, v2;
	v30 =	vadd.f32 v41, v37;
	v37 =	vmul.f32 v46, v38;
	v38 =	vld [tilespmem:$0xAE0]  }
0x214: {  	v41 =	vld [tilespmem:$0x3F0]  }
0x215: {  	v31 =	vadd.f32 $0.0e+00, v31;
	v29 =	vmul.f32 v52, v3;
	v52 =	vld [tilespmem:$0x1FAF0]  }
0x216: {  	v39 =	vmul.f32 v54, v28;
	v54 =	vld [tilespmem:$0x1FB00]  }
0x217: {  	v31 =	vadd.f32 v37, v31;
	v37 =	vld [tilespmem:$0xB10]  }
0x218: {  	[tilespmem:$0x10B0] =	vst v30;
	v30 =	vld [tilespmem:$0xB10]  }
0x219: {  	v22 =	vadd.f32 v24, v22;
	v29 =	vadd.f32 v39, v29;
	v39 =	vld [tilespmem:$0x780]  }
0x21a: {  	v46 =	vmul.f32 v56, v3;
	v40 =	vmul.f32 v40, v44;
	v44 =	vld [tilespmem:$0xA80]  }
0x21b: {  	v12 =	vadd.f32 v12, v22;
	v31 =	vadd.f32 v48, v31;
	v48 =	vld [tilespmem:$0x1FAE0]  }
0x21c: {  	v56, _, _ =	vpop (xrf2);
	v18 =	vadd.f32 v50, v46;
	v50 =	vmul.f32 v25, v53;
	v53 =	vimm.s32 $0xF;
	v46 =	vld [tilespmem:$0x1FAD0]  }
0x21d: {  	v25 =	vperm.xlane v56, v53;
	v56 =	vmul.f32 v38, v34;
	v38 =	vld [tilespmem:$0xB40]  }
0x21e: {  	v31 =	vadd.f32 v57, v31;
	v24 =	vadd.f32 v50, v12;
	v50 =	vmul.f32 v45, v35;
	v35 =	vld [tilespmem:$0xB30]  }
0x21f: {  	v45 =	vld [tilespmem:$0x7C0]  }
0x220: {  	v31 =	vadd.f32 v49, v31;
	v49 =	vld [tilespmem:$0x1FB20]  }
0x221: {  	v42 =	vmul.f32 v48, v28;
	v48 =	vmul.f32 v51, v41;
	v41 =	vld [tilespmem:$0xB50]  }
0x222: {  	v51 =	vmul.f32 v43, v39;
	v39 =	vld [tilespmem:$0xB60]  }
0x223: {  	v28 =	vmul.f32 v54, v28;
	v54 =	vld [tilespmem:$0x1FB50]  }
0x224: {  	v12 =	vpop (erf);
	v25 =	vadd.f32 v25, v55;
	v43 =	vld [tilespmem:$0x7F0]  }
0x225: {  	(xrf2) =	vadd.scan.msk.f32 $0xffff, v24;
	v24 =	vsub.f32 $1.000000000e+00, v12;
	v22 =	vmul.f32 v46, v3;
	v46 =	vld [tilespmem:$0x7D0]  }
0x226: {  	v25 =	vsub.f32 $0.0e+00, v25;
	v31 =	vadd.f32 v50, v31;
	v50 =	vld [tilespmem:$0x1FB30]  }
0x227: {  	v3 =	vmul.f32 v52, v3;
	v52 =	vld [tilespmem:$0x1FB40]  }
0x228: {  	v36 =	vmul.f32 v24, v36;
	v22 =	vadd.f32 v42, v22;
	v42 =	vld [tilespmem:$0x7B0];
	v57 =	vmul.f32 $1.442695020e+00, v25  }
0x229: {  	v25 =	vadd.f32 v28, v3;
	v28 =	vmul.f32 v12, v47;
	v33 =	vadd.f32 v56, v31;
	v56 =	vld [tilespmem:$0x1FB60]  }
0x22a: {  	v47 =	vld [tilespmem:$0x7E0];
	v3 =	vmul.f32 v24, v49  }
0x22b: {  	(erf) = vpow2.f32 v57;
	v31 =	vadd.f32 v36, v28;
	v57 =	vld [tilespmem:$0x1FB70];
	v28 =	vmul.f32 v12, v50  }
0x22c: {  	v49 =	vld [tilespmem:$0xB70]  }
0x22d: {  	v37 =	vmul.f32 v37, v32;
	v32 =	vadd.f32 v3, v28;
	v3 =	vmul.f32 v24, v52;
	v52 =	vld [tilespmem:$0x1FB80]  }
0x22e: {  	v28 =	vmul.f32 v54, v12;
	v34 =	vmul.f32 v56, v24;
	v56 =	vld [tilespmem:$0x1FB90]  }
0x22f: {  	v33 =	vadd.f32 v48, v33;
	v35 =	vmul.f32 v35, v42;
	v42 =	vld [tilespmem:$0xA90]  }
0x230: {  	v36 =	vmul.f32 v57, v12;
	v50 =	vadd.f32 v28, v3;
	v3 =	vld [tilespmem:$0x400]  }
0x231: {  	v33 =	vadd.f32 v51, v33;
	[tilespmem:$0xD10] =	vst v32;
	v32 =	vld [tilespmem:$0x1FD60]  }
0x232: {  	v34 =	vadd.f32 v36, v34;
	v36 =	vld [tilespmem:$0x1FBF0]  }
0x233: {  	v37 =	vadd.f32 v37, v33;
	[tilespmem:$0xD20] =	vst v50;
	v50 =	vld [tilespmem:$0xB70];
	v54 =	vmul.f32 v52, v24;
	v57 =	vmul.f32 v56, v12  }
0x234: {  	v56 =	vld [tilespmem:$0x1FBB0]  }
0x235: {  	v37 =	vadd.f32 v40, v37;
	v33 =	vadd.f32 v57, v54;
	v54 =	vld [tilespmem:$0x1FBA0]  }
0x236: {  	v52 =	vld [tilespmem:$0x410]  }
0x237: {  	v35 =	vadd.f32 v35, v37;
	v37 =	vmul.f32 v38, v45;
	[tilespmem:$0xD30] =	vst v34;
	v34 =	vld [tilespmem:$0xB50];
	v57, _, _ =	vpop (xrf2)  }
0x238: {  	v40 =	vperm.xlane v57, v53;
	v53 =	vld [tilespmem:$0x1FBC0]  }
0x239: {  	[tilespmem:$0xC80] =	vst v26;
	v26 =	vadd.f32 v37, v35;
	v35 =	vmul.f32 v41, v46;
	v41 =	vld [tilespmem:$0xAB0]  }
0x23a: {  	v48 =	vmul.f32 v56, v12;
	v28 =	vmul.f32 v54, v24;
	v54 =	vld [tilespmem:$0x1FBD0]  }
0x23b: {  	v52 =	vmul.f32 v42, v52;
	v42 =	vmul.f32 v49, v43;
	v49 =	vld [tilespmem:$0x1FC10]  }
0x23c: {  	v38 =	vadd.f32 v40, v55;
	v40 =	vld [tilespmem:$0xAA0]  }
0x23d: {  	v48 =	vadd.f32 v48, v28;
	v28 =	vmul.f32 v53, v24;
	v53 =	vld [tilespmem:$0x420]  }
0x23e: {  	v51 =	vmul.f32 v36, v12;
	v36 =	vmul.f32 v30, v27;
	v27 =	vld [tilespmem:$0x850]  }
0x23f: {  	v37 =	vsub.f32 $0.0e+00, v38;
	v38 =	vld [tilespmem:$0x450];
	v57 =	vmul.f32 v54, v12  }
0x240: {  	[tilespmem:$0xCE0] =	vst v6;
	v6 =	vmul.f32 v49, v12;
	v49 =	vld [tilespmem:$0x1FC90]  }
0x241: {  	v45 =	vadd.f32 v57, v28;
	v57 =	vld [tilespmem:$0x1FBE0]  }
0x242: {  	v43 =	vmul.f32 v40, v53;
	v53 =	vld [tilespmem:$0x1FC30]  }
0x243: {  	[tilespmem:$0xD50] =	vst v48;
	v48 =	vld [tilespmem:$0x1FD20]  }
0x244: {  	v54 =	vld [tilespmem:$0x430]  }
0x245: {  	v40 =	vld [tilespmem:$0x470]  }
0x246: {  	v28 =	vmul.f32 v57, v24;
	v57 =	vmul.f32 v44, v3;
	v44 =	vld [tilespmem:$0x440]  }
0x247: {  	[tilespmem:$0xCF0] =	vst v20;
	v20 =	vmul.f32 v53, v12;
	v53 =	vld [tilespmem:$0x1FCC0]  }
0x248: {  	[tilespmem:$0xC90] =	vst v21;
	v46 =	vpop (erf);
	v21 =	vadd.f32 v51, v28;
	v51 =	vmul.f32 $1.442695020e+00, v37;
	v37 =	vld [tilespmem:$0xAC0]  }
0x249: {  	v47 =	vmul.f32 v39, v47;
	v28 =	vadd.f32 $1.000000000e+00, v46;
	v46 =	vadd.f32 v35, v26;
	v26 =	vld [tilespmem:$0xAD0]  }
0x24a: {  	v35 =	vld [tilespmem:$0x820]  }
0x24b: {  	v57 =	vadd.f32 $0.0e+00, v57;
	v39 =	vadd.f32 v47, v46;
	v46 =	vld [tilespmem:$0x460]  }
0x24c: {  	v47 =	vld [tilespmem:$0x1FC00]  }
0x24d: {  	[tilespmem:$0xCB0] =	vst v5;
	v5 =	vadd.f32 v52, v57;
	v52 =	vld [tilespmem:$0x1FC20]  }
0x24e: {  	(erf) = vrcp.f32 v28;
	v28 =	vmul.f32 v41, v54;
	v54 =	vld [tilespmem:$0x1FC40]  }
0x24f: {  	v57 =	vld [tilespmem:$0x1FC50]  }
0x250: {  	v41 =	vld [tilespmem:$0xAF0]  }
0x251: {  	(erf) = vpow2.f32 v51;
	v51 =	vld [tilespmem:$0xAE0]  }
0x252: {  	[tilespmem:$0xCC0] =	vst v1;
	v1 =	vadd.f32 v42, v39;
	v5 =	vadd.f32 v43, v5;
	v42 =	vld [tilespmem:$0x1FC60]  }
0x253: {  	v43 =	vld [tilespmem:$0x1FC70]  }
0x254: {  	v5 =	vadd.f32 v28, v5;
	v28 =	vmul.f32 v37, v44;
	v37 =	vld [tilespmem:$0xB00]  }
0x255: {  	v44 =	vmul.f32 v26, v38;
	v38 =	vld [tilespmem:$0x1FD00]  }
0x256: {  	[tilespmem:$0xCA0] =	vst v4;
	v4 =	vmul.f32 v47, v24;
	v47 =	vld [tilespmem:$0x1FC80]  }
0x257: {  	[tilespmem:$0xCD0] =	vst v7;
	v7 =	vmul.f32 v52, v24;
	v52 =	vld [tilespmem:$0x1FCB0]  }
0x258: {  	(xrf2) =	vadd.scan.msk.f32 $0xffff, v1;
	v1 =	vmul.f32 v54, v24;
	v54 =	vld [tilespmem:$0x1FCD0]  }
0x259: {  	v46 =	vmul.f32 v51, v46;
	v51 =	vld [tilespmem:$0x1FCA0]  }
0x25a: {  	v5 =	vadd.f32 v28, v5;
	v28 =	vmul.f32 v49, v12;
	v49 =	vld [tilespmem:$0xB30]  }
0x25b: {  	v4 =	vadd.f32 v6, v4;
	v6 =	vmul.f32 v57, v12;
	v7 =	vadd.f32 v20, v7;
	v20 =	vld [tilespmem:$0x800]  }
0x25c: {  	[tilespmem:$0x1090] =	vst v15;
	v15 =	vmul.f32 v43, v12;
	v43 =	vmul.f32 v41, v40;
	v41 =	vld [tilespmem:$0x860]  }
0x25d: {  	v6 =	vadd.f32 v6, v1;
	v1 =	vmul.f32 v42, v24;
	v42 =	vld [tilespmem:$0xB20]  }
0x25e: {  	v5 =	vadd.f32 v44, v5;
	[tilespmem:$0x1100] =	vst v4;
	v4 =	vld [tilespmem:$0x970]  }
0x25f: {  	[tilespmem:$0x1110] =	vst v7;
	v7 =	vld [tilespmem:$0x890]  }
0x260: {  	v5 =	vadd.f32 v46, v5;
	v46 =	vld [tilespmem:$0x830]  }
0x261: {  	[tilespmem:$0x10C0] =	vst v29;
	v29 =	vmul.f32 v52, v12;
	v52 =	vld [tilespmem:$0x840]  }
0x262: {  	[tilespmem:$0x1080] =	vst v14;
	v15 =	vadd.f32 v15, v1;
	v1 =	vmul.f32 v47, v24;
	v14 =	vmul.f32 v51, v24;
	v51 =	vld [tilespmem:$0x1FCE0]  }
0x263: {  	[tilespmem:$0x1120] =	vst v6;
	v6 =	vld [tilespmem:$0x390]  }
0x264: {  	[tilespmem:$0x10D0] =	vst v18;
	v18 =	vadd.f32 v28, v1;
	v1 =	vmul.f32 v53, v24;
	v53 =	vld [tilespmem:$0x1FCF0]  }
0x265: {  	v57 =	vmul.f32 v54, v12;
	[tilespmem:$0x1130] =	vst v15;
	v15 =	vld [tilespmem:$0x3B0]  }
0x266: {  	v28 =	vpop (erf);
	v40 =	vmul.f32 v42, v35;
	v42 =	vld [tilespmem:$0x1FD10]  }
0x267: {  	[tilespmem:$0x10F0] =	vst v25;
	v5 =	vadd.f32 v43, v5;
	v20 =	vmul.f32 v37, v20;
	v44 =	vpop (erf);
	v25 =	vadd.f32 v57, v1;
	v57 =	vld [tilespmem:$0xB40]  }
0x268: {  	v14 =	vadd.f32 v29, v14;
	v47 =	vadd.f32 $1.000000000e+00, v44;
	v44 =	vld [tilespmem:$0xB60]  }
0x269: {  	v5 =	vadd.f32 v20, v5;
	v46 =	vmul.f32 v49, v46;
	v49 =	vld [tilespmem:$0x1FD30]  }
0x26a: {  	[tilespmem:$0x1150] =	vst v14;
	v14 =	vld [tilespmem:$0x8A0]  }
0x26b: {  	v5 =	vadd.f32 v36, v5;
	v36 =	vld [tilespmem:$0x1FD70]  }
0x26c: {  	v56 =	vimm.s32 $0xF;
	v54, _, _ =	vpop (xrf2);
	(erf) = vrcp.f32 v47;
	v47 =	vld [tilespmem:$0x870]  }
0x26d: {  	v1 =	vperm.xlane v54, v56;
	[tilespmem:$0x1160] =	vst v25;
	v25 =	vld [tilespmem:$0x8D0]  }
0x26e: {  	[tilespmem:$0xD00] =	vst v31;
	v31 =	vsub.f32 $1.000000000e+00, v28;
	v24 =	vmul.f32 v51, v24;
	v12 =	vmul.f32 v53, v12;
	v53 =	vld [tilespmem:$0x1FD40]  }
0x26f: {  	v1 =	vadd.f32 v1, v55;
	v51 =	vmul.f32 v57, v52;
	v57 =	vld [tilespmem:$0x1FD50]  }
0x270: {  	v5 =	vadd.f32 v40, v5;
	v24 =	vadd.f32 v12, v24;
	v12 =	vmul.f32 v31, v42;
	v42 =	vld [tilespmem:$0x1FD80]  }
0x271: {  	v1 =	vsub.f32 $0.0e+00, v1;
	v40 =	vmul.f32 v44, v41;
	v44 =	vld [tilespmem:$0x1FD90]  }
0x272: {  	v5 =	vadd.f32 v46, v5;
	v46 =	vld [tilespmem:$0x1FDA0]  }
0x273: {  	v43 =	vmul.f32 v28, v62;
	v52 =	vmul.f32 $1.442695020e+00, v1;
	v1 =	vld [tilespmem:$0x770]  }
0x274: {  	v20 =	vadd.f32 v51, v5;
	v5 =	vld [tilespmem:$0x880]  }
0x275: {  	[tilespmem:$0xD70] =	vst v21;
	v21 =	vadd.f32 v12, v43;
	v12 =	vmul.f32 v31, v48;
	v48 =	vld [tilespmem:$0x1FDB0]  }
0x276: {  	v41 =	vmul.f32 v50, v47;
	v50 =	vld [tilespmem:$0x1FDC0]  }
0x277: {  	v29 =	vmul.f32 v49, v28;
	[tilespmem:$0x1170] =	vst v24;
	v24 =	vld [tilespmem:$0x3E0]  }
0x278: {  	v62 =	vmul.f32 v34, v27;
	(erf) = vpow2.f32 v52;
	v52 =	vld [tilespmem:$0x1FDD0]  }
0x279: {  	v29 =	vadd.f32 v29, v12;
	v12 =	vld [tilespmem:$0x3A0]  }
0x27a: {  	v30 =	vmul.f32 v28, v38;
	v39 =	vadd.f32 v62, v20;
	v20 =	vld [tilespmem:$0x3C0]  }
0x27b: {  	v34 =	vmul.f32 v32, v31;
	v38 =	vmul.f32 v36, v28;
	[tilespmem:$0xD90] =	vst v21;
	v21 =	vld [tilespmem:$0x8C0]  }
0x27c: {  	v43 =	vmul.f32 v42, v31;
	v42 =	vld [tilespmem:$0x1FE10]  }
0x27d: {  	[tilespmem:$0xD60] =	vst v45;
	v26 =	vadd.f32 v38, v34;
	v45 =	vmul.f32 v44, v28;
	v44 =	vld [tilespmem:$0x1FE20]  }
0x27e: {  	v47 =	vmul.f32 v46, v31;
	v46 =	vld [tilespmem:$0x1FE30]  }
0x27f: {  	v37 =	vmul.f32 v31, v58;
	[tilespmem:$0xDC0] =	vst v26;
	v26 =	vld [tilespmem:$0x8E0]  }
0x280: {  	[tilespmem:$0x1140] =	vst v18;
	v54 =	vmul.f32 v53, v31;
	v58 =	vmul.f32 v57, v28;
	v18 =	vadd.f32 v40, v39;
	v40 =	vld [tilespmem:$0x1FE00]  }
0x281: {  	v39 =	vld [tilespmem:$0x920]  }
0x282: {  	v27 =	vadd.f32 v58, v54;
	v54 =	vld [tilespmem:$0x1FDE0]  }
0x283: {  	v58 =	vld [tilespmem:$0x1FDF0]  }
0x284: {  	v49 =	vmul.f32 v48, v28;
	v48 =	vld [tilespmem:$0x1FE40]  }
0x285: {  	v51 =	vmul.f32 v50, v31;
	v50 =	vld [tilespmem:$0x1FE50]  }
0x286: {  	[tilespmem:$0x10E0] =	vst v22;
	v22 =	vadd.f32 v41, v18;
	v18 =	vld [tilespmem:$0x8B0]  }
0x287: {  	v53 =	vmul.f32 v52, v28;
	v52 =	vld [tilespmem:$0x1FE60]  }
0x288: {  	[tilespmem:$0xDB0] =	vst v27;
	v27 =	vld [tilespmem:$0x3F0]  }
0x289: {  	(xrf2) =	vadd.scan.msk.f32 $0xffff, v22;
	v22 =	vld [tilespmem:$0x3D0]  }
0x28a: {  	v32 =	vadd.f32 v45, v43;
	v45 =	vmul.f32 v44, v31;
	v44 =	vld [tilespmem:$0x1FE90]  }
0x28b: {  	v35 =	vadd.f32 v49, v47;
	v47 =	vmul.f32 v46, v28;
	v46 =	vld [tilespmem:$0x1FEA0]  }
0x28c: {  	v57 =	vmul.f32 v54, v31;
	v54 =	vld [tilespmem:$0x1FE70]  }
0x28d: {  	v43 =	vmul.f32 v42, v28;
	v62 =	vmul.f32 v58, v28;
	v58 =	vld [tilespmem:$0x1FE80]  }
0x28e: {  	v41 =	vmul.f32 v40, v31;
	v49 =	vmul.f32 v48, v31;
	v48 =	vld [tilespmem:$0x1FEB0]  }
0x28f: {  	[tilespmem:$0xD40] =	vst v33;
	v30 =	vadd.f32 v37, v30;
	v33 =	vadd.f32 v53, v51;
	v40 =	vpop (erf);
	v51 =	vmul.f32 v50, v28;
	v50 =	vld [tilespmem:$0x1FEC0]  }
0x290: {  	v42 =	vsub.f32 $1.000000000e+00, v40;
	v37 =	vadd.f32 v43, v41;
	v43 =	vld [tilespmem:$0x7A0]  }
0x291: {  	v23 =	vmul.f32 v23, v40;
	v34 =	vadd.f32 v51, v49;
	v51 =	vld [tilespmem:$0x1FED0]  }
0x292: {  	[tilespmem:$0xDA0] =	vst v29;
	v53 =	vmul.f32 v52, v31;
	v29 =	vadd.f32 v62, v57;
	v52 =	vmul.f32 v42, v60;
	v60 =	vld [tilespmem:$0x1FF00]  }
0x293: {  	v38 =	vadd.f32 v47, v45;
	v13 =	vmul.f32 v13, v42;
	v47 =	vmul.f32 v46, v31;
	v46 =	vld [tilespmem:$0x910]  }
0x294: {  	v17 =	vmul.f32 v17, v40;
	v0 =	vmul.f32 v0, v42;
	[tilespmem:$0x1180] =	vst v29;
	v29 =	vld [tilespmem:$0x780]  }
0x295: {  	v10 =	vmul.f32 v10, v40;
	v16 =	vmul.f32 v16, v42;
	v13 =	vadd.f32 v23, v13;
	v23 =	vld [tilespmem:$0x7F0]  }
0x296: {  	v0 =	vadd.f32 v17, v0;
	v17 =	vld [tilespmem:$0x410]  }
0x297: {  	v45 =	vmul.f32 v44, v28;
	v10 =	vadd.f32 v10, v16;
	v16 =	vld [tilespmem:$0x440];
	v57 =	vmul.f32 v54, v28  }
0x298: {  	v62 =	vmul.f32 v58, v31;
	v49 =	vmul.f32 v48, v28;
	[tilespmem:$0x1220] =	vst v13;
	v13 =	vld [tilespmem:$0x890]  }
0x299: {  	[tilespmem:$0xD80] =	vst v30;
	v30 =	vmul.f32 v50, v31;
	v31 =	vmul.f32 v51, v28;
	v28 =	vld [tilespmem:$0x8F0]  }
0x29a: {  	[tilespmem:$0xDD0] =	vst v32;
	v32 =	vadd.f32 v57, v53;
	v53 =	vld [tilespmem:$0x1FEE0]  }
0x29b: {  	v57 =	vld [tilespmem:$0x1FEF0]  }
0x29c: {  	[tilespmem:$0xDE0] =	vst v35;
	v35 =	vadd.f32 v49, v47;
	v47 =	vld [tilespmem:$0x1FF10]  }
0x29d: {  	v49 =	vld [tilespmem:$0x1FF20]  }
0x29e: {  	[tilespmem:$0xDF0] =	vst v33;
	v33 =	vadd.f32 v45, v62;
	v62 =	vmul.f32 v40, v60;
	v51 =	vpop (erf);
	v60 =	vld [tilespmem:$0x1FF60]  }
0x29f: {  	v44 =	vadd.f32 $1.000000000e+00, v51;
	v51 =	vld [tilespmem:$0x1FF70]  }
0x2a0: {  	[tilespmem:$0x1190] =	vst v37;
	v37 =	vadd.f32 v31, v30;
	v30 =	vld [tilespmem:$0x900];
	v54 =	vmul.f32 v40, v53  }
0x2a1: {  	v31 =	vld [tilespmem:$0x790]  }
0x2a2: {  	v4 =	vmul.f32 v4, v40;
	v53 =	vld [tilespmem:$0x1FF40]  }
0x2a3: {  	v1 =	vmul.f32 v1, v42;
	v50 =	vmul.f32 v49, v40;
	v49 =	vld [tilespmem:$0x930]  }
0x2a4: {  	[tilespmem:$0x11A0] =	vst v38;
	v58 =	vmul.f32 v42, v57;
	v38 =	vmul.f32 v60, v40;
	v60 =	vld [tilespmem:$0x1FFD0];
	v36 =	vadd.f32 v52, v54;
	v54, _, _ =	vpop (xrf2)  }
0x2a5: {  	[tilespmem:$0x11B0] =	vst v34;
	v48 =	vmul.f32 v42, v47;
	v52 =	vld [tilespmem:$0x1FF30];
	v47 =	vperm.xlane v54, v56  }
0x2a6: {  	v1 =	vadd.f32 v4, v1;
	[tilespmem:$0x1230] =	vst v0;
	(erf) = vrcp.f32 v44;
	v44 =	vmul.f32 v51, v40;
	v51 =	vld [tilespmem:$0x7C0]  }
0x2a7: {  	[tilespmem:$0x1250] =	vst v10;
	v57 =	vadd.f32 v58, v62;
	v58 =	vld [tilespmem:$0x1FF50];
	v47 =	vadd.f32 v47, v55  }
0x2a8: {  	[tilespmem:$0x1270] =	vst v1;
	v45 =	vmul.f32 v53, v40;
	v53 =	vld [tilespmem:$0x1FF90]  }
0x2a9: {  	v8 =	vmul.f32 v8, v40;
	v11 =	vmul.f32 v11, v42;
	[tilespmem:$0x11C0] =	vst v32;
	v54 =	vld [tilespmem:$0x1FFA0];
	v47 =	vsub.f32 $0.0e+00, v47  }
0x2aa: {  	v9 =	vmul.f32 v9, v42;
	[tilespmem:$0x11D0] =	vst v33;
	v34 =	vmul.f32 v52, v42;
	v52 =	vld [tilespmem:$0x1FF80]  }
0x2ab: {  	[tilespmem:$0x11E0] =	vst v35;
	v62 =	vmul.f32 v61, v42;
	v55 =	vld [tilespmem:$0x1FFB0];
	v47 =	vmul.f32 $1.442695020e+00, v47  }
0x2ac: {  	[tilespmem:$0xE10] =	vst v57;
	v57 =	vmul.f32 v59, v42;
	v41 =	vmul.f32 v58, v42;
	v58 =	vld [tilespmem:$0x1FFC0]  }
0x2ad: {  	[tilespmem:$0x11F0] =	vst v37;
	v33 =	vadd.f32 v50, v48;
	v48 =	vld [tilespmem:$0x7B0];
	v35 =	vmul.f32 v60, v42;
	(erf) = vpow2.f32 v47  }
0x2ae: {  	[tilespmem:$0xE00] =	vst v36;
	v59 =	vadd.f32 v44, v62;
	v44 =	vld [tilespmem:$0x7D0];
	v62 =	vmul.f32 v63, v40;
	v34 =	vadd.f32 v45, v34  }
0x2af: {  	[tilespmem:$0xE20] =	vst v33;
	v33 =	vld [tilespmem:$0x880];
	v56 =	vadd.f32 v38, v41;
	v45 =	vmul.f32 v53, v40;
	v37 =	vmul.f32 v52, v42  }
0x2b0: {  	[tilespmem:$0xE50] =	vst v59;
	v38 =	vld [tilespmem:$0x960];
	v36 =	vmul.f32 v54, v42;
	v53 =	vadd.f32 v8, v9;
	v50 =	vmul.f32 v55, v40  }
0x2b1: {  	v8 =	vld [tilespmem:$0x420];
	[tilespmem:$0xE30] =	vst v34;
	v41 =	vmul.f32 v58, v40;
	v47 =	vadd.f32 v62, v35;
	v35 =	vpop (erf);
	v61 =	vadd.f32 v45, v37  }
0x2b2: {  	v9 =	vld [tilespmem:$0x8A0];
	[tilespmem:$0xE40] =	vst v56;
	v63 =	vadd.f32 v50, v36;
	v50 =	vmul.f32 v19, v40;
	v5 =	vmul.f32 v35, v5  }
0x2b3: {  	v52 =	vld [tilespmem:$0x940];
	[tilespmem:$0x1260] =	vst v53;
	v32 =	vsub.f32 $1.000000000e+00, v35;
	v54 =	vmul.f32 v35, v7;
	v56 =	vmul.f32 v14, v35  }
0x2b4: {  	v45 =	vld [tilespmem:$0x950];
	v59 =	vmul.f32 v18, v35;
	v62 =	vmul.f32 v21, v35;
	[tilespmem:$0x1210] =	vst v47  }
0x2b5: {  	v36 =	vld [tilespmem:$0x7E0];
	v34 =	vmul.f32 v28, v35;
	[tilespmem:$0xE60] =	vst v61;
	v11 =	vadd.f32 v50, v11;
	v2 =	vmul.f32 v32, v2  }
0x2b6: {  	v41 =	vadd.f32 v41, v57;
	v19 =	vld [tilespmem:$0x970];
	v53 =	vmul.f32 v39, v35;
	[tilespmem:$0xE70] =	vst v63;
	v6 =	vmul.f32 v32, v6;
	v58 =	vpop (erf)  }
0x2b7: {  	v7 =	vld [tilespmem:$0x8C0];
	v55 =	vmul.f32 v32, v12;
	[tilespmem:$0x1240] =	vst v11;
	v2 =	vadd.f32 v2, v5;
	v11 =	vadd.f32 $1.000000000e+00, v58  }
0x2b8: {  	v18 =	vld [tilespmem:$0x8D0];
	v39 =	vmul.f32 v38, v35;
	[tilespmem:$0x1200] =	vst v41;
	v57 =	vmul.f32 v15, v32;
	v61 =	vadd.f32 v6, v54  }
0x2b9: {  	v14 =	vld [tilespmem:$0x810];
	v60 =	vmul.f32 v20, v32;
	v21 =	vadd.f32 v56, v55;
	[tilespmem:$0xE80] =	vst v2;
	(erf) = vrcp.f32 v11  }
0x2ba: {  	v28 =	vld [tilespmem:$0x910];
	v63 =	vmul.f32 v22, v32;
	v22 =	vmul.f32 v25, v35;
	v0 =	vadd.f32 v59, v57;
	[tilespmem:$0xE90] =	vst v61  }
0x2bb: {  	v38 =	vld [tilespmem:$0x960];
	v24 =	vmul.f32 v24, v32;
	v25 =	vmul.f32 v26, v35;
	v26 =	vadd.f32 v62, v60;
	[tilespmem:$0xEA0] =	vst v21  }
0x2bc: {  	v46 =	vmul.f32 v46, v35;
	v12 =	vld [tilespmem:$0x430];
	v27 =	vmul.f32 v27, v32;
	v37 =	vadd.f32 v22, v63;
	[tilespmem:$0xEB0] =	vst v0  }
0x2bd: {  	v15 =	vld [tilespmem:$0x8B0];
	v40 =	vmul.f32 v29, v32;
	v41 =	vmul.f32 v30, v35;
	v1 =	vadd.f32 v25, v24;
	[tilespmem:$0xEC0] =	vst v26  }
0x2be: {  	v20 =	vld [tilespmem:$0x460];
	v42 =	vmul.f32 v31, v32;
	v50 =	vmul.f32 v43, v32;
	v47 =	vadd.f32 v34, v27;
	[tilespmem:$0xED0] =	vst v37  }
0x2bf: {  	v30 =	vld [tilespmem:$0x950];
	v54 =	vadd.f32 v41, v40;
	v55 =	vmul.f32 v48, v32;
	v56 =	vmul.f32 v49, v35;
	[tilespmem:$0xEE0] =	vst v1  }
0x2c0: {  	v22 =	vld [tilespmem:$0x470];
	v57 =	vadd.f32 v46, v42;
	v59 =	vmul.f32 v52, v35;
	v63 =	vmul.f32 v44, v32;
	[tilespmem:$0xEF0] =	vst v47  }
0x2c1: {  	v24 =	vld [tilespmem:$0x8F0];
	v60 =	vadd.f32 v53, v50;
	v40 =	vmul.f32 v23, v32;
	v34 =	vmul.f32 v45, v35;
	[tilespmem:$0x1280] =	vst v54  }
0x2c2: {  	v25 =	vld [tilespmem:$0x800];
	v41 =	vmul.f32 v19, v35;
	v61 =	vadd.f32 v56, v55;
	[tilespmem:$0x1290] =	vst v57;
	v37 =	vmul.f32 v36, v32;
	v10 =	vpop (erf)  }
0x2c3: {  	v5 =	vld [tilespmem:$0x900];
	[tilespmem:$0x12A0] =	vst v60;
	v2 =	vadd.f32 v34, v63;
	v58 =	vmul.f32 v51, v32;
	v27 =	vsub.f32 $1.000000000e+00, v10  }
0x2c4: {  	v21 =	vld [tilespmem:$0x8E0];
	v45 =	vadd.f32 v41, v40;
	[tilespmem:$0x12B0] =	vst v61;
	v44 =	vmul.f32 v10, v33;
	v47 =	vmul.f32 v10, v13  }
0x2c5: {  	v42 =	vadd.f32 v39, v37;
	[tilespmem:$0x12D0] =	vst v2;
	v11 =	vld [tilespmem:$0x450];
	v50 =	vmul.f32 v9, v10;
	v43 =	vmul.f32 v27, v3  }
0x2c6: {  	v23 =	vld [tilespmem:$0x920];
	[tilespmem:$0x12F0] =	vst v45;
	v62 =	vadd.f32 v59, v58;
	v54 =	vmul.f32 v15, v10;
	v46 =	vmul.f32 v27, v17  }
0x2c7: {  	v19 =	vld [tilespmem:$0x820];
	[tilespmem:$0x12E0] =	vst v42;
	v58 =	vmul.f32 v7, v10;
	v49 =	vmul.f32 v27, v8;
	v48 =	vadd.f32 v43, v44  }
0x2c8: {  	v55 =	vld [tilespmem:$0x840];
	[tilespmem:$0x12C0] =	vst v62;
	v62 =	vmul.f32 v18, v10;
	v53 =	vmul.f32 v12, v27;
	v52 =	vadd.f32 v46, v47  }
0x2c9: {  	v63 =	vld [tilespmem:$0x850];
	v29 =	vmul.f32 v21, v10;
	v57 =	vmul.f32 v16, v27;
	v56 =	vadd.f32 v50, v49;
	[tilespmem:$0xF00] =	vst v48  }
0x2ca: {  	v51 =	vld [tilespmem:$0x930];
	v33 =	vmul.f32 v24, v10;
	v61 =	vmul.f32 v11, v27;
	v60 =	vadd.f32 v54, v53;
	[tilespmem:$0xF10] =	vst v52  }
0x2cb: {  	v34 =	vld [tilespmem:$0x860];
	v37 =	vmul.f32 v5, v10;
	v26 =	vmul.f32 v20, v27;
	v18 =	vadd.f32 v58, v57;
	[tilespmem:$0xF20] =	vst v56  }
0x2cc: {  	v59 =	vld [tilespmem:$0x940];
	v41 =	vmul.f32 v28, v10;
	v32 =	vmul.f32 v22, v27;
	v31 =	vadd.f32 v62, v61;
	[tilespmem:$0xF30] =	vst v60  }
0x2cd: {  	v13 =	vld [tilespmem:$0x830];
	v45 =	vmul.f32 v23, v10;
	v36 =	vmul.f32 v25, v27;
	v35 =	vadd.f32 v29, v26;
	[tilespmem:$0xF40] =	vst v18  }
0x2ce: {  	v42 =	vld [tilespmem:$0x870];
	v40 =	vmul.f32 v14, v27;
	v39 =	vadd.f32 v33, v32;
	v44 =	vmul.f32 v19, v27;
	[tilespmem:$0xF50] =	vst v31  }
0x2cf: {  	v43 =	vadd.f32 v37, v36;
	v46 =	vld [tilespmem:$0x970];
	v49 =	vmul.f32 v51, v10;
	v51 =	vmul.f32 v55, v27;
	[tilespmem:$0xF60] =	vst v35  }
0x2d0: {  	v47 =	vadd.f32 v41, v40;
	v54 =	vmul.f32 v63, v27;
	v55 =	vmul.f32 v30, v10;
	[tilespmem:$0xF70] =	vst v39  }
0x2d1: {  	v57 =	vmul.f32 v34, v27;
	v58 =	vmul.f32 v38, v10;
	[tilespmem:$0x1300] =	vst v43;
	v50 =	vadd.f32 v45, v44  }
0x2d2: {  	v48 =	vmul.f32 v13, v27;
	v52 =	vmul.f32 v59, v10;
	[tilespmem:$0x1310] =	vst v47;
	v59 =	vadd.f32 v55, v54  }
0x2d3: {  	v62 =	vadd.f32 v58, v57;
	[tilespmem:$0x1320] =	vst v50  }
0x2d4: {  	v60 =	vmul.f32 v42, v27;
	v53 =	vadd.f32 v49, v48;
	[tilespmem:$0x1350] =	vst v59;
	v61 =	vmul.f32 v46, v10  }
0x2d5: {  	v56 =	vadd.f32 v52, v51;
	[tilespmem:$0x1360] =	vst v62  }
0x2d6: {  	[tilespmem:$0x1330] =	vst v53;
	v63 =	vadd.f32 v61, v60  }
0x2d7: {  	p0 =	sne.s32 s8, $0x1;
	[tilespmem:$0x1340] =	vst v56  }
.Ltmp1:
0x2d8: {  	[tilespmem:$0x1370] =	vst v63;
	(pc) =	sbr.rel @p0 .LBB2_2-.Ltmp1, $4  }
0x2d9: {  	[hbm4b:s7+s9] =	stream.linear.scatter [tilespmem:s16], [sflag:$0x2], $0x800, $0x38;
	[tilespmem:$0x1380] =	vst v63  }
0x2da: {  	_ =	swait.ge [sflag:s10], $0x800  }
0x2db: {  	[sflag:s10] =	ssyncset.done $0x0  }
0x2dc: {  	s8 =	sadd.s32 $0xFFFFFFFF, s8;
	[sflag:s10] =	ssyncadd.s32 $0xFFFFF800  }
.LBB2_3:
0x2dd: {  	_ =	sfence.sel $0x180000  }
0x2de: {  	[bflag:$0x0] =	sbarrier.arrive $0xFFFF  }
0x2df: {  	p0 =	sne.s32 s0, $0x0;
	_ =	strace $0x90000047  }
0x2e0: {  	s0 =	sadd.s32 @!p0 $0x100000, s2;
	[bflag:$0x2] =	sbarrier.arrive $0xFFFF  }
0x2e1: {  	[sflag:s0] =	ssyncadd.tile.s32 @!p0 $0x1;
	_ =	shalt  }
.Lfunc_end2:
_tile_overlayer_lowered:
.L_overlay_start_2:
0x2e2: {  	(tag) =	ssettag $0x2  }
0x2e3: {  	s0 =	rddreg [dreg:$0x0];
	s2 =	stileid.u32  }
0x2e4: {  	s1 =	rddreg [dreg:$0x1];
	p0 =	sne.s32 s2, $0x0  }
0x2e5: {  	s3 =	rddreg [dreg:$0x2];
	[bflag:$0x3] =	sbarrier.arrive $0xFFFF;
	s2 =	simm.s32 @!p0 $0x1C02  }
0x2e6: {  	[timem:s3], [sflag:s2] =	dma.local @!p0 [hbm:s0], s1  }
0x2e7: {  	s0 =	simm.s32 @!p0 $0x2  }
0x2e8: {  	_ =	swait.ge @!p0 [sflag:s0], s1  }
0x2e9: {  	s1 =	ssub.s32 @!p0 $0x0, s1;
	[sflag:s0] =	ssyncset.done @!p0 $0x0  }
0x2ea: {  	[sflag:s0] =	ssyncadd.s32 @!p0 s1  }
0x2eb: {  	[bflag:$0x3] =	sbarrier.arrive $0xFFFF  }
0x2ec: {  	_ =	shalt  }

</sc_bundles>
